<compile_context>
chip_gen: v7x
topology: tpu7x:2x2x1
jax: 0.10.2.dev20260603
libtpu: 0.0.44.dev20260713+nightly
codegen_flags: <defaults>
</compile_context>

<pallas_src>
import functools

import jax
import jax.numpy as jnp
from jax import lax
from jax.experimental import pallas as pl
from jax.experimental.pallas import tpu as pltpu
from jax.experimental.pallas import tpu_sc as plsc

N = 10000
E = 320000
DIN = 128
DH = 128
DC = 64

NP = 10240
BLK = 512
NTILES = 32
CHUNK = 128
NCH = 80
EPT = NCH * CHUNK
EP = NTILES * EPT
RPT = NP // 16
NCH_A = 152
NCH_B = 8



def _sc_scatter():
  mesh = plsc.VectorSubcoreMesh(core_axis_name="c", subcore_axis_name="s")

  @functools.partial(
      pl.kernel,
      out_type=jax.ShapeDtypeStruct((2, NP, DH), jnp.float32),
      mesh=mesh,
      scratch_types=[
          [pltpu.VMEM((CHUNK,), jnp.int32)] * 4,
          [pltpu.VMEM((CHUNK,), jnp.int32)] * 4,
          [pltpu.SemaphoreType.DMA] * 4,
          [pltpu.VMEM((CHUNK, DH), jnp.float32)] * 2,
          [pltpu.SemaphoreType.DMA] * 2,
          [pltpu.SemaphoreType.DMA] * 2,
          pltpu.VMEM_SHARED((NP, DH), jnp.float32),
      ],
  )
  def sc_scatter(src_hbm, dst_hbm, table_hbm, zeros_hbm, out_hbm,
                 sidx, didx, isem, gbuf, gsem, ssem, acc):
    c = lax.axis_index("c")
    s = lax.axis_index("s")
    base = jnp.where(c == 0, s * (NCH_A * CHUNK),
                     16 * NCH_A * CHUNK + s * (NCH_B * CHUNK))
    nch = jnp.where(c == 0, NCH_A, NCH_B)
    pltpu.sync_copy(zeros_hbm, acc.at[pl.ds(s * RPT, RPT)])
    plsc.subcore_barrier()

    def idx_load(j, ib):
      e0 = base + j * CHUNK
      pltpu.async_copy(src_hbm.at[pl.ds(e0, CHUNK)], sidx[ib], isem[ib])
      pltpu.async_copy(dst_hbm.at[pl.ds(e0, CHUNK)], didx[ib], isem[ib])

    def wait_idx(ib):
      pltpu.make_async_copy(
          src_hbm.at[pl.ds(0, CHUNK)], sidx[ib], isem[ib]).wait()
      pltpu.make_async_copy(
          dst_hbm.at[pl.ds(0, CHUNK)], didx[ib], isem[ib]).wait()

    def wait_scat(b, ib):
      pltpu.make_async_copy(gbuf[b], acc.at[didx[ib]], ssem[b]).wait()

    idx_load(0, 0)
    idx_load(1, 1)

    def body(i, carry):
      for q in range(2):
        p = i * 2 + q
        k = p * 2
        lo, hi = (0, 1) if q == 0 else (2, 3)
        nlo, nhi = (2, 3) if q == 0 else (0, 1)
        @pl.when(k >= 2)
        def _():
          wait_scat(0, nlo)
          wait_scat(1, nhi)
        @pl.when(k + 2 < nch)
        def _():
          idx_load(k + 2, nlo)
          idx_load(k + 3, nhi)
        wait_idx(lo)
        wait_idx(hi)
        pltpu.async_copy(table_hbm.at[sidx[lo]], gbuf[0], gsem[0])
        pltpu.async_copy(table_hbm.at[sidx[hi]], gbuf[1], gsem[1])
        pltpu.make_async_copy(table_hbm.at[sidx[lo]], gbuf[0], gsem[0]).wait()
        pltpu.async_copy(gbuf[0], acc.at[didx[lo]], ssem[0], add=True)
        pltpu.make_async_copy(table_hbm.at[sidx[hi]], gbuf[1], gsem[1]).wait()
        pltpu.async_copy(gbuf[1], acc.at[didx[hi]], ssem[1], add=True)
      return carry

    lax.fori_loop(0, nch // 4, body, 0)
    wait_scat(0, 2)
    wait_scat(1, 3)
    plsc.subcore_barrier()
    pltpu.sync_copy(acc.at[pl.ds(s * RPT, RPT)],
                    out_hbm.at[c, pl.ds(s * RPT, RPT)])

  return sc_scatter


def _sc_degree():
  mesh = plsc.VectorSubcoreMesh(core_axis_name="c", subcore_axis_name="s")

  @functools.partial(
      pl.kernel,
      out_type=jax.ShapeDtypeStruct((2, NP, DH), jnp.float32),
      mesh=mesh,
      scratch_types=[
          pltpu.VMEM((CHUNK,), jnp.int32),
          pltpu.VMEM((CHUNK, DH), jnp.float32),
          pltpu.VMEM_SHARED((NP, DH), jnp.float32),
      ],
  )
  def sc_degree(dst_hbm, ones_hbm, zeros_hbm, out_hbm, didx, onesv, acc):
    c = lax.axis_index("c")
    s = lax.axis_index("s")
    base = (c * 16 + s) * EPT
    pltpu.sync_copy(ones_hbm, onesv)
    pltpu.sync_copy(zeros_hbm, acc.at[pl.ds(s * RPT, RPT)])
    plsc.subcore_barrier()

    def body(j, carry):
      pltpu.sync_copy(dst_hbm.at[pl.ds(base + j * CHUNK, CHUNK)], didx)
      pltpu.sync_copy(onesv, acc.at[didx], add=True)
      return carry

    lax.fori_loop(0, NCH, body, 0)
    plsc.subcore_barrier()
    pltpu.sync_copy(acc.at[pl.ds(s * RPT, RPT)],
                    out_hbm.at[c, pl.ds(s * RPT, RPT)])

  return sc_degree



def _dinv_block(deg2_ref, i):
  deg = deg2_ref[0, :, 0] + deg2_ref[1, :, 0] + 1.0
  rows = i * BLK + lax.broadcasted_iota(jnp.int32, (BLK,), 0)
  return jnp.where(rows < N, lax.rsqrt(deg), 0.0)


def _k0_body(x_ref, deg2_ref, w_ref, g_ref):
  dinv = _dinv_block(deg2_ref, pl.program_id(0))
  h = jnp.dot(x_ref[...], w_ref[...], preferred_element_type=jnp.float32)
  g_ref[...] = h * dinv[:, None]


def _kl_body(s_ref, g_ref, deg2_ref, w_ref, b_ref, out_ref):
  dinv = _dinv_block(deg2_ref, pl.program_id(0))
  tot = (s_ref[0] + s_ref[1] + g_ref[...]) * dinv[:, None] + b_ref[...]
  h = jnp.where(tot > 0, tot, 0.01 * tot)
  hw = jnp.dot(h, w_ref[...], preferred_element_type=jnp.float32)
  out_ref[...] = hw * dinv[:, None]


def _k4_body(s_ref, g_ref, deg2_ref, b_ref, wl_ref, bl_ref, conc_ref, log_ref):
  dinv = _dinv_block(deg2_ref, pl.program_id(0))
  tot = (s_ref[0, :, :DC] + s_ref[1, :, :DC] + g_ref[:, :DC]) * dinv[:, None]
  tot = tot + b_ref[:, :DC]
  h = jnp.where(tot > 0, tot, 0.01 * tot)
  conc = jnp.exp(h - jnp.max(h, axis=-1, keepdims=True))
  conc_ref[...] = conc
  log_ref[...] = (
      jnp.dot(conc, wl_ref[...], preferred_element_type=jnp.float32)
      + bl_ref[...])


def _row_spec(d):
  return pl.BlockSpec((BLK, d), lambda i: (i, 0))


def _pair_spec(d):
  return pl.BlockSpec((2, BLK, d), lambda i: (0, i, 0))


def _full_spec(shape):
  nd = len(shape)
  return pl.BlockSpec(shape, lambda i: (0,) * nd)


_GRID = NP // BLK


def _tc_call(body, in_specs, out_specs, out_shape):
  return pl.pallas_call(
      body, grid=(_GRID,), in_specs=in_specs, out_specs=out_specs,
      out_shape=out_shape)



def kernel(x, edge_index, W0, b0, W1, b1, W2, b2, W3, b3, Wl, bl):
  f32 = jnp.float32
  src = edge_index[0]
  dst = edge_index[1]
  pad = EP - E
  src_p = jnp.concatenate([src, jnp.full((pad,), N, jnp.int32)])
  pad_dst = N + jnp.tile(jnp.arange(CHUNK, dtype=jnp.int32), pad // CHUNK)
  dst_p = jnp.concatenate([dst, pad_dst])
  x_p = jnp.zeros((NP, DIN), f32).at[:N].set(x)
  zeros128 = jnp.zeros((RPT, DH), f32)
  ones128 = jnp.ones((CHUNK, DH), f32)
  b0r, b1r, b2r = (b.reshape(1, -1) for b in (b0, b1, b2))
  b3r = jnp.zeros((1, DH), f32).at[0, :DC].set(b3)
  w3_p = jnp.zeros((DH, DH), f32).at[:, :DC].set(W3)
  wl_p = jnp.zeros((DC, 128), f32).at[:, :4].set(Wl)
  bl_p = jnp.zeros((1, 128), f32).at[0, :4].set(bl)

  deg2 = _sc_degree()(dst_p, ones128, zeros128)

  k0 = _tc_call(
      _k0_body,
      [_row_spec(DIN), _pair_spec(DH), _full_spec((DIN, DH))],
      _row_spec(DH), jax.ShapeDtypeStruct((NP, DH), f32))
  g0 = k0(x_p, deg2, W0)

  scat128 = _sc_scatter()

  def kl(d_out):
    return _tc_call(
        _kl_body,
        [_pair_spec(DH), _row_spec(DH), _pair_spec(DH),
         _full_spec((DH, d_out)), _full_spec((1, DH))],
        _row_spec(d_out), jax.ShapeDtypeStruct((NP, d_out), f32))

  S0 = scat128(src_p, dst_p, g0, zeros128)
  g1 = kl(DH)(S0, g0, deg2, W1, b0r)
  S1 = scat128(src_p, dst_p, g1, zeros128)
  g2 = kl(DH)(S1, g1, deg2, W2, b1r)
  S2 = scat128(src_p, dst_p, g2, zeros128)
  g3 = kl(DH)(S2, g2, deg2, w3_p, b2r)
  S3 = scat128(src_p, dst_p, g3, zeros128)

  k4 = _tc_call(
      _k4_body,
      [_pair_spec(DH), _row_spec(DH), _pair_spec(DH),
       _full_spec((1, DH)), _full_spec((DC, 128)), _full_spec((1, 128))],
      [_row_spec(DC), _row_spec(128)],
      [jax.ShapeDtypeStruct((NP, DC), f32),
       jax.ShapeDtypeStruct((NP, 128), f32)])
  concepts_p, logits_p = k4(S3, g3, deg2, b3r, wl_p, bl_p)
  return concepts_p[:N], logits_p[:N, :4]

# --- scband reference (transcript-rebuilt; emitter-appended) ---
"""Pipeline reference for scband-ba-shapes-gcn-50646254354931 (READ-ONLY COPY).

The authoritative reference and input builder live on the scoring server;
editing this copy changes nothing except your own understanding.
"""

import jax, jax.numpy as jnp
import numpy as np

N = 10000
E = 320000
DIN = 128
DH = 128
DC = 64
NC = 4


def setup_inputs(seed: int = 0) -> dict:
    key = jax.random.key(seed)
    ks = jax.random.split(key, 14)
    x = jax.random.normal(ks[0], (N, DIN), dtype=jnp.float32)
    edge_index = jax.random.randint(ks[1], (2, E), 0, N, dtype=jnp.int32)

    def lin_init(k, fan_in, fan_out):
        bound = 1.0 / np.sqrt(fan_in)
        kw, kb = jax.random.split(k)
        W = jax.random.uniform(kw, (fan_in, fan_out), minval=-bound, maxval=bound, dtype=jnp.float32)
        b = jax.random.uniform(kb, (fan_out,), minval=-bound, maxval=bound, dtype=jnp.float32)
        return W, b

    W0, b0 = lin_init(ks[2], DIN, DH)
    W1, b1 = lin_init(ks[3], DH, DH)
    W2, b2 = lin_init(ks[4], DH, DH)
    W3, b3 = lin_init(ks[5], DH, DC)
    Wl, bl = lin_init(ks[6], DC, NC)
    return {"x": x, "edge_index": edge_index, "W0": W0, "b0": b0, "W1": W1, "b1": b1,
            "W2": W2, "b2": b2, "W3": W3, "b3": b3, "Wl": Wl, "bl": bl}


def gcn_conv(x, edge_index, W, b):
    # Kipf & Welling GCNConv: linear transform, add self-loops, symmetric norm, scatter-add aggregate
    h = x @ W
    loop = jnp.arange(N, dtype=edge_index.dtype)
    src = jnp.concatenate([edge_index[0], loop])
    dst = jnp.concatenate([edge_index[1], loop])
    deg = jnp.zeros((N,), dtype=h.dtype).at[dst].add(1.0)
    dinv = jnp.where(deg > 0, deg ** -0.5, 0.0)
    norm = dinv[src] * dinv[dst]
    msg = h[src] * norm[:, None]
    out = jax.ops.segment_sum(msg, dst, num_segments=N)
    return out + b


def reference(x, edge_index, W0, b0, W1, b1, W2, b2, W3, b3, Wl, bl):
    h = jax.nn.leaky_relu(gcn_conv(x, edge_index, W0, b0), negative_slope=0.01)
    h = jax.nn.leaky_relu(gcn_conv(h, edge_index, W1, b1), negative_slope=0.01)
    h = jax.nn.leaky_relu(gcn_conv(h, edge_index, W2, b2), negative_slope=0.01)
    h = jax.nn.leaky_relu(gcn_conv(h, edge_index, W3, b3), negative_slope=0.01)
    s = jax.nn.softmax(h, axis=-1)
    concepts = s / jnp.max(s, axis=-1, keepdims=True)
    logits = concepts @ Wl + bl
    return (concepts, logits)

if __name__ == "__main__":
    import jax
    _d = setup_inputs()
    print(jax.jit(kernel)(*tuple(_d.values())))

</pallas_src>

<mosaic_0001>
#map = affine_map<(d0, d1) -> (0)>
#map1 = affine_map<(d0, d1) -> (0, 0)>
#map2 = affine_map<(d0, d1) -> (0, 0, 0)>
module attributes {stable_mosaic.version = 14 : i64} {
  func.func @sc_scatter(%arg0: i32, %arg1: i32, %arg2: memref<327680xi32, #tpu.memory_space<hbm>>, %arg3: memref<327680xi32, #tpu.memory_space<hbm>>, %arg4: memref<10240x128xf32, #tpu.memory_space<hbm>>, %arg5: memref<640x128xf32, #tpu.memory_space<hbm>>, %arg6: memref<2x10240x128xf32, #tpu.memory_space<hbm>>, %arg7: memref<128xi32, #tpu.memory_space<vmem>>, %arg8: memref<128xi32, #tpu.memory_space<vmem>>, %arg9: memref<128xi32, #tpu.memory_space<vmem>>, %arg10: memref<128xi32, #tpu.memory_space<vmem>>, %arg11: memref<128xi32, #tpu.memory_space<vmem>>, %arg12: memref<128xi32, #tpu.memory_space<vmem>>, %arg13: memref<128xi32, #tpu.memory_space<vmem>>, %arg14: memref<128xi32, #tpu.memory_space<vmem>>, %arg15: memref<!tpu.dma_semaphore, #tpu.memory_space<semaphore_mem>>, %arg16: memref<!tpu.dma_semaphore, #tpu.memory_space<semaphore_mem>>, %arg17: memref<!tpu.dma_semaphore, #tpu.memory_space<semaphore_mem>>, %arg18: memref<!tpu.dma_semaphore, #tpu.memory_space<semaphore_mem>>, %arg19: memref<128x128xf32, #tpu.memory_space<vmem>>, %arg20: memref<128x128xf32, #tpu.memory_space<vmem>>, %arg21: memref<!tpu.dma_semaphore, #tpu.memory_space<semaphore_mem>>, %arg22: memref<!tpu.dma_semaphore, #tpu.memory_space<semaphore_mem>>, %arg23: memref<!tpu.dma_semaphore, #tpu.memory_space<semaphore_mem>>, %arg24: memref<!tpu.dma_semaphore, #tpu.memory_space<semaphore_mem>>, %arg25: memref<10240x128xf32, #tpu.memory_space<vmem_shared>>) attributes {dimension_semantics = [#tpu.dimension_semantics<core_parallel>, #tpu.dimension_semantics<subcore_parallel>], iteration_bounds = array<i64: 2, 16>, scalar_prefetch = 0 : i64, scratch_operands = 19 : i64, tpu.core_type = #tpu.core_type<sc_vector_subcore>, window_params = [{transform_indices = #map}, {transform_indices = #map}, {transform_indices = #map1}, {transform_indices = #map1}, {transform_indices = #map2}]} {
    %eq3A = arith.constant 0 : i32
    %eq3A_0 = arith.cmpi eq, %arg0, %eq3A : i32
    %mul3A = arith.constant 19456 : i32
    %mul3A_1 = arith.muli %arg1, %mul3A : i32
    %mul3A_2 = arith.constant 1024 : i32
    %mul3A_3 = arith.muli %arg1, %mul3A_2 : i32
    %add3A = arith.constant 311296 : i32
    %add3A_4 = arith.addi %add3A, %mul3A_3 : i32
    %select_n3A = arith.select %eq3A_0, %mul3A_1, %add3A_4 : i32
    %eq3A_5 = arith.constant 0 : i32
    %eq3A_6 = arith.cmpi eq, %arg0, %eq3A_5 : i32
    %jit3A = arith.constant 152 : i32
    %jit3A_7 = arith.constant 8 : i32
    %select_n3A_8 = arith.select %eq3A_6, %jit3A, %jit3A_7 : i32
    %mul3A_9 = arith.constant 640 : i32
    %mul3A_10 = arith.muli %arg1, %mul3A_9 : i32
    "tpu.region"() ({
      %run_scoped3A = tpu.sem_alloc : memref<!tpu.dma_semaphore, #tpu.memory_space<semaphore_mem>>
      %dma_start3A_59 = arith.constant 0 : i32
      %dma_start3A_60 = tpu.memref_slice %arg25[%mul3A_10, %dma_start3A_59] : memref<10240x128xf32, #tpu.memory_space<vmem_shared>> -> memref<640x128xf32, #tpu.memory_space<vmem_shared>>
      tpu.enqueue_dma source(%arg5 : memref<640x128xf32, #tpu.memory_space<hbm>>) target(%dma_start3A_60 : memref<640x128xf32, #tpu.memory_space<vmem_shared>>) target_semaphore(%run_scoped3A : memref<!tpu.dma_semaphore, #tpu.memory_space<semaphore_mem>>)
      %dma_wait3A_61 = arith.constant 0 : i32
      %dma_wait3A_62 = tpu.memref_slice %arg25[%mul3A_10, %dma_wait3A_61] : memref<10240x128xf32, #tpu.memory_space<vmem_shared>> -> memref<640x128xf32, #tpu.memory_space<vmem_shared>>
      tpu.wait_dma2 semaphore(%run_scoped3A : memref<!tpu.dma_semaphore, #tpu.memory_space<semaphore_mem>>) src(%arg5 : memref<640x128xf32, #tpu.memory_space<hbm>>) dst(%dma_wait3A_62 : memref<640x128xf32, #tpu.memory_space<vmem_shared>>)
      tpu.yield
    }) : () -> ()
    %barrier3A = arith.constant 0 : index
    tpu.barrier barrier_id(%barrier3A)
    %add3A_11 = arith.constant 0 : i32
    %add3A_12 = arith.addi %select_n3A, %add3A_11 : i32
    %dma_start3A = tpu.memref_slice %arg2[%add3A_12] : memref<327680xi32, #tpu.memory_space<hbm>> -> memref<128xi32, #tpu.memory_space<hbm>>
    %dma_start3A_13 = tpu.memref_slice %arg2[%add3A_12] : memref<327680xi32, #tpu.memory_space<hbm>> -> memref<128xi32, #tpu.memory_space<hbm>>
    tpu.enqueue_dma source(%dma_start3A_13 : memref<128xi32, #tpu.memory_space<hbm>>) target(%arg7 : memref<128xi32, #tpu.memory_space<vmem>>) target_semaphore(%arg15 : memref<!tpu.dma_semaphore, #tpu.memory_space<semaphore_mem>>)
    %dma_start3A_14 = tpu.memref_slice %arg3[%add3A_12] : memref<327680xi32, #tpu.memory_space<hbm>> -> memref<128xi32, #tpu.memory_space<hbm>>
    %dma_start3A_15 = tpu.memref_slice %arg3[%add3A_12] : memref<327680xi32, #tpu.memory_space<hbm>> -> memref<128xi32, #tpu.memory_space<hbm>>
    tpu.enqueue_dma source(%dma_start3A_15 : memref<128xi32, #tpu.memory_space<hbm>>) target(%arg11 : memref<128xi32, #tpu.memory_space<vmem>>) target_semaphore(%arg15 : memref<!tpu.dma_semaphore, #tpu.memory_space<semaphore_mem>>)
    %add3A_16 = arith.constant 128 : i32
    %add3A_17 = arith.addi %select_n3A, %add3A_16 : i32
    %dma_start3A_18 = tpu.memref_slice %arg2[%add3A_17] : memref<327680xi32, #tpu.memory_space<hbm>> -> memref<128xi32, #tpu.memory_space<hbm>>
    %dma_start3A_19 = tpu.memref_slice %arg2[%add3A_17] : memref<327680xi32, #tpu.memory_space<hbm>> -> memref<128xi32, #tpu.memory_space<hbm>>
    tpu.enqueue_dma source(%dma_start3A_19 : memref<128xi32, #tpu.memory_space<hbm>>) target(%arg8 : memref<128xi32, #tpu.memory_space<vmem>>) target_semaphore(%arg16 : memref<!tpu.dma_semaphore, #tpu.memory_space<semaphore_mem>>)
    %dma_start3A_20 = tpu.memref_slice %arg3[%add3A_17] : memref<327680xi32, #tpu.memory_space<hbm>> -> memref<128xi32, #tpu.memory_space<hbm>>
    %dma_start3A_21 = tpu.memref_slice %arg3[%add3A_17] : memref<327680xi32, #tpu.memory_space<hbm>> -> memref<128xi32, #tpu.memory_space<hbm>>
    tpu.enqueue_dma source(%dma_start3A_21 : memref<128xi32, #tpu.memory_space<hbm>>) target(%arg12 : memref<128xi32, #tpu.memory_space<vmem>>) target_semaphore(%arg16 : memref<!tpu.dma_semaphore, #tpu.memory_space<semaphore_mem>>)
    %jit3A_22 = arith.constant 4 : i32
    %div3A = arith.divsi %select_n3A_8, %jit3A_22 : i32
    %sign3A = arith.constant 0 : i32
    %sign3A_23 = arith.cmpi sgt, %select_n3A_8, %sign3A : i32
    %sign3A_24 = arith.extui %sign3A_23 : i1 to i32
    %sign3A_25 = arith.constant 0 : i32
    %sign3A_26 = arith.cmpi slt, %select_n3A_8, %sign3A_25 : i32
    %sign3A_27 = arith.extui %sign3A_26 : i1 to i32
    %sign3A_28 = arith.subi %sign3A_24, %sign3A_27 : i32
    %sign3A_29 = arith.constant 0 : i32
    %sign3A_30 = arith.cmpi sgt, %jit3A_22, %sign3A_29 : i32
    %sign3A_31 = arith.extui %sign3A_30 : i1 to i32
    %sign3A_32 = arith.constant 0 : i32
    %sign3A_33 = arith.cmpi slt, %jit3A_22, %sign3A_32 : i32
    %sign3A_34 = arith.extui %sign3A_33 : i1 to i32
    %sign3A_35 = arith.subi %sign3A_31, %sign3A_34 : i32
    %ne3A = arith.cmpi ne, %sign3A_28, %sign3A_35 : i32
    %rem3A = arith.remsi %select_n3A_8, %jit3A_22 : i32
    %ne3A_36 = arith.constant 0 : i32
    %ne3A_37 = arith.cmpi ne, %rem3A, %ne3A_36 : i32
    %and3A = arith.andi %ne3A, %ne3A_37 : i1
    %sub3A = arith.constant 1 : i32
    %sub3A_38 = arith.subi %div3A, %sub3A : i32
    %select_n3A_39 = arith.select %and3A, %sub3A_38, %div3A : i32
    %while3A = arith.constant 0 : i32
    %while3A_40 = arith.constant 0 : i32
    %while3A_41 = arith.subi %select_n3A_39, %while3A_40 : i32
    %while3A_42 = arith.addi %while3A_40, %while3A_41 : i32
    %while3A_43 = arith.constant 1 : i32
    %while3A_44 = arith.divsi %while3A_41, %while3A_43 : i32
    %while3A_45 = arith.muli %while3A_44, %while3A_43 : i32
    %while3A_46 = arith.addi %while3A_40, %while3A_45 : i32
    %while3A_47 = arith.constant 1 : i32
    scf.for %while3A_59 = %while3A_40 to %while3A_46 step %while3A_47  : i32 {
      %mul3A_60 = arith.constant 2 : i32
      %mul3A_61 = arith.muli %while3A_59, %mul3A_60 : i32
      %add3A_62 = arith.constant 0 : i32
      %add3A_63 = arith.addi %mul3A_61, %add3A_62 : i32
      %mul3A_64 = arith.constant 2 : i32
      %mul3A_65 = arith.muli %add3A_63, %mul3A_64 : i32
      %ge3A = arith.constant 2 : i32
      %ge3A_66 = arith.cmpi sge, %mul3A_65, %ge3A : i32
      %convert_element_type3A = arith.extui %ge3A_66 : i1 to i32
      %cond3A = arith.constant 0 : i32
      %cond3A_67 = arith.cmpi ne, %convert_element_type3A, %cond3A : i32
      scf.if %cond3A_67 {
        %dma_wait3A_158 = arith.constant 0 : i32
        %dma_wait3A_159 = arith.constant 0 : i32
        %dma_wait3A_160 = tpu.memref_slice %arg25[%dma_wait3A_158, %dma_wait3A_159] : memref<10240x128xf32, #tpu.memory_space<vmem_shared>> -> memref<10240x128xf32, #tpu.memory_space<vmem_shared>>
        tpu.wait_indirect_dma semaphore(%arg23 : memref<!tpu.dma_semaphore, #tpu.memory_space<semaphore_mem>>) src(%arg19 : memref<128x128xf32, #tpu.memory_space<vmem>>) dst(%dma_wait3A_160 : memref<10240x128xf32, #tpu.memory_space<vmem_shared>>)
        %dma_wait3A_161 = arith.constant 0 : i32
        %dma_wait3A_162 = arith.constant 0 : i32
        %dma_wait3A_163 = tpu.memref_slice %arg25[%dma_wait3A_161, %dma_wait3A_162] : memref<10240x128xf32, #tpu.memory_space<vmem_shared>> -> memref<10240x128xf32, #tpu.memory_space<vmem_shared>>
        tpu.wait_indirect_dma semaphore(%arg24 : memref<!tpu.dma_semaphore, #tpu.memory_space<semaphore_mem>>) src(%arg20 : memref<128x128xf32, #tpu.memory_space<vmem>>) dst(%dma_wait3A_163 : memref<10240x128xf32, #tpu.memory_space<vmem_shared>>)
      } else {
      }
      %add3A_68 = arith.constant 2 : i32
      %add3A_69 = arith.addi %mul3A_65, %add3A_68 : i32
      %lt3A = arith.cmpi slt, %add3A_69, %select_n3A_8 : i32
      %convert_element_type3A_70 = arith.extui %lt3A : i1 to i32
      %cond3A_71 = arith.constant 0 : i32
      %cond3A_72 = arith.cmpi ne, %convert_element_type3A_70, %cond3A_71 : i32
      scf.if %cond3A_72 {
        %add3A_158 = arith.constant 2 : i32
        %add3A_159 = arith.addi %mul3A_65, %add3A_158 : i32
        %mul3A_160 = arith.constant 128 : i32
        %mul3A_161 = arith.muli %add3A_159, %mul3A_160 : i32
        %add3A_162 = arith.addi %select_n3A, %mul3A_161 : i32
        %dma_start3A_163 = tpu.memref_slice %arg2[%add3A_162] : memref<327680xi32, #tpu.memory_space<hbm>> -> memref<128xi32, #tpu.memory_space<hbm>>
        %dma_start3A_164 = tpu.memref_slice %arg2[%add3A_162] : memref<327680xi32, #tpu.memory_space<hbm>> -> memref<128xi32, #tpu.memory_space<hbm>>
        tpu.enqueue_dma source(%dma_start3A_164 : memref<128xi32, #tpu.memory_space<hbm>>) target(%arg9 : memref<128xi32, #tpu.memory_space<vmem>>) target_semaphore(%arg17 : memref<!tpu.dma_semaphore, #tpu.memory_space<semaphore_mem>>)
        %dma_start3A_165 = tpu.memref_slice %arg3[%add3A_162] : memref<327680xi32, #tpu.memory_space<hbm>> -> memref<128xi32, #tpu.memory_space<hbm>>
        %dma_start3A_166 = tpu.memref_slice %arg3[%add3A_162] : memref<327680xi32, #tpu.memory_space<hbm>> -> memref<128xi32, #tpu.memory_space<hbm>>
        tpu.enqueue_dma source(%dma_start3A_166 : memref<128xi32, #tpu.memory_space<hbm>>) target(%arg13 : memref<128xi32, #tpu.memory_space<vmem>>) target_semaphore(%arg17 : memref<!tpu.dma_semaphore, #tpu.memory_space<semaphore_mem>>)
        %add3A_167 = arith.constant 3 : i32
        %add3A_168 = arith.addi %mul3A_65, %add3A_167 : i32
        %mul3A_169 = arith.constant 128 : i32
        %mul3A_170 = arith.muli %add3A_168, %mul3A_169 : i32
        %add3A_171 = arith.addi %select_n3A, %mul3A_170 : i32
        %dma_start3A_172 = tpu.memref_slice %arg2[%add3A_171] : memref<327680xi32, #tpu.memory_space<hbm>> -> memref<128xi32, #tpu.memory_space<hbm>>
        %dma_start3A_173 = tpu.memref_slice %arg2[%add3A_171] : memref<327680xi32, #tpu.memory_space<hbm>> -> memref<128xi32, #tpu.memory_space<hbm>>
        tpu.enqueue_dma source(%dma_start3A_173 : memref<128xi32, #tpu.memory_space<hbm>>) target(%arg10 : memref<128xi32, #tpu.memory_space<vmem>>) target_semaphore(%arg18 : memref<!tpu.dma_semaphore, #tpu.memory_space<semaphore_mem>>)
        %dma_start3A_174 = tpu.memref_slice %arg3[%add3A_171] : memref<327680xi32, #tpu.memory_space<hbm>> -> memref<128xi32, #tpu.memory_space<hbm>>
        %dma_start3A_175 = tpu.memref_slice %arg3[%add3A_171] : memref<327680xi32, #tpu.memory_space<hbm>> -> memref<128xi32, #tpu.memory_space<hbm>>
        tpu.enqueue_dma source(%dma_start3A_175 : memref<128xi32, #tpu.memory_space<hbm>>) target(%arg14 : memref<128xi32, #tpu.memory_space<vmem>>) target_semaphore(%arg18 : memref<!tpu.dma_semaphore, #tpu.memory_space<semaphore_mem>>)
      } else {
      }
      %dma_wait3A_73 = arith.constant 0 : i32
      %dma_wait3A_74 = tpu.memref_slice %arg2[%dma_wait3A_73] : memref<327680xi32, #tpu.memory_space<hbm>> -> memref<128xi32, #tpu.memory_space<hbm>>
      %dma_wait3A_75 = arith.constant 0 : i32
      %dma_wait3A_76 = tpu.memref_slice %arg2[%dma_wait3A_75] : memref<327680xi32, #tpu.memory_space<hbm>> -> memref<128xi32, #tpu.memory_space<hbm>>
      tpu.wait_dma2 semaphore(%arg15 : memref<!tpu.dma_semaphore, #tpu.memory_space<semaphore_mem>>) src(%dma_wait3A_76 : memref<128xi32, #tpu.memory_space<hbm>>) dst(%arg7 : memref<128xi32, #tpu.memory_space<vmem>>)
      %dma_wait3A_77 = arith.constant 0 : i32
      %dma_wait3A_78 = tpu.memref_slice %arg3[%dma_wait3A_77] : memref<327680xi32, #tpu.memory_space<hbm>> -> memref<128xi32, #tpu.memory_space<hbm>>
      %dma_wait3A_79 = arith.constant 0 : i32
      %dma_wait3A_80 = tpu.memref_slice %arg3[%dma_wait3A_79] : memref<327680xi32, #tpu.memory_space<hbm>> -> memref<128xi32, #tpu.memory_space<hbm>>
      tpu.wait_dma2 semaphore(%arg15 : memref<!tpu.dma_semaphore, #tpu.memory_space<semaphore_mem>>) src(%dma_wait3A_80 : memref<128xi32, #tpu.memory_space<hbm>>) dst(%arg11 : memref<128xi32, #tpu.memory_space<vmem>>)
      %dma_wait3A_81 = arith.constant 0 : i32
      %dma_wait3A_82 = tpu.memref_slice %arg2[%dma_wait3A_81] : memref<327680xi32, #tpu.memory_space<hbm>> -> memref<128xi32, #tpu.memory_space<hbm>>
      %dma_wait3A_83 = arith.constant 0 : i32
      %dma_wait3A_84 = tpu.memref_slice %arg2[%dma_wait3A_83] : memref<327680xi32, #tpu.memory_space<hbm>> -> memref<128xi32, #tpu.memory_space<hbm>>
      tpu.wait_dma2 semaphore(%arg16 : memref<!tpu.dma_semaphore, #tpu.memory_space<semaphore_mem>>) src(%dma_wait3A_84 : memref<128xi32, #tpu.memory_space<hbm>>) dst(%arg8 : memref<128xi32, #tpu.memory_space<vmem>>)
      %dma_wait3A_85 = arith.constant 0 : i32
      %dma_wait3A_86 = tpu.memref_slice %arg3[%dma_wait3A_85] : memref<327680xi32, #tpu.memory_space<hbm>> -> memref<128xi32, #tpu.memory_space<hbm>>
      %dma_wait3A_87 = arith.constant 0 : i32
      %dma_wait3A_88 = tpu.memref_slice %arg3[%dma_wait3A_87] : memref<327680xi32, #tpu.memory_space<hbm>> -> memref<128xi32, #tpu.memory_space<hbm>>
      tpu.wait_dma2 semaphore(%arg16 : memref<!tpu.dma_semaphore, #tpu.memory_space<semaphore_mem>>) src(%dma_wait3A_88 : memref<128xi32, #tpu.memory_space<hbm>>) dst(%arg12 : memref<128xi32, #tpu.memory_space<vmem>>)
      %dma_start3A_89 = arith.constant 0 : i32
      %dma_start3A_90 = arith.constant 0 : i32
      %dma_start3A_91 = tpu.memref_slice %arg4[%dma_start3A_89, %dma_start3A_90] : memref<10240x128xf32, #tpu.memory_space<hbm>> -> memref<10240x128xf32, #tpu.memory_space<hbm>>
      tpu.enqueue_indirect_dma source(%dma_start3A_91 : memref<10240x128xf32, #tpu.memory_space<hbm>>) target(%arg19 : memref<128x128xf32, #tpu.memory_space<vmem>>) offsets(%arg7 : memref<128xi32, #tpu.memory_space<vmem>>) semaphore(%arg21 : memref<!tpu.dma_semaphore, #tpu.memory_space<semaphore_mem>>)
      %dma_start3A_92 = arith.constant 0 : i32
      %dma_start3A_93 = arith.constant 0 : i32
      %dma_start3A_94 = tpu.memref_slice %arg4[%dma_start3A_92, %dma_start3A_93] : memref<10240x128xf32, #tpu.memory_space<hbm>> -> memref<10240x128xf32, #tpu.memory_space<hbm>>
      tpu.enqueue_indirect_dma source(%dma_start3A_94 : memref<10240x128xf32, #tpu.memory_space<hbm>>) target(%arg20 : memref<128x128xf32, #tpu.memory_space<vmem>>) offsets(%arg8 : memref<128xi32, #tpu.memory_space<vmem>>) semaphore(%arg22 : memref<!tpu.dma_semaphore, #tpu.memory_space<semaphore_mem>>)
      %dma_wait3A_95 = arith.constant 0 : i32
      %dma_wait3A_96 = arith.constant 0 : i32
      %dma_wait3A_97 = tpu.memref_slice %arg4[%dma_wait3A_95, %dma_wait3A_96] : memref<10240x128xf32, #tpu.memory_space<hbm>> -> memref<10240x128xf32, #tpu.memory_space<hbm>>
      tpu.wait_indirect_dma semaphore(%arg21 : memref<!tpu.dma_semaphore, #tpu.memory_space<semaphore_mem>>) src(%dma_wait3A_97 : memref<10240x128xf32, #tpu.memory_space<hbm>>) dst(%arg19 : memref<128x128xf32, #tpu.memory_space<vmem>>)
      %dma_start3A_98 = arith.constant 0 : i32
      %dma_start3A_99 = arith.constant 0 : i32
      %dma_start3A_100 = tpu.memref_slice %arg25[%dma_start3A_98, %dma_start3A_99] : memref<10240x128xf32, #tpu.memory_space<vmem_shared>> -> memref<10240x128xf32, #tpu.memory_space<vmem_shared>>
      tpu.enqueue_indirect_dma source(%arg19 : memref<128x128xf32, #tpu.memory_space<vmem>>) target(%dma_start3A_100 : memref<10240x128xf32, #tpu.memory_space<vmem_shared>>) offsets(%arg11 : memref<128xi32, #tpu.memory_space<vmem>>) semaphore(%arg23 : memref<!tpu.dma_semaphore, #tpu.memory_space<semaphore_mem>>) {add = true}
      %dma_wait3A_101 = arith.constant 0 : i32
      %dma_wait3A_102 = arith.constant 0 : i32
      %dma_wait3A_103 = tpu.memref_slice %arg4[%dma_wait3A_101, %dma_wait3A_102] : memref<10240x128xf32, #tpu.memory_space<hbm>> -> memref<10240x128xf32, #tpu.memory_space<hbm>>
      tpu.wait_indirect_dma semaphore(%arg22 : memref<!tpu.dma_semaphore, #tpu.memory_space<semaphore_mem>>) src(%dma_wait3A_103 : memref<10240x128xf32, #tpu.memory_space<hbm>>) dst(%arg20 : memref<128x128xf32, #tpu.memory_space<vmem>>)
      %dma_start3A_104 = arith.constant 0 : i32
      %dma_start3A_105 = arith.constant 0 : i32
      %dma_start3A_106 = tpu.memref_slice %arg25[%dma_start3A_104, %dma_start3A_105] : memref<10240x128xf32, #tpu.memory_space<vmem_shared>> -> memref<10240x128xf32, #tpu.memory_space<vmem_shared>>
      tpu.enqueue_indirect_dma source(%arg20 : memref<128x128xf32, #tpu.memory_space<vmem>>) target(%dma_start3A_106 : memref<10240x128xf32, #tpu.memory_space<vmem_shared>>) offsets(%arg12 : memref<128xi32, #tpu.memory_space<vmem>>) semaphore(%arg24 : memref<!tpu.dma_semaphore, #tpu.memory_space<semaphore_mem>>) {add = true}
      %mul3A_107 = arith.constant 2 : i32
      %mul3A_108 = arith.muli %while3A_59, %mul3A_107 : i32
      %add3A_109 = arith.constant 1 : i32
      %add3A_110 = arith.addi %mul3A_108, %add3A_109 : i32
      %mul3A_111 = arith.constant 2 : i32
      %mul3A_112 = arith.muli %add3A_110, %mul3A_111 : i32
      %ge3A_113 = arith.constant 2 : i32
      %ge3A_114 = arith.cmpi sge, %mul3A_112, %ge3A_113 : i32
      %convert_element_type3A_115 = arith.extui %ge3A_114 : i1 to i32
      %cond3A_116 = arith.constant 0 : i32
      %cond3A_117 = arith.cmpi ne, %convert_element_type3A_115, %cond3A_116 : i32
      scf.if %cond3A_117 {
        %dma_wait3A_158 = arith.constant 0 : i32
        %dma_wait3A_159 = arith.constant 0 : i32
        %dma_wait3A_160 = tpu.memref_slice %arg25[%dma_wait3A_158, %dma_wait3A_159] : memref<10240x128xf32, #tpu.memory_space<vmem_shared>> -> memref<10240x128xf32, #tpu.memory_space<vmem_shared>>
        tpu.wait_indirect_dma semaphore(%arg23 : memref<!tpu.dma_semaphore, #tpu.memory_space<semaphore_mem>>) src(%arg19 : memref<128x128xf32, #tpu.memory_space<vmem>>) dst(%dma_wait3A_160 : memref<10240x128xf32, #tpu.memory_space<vmem_shared>>)
        %dma_wait3A_161 = arith.constant 0 : i32
        %dma_wait3A_162 = arith.constant 0 : i32
        %dma_wait3A_163 = tpu.memref_slice %arg25[%dma_wait3A_161, %dma_wait3A_162] : memref<10240x128xf32, #tpu.memory_space<vmem_shared>> -> memref<10240x128xf32, #tpu.memory_space<vmem_shared>>
        tpu.wait_indirect_dma semaphore(%arg24 : memref<!tpu.dma_semaphore, #tpu.memory_space<semaphore_mem>>) src(%arg20 : memref<128x128xf32, #tpu.memory_space<vmem>>) dst(%dma_wait3A_163 : memref<10240x128xf32, #tpu.memory_space<vmem_shared>>)
      } else {
      }
      %add3A_118 = arith.constant 2 : i32
      %add3A_119 = arith.addi %mul3A_112, %add3A_118 : i32
      %lt3A_120 = arith.cmpi slt, %add3A_119, %select_n3A_8 : i32
      %convert_element_type3A_121 = arith.extui %lt3A_120 : i1 to i32
      %cond3A_122 = arith.constant 0 : i32
      %cond3A_123 = arith.cmpi ne, %convert_element_type3A_121, %cond3A_122 : i32
      scf.if %cond3A_123 {
        %add3A_158 = arith.constant 2 : i32
        %add3A_159 = arith.addi %mul3A_112, %add3A_158 : i32
        %mul3A_160 = arith.constant 128 : i32
        %mul3A_161 = arith.muli %add3A_159, %mul3A_160 : i32
        %add3A_162 = arith.addi %select_n3A, %mul3A_161 : i32
        %dma_start3A_163 = tpu.memref_slice %arg2[%add3A_162] : memref<327680xi32, #tpu.memory_space<hbm>> -> memref<128xi32, #tpu.memory_space<hbm>>
        %dma_start3A_164 = tpu.memref_slice %arg2[%add3A_162] : memref<327680xi32, #tpu.memory_space<hbm>> -> memref<128xi32, #tpu.memory_space<hbm>>
        tpu.enqueue_dma source(%dma_start3A_164 : memref<128xi32, #tpu.memory_space<hbm>>) target(%arg7 : memref<128xi32, #tpu.memory_space<vmem>>) target_semaphore(%arg15 : memref<!tpu.dma_semaphore, #tpu.memory_space<semaphore_mem>>)
        %dma_start3A_165 = tpu.memref_slice %arg3[%add3A_162] : memref<327680xi32, #tpu.memory_space<hbm>> -> memref<128xi32, #tpu.memory_space<hbm>>
        %dma_start3A_166 = tpu.memref_slice %arg3[%add3A_162] : memref<327680xi32, #tpu.memory_space<hbm>> -> memref<128xi32, #tpu.memory_space<hbm>>
        tpu.enqueue_dma source(%dma_start3A_166 : memref<128xi32, #tpu.memory_space<hbm>>) target(%arg11 : memref<128xi32, #tpu.memory_space<vmem>>) target_semaphore(%arg15 : memref<!tpu.dma_semaphore, #tpu.memory_space<semaphore_mem>>)
        %add3A_167 = arith.constant 3 : i32
        %add3A_168 = arith.addi %mul3A_112, %add3A_167 : i32
        %mul3A_169 = arith.constant 128 : i32
        %mul3A_170 = arith.muli %add3A_168, %mul3A_169 : i32
        %add3A_171 = arith.addi %select_n3A, %mul3A_170 : i32
        %dma_start3A_172 = tpu.memref_slice %arg2[%add3A_171] : memref<327680xi32, #tpu.memory_space<hbm>> -> memref<128xi32, #tpu.memory_space<hbm>>
        %dma_start3A_173 = tpu.memref_slice %arg2[%add3A_171] : memref<327680xi32, #tpu.memory_space<hbm>> -> memref<128xi32, #tpu.memory_space<hbm>>
        tpu.enqueue_dma source(%dma_start3A_173 : memref<128xi32, #tpu.memory_space<hbm>>) target(%arg8 : memref<128xi32, #tpu.memory_space<vmem>>) target_semaphore(%arg16 : memref<!tpu.dma_semaphore, #tpu.memory_space<semaphore_mem>>)
        %dma_start3A_174 = tpu.memref_slice %arg3[%add3A_171] : memref<327680xi32, #tpu.memory_space<hbm>> -> memref<128xi32, #tpu.memory_space<hbm>>
        %dma_start3A_175 = tpu.memref_slice %arg3[%add3A_171] : memref<327680xi32, #tpu.memory_space<hbm>> -> memref<128xi32, #tpu.memory_space<hbm>>
        tpu.enqueue_dma source(%dma_start3A_175 : memref<128xi32, #tpu.memory_space<hbm>>) target(%arg12 : memref<128xi32, #tpu.memory_space<vmem>>) target_semaphore(%arg16 : memref<!tpu.dma_semaphore, #tpu.memory_space<semaphore_mem>>)
      } else {
      }
      %dma_wait3A_124 = arith.constant 0 : i32
      %dma_wait3A_125 = tpu.memref_slice %arg2[%dma_wait3A_124] : memref<327680xi32, #tpu.memory_space<hbm>> -> memref<128xi32, #tpu.memory_space<hbm>>
      %dma_wait3A_126 = arith.constant 0 : i32
      %dma_wait3A_127 = tpu.memref_slice %arg2[%dma_wait3A_126] : memref<327680xi32, #tpu.memory_space<hbm>> -> memref<128xi32, #tpu.memory_space<hbm>>
      tpu.wait_dma2 semaphore(%arg17 : memref<!tpu.dma_semaphore, #tpu.memory_space<semaphore_mem>>) src(%dma_wait3A_127 : memref<128xi32, #tpu.memory_space<hbm>>) dst(%arg9 : memref<128xi32, #tpu.memory_space<vmem>>)
      %dma_wait3A_128 = arith.constant 0 : i32
      %dma_wait3A_129 = tpu.memref_slice %arg3[%dma_wait3A_128] : memref<327680xi32, #tpu.memory_space<hbm>> -> memref<128xi32, #tpu.memory_space<hbm>>
      %dma_wait3A_130 = arith.constant 0 : i32
      %dma_wait3A_131 = tpu.memref_slice %arg3[%dma_wait3A_130] : memref<327680xi32, #tpu.memory_space<hbm>> -> memref<128xi32, #tpu.memory_space<hbm>>
      tpu.wait_dma2 semaphore(%arg17 : memref<!tpu.dma_semaphore, #tpu.memory_space<semaphore_mem>>) src(%dma_wait3A_131 : memref<128xi32, #tpu.memory_space<hbm>>) dst(%arg13 : memref<128xi32, #tpu.memory_space<vmem>>)
      %dma_wait3A_132 = arith.constant 0 : i32
      %dma_wait3A_133 = tpu.memref_slice %arg2[%dma_wait3A_132] : memref<327680xi32, #tpu.memory_space<hbm>> -> memref<128xi32, #tpu.memory_space<hbm>>
      %dma_wait3A_134 = arith.constant 0 : i32
      %dma_wait3A_135 = tpu.memref_slice %arg2[%dma_wait3A_134] : memref<327680xi32, #tpu.memory_space<hbm>> -> memref<128xi32, #tpu.memory_space<hbm>>
      tpu.wait_dma2 semaphore(%arg18 : memref<!tpu.dma_semaphore, #tpu.memory_space<semaphore_mem>>) src(%dma_wait3A_135 : memref<128xi32, #tpu.memory_space<hbm>>) dst(%arg10 : memref<128xi32, #tpu.memory_space<vmem>>)
      %dma_wait3A_136 = arith.constant 0 : i32
      %dma_wait3A_137 = tpu.memref_slice %arg3[%dma_wait3A_136] : memref<327680xi32, #tpu.memory_space<hbm>> -> memref<128xi32, #tpu.memory_space<hbm>>
      %dma_wait3A_138 = arith.constant 0 : i32
      %dma_wait3A_139 = tpu.memref_slice %arg3[%dma_wait3A_138] : memref<327680xi32, #tpu.memory_space<hbm>> -> memref<128xi32, #tpu.memory_space<hbm>>
      tpu.wait_dma2 semaphore(%arg18 : memref<!tpu.dma_semaphore, #tpu.memory_space<semaphore_mem>>) src(%dma_wait3A_139 : memref<128xi32, #tpu.memory_space<hbm>>) dst(%arg14 : memref<128xi32, #tpu.memory_space<vmem>>)
      %dma_start3A_140 = arith.constant 0 : i32
      %dma_start3A_141 = arith.constant 0 : i32
      %dma_start3A_142 = tpu.memref_slice %arg4[%dma_start3A_140, %dma_start3A_141] : memref<10240x128xf32, #tpu.memory_space<hbm>> -> memref<10240x128xf32, #tpu.memory_space<hbm>>
      tpu.enqueue_indirect_dma source(%dma_start3A_142 : memref<10240x128xf32, #tpu.memory_space<hbm>>) target(%arg19 : memref<128x128xf32, #tpu.memory_space<vmem>>) offsets(%arg9 : memref<128xi32, #tpu.memory_space<vmem>>) semaphore(%arg21 : memref<!tpu.dma_semaphore, #tpu.memory_space<semaphore_mem>>)
      %dma_start3A_143 = arith.constant 0 : i32
      %dma_start3A_144 = arith.constant 0 : i32
      %dma_start3A_145 = tpu.memref_slice %arg4[%dma_start3A_143, %dma_start3A_144] : memref<10240x128xf32, #tpu.memory_space<hbm>> -> memref<10240x128xf32, #tpu.memory_space<hbm>>
      tpu.enqueue_indirect_dma source(%dma_start3A_145 : memref<10240x128xf32, #tpu.memory_space<hbm>>) target(%arg20 : memref<128x128xf32, #tpu.memory_space<vmem>>) offsets(%arg10 : memref<128xi32, #tpu.memory_space<vmem>>) semaphore(%arg22 : memref<!tpu.dma_semaphore, #tpu.memory_space<semaphore_mem>>)
      %dma_wait3A_146 = arith.constant 0 : i32
      %dma_wait3A_147 = arith.constant 0 : i32
      %dma_wait3A_148 = tpu.memref_slice %arg4[%dma_wait3A_146, %dma_wait3A_147] : memref<10240x128xf32, #tpu.memory_space<hbm>> -> memref<10240x128xf32, #tpu.memory_space<hbm>>
      tpu.wait_indirect_dma semaphore(%arg21 : memref<!tpu.dma_semaphore, #tpu.memory_space<semaphore_mem>>) src(%dma_wait3A_148 : memref<10240x128xf32, #tpu.memory_space<hbm>>) dst(%arg19 : memref<128x128xf32, #tpu.memory_space<vmem>>)
      %dma_start3A_149 = arith.constant 0 : i32
      %dma_start3A_150 = arith.constant 0 : i32
      %dma_start3A_151 = tpu.memref_slice %arg25[%dma_start3A_149, %dma_start3A_150] : memref<10240x128xf32, #tpu.memory_space<vmem_shared>> -> memref<10240x128xf32, #tpu.memory_space<vmem_shared>>
      tpu.enqueue_indirect_dma source(%arg19 : memref<128x128xf32, #tpu.memory_space<vmem>>) target(%dma_start3A_151 : memref<10240x128xf32, #tpu.memory_space<vmem_shared>>) offsets(%arg13 : memref<128xi32, #tpu.memory_space<vmem>>) semaphore(%arg23 : memref<!tpu.dma_semaphore, #tpu.memory_space<semaphore_mem>>) {add = true}
      %dma_wait3A_152 = arith.constant 0 : i32
      %dma_wait3A_153 = arith.constant 0 : i32
      %dma_wait3A_154 = tpu.memref_slice %arg4[%dma_wait3A_152, %dma_wait3A_153] : memref<10240x128xf32, #tpu.memory_space<hbm>> -> memref<10240x128xf32, #tpu.memory_space<hbm>>
      tpu.wait_indirect_dma semaphore(%arg22 : memref<!tpu.dma_semaphore, #tpu.memory_space<semaphore_mem>>) src(%dma_wait3A_154 : memref<10240x128xf32, #tpu.memory_space<hbm>>) dst(%arg20 : memref<128x128xf32, #tpu.memory_space<vmem>>)
      %dma_start3A_155 = arith.constant 0 : i32
      %dma_start3A_156 = arith.constant 0 : i32
      %dma_start3A_157 = tpu.memref_slice %arg25[%dma_start3A_155, %dma_start3A_156] : memref<10240x128xf32, #tpu.memory_space<vmem_shared>> -> memref<10240x128xf32, #tpu.memory_space<vmem_shared>>
      tpu.enqueue_indirect_dma source(%arg20 : memref<128x128xf32, #tpu.memory_space<vmem>>) target(%dma_start3A_157 : memref<10240x128xf32, #tpu.memory_space<vmem_shared>>) offsets(%arg14 : memref<128xi32, #tpu.memory_space<vmem>>) semaphore(%arg24 : memref<!tpu.dma_semaphore, #tpu.memory_space<semaphore_mem>>) {add = true}
    }
    %while3A_48 = arith.constant 1 : i32
    scf.for %while3A_59 = %while3A_46 to %while3A_42 step %while3A_48  : i32 {
      %mul3A_60 = arith.constant 2 : i32
      %mul3A_61 = arith.muli %while3A_59, %mul3A_60 : i32
      %add3A_62 = arith.constant 0 : i32
      %add3A_63 = arith.addi %mul3A_61, %add3A_62 : i32
      %mul3A_64 = arith.constant 2 : i32
      %mul3A_65 = arith.muli %add3A_63, %mul3A_64 : i32
      %ge3A = arith.constant 2 : i32
      %ge3A_66 = arith.cmpi sge, %mul3A_65, %ge3A : i32
      %convert_element_type3A = arith.extui %ge3A_66 : i1 to i32
      %cond3A = arith.constant 0 : i32
      %cond3A_67 = arith.cmpi ne, %convert_element_type3A, %cond3A : i32
      scf.if %cond3A_67 {
        %dma_wait3A_158 = arith.constant 0 : i32
        %dma_wait3A_159 = arith.constant 0 : i32
        %dma_wait3A_160 = tpu.memref_slice %arg25[%dma_wait3A_158, %dma_wait3A_159] : memref<10240x128xf32, #tpu.memory_space<vmem_shared>> -> memref<10240x128xf32, #tpu.memory_space<vmem_shared>>
        tpu.wait_indirect_dma semaphore(%arg23 : memref<!tpu.dma_semaphore, #tpu.memory_space<semaphore_mem>>) src(%arg19 : memref<128x128xf32, #tpu.memory_space<vmem>>) dst(%dma_wait3A_160 : memref<10240x128xf32, #tpu.memory_space<vmem_shared>>)
        %dma_wait3A_161 = arith.constant 0 : i32
        %dma_wait3A_162 = arith.constant 0 : i32
        %dma_wait3A_163 = tpu.memref_slice %arg25[%dma_wait3A_161, %dma_wait3A_162] : memref<10240x128xf32, #tpu.memory_space<vmem_shared>> -> memref<10240x128xf32, #tpu.memory_space<vmem_shared>>
        tpu.wait_indirect_dma semaphore(%arg24 : memref<!tpu.dma_semaphore, #tpu.memory_space<semaphore_mem>>) src(%arg20 : memref<128x128xf32, #tpu.memory_space<vmem>>) dst(%dma_wait3A_163 : memref<10240x128xf32, #tpu.memory_space<vmem_shared>>)
      } else {
      }
      %add3A_68 = arith.constant 2 : i32
      %add3A_69 = arith.addi %mul3A_65, %add3A_68 : i32
      %lt3A = arith.cmpi slt, %add3A_69, %select_n3A_8 : i32
      %convert_element_type3A_70 = arith.extui %lt3A : i1 to i32
      %cond3A_71 = arith.constant 0 : i32
      %cond3A_72 = arith.cmpi ne, %convert_element_type3A_70, %cond3A_71 : i32
      scf.if %cond3A_72 {
        %add3A_158 = arith.constant 2 : i32
        %add3A_159 = arith.addi %mul3A_65, %add3A_158 : i32
        %mul3A_160 = arith.constant 128 : i32
        %mul3A_161 = arith.muli %add3A_159, %mul3A_160 : i32
        %add3A_162 = arith.addi %select_n3A, %mul3A_161 : i32
        %dma_start3A_163 = tpu.memref_slice %arg2[%add3A_162] : memref<327680xi32, #tpu.memory_space<hbm>> -> memref<128xi32, #tpu.memory_space<hbm>>
        %dma_start3A_164 = tpu.memref_slice %arg2[%add3A_162] : memref<327680xi32, #tpu.memory_space<hbm>> -> memref<128xi32, #tpu.memory_space<hbm>>
        tpu.enqueue_dma source(%dma_start3A_164 : memref<128xi32, #tpu.memory_space<hbm>>) target(%arg9 : memref<128xi32, #tpu.memory_space<vmem>>) target_semaphore(%arg17 : memref<!tpu.dma_semaphore, #tpu.memory_space<semaphore_mem>>)
        %dma_start3A_165 = tpu.memref_slice %arg3[%add3A_162] : memref<327680xi32, #tpu.memory_space<hbm>> -> memref<128xi32, #tpu.memory_space<hbm>>
        %dma_start3A_166 = tpu.memref_slice %arg3[%add3A_162] : memref<327680xi32, #tpu.memory_space<hbm>> -> memref<128xi32, #tpu.memory_space<hbm>>
        tpu.enqueue_dma source(%dma_start3A_166 : memref<128xi32, #tpu.memory_space<hbm>>) target(%arg13 : memref<128xi32, #tpu.memory_space<vmem>>) target_semaphore(%arg17 : memref<!tpu.dma_semaphore, #tpu.memory_space<semaphore_mem>>)
        %add3A_167 = arith.constant 3 : i32
        %add3A_168 = arith.addi %mul3A_65, %add3A_167 : i32
        %mul3A_169 = arith.constant 128 : i32
        %mul3A_170 = arith.muli %add3A_168, %mul3A_169 : i32
        %add3A_171 = arith.addi %select_n3A, %mul3A_170 : i32
        %dma_start3A_172 = tpu.memref_slice %arg2[%add3A_171] : memref<327680xi32, #tpu.memory_space<hbm>> -> memref<128xi32, #tpu.memory_space<hbm>>
        %dma_start3A_173 = tpu.memref_slice %arg2[%add3A_171] : memref<327680xi32, #tpu.memory_space<hbm>> -> memref<128xi32, #tpu.memory_space<hbm>>
        tpu.enqueue_dma source(%dma_start3A_173 : memref<128xi32, #tpu.memory_space<hbm>>) target(%arg10 : memref<128xi32, #tpu.memory_space<vmem>>) target_semaphore(%arg18 : memref<!tpu.dma_semaphore, #tpu.memory_space<semaphore_mem>>)
        %dma_start3A_174 = tpu.memref_slice %arg3[%add3A_171] : memref<327680xi32, #tpu.memory_space<hbm>> -> memref<128xi32, #tpu.memory_space<hbm>>
        %dma_start3A_175 = tpu.memref_slice %arg3[%add3A_171] : memref<327680xi32, #tpu.memory_space<hbm>> -> memref<128xi32, #tpu.memory_space<hbm>>
        tpu.enqueue_dma source(%dma_start3A_175 : memref<128xi32, #tpu.memory_space<hbm>>) target(%arg14 : memref<128xi32, #tpu.memory_space<vmem>>) target_semaphore(%arg18 : memref<!tpu.dma_semaphore, #tpu.memory_space<semaphore_mem>>)
      } else {
      }
      %dma_wait3A_73 = arith.constant 0 : i32
      %dma_wait3A_74 = tpu.memref_slice %arg2[%dma_wait3A_73] : memref<327680xi32, #tpu.memory_space<hbm>> -> memref<128xi32, #tpu.memory_space<hbm>>
      %dma_wait3A_75 = arith.constant 0 : i32
      %dma_wait3A_76 = tpu.memref_slice %arg2[%dma_wait3A_75] : memref<327680xi32, #tpu.memory_space<hbm>> -> memref<128xi32, #tpu.memory_space<hbm>>
      tpu.wait_dma2 semaphore(%arg15 : memref<!tpu.dma_semaphore, #tpu.memory_space<semaphore_mem>>) src(%dma_wait3A_76 : memref<128xi32, #tpu.memory_space<hbm>>) dst(%arg7 : memref<128xi32, #tpu.memory_space<vmem>>)
      %dma_wait3A_77 = arith.constant 0 : i32
      %dma_wait3A_78 = tpu.memref_slice %arg3[%dma_wait3A_77] : memref<327680xi32, #tpu.memory_space<hbm>> -> memref<128xi32, #tpu.memory_space<hbm>>
      %dma_wait3A_79 = arith.constant 0 : i32
      %dma_wait3A_80 = tpu.memref_slice %arg3[%dma_wait3A_79] : memref<327680xi32, #tpu.memory_space<hbm>> -> memref<128xi32, #tpu.memory_space<hbm>>
      tpu.wait_dma2 semaphore(%arg15 : memref<!tpu.dma_semaphore, #tpu.memory_space<semaphore_mem>>) src(%dma_wait3A_80 : memref<128xi32, #tpu.memory_space<hbm>>) dst(%arg11 : memref<128xi32, #tpu.memory_space<vmem>>)
      %dma_wait3A_81 = arith.constant 0 : i32
      %dma_wait3A_82 = tpu.memref_slice %arg2[%dma_wait3A_81] : memref<327680xi32, #tpu.memory_space<hbm>> -> memref<128xi32, #tpu.memory_space<hbm>>
      %dma_wait3A_83 = arith.constant 0 : i32
      %dma_wait3A_84 = tpu.memref_slice %arg2[%dma_wait3A_83] : memref<327680xi32, #tpu.memory_space<hbm>> -> memref<128xi32, #tpu.memory_space<hbm>>
      tpu.wait_dma2 semaphore(%arg16 : memref<!tpu.dma_semaphore, #tpu.memory_space<semaphore_mem>>) src(%dma_wait3A_84 : memref<128xi32, #tpu.memory_space<hbm>>) dst(%arg8 : memref<128xi32, #tpu.memory_space<vmem>>)
      %dma_wait3A_85 = arith.constant 0 : i32
      %dma_wait3A_86 = tpu.memref_slice %arg3[%dma_wait3A_85] : memref<327680xi32, #tpu.memory_space<hbm>> -> memref<128xi32, #tpu.memory_space<hbm>>
      %dma_wait3A_87 = arith.constant 0 : i32
      %dma_wait3A_88 = tpu.memref_slice %arg3[%dma_wait3A_87] : memref<327680xi32, #tpu.memory_space<hbm>> -> memref<128xi32, #tpu.memory_space<hbm>>
      tpu.wait_dma2 semaphore(%arg16 : memref<!tpu.dma_semaphore, #tpu.memory_space<semaphore_mem>>) src(%dma_wait3A_88 : memref<128xi32, #tpu.memory_space<hbm>>) dst(%arg12 : memref<128xi32, #tpu.memory_space<vmem>>)
      %dma_start3A_89 = arith.constant 0 : i32
      %dma_start3A_90 = arith.constant 0 : i32
      %dma_start3A_91 = tpu.memref_slice %arg4[%dma_start3A_89, %dma_start3A_90] : memref<10240x128xf32, #tpu.memory_space<hbm>> -> memref<10240x128xf32, #tpu.memory_space<hbm>>
      tpu.enqueue_indirect_dma source(%dma_start3A_91 : memref<10240x128xf32, #tpu.memory_space<hbm>>) target(%arg19 : memref<128x128xf32, #tpu.memory_space<vmem>>) offsets(%arg7 : memref<128xi32, #tpu.memory_space<vmem>>) semaphore(%arg21 : memref<!tpu.dma_semaphore, #tpu.memory_space<semaphore_mem>>)
      %dma_start3A_92 = arith.constant 0 : i32
      %dma_start3A_93 = arith.constant 0 : i32
      %dma_start3A_94 = tpu.memref_slice %arg4[%dma_start3A_92, %dma_start3A_93] : memref<10240x128xf32, #tpu.memory_space<hbm>> -> memref<10240x128xf32, #tpu.memory_space<hbm>>
      tpu.enqueue_indirect_dma source(%dma_start3A_94 : memref<10240x128xf32, #tpu.memory_space<hbm>>) target(%arg20 : memref<128x128xf32, #tpu.memory_space<vmem>>) offsets(%arg8 : memref<128xi32, #tpu.memory_space<vmem>>) semaphore(%arg22 : memref<!tpu.dma_semaphore, #tpu.memory_space<semaphore_mem>>)
      %dma_wait3A_95 = arith.constant 0 : i32
      %dma_wait3A_96 = arith.constant 0 : i32
      %dma_wait3A_97 = tpu.memref_slice %arg4[%dma_wait3A_95, %dma_wait3A_96] : memref<10240x128xf32, #tpu.memory_space<hbm>> -> memref<10240x128xf32, #tpu.memory_space<hbm>>
      tpu.wait_indirect_dma semaphore(%arg21 : memref<!tpu.dma_semaphore, #tpu.memory_space<semaphore_mem>>) src(%dma_wait3A_97 : memref<10240x128xf32, #tpu.memory_space<hbm>>) dst(%arg19 : memref<128x128xf32, #tpu.memory_space<vmem>>)
      %dma_start3A_98 = arith.constant 0 : i32
      %dma_start3A_99 = arith.constant 0 : i32
      %dma_start3A_100 = tpu.memref_slice %arg25[%dma_start3A_98, %dma_start3A_99] : memref<10240x128xf32, #tpu.memory_space<vmem_shared>> -> memref<10240x128xf32, #tpu.memory_space<vmem_shared>>
      tpu.enqueue_indirect_dma source(%arg19 : memref<128x128xf32, #tpu.memory_space<vmem>>) target(%dma_start3A_100 : memref<10240x128xf32, #tpu.memory_space<vmem_shared>>) offsets(%arg11 : memref<128xi32, #tpu.memory_space<vmem>>) semaphore(%arg23 : memref<!tpu.dma_semaphore, #tpu.memory_space<semaphore_mem>>) {add = true}
      %dma_wait3A_101 = arith.constant 0 : i32
      %dma_wait3A_102 = arith.constant 0 : i32
      %dma_wait3A_103 = tpu.memref_slice %arg4[%dma_wait3A_101, %dma_wait3A_102] : memref<10240x128xf32, #tpu.memory_space<hbm>> -> memref<10240x128xf32, #tpu.memory_space<hbm>>
      tpu.wait_indirect_dma semaphore(%arg22 : memref<!tpu.dma_semaphore, #tpu.memory_space<semaphore_mem>>) src(%dma_wait3A_103 : memref<10240x128xf32, #tpu.memory_space<hbm>>) dst(%arg20 : memref<128x128xf32, #tpu.memory_space<vmem>>)
      %dma_start3A_104 = arith.constant 0 : i32
      %dma_start3A_105 = arith.constant 0 : i32
      %dma_start3A_106 = tpu.memref_slice %arg25[%dma_start3A_104, %dma_start3A_105] : memref<10240x128xf32, #tpu.memory_space<vmem_shared>> -> memref<10240x128xf32, #tpu.memory_space<vmem_shared>>
      tpu.enqueue_indirect_dma source(%arg20 : memref<128x128xf32, #tpu.memory_space<vmem>>) target(%dma_start3A_106 : memref<10240x128xf32, #tpu.memory_space<vmem_shared>>) offsets(%arg12 : memref<128xi32, #tpu.memory_space<vmem>>) semaphore(%arg24 : memref<!tpu.dma_semaphore, #tpu.memory_space<semaphore_mem>>) {add = true}
      %mul3A_107 = arith.constant 2 : i32
      %mul3A_108 = arith.muli %while3A_59, %mul3A_107 : i32
      %add3A_109 = arith.constant 1 : i32
      %add3A_110 = arith.addi %mul3A_108, %add3A_109 : i32
      %mul3A_111 = arith.constant 2 : i32
      %mul3A_112 = arith.muli %add3A_110, %mul3A_111 : i32
      %ge3A_113 = arith.constant 2 : i32
      %ge3A_114 = arith.cmpi sge, %mul3A_112, %ge3A_113 : i32
      %convert_element_type3A_115 = arith.extui %ge3A_114 : i1 to i32
      %cond3A_116 = arith.constant 0 : i32
      %cond3A_117 = arith.cmpi ne, %convert_element_type3A_115, %cond3A_116 : i32
      scf.if %cond3A_117 {
        %dma_wait3A_158 = arith.constant 0 : i32
        %dma_wait3A_159 = arith.constant 0 : i32
        %dma_wait3A_160 = tpu.memref_slice %arg25[%dma_wait3A_158, %dma_wait3A_159] : memref<10240x128xf32, #tpu.memory_space<vmem_shared>> -> memref<10240x128xf32, #tpu.memory_space<vmem_shared>>
        tpu.wait_indirect_dma semaphore(%arg23 : memref<!tpu.dma_semaphore, #tpu.memory_space<semaphore_mem>>) src(%arg19 : memref<128x128xf32, #tpu.memory_space<vmem>>) dst(%dma_wait3A_160 : memref<10240x128xf32, #tpu.memory_space<vmem_shared>>)
        %dma_wait3A_161 = arith.constant 0 : i32
        %dma_wait3A_162 = arith.constant 0 : i32
        %dma_wait3A_163 = tpu.memref_slice %arg25[%dma_wait3A_161, %dma_wait3A_162] : memref<10240x128xf32, #tpu.memory_space<vmem_shared>> -> memref<10240x128xf32, #tpu.memory_space<vmem_shared>>
        tpu.wait_indirect_dma semaphore(%arg24 : memref<!tpu.dma_semaphore, #tpu.memory_space<semaphore_mem>>) src(%arg20 : memref<128x128xf32, #tpu.memory_space<vmem>>) dst(%dma_wait3A_163 : memref<10240x128xf32, #tpu.memory_space<vmem_shared>>)
      } else {
      }
      %add3A_118 = arith.constant 2 : i32
      %add3A_119 = arith.addi %mul3A_112, %add3A_118 : i32
      %lt3A_120 = arith.cmpi slt, %add3A_119, %select_n3A_8 : i32
      %convert_element_type3A_121 = arith.extui %lt3A_120 : i1 to i32
      %cond3A_122 = arith.constant 0 : i32
      %cond3A_123 = arith.cmpi ne, %convert_element_type3A_121, %cond3A_122 : i32
      scf.if %cond3A_123 {
        %add3A_158 = arith.constant 2 : i32
        %add3A_159 = arith.addi %mul3A_112, %add3A_158 : i32
        %mul3A_160 = arith.constant 128 : i32
        %mul3A_161 = arith.muli %add3A_159, %mul3A_160 : i32
        %add3A_162 = arith.addi %select_n3A, %mul3A_161 : i32
        %dma_start3A_163 = tpu.memref_slice %arg2[%add3A_162] : memref<327680xi32, #tpu.memory_space<hbm>> -> memref<128xi32, #tpu.memory_space<hbm>>
        %dma_start3A_164 = tpu.memref_slice %arg2[%add3A_162] : memref<327680xi32, #tpu.memory_space<hbm>> -> memref<128xi32, #tpu.memory_space<hbm>>
        tpu.enqueue_dma source(%dma_start3A_164 : memref<128xi32, #tpu.memory_space<hbm>>) target(%arg7 : memref<128xi32, #tpu.memory_space<vmem>>) target_semaphore(%arg15 : memref<!tpu.dma_semaphore, #tpu.memory_space<semaphore_mem>>)
        %dma_start3A_165 = tpu.memref_slice %arg3[%add3A_162] : memref<327680xi32, #tpu.memory_space<hbm>> -> memref<128xi32, #tpu.memory_space<hbm>>
        %dma_start3A_166 = tpu.memref_slice %arg3[%add3A_162] : memref<327680xi32, #tpu.memory_space<hbm>> -> memref<128xi32, #tpu.memory_space<hbm>>
        tpu.enqueue_dma source(%dma_start3A_166 : memref<128xi32, #tpu.memory_space<hbm>>) target(%arg11 : memref<128xi32, #tpu.memory_space<vmem>>) target_semaphore(%arg15 : memref<!tpu.dma_semaphore, #tpu.memory_space<semaphore_mem>>)
        %add3A_167 = arith.constant 3 : i32
        %add3A_168 = arith.addi %mul3A_112, %add3A_167 : i32
        %mul3A_169 = arith.constant 128 : i32
        %mul3A_170 = arith.muli %add3A_168, %mul3A_169 : i32
        %add3A_171 = arith.addi %select_n3A, %mul3A_170 : i32
        %dma_start3A_172 = tpu.memref_slice %arg2[%add3A_171] : memref<327680xi32, #tpu.memory_space<hbm>> -> memref<128xi32, #tpu.memory_space<hbm>>
        %dma_start3A_173 = tpu.memref_slice %arg2[%add3A_171] : memref<327680xi32, #tpu.memory_space<hbm>> -> memref<128xi32, #tpu.memory_space<hbm>>
        tpu.enqueue_dma source(%dma_start3A_173 : memref<128xi32, #tpu.memory_space<hbm>>) target(%arg8 : memref<128xi32, #tpu.memory_space<vmem>>) target_semaphore(%arg16 : memref<!tpu.dma_semaphore, #tpu.memory_space<semaphore_mem>>)
        %dma_start3A_174 = tpu.memref_slice %arg3[%add3A_171] : memref<327680xi32, #tpu.memory_space<hbm>> -> memref<128xi32, #tpu.memory_space<hbm>>
        %dma_start3A_175 = tpu.memref_slice %arg3[%add3A_171] : memref<327680xi32, #tpu.memory_space<hbm>> -> memref<128xi32, #tpu.memory_space<hbm>>
        tpu.enqueue_dma source(%dma_start3A_175 : memref<128xi32, #tpu.memory_space<hbm>>) target(%arg12 : memref<128xi32, #tpu.memory_space<vmem>>) target_semaphore(%arg16 : memref<!tpu.dma_semaphore, #tpu.memory_space<semaphore_mem>>)
      } else {
      }
      %dma_wait3A_124 = arith.constant 0 : i32
      %dma_wait3A_125 = tpu.memref_slice %arg2[%dma_wait3A_124] : memref<327680xi32, #tpu.memory_space<hbm>> -> memref<128xi32, #tpu.memory_space<hbm>>
      %dma_wait3A_126 = arith.constant 0 : i32
      %dma_wait3A_127 = tpu.memref_slice %arg2[%dma_wait3A_126] : memref<327680xi32, #tpu.memory_space<hbm>> -> memref<128xi32, #tpu.memory_space<hbm>>
      tpu.wait_dma2 semaphore(%arg17 : memref<!tpu.dma_semaphore, #tpu.memory_space<semaphore_mem>>) src(%dma_wait3A_127 : memref<128xi32, #tpu.memory_space<hbm>>) dst(%arg9 : memref<128xi32, #tpu.memory_space<vmem>>)
      %dma_wait3A_128 = arith.constant 0 : i32
      %dma_wait3A_129 = tpu.memref_slice %arg3[%dma_wait3A_128] : memref<327680xi32, #tpu.memory_space<hbm>> -> memref<128xi32, #tpu.memory_space<hbm>>
      %dma_wait3A_130 = arith.constant 0 : i32
      %dma_wait3A_131 = tpu.memref_slice %arg3[%dma_wait3A_130] : memref<327680xi32, #tpu.memory_space<hbm>> -> memref<128xi32, #tpu.memory_space<hbm>>
      tpu.wait_dma2 semaphore(%arg17 : memref<!tpu.dma_semaphore, #tpu.memory_space<semaphore_mem>>) src(%dma_wait3A_131 : memref<128xi32, #tpu.memory_space<hbm>>) dst(%arg13 : memref<128xi32, #tpu.memory_space<vmem>>)
      %dma_wait3A_132 = arith.constant 0 : i32
      %dma_wait3A_133 = tpu.memref_slice %arg2[%dma_wait3A_132] : memref<327680xi32, #tpu.memory_space<hbm>> -> memref<128xi32, #tpu.memory_space<hbm>>
      %dma_wait3A_134 = arith.constant 0 : i32
      %dma_wait3A_135 = tpu.memref_slice %arg2[%dma_wait3A_134] : memref<327680xi32, #tpu.memory_space<hbm>> -> memref<128xi32, #tpu.memory_space<hbm>>
      tpu.wait_dma2 semaphore(%arg18 : memref<!tpu.dma_semaphore, #tpu.memory_space<semaphore_mem>>) src(%dma_wait3A_135 : memref<128xi32, #tpu.memory_space<hbm>>) dst(%arg10 : memref<128xi32, #tpu.memory_space<vmem>>)
      %dma_wait3A_136 = arith.constant 0 : i32
      %dma_wait3A_137 = tpu.memref_slice %arg3[%dma_wait3A_136] : memref<327680xi32, #tpu.memory_space<hbm>> -> memref<128xi32, #tpu.memory_space<hbm>>
      %dma_wait3A_138 = arith.constant 0 : i32
      %dma_wait3A_139 = tpu.memref_slice %arg3[%dma_wait3A_138] : memref<327680xi32, #tpu.memory_space<hbm>> -> memref<128xi32, #tpu.memory_space<hbm>>
      tpu.wait_dma2 semaphore(%arg18 : memref<!tpu.dma_semaphore, #tpu.memory_space<semaphore_mem>>) src(%dma_wait3A_139 : memref<128xi32, #tpu.memory_space<hbm>>) dst(%arg14 : memref<128xi32, #tpu.memory_space<vmem>>)
      %dma_start3A_140 = arith.constant 0 : i32
      %dma_start3A_141 = arith.constant 0 : i32
      %dma_start3A_142 = tpu.memref_slice %arg4[%dma_start3A_140, %dma_start3A_141] : memref<10240x128xf32, #tpu.memory_space<hbm>> -> memref<10240x128xf32, #tpu.memory_space<hbm>>
      tpu.enqueue_indirect_dma source(%dma_start3A_142 : memref<10240x128xf32, #tpu.memory_space<hbm>>) target(%arg19 : memref<128x128xf32, #tpu.memory_space<vmem>>) offsets(%arg9 : memref<128xi32, #tpu.memory_space<vmem>>) semaphore(%arg21 : memref<!tpu.dma_semaphore, #tpu.memory_space<semaphore_mem>>)
      %dma_start3A_143 = arith.constant 0 : i32
      %dma_start3A_144 = arith.constant 0 : i32
      %dma_start3A_145 = tpu.memref_slice %arg4[%dma_start3A_143, %dma_start3A_144] : memref<10240x128xf32, #tpu.memory_space<hbm>> -> memref<10240x128xf32, #tpu.memory_space<hbm>>
      tpu.enqueue_indirect_dma source(%dma_start3A_145 : memref<10240x128xf32, #tpu.memory_space<hbm>>) target(%arg20 : memref<128x128xf32, #tpu.memory_space<vmem>>) offsets(%arg10 : memref<128xi32, #tpu.memory_space<vmem>>) semaphore(%arg22 : memref<!tpu.dma_semaphore, #tpu.memory_space<semaphore_mem>>)
      %dma_wait3A_146 = arith.constant 0 : i32
      %dma_wait3A_147 = arith.constant 0 : i32
      %dma_wait3A_148 = tpu.memref_slice %arg4[%dma_wait3A_146, %dma_wait3A_147] : memref<10240x128xf32, #tpu.memory_space<hbm>> -> memref<10240x128xf32, #tpu.memory_space<hbm>>
      tpu.wait_indirect_dma semaphore(%arg21 : memref<!tpu.dma_semaphore, #tpu.memory_space<semaphore_mem>>) src(%dma_wait3A_148 : memref<10240x128xf32, #tpu.memory_space<hbm>>) dst(%arg19 : memref<128x128xf32, #tpu.memory_space<vmem>>)
      %dma_start3A_149 = arith.constant 0 : i32
      %dma_start3A_150 = arith.constant 0 : i32
      %dma_start3A_151 = tpu.memref_slice %arg25[%dma_start3A_149, %dma_start3A_150] : memref<10240x128xf32, #tpu.memory_space<vmem_shared>> -> memref<10240x128xf32, #tpu.memory_space<vmem_shared>>
      tpu.enqueue_indirect_dma source(%arg19 : memref<128x128xf32, #tpu.memory_space<vmem>>) target(%dma_start3A_151 : memref<10240x128xf32, #tpu.memory_space<vmem_shared>>) offsets(%arg13 : memref<128xi32, #tpu.memory_space<vmem>>) semaphore(%arg23 : memref<!tpu.dma_semaphore, #tpu.memory_space<semaphore_mem>>) {add = true}
      %dma_wait3A_152 = arith.constant 0 : i32
      %dma_wait3A_153 = arith.constant 0 : i32
      %dma_wait3A_154 = tpu.memref_slice %arg4[%dma_wait3A_152, %dma_wait3A_153] : memref<10240x128xf32, #tpu.memory_space<hbm>> -> memref<10240x128xf32, #tpu.memory_space<hbm>>
      tpu.wait_indirect_dma semaphore(%arg22 : memref<!tpu.dma_semaphore, #tpu.memory_space<semaphore_mem>>) src(%dma_wait3A_154 : memref<10240x128xf32, #tpu.memory_space<hbm>>) dst(%arg20 : memref<128x128xf32, #tpu.memory_space<vmem>>)
      %dma_start3A_155 = arith.constant 0 : i32
      %dma_start3A_156 = arith.constant 0 : i32
      %dma_start3A_157 = tpu.memref_slice %arg25[%dma_start3A_155, %dma_start3A_156] : memref<10240x128xf32, #tpu.memory_space<vmem_shared>> -> memref<10240x128xf32, #tpu.memory_space<vmem_shared>>
      tpu.enqueue_indirect_dma source(%arg20 : memref<128x128xf32, #tpu.memory_space<vmem>>) target(%dma_start3A_157 : memref<10240x128xf32, #tpu.memory_space<vmem_shared>>) offsets(%arg14 : memref<128xi32, #tpu.memory_space<vmem>>) semaphore(%arg24 : memref<!tpu.dma_semaphore, #tpu.memory_space<semaphore_mem>>) {add = true}
    }
    %dma_wait3A = arith.constant 0 : i32
    %dma_wait3A_49 = arith.constant 0 : i32
    %dma_wait3A_50 = tpu.memref_slice %arg25[%dma_wait3A, %dma_wait3A_49] : memref<10240x128xf32, #tpu.memory_space<vmem_shared>> -> memref<10240x128xf32, #tpu.memory_space<vmem_shared>>
    tpu.wait_indirect_dma semaphore(%arg23 : memref<!tpu.dma_semaphore, #tpu.memory_space<semaphore_mem>>) src(%arg19 : memref<128x128xf32, #tpu.memory_space<vmem>>) dst(%dma_wait3A_50 : memref<10240x128xf32, #tpu.memory_space<vmem_shared>>)
    %dma_wait3A_51 = arith.constant 0 : i32
    %dma_wait3A_52 = arith.constant 0 : i32
    %dma_wait3A_53 = tpu.memref_slice %arg25[%dma_wait3A_51, %dma_wait3A_52] : memref<10240x128xf32, #tpu.memory_space<vmem_shared>> -> memref<10240x128xf32, #tpu.memory_space<vmem_shared>>
    tpu.wait_indirect_dma semaphore(%arg24 : memref<!tpu.dma_semaphore, #tpu.memory_space<semaphore_mem>>) src(%arg20 : memref<128x128xf32, #tpu.memory_space<vmem>>) dst(%dma_wait3A_53 : memref<10240x128xf32, #tpu.memory_space<vmem_shared>>)
    %barrier3A_54 = arith.constant 0 : index
    tpu.barrier barrier_id(%barrier3A_54)
    %mul3A_55 = arith.constant 640 : i32
    %mul3A_56 = arith.muli %arg1, %mul3A_55 : i32
    %mul3A_57 = arith.constant 640 : i32
    %mul3A_58 = arith.muli %arg1, %mul3A_57 : i32
    "tpu.region"() ({
      %run_scoped3A = tpu.sem_alloc : memref<!tpu.dma_semaphore, #tpu.memory_space<semaphore_mem>>
      %dma_start3A_59 = arith.constant 0 : i32
      %dma_start3A_60 = tpu.memref_slice %arg6[%arg0, %mul3A_58, %dma_start3A_59] : memref<2x10240x128xf32, #tpu.memory_space<hbm>> -> memref<1x640x128xf32, #tpu.memory_space<hbm>>
      %dma_start3A_61 = tpu.memref_squeeze %dma_start3A_60 : memref<1x640x128xf32, #tpu.memory_space<hbm>> -> memref<640x128xf32, #tpu.memory_space<hbm>>
      %dma_start3A_62 = arith.constant 0 : i32
      %dma_start3A_63 = tpu.memref_slice %arg25[%mul3A_56, %dma_start3A_62] : memref<10240x128xf32, #tpu.memory_space<vmem_shared>> -> memref<640x128xf32, #tpu.memory_space<vmem_shared>>
      tpu.enqueue_dma source(%dma_start3A_63 : memref<640x128xf32, #tpu.memory_space<vmem_shared>>) target(%dma_start3A_61 : memref<640x128xf32, #tpu.memory_space<hbm>>) target_semaphore(%run_scoped3A : memref<!tpu.dma_semaphore, #tpu.memory_space<semaphore_mem>>)
      %dma_wait3A_64 = arith.constant 0 : i32
      %dma_wait3A_65 = tpu.memref_slice %arg6[%arg0, %mul3A_58, %dma_wait3A_64] : memref<2x10240x128xf32, #tpu.memory_space<hbm>> -> memref<1x640x128xf32, #tpu.memory_space<hbm>>
      %dma_wait3A_66 = tpu.memref_squeeze %dma_wait3A_65 : memref<1x640x128xf32, #tpu.memory_space<hbm>> -> memref<640x128xf32, #tpu.memory_space<hbm>>
      %dma_wait3A_67 = arith.constant 0 : i32
      %dma_wait3A_68 = tpu.memref_slice %arg25[%mul3A_56, %dma_wait3A_67] : memref<10240x128xf32, #tpu.memory_space<vmem_shared>> -> memref<640x128xf32, #tpu.memory_space<vmem_shared>>
      tpu.wait_dma2 semaphore(%run_scoped3A : memref<!tpu.dma_semaphore, #tpu.memory_space<semaphore_mem>>) src(%dma_wait3A_68 : memref<640x128xf32, #tpu.memory_space<vmem_shared>>) dst(%dma_wait3A_66 : memref<640x128xf32, #tpu.memory_space<hbm>>)
      tpu.yield
    }) : () -> ()
    return
  }
}

#map = affine_map<(d0, d1) -> (0)>
#map1 = affine_map<(d0, d1) -> (0, 0)>
#map2 = affine_map<(d0, d1) -> (0, 0, 0)>
module attributes {stable_mosaic.version = 14 : i64} {
  func.func @sc_degree(%arg0: i32, %arg1: i32, %arg2: memref<327680xi32, #tpu.memory_space<hbm>>, %arg3: memref<128x128xf32, #tpu.memory_space<hbm>>, %arg4: memref<640x128xf32, #tpu.memory_space<hbm>>, %arg5: memref<2x10240x128xf32, #tpu.memory_space<hbm>>, %arg6: memref<128xi32, #tpu.memory_space<vmem>>, %arg7: memref<128x128xf32, #tpu.memory_space<vmem>>, %arg8: memref<10240x128xf32, #tpu.memory_space<vmem_shared>>) attributes {dimension_semantics = [#tpu.dimension_semantics<core_parallel>, #tpu.dimension_semantics<subcore_parallel>], iteration_bounds = array<i64: 2, 16>, scalar_prefetch = 0 : i64, scratch_operands = 3 : i64, tpu.core_type = #tpu.core_type<sc_vector_subcore>, window_params = [{transform_indices = #map}, {transform_indices = #map1}, {transform_indices = #map1}, {transform_indices = #map2}]} {
    %mul3A = arith.constant 16 : i32
    %mul3A_0 = arith.muli %arg0, %mul3A : i32
    %add3A = arith.addi %mul3A_0, %arg1 : i32
    %mul3A_1 = arith.constant 10240 : i32
    %mul3A_2 = arith.muli %add3A, %mul3A_1 : i32
    "tpu.region"() ({
      %run_scoped3A = tpu.sem_alloc : memref<!tpu.dma_semaphore, #tpu.memory_space<semaphore_mem>>
      tpu.enqueue_dma source(%arg3 : memref<128x128xf32, #tpu.memory_space<hbm>>) target(%arg7 : memref<128x128xf32, #tpu.memory_space<vmem>>) target_semaphore(%run_scoped3A : memref<!tpu.dma_semaphore, #tpu.memory_space<semaphore_mem>>)
      tpu.wait_dma2 semaphore(%run_scoped3A : memref<!tpu.dma_semaphore, #tpu.memory_space<semaphore_mem>>) src(%arg3 : memref<128x128xf32, #tpu.memory_space<hbm>>) dst(%arg7 : memref<128x128xf32, #tpu.memory_space<vmem>>)
      tpu.yield
    }) : () -> ()
    %mul3A_3 = arith.constant 640 : i32
    %mul3A_4 = arith.muli %arg1, %mul3A_3 : i32
    "tpu.region"() ({
      %run_scoped3A = tpu.sem_alloc : memref<!tpu.dma_semaphore, #tpu.memory_space<semaphore_mem>>
      %dma_start3A = arith.constant 0 : i32
      %dma_start3A_15 = tpu.memref_slice %arg8[%mul3A_4, %dma_start3A] : memref<10240x128xf32, #tpu.memory_space<vmem_shared>> -> memref<640x128xf32, #tpu.memory_space<vmem_shared>>
      tpu.enqueue_dma source(%arg4 : memref<640x128xf32, #tpu.memory_space<hbm>>) target(%dma_start3A_15 : memref<640x128xf32, #tpu.memory_space<vmem_shared>>) target_semaphore(%run_scoped3A : memref<!tpu.dma_semaphore, #tpu.memory_space<semaphore_mem>>)
      %dma_wait3A = arith.constant 0 : i32
      %dma_wait3A_16 = tpu.memref_slice %arg8[%mul3A_4, %dma_wait3A] : memref<10240x128xf32, #tpu.memory_space<vmem_shared>> -> memref<640x128xf32, #tpu.memory_space<vmem_shared>>
      tpu.wait_dma2 semaphore(%run_scoped3A : memref<!tpu.dma_semaphore, #tpu.memory_space<semaphore_mem>>) src(%arg4 : memref<640x128xf32, #tpu.memory_space<hbm>>) dst(%dma_wait3A_16 : memref<640x128xf32, #tpu.memory_space<vmem_shared>>)
      tpu.yield
    }) : () -> ()
    %barrier3A = arith.constant 0 : index
    tpu.barrier barrier_id(%barrier3A)
    %scan3A = arith.constant 0 : i32
    %scan3A_5 = arith.constant 0 : i32
    %scan3A_6 = arith.constant 80 : i32
    %scan3A_7 = arith.addi %scan3A_5, %scan3A_6 : i32
    %scan3A_8 = arith.constant 1 : i32
    scf.for %scan3A_15 = %scan3A_5 to %scan3A_7 step %scan3A_8  : i32 {
      %mul3A_16 = arith.constant 128 : i32
      %mul3A_17 = arith.muli %scan3A_15, %mul3A_16 : i32
      %add3A_18 = arith.addi %mul3A_2, %mul3A_17 : i32
      "tpu.region"() ({
        %run_scoped3A = tpu.sem_alloc : memref<!tpu.dma_semaphore, #tpu.memory_space<semaphore_mem>>
        %dma_start3A = tpu.memref_slice %arg2[%add3A_18] : memref<327680xi32, #tpu.memory_space<hbm>> -> memref<128xi32, #tpu.memory_space<hbm>>
        %dma_start3A_19 = tpu.memref_slice %arg2[%add3A_18] : memref<327680xi32, #tpu.memory_space<hbm>> -> memref<128xi32, #tpu.memory_space<hbm>>
        tpu.enqueue_dma source(%dma_start3A_19 : memref<128xi32, #tpu.memory_space<hbm>>) target(%arg6 : memref<128xi32, #tpu.memory_space<vmem>>) target_semaphore(%run_scoped3A : memref<!tpu.dma_semaphore, #tpu.memory_space<semaphore_mem>>)
        %dma_wait3A = tpu.memref_slice %arg2[%add3A_18] : memref<327680xi32, #tpu.memory_space<hbm>> -> memref<128xi32, #tpu.memory_space<hbm>>
        %dma_wait3A_20 = tpu.memref_slice %arg2[%add3A_18] : memref<327680xi32, #tpu.memory_space<hbm>> -> memref<128xi32, #tpu.memory_space<hbm>>
        tpu.wait_dma2 semaphore(%run_scoped3A : memref<!tpu.dma_semaphore, #tpu.memory_space<semaphore_mem>>) src(%dma_wait3A_20 : memref<128xi32, #tpu.memory_space<hbm>>) dst(%arg6 : memref<128xi32, #tpu.memory_space<vmem>>)
        tpu.yield
      }) : () -> ()
      "tpu.region"() ({
        %run_scoped3A = tpu.sem_alloc : memref<!tpu.dma_semaphore, #tpu.memory_space<semaphore_mem>>
        %dma_start3A = arith.constant 0 : i32
        %dma_start3A_19 = arith.constant 0 : i32
        %dma_start3A_20 = tpu.memref_slice %arg8[%dma_start3A, %dma_start3A_19] : memref<10240x128xf32, #tpu.memory_space<vmem_shared>> -> memref<10240x128xf32, #tpu.memory_space<vmem_shared>>
        tpu.enqueue_indirect_dma source(%arg7 : memref<128x128xf32, #tpu.memory_space<vmem>>) target(%dma_start3A_20 : memref<10240x128xf32, #tpu.memory_space<vmem_shared>>) offsets(%arg6 : memref<128xi32, #tpu.memory_space<vmem>>) semaphore(%run_scoped3A : memref<!tpu.dma_semaphore, #tpu.memory_space<semaphore_mem>>) {add = true}
        %dma_wait3A = arith.constant 0 : i32
        %dma_wait3A_21 = arith.constant 0 : i32
        %dma_wait3A_22 = tpu.memref_slice %arg8[%dma_wait3A, %dma_wait3A_21] : memref<10240x128xf32, #tpu.memory_space<vmem_shared>> -> memref<10240x128xf32, #tpu.memory_space<vmem_shared>>
        tpu.wait_indirect_dma semaphore(%run_scoped3A : memref<!tpu.dma_semaphore, #tpu.memory_space<semaphore_mem>>) src(%arg7 : memref<128x128xf32, #tpu.memory_space<vmem>>) dst(%dma_wait3A_22 : memref<10240x128xf32, #tpu.memory_space<vmem_shared>>)
        tpu.yield
      }) : () -> ()
    }
    %scan3A_9 = arith.constant 80 : i32
    %barrier3A_10 = arith.constant 0 : index
    tpu.barrier barrier_id(%barrier3A_10)
    %mul3A_11 = arith.constant 640 : i32
    %mul3A_12 = arith.muli %arg1, %mul3A_11 : i32
    %mul3A_13 = arith.constant 640 : i32
    %mul3A_14 = arith.muli %arg1, %mul3A_13 : i32
    "tpu.region"() ({
      %run_scoped3A = tpu.sem_alloc : memref<!tpu.dma_semaphore, #tpu.memory_space<semaphore_mem>>
      %dma_start3A = arith.constant 0 : i32
      %dma_start3A_15 = tpu.memref_slice %arg5[%arg0, %mul3A_14, %dma_start3A] : memref<2x10240x128xf32, #tpu.memory_space<hbm>> -> memref<1x640x128xf32, #tpu.memory_space<hbm>>
      %dma_start3A_16 = tpu.memref_squeeze %dma_start3A_15 : memref<1x640x128xf32, #tpu.memory_space<hbm>> -> memref<640x128xf32, #tpu.memory_space<hbm>>
      %dma_start3A_17 = arith.constant 0 : i32
      %dma_start3A_18 = tpu.memref_slice %arg8[%mul3A_12, %dma_start3A_17] : memref<10240x128xf32, #tpu.memory_space<vmem_shared>> -> memref<640x128xf32, #tpu.memory_space<vmem_shared>>
      tpu.enqueue_dma source(%dma_start3A_18 : memref<640x128xf32, #tpu.memory_space<vmem_shared>>) target(%dma_start3A_16 : memref<640x128xf32, #tpu.memory_space<hbm>>) target_semaphore(%run_scoped3A : memref<!tpu.dma_semaphore, #tpu.memory_space<semaphore_mem>>)
      %dma_wait3A = arith.constant 0 : i32
      %dma_wait3A_19 = tpu.memref_slice %arg5[%arg0, %mul3A_14, %dma_wait3A] : memref<2x10240x128xf32, #tpu.memory_space<hbm>> -> memref<1x640x128xf32, #tpu.memory_space<hbm>>
      %dma_wait3A_20 = tpu.memref_squeeze %dma_wait3A_19 : memref<1x640x128xf32, #tpu.memory_space<hbm>> -> memref<640x128xf32, #tpu.memory_space<hbm>>
      %dma_wait3A_21 = arith.constant 0 : i32
      %dma_wait3A_22 = tpu.memref_slice %arg8[%mul3A_12, %dma_wait3A_21] : memref<10240x128xf32, #tpu.memory_space<vmem_shared>> -> memref<640x128xf32, #tpu.memory_space<vmem_shared>>
      tpu.wait_dma2 semaphore(%run_scoped3A : memref<!tpu.dma_semaphore, #tpu.memory_space<semaphore_mem>>) src(%dma_wait3A_22 : memref<640x128xf32, #tpu.memory_space<vmem_shared>>) dst(%dma_wait3A_20 : memref<640x128xf32, #tpu.memory_space<hbm>>)
      tpu.yield
    }) : () -> ()
    return
  }
}

#map = affine_map<(d0, d1) -> (0)>
#map1 = affine_map<(d0, d1) -> (0, 0)>
#map2 = affine_map<(d0, d1) -> (0, 0, 0)>
module attributes {stable_mosaic.version = 14 : i64} {
  func.func @sc_scatter(%arg0: i32, %arg1: i32, %arg2: memref<327680xi32, #tpu.memory_space<hbm>>, %arg3: memref<327680xi32, #tpu.memory_space<hbm>>, %arg4: memref<10240x128xf32, #tpu.memory_space<hbm>>, %arg5: memref<640x128xf32, #tpu.memory_space<hbm>>, %arg6: memref<2x10240x128xf32, #tpu.memory_space<hbm>>, %arg7: memref<128xi32, #tpu.memory_space<vmem>>, %arg8: memref<128xi32, #tpu.memory_space<vmem>>, %arg9: memref<128xi32, #tpu.memory_space<vmem>>, %arg10: memref<128xi32, #tpu.memory_space<vmem>>, %arg11: memref<128xi32, #tpu.memory_space<vmem>>, %arg12: memref<128xi32, #tpu.memory_space<vmem>>, %arg13: memref<128xi32, #tpu.memory_space<vmem>>, %arg14: memref<128xi32, #tpu.memory_space<vmem>>, %arg15: memref<!tpu.dma_semaphore, #tpu.memory_space<semaphore_mem>>, %arg16: memref<!tpu.dma_semaphore, #tpu.memory_space<semaphore_mem>>, %arg17: memref<!tpu.dma_semaphore, #tpu.memory_space<semaphore_mem>>, %arg18: memref<!tpu.dma_semaphore, #tpu.memory_space<semaphore_mem>>, %arg19: memref<128x128xf32, #tpu.memory_space<vmem>>, %arg20: memref<128x128xf32, #tpu.memory_space<vmem>>, %arg21: memref<!tpu.dma_semaphore, #tpu.memory_space<semaphore_mem>>, %arg22: memref<!tpu.dma_semaphore, #tpu.memory_space<semaphore_mem>>, %arg23: memref<!tpu.dma_semaphore, #tpu.memory_space<semaphore_mem>>, %arg24: memref<!tpu.dma_semaphore, #tpu.memory_space<semaphore_mem>>, %arg25: memref<10240x128xf32, #tpu.memory_space<vmem_shared>>) attributes {dimension_semantics = [#tpu.dimension_semantics<core_parallel>, #tpu.dimension_semantics<subcore_parallel>], iteration_bounds = array<i64: 2, 16>, scalar_prefetch = 0 : i64, scratch_operands = 19 : i64, tpu.core_type = #tpu.core_type<sc_vector_subcore>, window_params = [{transform_indices = #map}, {transform_indices = #map}, {transform_indices = #map1}, {transform_indices = #map1}, {transform_indices = #map2}]} {
    %eq3A = arith.constant 0 : i32
    %eq3A_0 = arith.cmpi eq, %arg0, %eq3A : i32
    %mul3A = arith.constant 19456 : i32
    %mul3A_1 = arith.muli %arg1, %mul3A : i32
    %mul3A_2 = arith.constant 1024 : i32
    %mul3A_3 = arith.muli %arg1, %mul3A_2 : i32
    %add3A = arith.constant 311296 : i32
    %add3A_4 = arith.addi %add3A, %mul3A_3 : i32
    %select_n3A = arith.select %eq3A_0, %mul3A_1, %add3A_4 : i32
    %eq3A_5 = arith.constant 0 : i32
    %eq3A_6 = arith.cmpi eq, %arg0, %eq3A_5 : i32
    %jit3A = arith.constant 152 : i32
    %jit3A_7 = arith.constant 8 : i32
    %select_n3A_8 = arith.select %eq3A_6, %jit3A, %jit3A_7 : i32
    %mul3A_9 = arith.constant 640 : i32
    %mul3A_10 = arith.muli %arg1, %mul3A_9 : i32
    "tpu.region"() ({
      %run_scoped3A = tpu.sem_alloc : memref<!tpu.dma_semaphore, #tpu.memory_space<semaphore_mem>>
      %dma_start3A_59 = arith.constant 0 : i32
      %dma_start3A_60 = tpu.memref_slice %arg25[%mul3A_10, %dma_start3A_59] : memref<10240x128xf32, #tpu.memory_space<vmem_shared>> -> memref<640x128xf32, #tpu.memory_space<vmem_shared>>
      tpu.enqueue_dma source(%arg5 : memref<640x128xf32, #tpu.memory_space<hbm>>) target(%dma_start3A_60 : memref<640x128xf32, #tpu.memory_space<vmem_shared>>) target_semaphore(%run_scoped3A : memref<!tpu.dma_semaphore, #tpu.memory_space<semaphore_mem>>)
      %dma_wait3A_61 = arith.constant 0 : i32
      %dma_wait3A_62 = tpu.memref_slice %arg25[%mul3A_10, %dma_wait3A_61] : memref<10240x128xf32, #tpu.memory_space<vmem_shared>> -> memref<640x128xf32, #tpu.memory_space<vmem_shared>>
      tpu.wait_dma2 semaphore(%run_scoped3A : memref<!tpu.dma_semaphore, #tpu.memory_space<semaphore_mem>>) src(%arg5 : memref<640x128xf32, #tpu.memory_space<hbm>>) dst(%dma_wait3A_62 : memref<640x128xf32, #tpu.memory_space<vmem_shared>>)
      tpu.yield
    }) : () -> ()
    %barrier3A = arith.constant 0 : index
    tpu.barrier barrier_id(%barrier3A)
    %add3A_11 = arith.constant 0 : i32
    %add3A_12 = arith.addi %select_n3A, %add3A_11 : i32
    %dma_start3A = tpu.memref_slice %arg2[%add3A_12] : memref<327680xi32, #tpu.memory_space<hbm>> -> memref<128xi32, #tpu.memory_space<hbm>>
    %dma_start3A_13 = tpu.memref_slice %arg2[%add3A_12] : memref<327680xi32, #tpu.memory_space<hbm>> -> memref<128xi32, #tpu.memory_space<hbm>>
    tpu.enqueue_dma source(%dma_start3A_13 : memref<128xi32, #tpu.memory_space<hbm>>) target(%arg7 : memref<128xi32, #tpu.memory_space<vmem>>) target_semaphore(%arg15 : memref<!tpu.dma_semaphore, #tpu.memory_space<semaphore_mem>>)
    %dma_start3A_14 = tpu.memref_slice %arg3[%add3A_12] : memref<327680xi32, #tpu.memory_space<hbm>> -> memref<128xi32, #tpu.memory_space<hbm>>
    %dma_start3A_15 = tpu.memref_slice %arg3[%add3A_12] : memref<327680xi32, #tpu.memory_space<hbm>> -> memref<128xi32, #tpu.memory_space<hbm>>
    tpu.enqueue_dma source(%dma_start3A_15 : memref<128xi32, #tpu.memory_space<hbm>>) target(%arg11 : memref<128xi32, #tpu.memory_space<vmem>>) target_semaphore(%arg15 : memref<!tpu.dma_semaphore, #tpu.memory_space<semaphore_mem>>)
    %add3A_16 = arith.constant 128 : i32
    %add3A_17 = arith.addi %select_n3A, %add3A_16 : i32
    %dma_start3A_18 = tpu.memref_slice %arg2[%add3A_17] : memref<327680xi32, #tpu.memory_space<hbm>> -> memref<128xi32, #tpu.memory_space<hbm>>
    %dma_start3A_19 = tpu.memref_slice %arg2[%add3A_17] : memref<327680xi32, #tpu.memory_space<hbm>> -> memref<128xi32, #tpu.memory_space<hbm>>
    tpu.enqueue_dma source(%dma_start3A_19 : memref<128xi32, #tpu.memory_space<hbm>>) target(%arg8 : memref<128xi32, #tpu.memory_space<vmem>>) target_semaphore(%arg16 : memref<!tpu.dma_semaphore, #tpu.memory_space<semaphore_mem>>)
    %dma_start3A_20 = tpu.memref_slice %arg3[%add3A_17] : memref<327680xi32, #tpu.memory_space<hbm>> -> memref<128xi32, #tpu.memory_space<hbm>>
    %dma_start3A_21 = tpu.memref_slice %arg3[%add3A_17] : memref<327680xi32, #tpu.memory_space<hbm>> -> memref<128xi32, #tpu.memory_space<hbm>>
    tpu.enqueue_dma source(%dma_start3A_21 : memref<128xi32, #tpu.memory_space<hbm>>) target(%arg12 : memref<128xi32, #tpu.memory_space<vmem>>) target_semaphore(%arg16 : memref<!tpu.dma_semaphore, #tpu.memory_space<semaphore_mem>>)
    %jit3A_22 = arith.constant 4 : i32
    %div3A = arith.divsi %select_n3A_8, %jit3A_22 : i32
    %sign3A = arith.constant 0 : i32
    %sign3A_23 = arith.cmpi sgt, %select_n3A_8, %sign3A : i32
    %sign3A_24 = arith.extui %sign3A_23 : i1 to i32
    %sign3A_25 = arith.constant 0 : i32
    %sign3A_26 = arith.cmpi slt, %select_n3A_8, %sign3A_25 : i32
    %sign3A_27 = arith.extui %sign3A_26 : i1 to i32
    %sign3A_28 = arith.subi %sign3A_24, %sign3A_27 : i32
    %sign3A_29 = arith.constant 0 : i32
    %sign3A_30 = arith.cmpi sgt, %jit3A_22, %sign3A_29 : i32
    %sign3A_31 = arith.extui %sign3A_30 : i1 to i32
    %sign3A_32 = arith.constant 0 : i32
    %sign3A_33 = arith.cmpi slt, %jit3A_22, %sign3A_32 : i32
    %sign3A_34 = arith.extui %sign3A_33 : i1 to i32
    %sign3A_35 = arith.subi %sign3A_31, %sign3A_34 : i32
    %ne3A = arith.cmpi ne, %sign3A_28, %sign3A_35 : i32
    %rem3A = arith.remsi %select_n3A_8, %jit3A_22 : i32
    %ne3A_36 = arith.constant 0 : i32
    %ne3A_37 = arith.cmpi ne, %rem3A, %ne3A_36 : i32
    %and3A = arith.andi %ne3A, %ne3A_37 : i1
    %sub3A = arith.constant 1 : i32
    %sub3A_38 = arith.subi %div3A, %sub3A : i32
    %select_n3A_39 = arith.select %and3A, %sub3A_38, %div3A : i32
    %while3A = arith.constant 0 : i32
    %while3A_40 = arith.constant 0 : i32
    %while3A_41 = arith.subi %select_n3A_39, %while3A_40 : i32
    %while3A_42 = arith.addi %while3A_40, %while3A_41 : i32
    %while3A_43 = arith.constant 1 : i32
    %while3A_44 = arith.divsi %while3A_41, %while3A_43 : i32
    %while3A_45 = arith.muli %while3A_44, %while3A_43 : i32
    %while3A_46 = arith.addi %while3A_40, %while3A_45 : i32
    %while3A_47 = arith.constant 1 : i32
    scf.for %while3A_59 = %while3A_40 to %while3A_46 step %while3A_47  : i32 {
      %mul3A_60 = arith.constant 2 : i32
      %mul3A_61 = arith.muli %while3A_59, %mul3A_60 : i32
      %add3A_62 = arith.constant 0 : i32
      %add3A_63 = arith.addi %mul3A_61, %add3A_62 : i32
      %mul3A_64 = arith.constant 2 : i32
      %mul3A_65 = arith.muli %add3A_63, %mul3A_64 : i32
      %ge3A = arith.constant 2 : i32
      %ge3A_66 = arith.cmpi sge, %mul3A_65, %ge3A : i32
      %convert_element_type3A = arith.extui %ge3A_66 : i1 to i32
      %cond3A = arith.constant 0 : i32
      %cond3A_67 = arith.cmpi ne, %convert_element_type3A, %cond3A : i32
      scf.if %cond3A_67 {
        %dma_wait3A_158 = arith.constant 0 : i32
        %dma_wait3A_159 = arith.constant 0 : i32
        %dma_wait3A_160 = tpu.memref_slice %arg25[%dma_wait3A_158, %dma_wait3A_159] : memref<10240x128xf32, #tpu.memory_space<vmem_shared>> -> memref<10240x128xf32, #tpu.memory_space<vmem_shared>>
        tpu.wait_indirect_dma semaphore(%arg23 : memref<!tpu.dma_semaphore, #tpu.memory_space<semaphore_mem>>) src(%arg19 : memref<128x128xf32, #tpu.memory_space<vmem>>) dst(%dma_wait3A_160 : memref<10240x128xf32, #tpu.memory_space<vmem_shared>>)
        %dma_wait3A_161 = arith.constant 0 : i32
        %dma_wait3A_162 = arith.constant 0 : i32
        %dma_wait3A_163 = tpu.memref_slice %arg25[%dma_wait3A_161, %dma_wait3A_162] : memref<10240x128xf32, #tpu.memory_space<vmem_shared>> -> memref<10240x128xf32, #tpu.memory_space<vmem_shared>>
        tpu.wait_indirect_dma semaphore(%arg24 : memref<!tpu.dma_semaphore, #tpu.memory_space<semaphore_mem>>) src(%arg20 : memref<128x128xf32, #tpu.memory_space<vmem>>) dst(%dma_wait3A_163 : memref<10240x128xf32, #tpu.memory_space<vmem_shared>>)
      } else {
      }
      %add3A_68 = arith.constant 2 : i32
      %add3A_69 = arith.addi %mul3A_65, %add3A_68 : i32
      %lt3A = arith.cmpi slt, %add3A_69, %select_n3A_8 : i32
      %convert_element_type3A_70 = arith.extui %lt3A : i1 to i32
      %cond3A_71 = arith.constant 0 : i32
      %cond3A_72 = arith.cmpi ne, %convert_element_type3A_70, %cond3A_71 : i32
      scf.if %cond3A_72 {
        %add3A_158 = arith.constant 2 : i32
        %add3A_159 = arith.addi %mul3A_65, %add3A_158 : i32
        %mul3A_160 = arith.constant 128 : i32
        %mul3A_161 = arith.muli %add3A_159, %mul3A_160 : i32
        %add3A_162 = arith.addi %select_n3A, %mul3A_161 : i32
        %dma_start3A_163 = tpu.memref_slice %arg2[%add3A_162] : memref<327680xi32, #tpu.memory_space<hbm>> -> memref<128xi32, #tpu.memory_space<hbm>>
        %dma_start3A_164 = tpu.memref_slice %arg2[%add3A_162] : memref<327680xi32, #tpu.memory_space<hbm>> -> memref<128xi32, #tpu.memory_space<hbm>>
        tpu.enqueue_dma source(%dma_start3A_164 : memref<128xi32, #tpu.memory_space<hbm>>) target(%arg9 : memref<128xi32, #tpu.memory_space<vmem>>) target_semaphore(%arg17 : memref<!tpu.dma_semaphore, #tpu.memory_space<semaphore_mem>>)
        %dma_start3A_165 = tpu.memref_slice %arg3[%add3A_162] : memref<327680xi32, #tpu.memory_space<hbm>> -> memref<128xi32, #tpu.memory_space<hbm>>
        %dma_start3A_166 = tpu.memref_slice %arg3[%add3A_162] : memref<327680xi32, #tpu.memory_space<hbm>> -> memref<128xi32, #tpu.memory_space<hbm>>
        tpu.enqueue_dma source(%dma_start3A_166 : memref<128xi32, #tpu.memory_space<hbm>>) target(%arg13 : memref<128xi32, #tpu.memory_space<vmem>>) target_semaphore(%arg17 : memref<!tpu.dma_semaphore, #tpu.memory_space<semaphore_mem>>)
        %add3A_167 = arith.constant 3 : i32
        %add3A_168 = arith.addi %mul3A_65, %add3A_167 : i32
        %mul3A_169 = arith.constant 128 : i32
        %mul3A_170 = arith.muli %add3A_168, %mul3A_169 : i32
        %add3A_171 = arith.addi %select_n3A, %mul3A_170 : i32
        %dma_start3A_172 = tpu.memref_slice %arg2[%add3A_171] : memref<327680xi32, #tpu.memory_space<hbm>> -> memref<128xi32, #tpu.memory_space<hbm>>
        %dma_start3A_173 = tpu.memref_slice %arg2[%add3A_171] : memref<327680xi32, #tpu.memory_space<hbm>> -> memref<128xi32, #tpu.memory_space<hbm>>
        tpu.enqueue_dma source(%dma_start3A_173 : memref<128xi32, #tpu.memory_space<hbm>>) target(%arg10 : memref<128xi32, #tpu.memory_space<vmem>>) target_semaphore(%arg18 : memref<!tpu.dma_semaphore, #tpu.memory_space<semaphore_mem>>)
        %dma_start3A_174 = tpu.memref_slice %arg3[%add3A_171] : memref<327680xi32, #tpu.memory_space<hbm>> -> memref<128xi32, #tpu.memory_space<hbm>>
        %dma_start3A_175 = tpu.memref_slice %arg3[%add3A_171] : memref<327680xi32, #tpu.memory_space<hbm>> -> memref<128xi32, #tpu.memory_space<hbm>>
        tpu.enqueue_dma source(%dma_start3A_175 : memref<128xi32, #tpu.memory_space<hbm>>) target(%arg14 : memref<128xi32, #tpu.memory_space<vmem>>) target_semaphore(%arg18 : memref<!tpu.dma_semaphore, #tpu.memory_space<semaphore_mem>>)
      } else {
      }
      %dma_wait3A_73 = arith.constant 0 : i32
      %dma_wait3A_74 = tpu.memref_slice %arg2[%dma_wait3A_73] : memref<327680xi32, #tpu.memory_space<hbm>> -> memref<128xi32, #tpu.memory_space<hbm>>
      %dma_wait3A_75 = arith.constant 0 : i32
      %dma_wait3A_76 = tpu.memref_slice %arg2[%dma_wait3A_75] : memref<327680xi32, #tpu.memory_space<hbm>> -> memref<128xi32, #tpu.memory_space<hbm>>
      tpu.wait_dma2 semaphore(%arg15 : memref<!tpu.dma_semaphore, #tpu.memory_space<semaphore_mem>>) src(%dma_wait3A_76 : memref<128xi32, #tpu.memory_space<hbm>>) dst(%arg7 : memref<128xi32, #tpu.memory_space<vmem>>)
      %dma_wait3A_77 = arith.constant 0 : i32
      %dma_wait3A_78 = tpu.memref_slice %arg3[%dma_wait3A_77] : memref<327680xi32, #tpu.memory_space<hbm>> -> memref<128xi32, #tpu.memory_space<hbm>>
      %dma_wait3A_79 = arith.constant 0 : i32
      %dma_wait3A_80 = tpu.memref_slice %arg3[%dma_wait3A_79] : memref<327680xi32, #tpu.memory_space<hbm>> -> memref<128xi32, #tpu.memory_space<hbm>>
      tpu.wait_dma2 semaphore(%arg15 : memref<!tpu.dma_semaphore, #tpu.memory_space<semaphore_mem>>) src(%dma_wait3A_80 : memref<128xi32, #tpu.memory_space<hbm>>) dst(%arg11 : memref<128xi32, #tpu.memory_space<vmem>>)
      %dma_wait3A_81 = arith.constant 0 : i32
      %dma_wait3A_82 = tpu.memref_slice %arg2[%dma_wait3A_81] : memref<327680xi32, #tpu.memory_space<hbm>> -> memref<128xi32, #tpu.memory_space<hbm>>
      %dma_wait3A_83 = arith.constant 0 : i32
      %dma_wait3A_84 = tpu.memref_slice %arg2[%dma_wait3A_83] : memref<327680xi32, #tpu.memory_space<hbm>> -> memref<128xi32, #tpu.memory_space<hbm>>
      tpu.wait_dma2 semaphore(%arg16 : memref<!tpu.dma_semaphore, #tpu.memory_space<semaphore_mem>>) src(%dma_wait3A_84 : memref<128xi32, #tpu.memory_space<hbm>>) dst(%arg8 : memref<128xi32, #tpu.memory_space<vmem>>)
      %dma_wait3A_85 = arith.constant 0 : i32
      %dma_wait3A_86 = tpu.memref_slice %arg3[%dma_wait3A_85] : memref<327680xi32, #tpu.memory_space<hbm>> -> memref<128xi32, #tpu.memory_space<hbm>>
      %dma_wait3A_87 = arith.constant 0 : i32
      %dma_wait3A_88 = tpu.memref_slice %arg3[%dma_wait3A_87] : memref<327680xi32, #tpu.memory_space<hbm>> -> memref<128xi32, #tpu.memory_space<hbm>>
      tpu.wait_dma2 semaphore(%arg16 : memref<!tpu.dma_semaphore, #tpu.memory_space<semaphore_mem>>) src(%dma_wait3A_88 : memref<128xi32, #tpu.memory_space<hbm>>) dst(%arg12 : memref<128xi32, #tpu.memory_space<vmem>>)
      %dma_start3A_89 = arith.constant 0 : i32
      %dma_start3A_90 = arith.constant 0 : i32
      %dma_start3A_91 = tpu.memref_slice %arg4[%dma_start3A_89, %dma_start3A_90] : memref<10240x128xf32, #tpu.memory_space<hbm>> -> memref<10240x128xf32, #tpu.memory_space<hbm>>
      tpu.enqueue_indirect_dma source(%dma_start3A_91 : memref<10240x128xf32, #tpu.memory_space<hbm>>) target(%arg19 : memref<128x128xf32, #tpu.memory_space<vmem>>) offsets(%arg7 : memref<128xi32, #tpu.memory_space<vmem>>) semaphore(%arg21 : memref<!tpu.dma_semaphore, #tpu.memory_space<semaphore_mem>>)
      %dma_start3A_92 = arith.constant 0 : i32
      %dma_start3A_93 = arith.constant 0 : i32
      %dma_start3A_94 = tpu.memref_slice %arg4[%dma_start3A_92, %dma_start3A_93] : memref<10240x128xf32, #tpu.memory_space<hbm>> -> memref<10240x128xf32, #tpu.memory_space<hbm>>
      tpu.enqueue_indirect_dma source(%dma_start3A_94 : memref<10240x128xf32, #tpu.memory_space<hbm>>) target(%arg20 : memref<128x128xf32, #tpu.memory_space<vmem>>) offsets(%arg8 : memref<128xi32, #tpu.memory_space<vmem>>) semaphore(%arg22 : memref<!tpu.dma_semaphore, #tpu.memory_space<semaphore_mem>>)
      %dma_wait3A_95 = arith.constant 0 : i32
      %dma_wait3A_96 = arith.constant 0 : i32
      %dma_wait3A_97 = tpu.memref_slice %arg4[%dma_wait3A_95, %dma_wait3A_96] : memref<10240x128xf32, #tpu.memory_space<hbm>> -> memref<10240x128xf32, #tpu.memory_space<hbm>>
      tpu.wait_indirect_dma semaphore(%arg21 : memref<!tpu.dma_semaphore, #tpu.memory_space<semaphore_mem>>) src(%dma_wait3A_97 : memref<10240x128xf32, #tpu.memory_space<hbm>>) dst(%arg19 : memref<128x128xf32, #tpu.memory_space<vmem>>)
      %dma_start3A_98 = arith.constant 0 : i32
      %dma_start3A_99 = arith.constant 0 : i32
      %dma_start3A_100 = tpu.memref_slice %arg25[%dma_start3A_98, %dma_start3A_99] : memref<10240x128xf32, #tpu.memory_space<vmem_shared>> -> memref<10240x128xf32, #tpu.memory_space<vmem_shared>>
      tpu.enqueue_indirect_dma source(%arg19 : memref<128x128xf32, #tpu.memory_space<vmem>>) target(%dma_start3A_100 : memref<10240x128xf32, #tpu.memory_space<vmem_shared>>) offsets(%arg11 : memref<128xi32, #tpu.memory_space<vmem>>) semaphore(%arg23 : memref<!tpu.dma_semaphore, #tpu.memory_space<semaphore_mem>>) {add = true}
      %dma_wait3A_101 = arith.constant 0 : i32
      %dma_wait3A_102 = arith.constant 0 : i32
      %dma_wait3A_103 = tpu.memref_slice %arg4[%dma_wait3A_101, %dma_wait3A_102] : memref<10240x128xf32, #tpu.memory_space<hbm>> -> memref<10240x128xf32, #tpu.memory_space<hbm>>
      tpu.wait_indirect_dma semaphore(%arg22 : memref<!tpu.dma_semaphore, #tpu.memory_space<semaphore_mem>>) src(%dma_wait3A_103 : memref<10240x128xf32, #tpu.memory_space<hbm>>) dst(%arg20 : memref<128x128xf32, #tpu.memory_space<vmem>>)
      %dma_start3A_104 = arith.constant 0 : i32
      %dma_start3A_105 = arith.constant 0 : i32
      %dma_start3A_106 = tpu.memref_slice %arg25[%dma_start3A_104, %dma_start3A_105] : memref<10240x128xf32, #tpu.memory_space<vmem_shared>> -> memref<10240x128xf32, #tpu.memory_space<vmem_shared>>
      tpu.enqueue_indirect_dma source(%arg20 : memref<128x128xf32, #tpu.memory_space<vmem>>) target(%dma_start3A_106 : memref<10240x128xf32, #tpu.memory_space<vmem_shared>>) offsets(%arg12 : memref<128xi32, #tpu.memory_space<vmem>>) semaphore(%arg24 : memref<!tpu.dma_semaphore, #tpu.memory_space<semaphore_mem>>) {add = true}
      %mul3A_107 = arith.constant 2 : i32
      %mul3A_108 = arith.muli %while3A_59, %mul3A_107 : i32
      %add3A_109 = arith.constant 1 : i32
      %add3A_110 = arith.addi %mul3A_108, %add3A_109 : i32
      %mul3A_111 = arith.constant 2 : i32
      %mul3A_112 = arith.muli %add3A_110, %mul3A_111 : i32
      %ge3A_113 = arith.constant 2 : i32
      %ge3A_114 = arith.cmpi sge, %mul3A_112, %ge3A_113 : i32
      %convert_element_type3A_115 = arith.extui %ge3A_114 : i1 to i32
      %cond3A_116 = arith.constant 0 : i32
      %cond3A_117 = arith.cmpi ne, %convert_element_type3A_115, %cond3A_116 : i32
      scf.if %cond3A_117 {
        %dma_wait3A_158 = arith.constant 0 : i32
        %dma_wait3A_159 = arith.constant 0 : i32
        %dma_wait3A_160 = tpu.memref_slice %arg25[%dma_wait3A_158, %dma_wait3A_159] : memref<10240x128xf32, #tpu.memory_space<vmem_shared>> -> memref<10240x128xf32, #tpu.memory_space<vmem_shared>>
        tpu.wait_indirect_dma semaphore(%arg23 : memref<!tpu.dma_semaphore, #tpu.memory_space<semaphore_mem>>) src(%arg19 : memref<128x128xf32, #tpu.memory_space<vmem>>) dst(%dma_wait3A_160 : memref<10240x128xf32, #tpu.memory_space<vmem_shared>>)
        %dma_wait3A_161 = arith.constant 0 : i32
        %dma_wait3A_162 = arith.constant 0 : i32
        %dma_wait3A_163 = tpu.memref_slice %arg25[%dma_wait3A_161, %dma_wait3A_162] : memref<10240x128xf32, #tpu.memory_space<vmem_shared>> -> memref<10240x128xf32, #tpu.memory_space<vmem_shared>>
        tpu.wait_indirect_dma semaphore(%arg24 : memref<!tpu.dma_semaphore, #tpu.memory_space<semaphore_mem>>) src(%arg20 : memref<128x128xf32, #tpu.memory_space<vmem>>) dst(%dma_wait3A_163 : memref<10240x128xf32, #tpu.memory_space<vmem_shared>>)
      } else {
      }
      %add3A_118 = arith.constant 2 : i32
      %add3A_119 = arith.addi %mul3A_112, %add3A_118 : i32
      %lt3A_120 = arith.cmpi slt, %add3A_119, %select_n3A_8 : i32
      %convert_element_type3A_121 = arith.extui %lt3A_120 : i1 to i32
      %cond3A_122 = arith.constant 0 : i32
      %cond3A_123 = arith.cmpi ne, %convert_element_type3A_121, %cond3A_122 : i32
      scf.if %cond3A_123 {
        %add3A_158 = arith.constant 2 : i32
        %add3A_159 = arith.addi %mul3A_112, %add3A_158 : i32
        %mul3A_160 = arith.constant 128 : i32
        %mul3A_161 = arith.muli %add3A_159, %mul3A_160 : i32
        %add3A_162 = arith.addi %select_n3A, %mul3A_161 : i32
        %dma_start3A_163 = tpu.memref_slice %arg2[%add3A_162] : memref<327680xi32, #tpu.memory_space<hbm>> -> memref<128xi32, #tpu.memory_space<hbm>>
        %dma_start3A_164 = tpu.memref_slice %arg2[%add3A_162] : memref<327680xi32, #tpu.memory_space<hbm>> -> memref<128xi32, #tpu.memory_space<hbm>>
        tpu.enqueue_dma source(%dma_start3A_164 : memref<128xi32, #tpu.memory_space<hbm>>) target(%arg7 : memref<128xi32, #tpu.memory_space<vmem>>) target_semaphore(%arg15 : memref<!tpu.dma_semaphore, #tpu.memory_space<semaphore_mem>>)
        %dma_start3A_165 = tpu.memref_slice %arg3[%add3A_162] : memref<327680xi32, #tpu.memory_space<hbm>> -> memref<128xi32, #tpu.memory_space<hbm>>
        %dma_start3A_166 = tpu.memref_slice %arg3[%add3A_162] : memref<327680xi32, #tpu.memory_space<hbm>> -> memref<128xi32, #tpu.memory_space<hbm>>
        tpu.enqueue_dma source(%dma_start3A_166 : memref<128xi32, #tpu.memory_space<hbm>>) target(%arg11 : memref<128xi32, #tpu.memory_space<vmem>>) target_semaphore(%arg15 : memref<!tpu.dma_semaphore, #tpu.memory_space<semaphore_mem>>)
        %add3A_167 = arith.constant 3 : i32
        %add3A_168 = arith.addi %mul3A_112, %add3A_167 : i32
        %mul3A_169 = arith.constant 128 : i32
        %mul3A_170 = arith.muli %add3A_168, %mul3A_169 : i32
        %add3A_171 = arith.addi %select_n3A, %mul3A_170 : i32
        %dma_start3A_172 = tpu.memref_slice %arg2[%add3A_171] : memref<327680xi32, #tpu.memory_space<hbm>> -> memref<128xi32, #tpu.memory_space<hbm>>
        %dma_start3A_173 = tpu.memref_slice %arg2[%add3A_171] : memref<327680xi32, #tpu.memory_space<hbm>> -> memref<128xi32, #tpu.memory_space<hbm>>
        tpu.enqueue_dma source(%dma_start3A_173 : memref<128xi32, #tpu.memory_space<hbm>>) target(%arg8 : memref<128xi32, #tpu.memory_space<vmem>>) target_semaphore(%arg16 : memref<!tpu.dma_semaphore, #tpu.memory_space<semaphore_mem>>)
        %dma_start3A_174 = tpu.memref_slice %arg3[%add3A_171] : memref<327680xi32, #tpu.memory_space<hbm>> -> memref<128xi32, #tpu.memory_space<hbm>>
        %dma_start3A_175 = tpu.memref_slice %arg3[%add3A_171] : memref<327680xi32, #tpu.memory_space<hbm>> -> memref<128xi32, #tpu.memory_space<hbm>>
        tpu.enqueue_dma source(%dma_start3A_175 : memref<128xi32, #tpu.memory_space<hbm>>) target(%arg12 : memref<128xi32, #tpu.memory_space<vmem>>) target_semaphore(%arg16 : memref<!tpu.dma_semaphore, #tpu.memory_space<semaphore_mem>>)
      } else {
      }
      %dma_wait3A_124 = arith.constant 0 : i32
      %dma_wait3A_125 = tpu.memref_slice %arg2[%dma_wait3A_124] : memref<327680xi32, #tpu.memory_space<hbm>> -> memref<128xi32, #tpu.memory_space<hbm>>
      %dma_wait3A_126 = arith.constant 0 : i32
      %dma_wait3A_127 = tpu.memref_slice %arg2[%dma_wait3A_126] : memref<327680xi32, #tpu.memory_space<hbm>> -> memref<128xi32, #tpu.memory_space<hbm>>
      tpu.wait_dma2 semaphore(%arg17 : memref<!tpu.dma_semaphore, #tpu.memory_space<semaphore_mem>>) src(%dma_wait3A_127 : memref<128xi32, #tpu.memory_space<hbm>>) dst(%arg9 : memref<128xi32, #tpu.memory_space<vmem>>)
      %dma_wait3A_128 = arith.constant 0 : i32
      %dma_wait3A_129 = tpu.memref_slice %arg3[%dma_wait3A_128] : memref<327680xi32, #tpu.memory_space<hbm>> -> memref<128xi32, #tpu.memory_space<hbm>>
      %dma_wait3A_130 = arith.constant 0 : i32
      %dma_wait3A_131 = tpu.memref_slice %arg3[%dma_wait3A_130] : memref<327680xi32, #tpu.memory_space<hbm>> -> memref<128xi32, #tpu.memory_space<hbm>>
      tpu.wait_dma2 semaphore(%arg17 : memref<!tpu.dma_semaphore, #tpu.memory_space<semaphore_mem>>) src(%dma_wait3A_131 : memref<128xi32, #tpu.memory_space<hbm>>) dst(%arg13 : memref<128xi32, #tpu.memory_space<vmem>>)
      %dma_wait3A_132 = arith.constant 0 : i32
      %dma_wait3A_133 = tpu.memref_slice %arg2[%dma_wait3A_132] : memref<327680xi32, #tpu.memory_space<hbm>> -> memref<128xi32, #tpu.memory_space<hbm>>
      %dma_wait3A_134 = arith.constant 0 : i32
      %dma_wait3A_135 = tpu.memref_slice %arg2[%dma_wait3A_134] : memref<327680xi32, #tpu.memory_space<hbm>> -> memref<128xi32, #tpu.memory_space<hbm>>
      tpu.wait_dma2 semaphore(%arg18 : memref<!tpu.dma_semaphore, #tpu.memory_space<semaphore_mem>>) src(%dma_wait3A_135 : memref<128xi32, #tpu.memory_space<hbm>>) dst(%arg10 : memref<128xi32, #tpu.memory_space<vmem>>)
      %dma_wait3A_136 = arith.constant 0 : i32
      %dma_wait3A_137 = tpu.memref_slice %arg3[%dma_wait3A_136] : memref<327680xi32, #tpu.memory_space<hbm>> -> memref<128xi32, #tpu.memory_space<hbm>>
      %dma_wait3A_138 = arith.constant 0 : i32
      %dma_wait3A_139 = tpu.memref_slice %arg3[%dma_wait3A_138] : memref<327680xi32, #tpu.memory_space<hbm>> -> memref<128xi32, #tpu.memory_space<hbm>>
      tpu.wait_dma2 semaphore(%arg18 : memref<!tpu.dma_semaphore, #tpu.memory_space<semaphore_mem>>) src(%dma_wait3A_139 : memref<128xi32, #tpu.memory_space<hbm>>) dst(%arg14 : memref<128xi32, #tpu.memory_space<vmem>>)
      %dma_start3A_140 = arith.constant 0 : i32
      %dma_start3A_141 = arith.constant 0 : i32
      %dma_start3A_142 = tpu.memref_slice %arg4[%dma_start3A_140, %dma_start3A_141] : memref<10240x128xf32, #tpu.memory_space<hbm>> -> memref<10240x128xf32, #tpu.memory_space<hbm>>
      tpu.enqueue_indirect_dma source(%dma_start3A_142 : memref<10240x128xf32, #tpu.memory_space<hbm>>) target(%arg19 : memref<128x128xf32, #tpu.memory_space<vmem>>) offsets(%arg9 : memref<128xi32, #tpu.memory_space<vmem>>) semaphore(%arg21 : memref<!tpu.dma_semaphore, #tpu.memory_space<semaphore_mem>>)
      %dma_start3A_143 = arith.constant 0 : i32
      %dma_start3A_144 = arith.constant 0 : i32
      %dma_start3A_145 = tpu.memref_slice %arg4[%dma_start3A_143, %dma_start3A_144] : memref<10240x128xf32, #tpu.memory_space<hbm>> -> memref<10240x128xf32, #tpu.memory_space<hbm>>
      tpu.enqueue_indirect_dma source(%dma_start3A_145 : memref<10240x128xf32, #tpu.memory_space<hbm>>) target(%arg20 : memref<128x128xf32, #tpu.memory_space<vmem>>) offsets(%arg10 : memref<128xi32, #tpu.memory_space<vmem>>) semaphore(%arg22 : memref<!tpu.dma_semaphore, #tpu.memory_space<semaphore_mem>>)
      %dma_wait3A_146 = arith.constant 0 : i32
      %dma_wait3A_147 = arith.constant 0 : i32
      %dma_wait3A_148 = tpu.memref_slice %arg4[%dma_wait3A_146, %dma_wait3A_147] : memref<10240x128xf32, #tpu.memory_space<hbm>> -> memref<10240x128xf32, #tpu.memory_space<hbm>>
      tpu.wait_indirect_dma semaphore(%arg21 : memref<!tpu.dma_semaphore, #tpu.memory_space<semaphore_mem>>) src(%dma_wait3A_148 : memref<10240x128xf32, #tpu.memory_space<hbm>>) dst(%arg19 : memref<128x128xf32, #tpu.memory_space<vmem>>)
      %dma_start3A_149 = arith.constant 0 : i32
      %dma_start3A_150 = arith.constant 0 : i32
      %dma_start3A_151 = tpu.memref_slice %arg25[%dma_start3A_149, %dma_start3A_150] : memref<10240x128xf32, #tpu.memory_space<vmem_shared>> -> memref<10240x128xf32, #tpu.memory_space<vmem_shared>>
      tpu.enqueue_indirect_dma source(%arg19 : memref<128x128xf32, #tpu.memory_space<vmem>>) target(%dma_start3A_151 : memref<10240x128xf32, #tpu.memory_space<vmem_shared>>) offsets(%arg13 : memref<128xi32, #tpu.memory_space<vmem>>) semaphore(%arg23 : memref<!tpu.dma_semaphore, #tpu.memory_space<semaphore_mem>>) {add = true}
      %dma_wait3A_152 = arith.constant 0 : i32
      %dma_wait3A_153 = arith.constant 0 : i32
      %dma_wait3A_154 = tpu.memref_slice %arg4[%dma_wait3A_152, %dma_wait3A_153] : memref<10240x128xf32, #tpu.memory_space<hbm>> -> memref<10240x128xf32, #tpu.memory_space<hbm>>
      tpu.wait_indirect_dma semaphore(%arg22 : memref<!tpu.dma_semaphore, #tpu.memory_space<semaphore_mem>>) src(%dma_wait3A_154 : memref<10240x128xf32, #tpu.memory_space<hbm>>) dst(%arg20 : memref<128x128xf32, #tpu.memory_space<vmem>>)
      %dma_start3A_155 = arith.constant 0 : i32
      %dma_start3A_156 = arith.constant 0 : i32
      %dma_start3A_157 = tpu.memref_slice %arg25[%dma_start3A_155, %dma_start3A_156] : memref<10240x128xf32, #tpu.memory_space<vmem_shared>> -> memref<10240x128xf32, #tpu.memory_space<vmem_shared>>
      tpu.enqueue_indirect_dma source(%arg20 : memref<128x128xf32, #tpu.memory_space<vmem>>) target(%dma_start3A_157 : memref<10240x128xf32, #tpu.memory_space<vmem_shared>>) offsets(%arg14 : memref<128xi32, #tpu.memory_space<vmem>>) semaphore(%arg24 : memref<!tpu.dma_semaphore, #tpu.memory_space<semaphore_mem>>) {add = true}
    }
    %while3A_48 = arith.constant 1 : i32
    scf.for %while3A_59 = %while3A_46 to %while3A_42 step %while3A_48  : i32 {
      %mul3A_60 = arith.constant 2 : i32
      %mul3A_61 = arith.muli %while3A_59, %mul3A_60 : i32
      %add3A_62 = arith.constant 0 : i32
      %add3A_63 = arith.addi %mul3A_61, %add3A_62 : i32
      %mul3A_64 = arith.constant 2 : i32
      %mul3A_65 = arith.muli %add3A_63, %mul3A_64 : i32
      %ge3A = arith.constant 2 : i32
      %ge3A_66 = arith.cmpi sge, %mul3A_65, %ge3A : i32
      %convert_element_type3A = arith.extui %ge3A_66 : i1 to i32
      %cond3A = arith.constant 0 : i32
      %cond3A_67 = arith.cmpi ne, %convert_element_type3A, %cond3A : i32
      scf.if %cond3A_67 {
        %dma_wait3A_158 = arith.constant 0 : i32
        %dma_wait3A_159 = arith.constant 0 : i32
        %dma_wait3A_160 = tpu.memref_slice %arg25[%dma_wait3A_158, %dma_wait3A_159] : memref<10240x128xf32, #tpu.memory_space<vmem_shared>> -> memref<10240x128xf32, #tpu.memory_space<vmem_shared>>
        tpu.wait_indirect_dma semaphore(%arg23 : memref<!tpu.dma_semaphore, #tpu.memory_space<semaphore_mem>>) src(%arg19 : memref<128x128xf32, #tpu.memory_space<vmem>>) dst(%dma_wait3A_160 : memref<10240x128xf32, #tpu.memory_space<vmem_shared>>)
        %dma_wait3A_161 = arith.constant 0 : i32
        %dma_wait3A_162 = arith.constant 0 : i32
        %dma_wait3A_163 = tpu.memref_slice %arg25[%dma_wait3A_161, %dma_wait3A_162] : memref<10240x128xf32, #tpu.memory_space<vmem_shared>> -> memref<10240x128xf32, #tpu.memory_space<vmem_shared>>
        tpu.wait_indirect_dma semaphore(%arg24 : memref<!tpu.dma_semaphore, #tpu.memory_space<semaphore_mem>>) src(%arg20 : memref<128x128xf32, #tpu.memory_space<vmem>>) dst(%dma_wait3A_163 : memref<10240x128xf32, #tpu.memory_space<vmem_shared>>)
      } else {
      }
      %add3A_68 = arith.constant 2 : i32
      %add3A_69 = arith.addi %mul3A_65, %add3A_68 : i32
      %lt3A = arith.cmpi slt, %add3A_69, %select_n3A_8 : i32
      %convert_element_type3A_70 = arith.extui %lt3A : i1 to i32
      %cond3A_71 = arith.constant 0 : i32
      %cond3A_72 = arith.cmpi ne, %convert_element_type3A_70, %cond3A_71 : i32
      scf.if %cond3A_72 {
        %add3A_158 = arith.constant 2 : i32
        %add3A_159 = arith.addi %mul3A_65, %add3A_158 : i32
        %mul3A_160 = arith.constant 128 : i32
        %mul3A_161 = arith.muli %add3A_159, %mul3A_160 : i32
        %add3A_162 = arith.addi %select_n3A, %mul3A_161 : i32
        %dma_start3A_163 = tpu.memref_slice %arg2[%add3A_162] : memref<327680xi32, #tpu.memory_space<hbm>> -> memref<128xi32, #tpu.memory_space<hbm>>
        %dma_start3A_164 = tpu.memref_slice %arg2[%add3A_162] : memref<327680xi32, #tpu.memory_space<hbm>> -> memref<128xi32, #tpu.memory_space<hbm>>
        tpu.enqueue_dma source(%dma_start3A_164 : memref<128xi32, #tpu.memory_space<hbm>>) target(%arg9 : memref<128xi32, #tpu.memory_space<vmem>>) target_semaphore(%arg17 : memref<!tpu.dma_semaphore, #tpu.memory_space<semaphore_mem>>)
        %dma_start3A_165 = tpu.memref_slice %arg3[%add3A_162] : memref<327680xi32, #tpu.memory_space<hbm>> -> memref<128xi32, #tpu.memory_space<hbm>>
        %dma_start3A_166 = tpu.memref_slice %arg3[%add3A_162] : memref<327680xi32, #tpu.memory_space<hbm>> -> memref<128xi32, #tpu.memory_space<hbm>>
        tpu.enqueue_dma source(%dma_start3A_166 : memref<128xi32, #tpu.memory_space<hbm>>) target(%arg13 : memref<128xi32, #tpu.memory_space<vmem>>) target_semaphore(%arg17 : memref<!tpu.dma_semaphore, #tpu.memory_space<semaphore_mem>>)
        %add3A_167 = arith.constant 3 : i32
        %add3A_168 = arith.addi %mul3A_65, %add3A_167 : i32
        %mul3A_169 = arith.constant 128 : i32
        %mul3A_170 = arith.muli %add3A_168, %mul3A_169 : i32
        %add3A_171 = arith.addi %select_n3A, %mul3A_170 : i32
        %dma_start3A_172 = tpu.memref_slice %arg2[%add3A_171] : memref<327680xi32, #tpu.memory_space<hbm>> -> memref<128xi32, #tpu.memory_space<hbm>>
        %dma_start3A_173 = tpu.memref_slice %arg2[%add3A_171] : memref<327680xi32, #tpu.memory_space<hbm>> -> memref<128xi32, #tpu.memory_space<hbm>>
        tpu.enqueue_dma source(%dma_start3A_173 : memref<128xi32, #tpu.memory_space<hbm>>) target(%arg10 : memref<128xi32, #tpu.memory_space<vmem>>) target_semaphore(%arg18 : memref<!tpu.dma_semaphore, #tpu.memory_space<semaphore_mem>>)
        %dma_start3A_174 = tpu.memref_slice %arg3[%add3A_171] : memref<327680xi32, #tpu.memory_space<hbm>> -> memref<128xi32, #tpu.memory_space<hbm>>
        %dma_start3A_175 = tpu.memref_slice %arg3[%add3A_171] : memref<327680xi32, #tpu.memory_space<hbm>> -> memref<128xi32, #tpu.memory_space<hbm>>
        tpu.enqueue_dma source(%dma_start3A_175 : memref<128xi32, #tpu.memory_space<hbm>>) target(%arg14 : memref<128xi32, #tpu.memory_space<vmem>>) target_semaphore(%arg18 : memref<!tpu.dma_semaphore, #tpu.memory_space<semaphore_mem>>)
      } else {
      }
      %dma_wait3A_73 = arith.constant 0 : i32
      %dma_wait3A_74 = tpu.memref_slice %arg2[%dma_wait3A_73] : memref<327680xi32, #tpu.memory_space<hbm>> -> memref<128xi32, #tpu.memory_space<hbm>>
      %dma_wait3A_75 = arith.constant 0 : i32
      %dma_wait3A_76 = tpu.memref_slice %arg2[%dma_wait3A_75] : memref<327680xi32, #tpu.memory_space<hbm>> -> memref<128xi32, #tpu.memory_space<hbm>>
      tpu.wait_dma2 semaphore(%arg15 : memref<!tpu.dma_semaphore, #tpu.memory_space<semaphore_mem>>) src(%dma_wait3A_76 : memref<128xi32, #tpu.memory_space<hbm>>) dst(%arg7 : memref<128xi32, #tpu.memory_space<vmem>>)
      %dma_wait3A_77 = arith.constant 0 : i32
      %dma_wait3A_78 = tpu.memref_slice %arg3[%dma_wait3A_77] : memref<327680xi32, #tpu.memory_space<hbm>> -> memref<128xi32, #tpu.memory_space<hbm>>
      %dma_wait3A_79 = arith.constant 0 : i32
      %dma_wait3A_80 = tpu.memref_slice %arg3[%dma_wait3A_79] : memref<327680xi32, #tpu.memory_space<hbm>> -> memref<128xi32, #tpu.memory_space<hbm>>
      tpu.wait_dma2 semaphore(%arg15 : memref<!tpu.dma_semaphore, #tpu.memory_space<semaphore_mem>>) src(%dma_wait3A_80 : memref<128xi32, #tpu.memory_space<hbm>>) dst(%arg11 : memref<128xi32, #tpu.memory_space<vmem>>)
      %dma_wait3A_81 = arith.constant 0 : i32
      %dma_wait3A_82 = tpu.memref_slice %arg2[%dma_wait3A_81] : memref<327680xi32, #tpu.memory_space<hbm>> -> memref<128xi32, #tpu.memory_space<hbm>>
      %dma_wait3A_83 = arith.constant 0 : i32
      %dma_wait3A_84 = tpu.memref_slice %arg2[%dma_wait3A_83] : memref<327680xi32, #tpu.memory_space<hbm>> -> memref<128xi32, #tpu.memory_space<hbm>>
      tpu.wait_dma2 semaphore(%arg16 : memref<!tpu.dma_semaphore, #tpu.memory_space<semaphore_mem>>) src(%dma_wait3A_84 : memref<128xi32, #tpu.memory_space<hbm>>) dst(%arg8 : memref<128xi32, #tpu.memory_space<vmem>>)
      %dma_wait3A_85 = arith.constant 0 : i32
      %dma_wait3A_86 = tpu.memref_slice %arg3[%dma_wait3A_85] : memref<327680xi32, #tpu.memory_space<hbm>> -> memref<128xi32, #tpu.memory_space<hbm>>
      %dma_wait3A_87 = arith.constant 0 : i32
      %dma_wait3A_88 = tpu.memref_slice %arg3[%dma_wait3A_87] : memref<327680xi32, #tpu.memory_space<hbm>> -> memref<128xi32, #tpu.memory_space<hbm>>
      tpu.wait_dma2 semaphore(%arg16 : memref<!tpu.dma_semaphore, #tpu.memory_space<semaphore_mem>>) src(%dma_wait3A_88 : memref<128xi32, #tpu.memory_space<hbm>>) dst(%arg12 : memref<128xi32, #tpu.memory_space<vmem>>)
      %dma_start3A_89 = arith.constant 0 : i32
      %dma_start3A_90 = arith.constant 0 : i32
      %dma_start3A_91 = tpu.memref_slice %arg4[%dma_start3A_89, %dma_start3A_90] : memref<10240x128xf32, #tpu.memory_space<hbm>> -> memref<10240x128xf32, #tpu.memory_space<hbm>>
      tpu.enqueue_indirect_dma source(%dma_start3A_91 : memref<10240x128xf32, #tpu.memory_space<hbm>>) target(%arg19 : memref<128x128xf32, #tpu.memory_space<vmem>>) offsets(%arg7 : memref<128xi32, #tpu.memory_space<vmem>>) semaphore(%arg21 : memref<!tpu.dma_semaphore, #tpu.memory_space<semaphore_mem>>)
      %dma_start3A_92 = arith.constant 0 : i32
      %dma_start3A_93 = arith.constant 0 : i32
      %dma_start3A_94 = tpu.memref_slice %arg4[%dma_start3A_92, %dma_start3A_93] : memref<10240x128xf32, #tpu.memory_space<hbm>> -> memref<10240x128xf32, #tpu.memory_space<hbm>>
      tpu.enqueue_indirect_dma source(%dma_start3A_94 : memref<10240x128xf32, #tpu.memory_space<hbm>>) target(%arg20 : memref<128x128xf32, #tpu.memory_space<vmem>>) offsets(%arg8 : memref<128xi32, #tpu.memory_space<vmem>>) semaphore(%arg22 : memref<!tpu.dma_semaphore, #tpu.memory_space<semaphore_mem>>)
      %dma_wait3A_95 = arith.constant 0 : i32
      %dma_wait3A_96 = arith.constant 0 : i32
      %dma_wait3A_97 = tpu.memref_slice %arg4[%dma_wait3A_95, %dma_wait3A_96] : memref<10240x128xf32, #tpu.memory_space<hbm>> -> memref<10240x128xf32, #tpu.memory_space<hbm>>
      tpu.wait_indirect_dma semaphore(%arg21 : memref<!tpu.dma_semaphore, #tpu.memory_space<semaphore_mem>>) src(%dma_wait3A_97 : memref<10240x128xf32, #tpu.memory_space<hbm>>) dst(%arg19 : memref<128x128xf32, #tpu.memory_space<vmem>>)
      %dma_start3A_98 = arith.constant 0 : i32
      %dma_start3A_99 = arith.constant 0 : i32
      %dma_start3A_100 = tpu.memref_slice %arg25[%dma_start3A_98, %dma_start3A_99] : memref<10240x128xf32, #tpu.memory_space<vmem_shared>> -> memref<10240x128xf32, #tpu.memory_space<vmem_shared>>
      tpu.enqueue_indirect_dma source(%arg19 : memref<128x128xf32, #tpu.memory_space<vmem>>) target(%dma_start3A_100 : memref<10240x128xf32, #tpu.memory_space<vmem_shared>>) offsets(%arg11 : memref<128xi32, #tpu.memory_space<vmem>>) semaphore(%arg23 : memref<!tpu.dma_semaphore, #tpu.memory_space<semaphore_mem>>) {add = true}
      %dma_wait3A_101 = arith.constant 0 : i32
      %dma_wait3A_102 = arith.constant 0 : i32
      %dma_wait3A_103 = tpu.memref_slice %arg4[%dma_wait3A_101, %dma_wait3A_102] : memref<10240x128xf32, #tpu.memory_space<hbm>> -> memref<10240x128xf32, #tpu.memory_space<hbm>>
      tpu.wait_indirect_dma semaphore(%arg22 : memref<!tpu.dma_semaphore, #tpu.memory_space<semaphore_mem>>) src(%dma_wait3A_103 : memref<10240x128xf32, #tpu.memory_space<hbm>>) dst(%arg20 : memref<128x128xf32, #tpu.memory_space<vmem>>)
      %dma_start3A_104 = arith.constant 0 : i32
      %dma_start3A_105 = arith.constant 0 : i32
      %dma_start3A_106 = tpu.memref_slice %arg25[%dma_start3A_104, %dma_start3A_105] : memref<10240x128xf32, #tpu.memory_space<vmem_shared>> -> memref<10240x128xf32, #tpu.memory_space<vmem_shared>>
      tpu.enqueue_indirect_dma source(%arg20 : memref<128x128xf32, #tpu.memory_space<vmem>>) target(%dma_start3A_106 : memref<10240x128xf32, #tpu.memory_space<vmem_shared>>) offsets(%arg12 : memref<128xi32, #tpu.memory_space<vmem>>) semaphore(%arg24 : memref<!tpu.dma_semaphore, #tpu.memory_space<semaphore_mem>>) {add = true}
      %mul3A_107 = arith.constant 2 : i32
      %mul3A_108 = arith.muli %while3A_59, %mul3A_107 : i32
      %add3A_109 = arith.constant 1 : i32
      %add3A_110 = arith.addi %mul3A_108, %add3A_109 : i32
      %mul3A_111 = arith.constant 2 : i32
      %mul3A_112 = arith.muli %add3A_110, %mul3A_111 : i32
      %ge3A_113 = arith.constant 2 : i32
      %ge3A_114 = arith.cmpi sge, %mul3A_112, %ge3A_113 : i32
      %convert_element_type3A_115 = arith.extui %ge3A_114 : i1 to i32
      %cond3A_116 = arith.constant 0 : i32
      %cond3A_117 = arith.cmpi ne, %convert_element_type3A_115, %cond3A_116 : i32
      scf.if %cond3A_117 {
        %dma_wait3A_158 = arith.constant 0 : i32
        %dma_wait3A_159 = arith.constant 0 : i32
        %dma_wait3A_160 = tpu.memref_slice %arg25[%dma_wait3A_158, %dma_wait3A_159] : memref<10240x128xf32, #tpu.memory_space<vmem_shared>> -> memref<10240x128xf32, #tpu.memory_space<vmem_shared>>
        tpu.wait_indirect_dma semaphore(%arg23 : memref<!tpu.dma_semaphore, #tpu.memory_space<semaphore_mem>>) src(%arg19 : memref<128x128xf32, #tpu.memory_space<vmem>>) dst(%dma_wait3A_160 : memref<10240x128xf32, #tpu.memory_space<vmem_shared>>)
        %dma_wait3A_161 = arith.constant 0 : i32
        %dma_wait3A_162 = arith.constant 0 : i32
        %dma_wait3A_163 = tpu.memref_slice %arg25[%dma_wait3A_161, %dma_wait3A_162] : memref<10240x128xf32, #tpu.memory_space<vmem_shared>> -> memref<10240x128xf32, #tpu.memory_space<vmem_shared>>
        tpu.wait_indirect_dma semaphore(%arg24 : memref<!tpu.dma_semaphore, #tpu.memory_space<semaphore_mem>>) src(%arg20 : memref<128x128xf32, #tpu.memory_space<vmem>>) dst(%dma_wait3A_163 : memref<10240x128xf32, #tpu.memory_space<vmem_shared>>)
      } else {
      }
      %add3A_118 = arith.constant 2 : i32
      %add3A_119 = arith.addi %mul3A_112, %add3A_118 : i32
      %lt3A_120 = arith.cmpi slt, %add3A_119, %select_n3A_8 : i32
      %convert_element_type3A_121 = arith.extui %lt3A_120 : i1 to i32
      %cond3A_122 = arith.constant 0 : i32
      %cond3A_123 = arith.cmpi ne, %convert_element_type3A_121, %cond3A_122 : i32
      scf.if %cond3A_123 {
        %add3A_158 = arith.constant 2 : i32
        %add3A_159 = arith.addi %mul3A_112, %add3A_158 : i32
        %mul3A_160 = arith.constant 128 : i32
        %mul3A_161 = arith.muli %add3A_159, %mul3A_160 : i32
        %add3A_162 = arith.addi %select_n3A, %mul3A_161 : i32
        %dma_start3A_163 = tpu.memref_slice %arg2[%add3A_162] : memref<327680xi32, #tpu.memory_space<hbm>> -> memref<128xi32, #tpu.memory_space<hbm>>
        %dma_start3A_164 = tpu.memref_slice %arg2[%add3A_162] : memref<327680xi32, #tpu.memory_space<hbm>> -> memref<128xi32, #tpu.memory_space<hbm>>
        tpu.enqueue_dma source(%dma_start3A_164 : memref<128xi32, #tpu.memory_space<hbm>>) target(%arg7 : memref<128xi32, #tpu.memory_space<vmem>>) target_semaphore(%arg15 : memref<!tpu.dma_semaphore, #tpu.memory_space<semaphore_mem>>)
        %dma_start3A_165 = tpu.memref_slice %arg3[%add3A_162] : memref<327680xi32, #tpu.memory_space<hbm>> -> memref<128xi32, #tpu.memory_space<hbm>>
        %dma_start3A_166 = tpu.memref_slice %arg3[%add3A_162] : memref<327680xi32, #tpu.memory_space<hbm>> -> memref<128xi32, #tpu.memory_space<hbm>>
        tpu.enqueue_dma source(%dma_start3A_166 : memref<128xi32, #tpu.memory_space<hbm>>) target(%arg11 : memref<128xi32, #tpu.memory_space<vmem>>) target_semaphore(%arg15 : memref<!tpu.dma_semaphore, #tpu.memory_space<semaphore_mem>>)
        %add3A_167 = arith.constant 3 : i32
        %add3A_168 = arith.addi %mul3A_112, %add3A_167 : i32
        %mul3A_169 = arith.constant 128 : i32
        %mul3A_170 = arith.muli %add3A_168, %mul3A_169 : i32
        %add3A_171 = arith.addi %select_n3A, %mul3A_170 : i32
        %dma_start3A_172 = tpu.memref_slice %arg2[%add3A_171] : memref<327680xi32, #tpu.memory_space<hbm>> -> memref<128xi32, #tpu.memory_space<hbm>>
        %dma_start3A_173 = tpu.memref_slice %arg2[%add3A_171] : memref<327680xi32, #tpu.memory_space<hbm>> -> memref<128xi32, #tpu.memory_space<hbm>>
        tpu.enqueue_dma source(%dma_start3A_173 : memref<128xi32, #tpu.memory_space<hbm>>) target(%arg8 : memref<128xi32, #tpu.memory_space<vmem>>) target_semaphore(%arg16 : memref<!tpu.dma_semaphore, #tpu.memory_space<semaphore_mem>>)
        %dma_start3A_174 = tpu.memref_slice %arg3[%add3A_171] : memref<327680xi32, #tpu.memory_space<hbm>> -> memref<128xi32, #tpu.memory_space<hbm>>
        %dma_start3A_175 = tpu.memref_slice %arg3[%add3A_171] : memref<327680xi32, #tpu.memory_space<hbm>> -> memref<128xi32, #tpu.memory_space<hbm>>
        tpu.enqueue_dma source(%dma_start3A_175 : memref<128xi32, #tpu.memory_space<hbm>>) target(%arg12 : memref<128xi32, #tpu.memory_space<vmem>>) target_semaphore(%arg16 : memref<!tpu.dma_semaphore, #tpu.memory_space<semaphore_mem>>)
      } else {
      }
      %dma_wait3A_124 = arith.constant 0 : i32
      %dma_wait3A_125 = tpu.memref_slice %arg2[%dma_wait3A_124] : memref<327680xi32, #tpu.memory_space<hbm>> -> memref<128xi32, #tpu.memory_space<hbm>>
      %dma_wait3A_126 = arith.constant 0 : i32
      %dma_wait3A_127 = tpu.memref_slice %arg2[%dma_wait3A_126] : memref<327680xi32, #tpu.memory_space<hbm>> -> memref<128xi32, #tpu.memory_space<hbm>>
      tpu.wait_dma2 semaphore(%arg17 : memref<!tpu.dma_semaphore, #tpu.memory_space<semaphore_mem>>) src(%dma_wait3A_127 : memref<128xi32, #tpu.memory_space<hbm>>) dst(%arg9 : memref<128xi32, #tpu.memory_space<vmem>>)
      %dma_wait3A_128 = arith.constant 0 : i32
      %dma_wait3A_129 = tpu.memref_slice %arg3[%dma_wait3A_128] : memref<327680xi32, #tpu.memory_space<hbm>> -> memref<128xi32, #tpu.memory_space<hbm>>
      %dma_wait3A_130 = arith.constant 0 : i32
      %dma_wait3A_131 = tpu.memref_slice %arg3[%dma_wait3A_130] : memref<327680xi32, #tpu.memory_space<hbm>> -> memref<128xi32, #tpu.memory_space<hbm>>
      tpu.wait_dma2 semaphore(%arg17 : memref<!tpu.dma_semaphore, #tpu.memory_space<semaphore_mem>>) src(%dma_wait3A_131 : memref<128xi32, #tpu.memory_space<hbm>>) dst(%arg13 : memref<128xi32, #tpu.memory_space<vmem>>)
      %dma_wait3A_132 = arith.constant 0 : i32
      %dma_wait3A_133 = tpu.memref_slice %arg2[%dma_wait3A_132] : memref<327680xi32, #tpu.memory_space<hbm>> -> memref<128xi32, #tpu.memory_space<hbm>>
      %dma_wait3A_134 = arith.constant 0 : i32
      %dma_wait3A_135 = tpu.memref_slice %arg2[%dma_wait3A_134] : memref<327680xi32, #tpu.memory_space<hbm>> -> memref<128xi32, #tpu.memory_space<hbm>>
      tpu.wait_dma2 semaphore(%arg18 : memref<!tpu.dma_semaphore, #tpu.memory_space<semaphore_mem>>) src(%dma_wait3A_135 : memref<128xi32, #tpu.memory_space<hbm>>) dst(%arg10 : memref<128xi32, #tpu.memory_space<vmem>>)
      %dma_wait3A_136 = arith.constant 0 : i32
      %dma_wait3A_137 = tpu.memref_slice %arg3[%dma_wait3A_136] : memref<327680xi32, #tpu.memory_space<hbm>> -> memref<128xi32, #tpu.memory_space<hbm>>
      %dma_wait3A_138 = arith.constant 0 : i32
      %dma_wait3A_139 = tpu.memref_slice %arg3[%dma_wait3A_138] : memref<327680xi32, #tpu.memory_space<hbm>> -> memref<128xi32, #tpu.memory_space<hbm>>
      tpu.wait_dma2 semaphore(%arg18 : memref<!tpu.dma_semaphore, #tpu.memory_space<semaphore_mem>>) src(%dma_wait3A_139 : memref<128xi32, #tpu.memory_space<hbm>>) dst(%arg14 : memref<128xi32, #tpu.memory_space<vmem>>)
      %dma_start3A_140 = arith.constant 0 : i32
      %dma_start3A_141 = arith.constant 0 : i32
      %dma_start3A_142 = tpu.memref_slice %arg4[%dma_start3A_140, %dma_start3A_141] : memref<10240x128xf32, #tpu.memory_space<hbm>> -> memref<10240x128xf32, #tpu.memory_space<hbm>>
      tpu.enqueue_indirect_dma source(%dma_start3A_142 : memref<10240x128xf32, #tpu.memory_space<hbm>>) target(%arg19 : memref<128x128xf32, #tpu.memory_space<vmem>>) offsets(%arg9 : memref<128xi32, #tpu.memory_space<vmem>>) semaphore(%arg21 : memref<!tpu.dma_semaphore, #tpu.memory_space<semaphore_mem>>)
      %dma_start3A_143 = arith.constant 0 : i32
      %dma_start3A_144 = arith.constant 0 : i32
      %dma_start3A_145 = tpu.memref_slice %arg4[%dma_start3A_143, %dma_start3A_144] : memref<10240x128xf32, #tpu.memory_space<hbm>> -> memref<10240x128xf32, #tpu.memory_space<hbm>>
      tpu.enqueue_indirect_dma source(%dma_start3A_145 : memref<10240x128xf32, #tpu.memory_space<hbm>>) target(%arg20 : memref<128x128xf32, #tpu.memory_space<vmem>>) offsets(%arg10 : memref<128xi32, #tpu.memory_space<vmem>>) semaphore(%arg22 : memref<!tpu.dma_semaphore, #tpu.memory_space<semaphore_mem>>)
      %dma_wait3A_146 = arith.constant 0 : i32
      %dma_wait3A_147 = arith.constant 0 : i32
      %dma_wait3A_148 = tpu.memref_slice %arg4[%dma_wait3A_146, %dma_wait3A_147] : memref<10240x128xf32, #tpu.memory_space<hbm>> -> memref<10240x128xf32, #tpu.memory_space<hbm>>
      tpu.wait_indirect_dma semaphore(%arg21 : memref<!tpu.dma_semaphore, #tpu.memory_space<semaphore_mem>>) src(%dma_wait3A_148 : memref<10240x128xf32, #tpu.memory_space<hbm>>) dst(%arg19 : memref<128x128xf32, #tpu.memory_space<vmem>>)
      %dma_start3A_149 = arith.constant 0 : i32
      %dma_start3A_150 = arith.constant 0 : i32
      %dma_start3A_151 = tpu.memref_slice %arg25[%dma_start3A_149, %dma_start3A_150] : memref<10240x128xf32, #tpu.memory_space<vmem_shared>> -> memref<10240x128xf32, #tpu.memory_space<vmem_shared>>
      tpu.enqueue_indirect_dma source(%arg19 : memref<128x128xf32, #tpu.memory_space<vmem>>) target(%dma_start3A_151 : memref<10240x128xf32, #tpu.memory_space<vmem_shared>>) offsets(%arg13 : memref<128xi32, #tpu.memory_space<vmem>>) semaphore(%arg23 : memref<!tpu.dma_semaphore, #tpu.memory_space<semaphore_mem>>) {add = true}
      %dma_wait3A_152 = arith.constant 0 : i32
      %dma_wait3A_153 = arith.constant 0 : i32
      %dma_wait3A_154 = tpu.memref_slice %arg4[%dma_wait3A_152, %dma_wait3A_153] : memref<10240x128xf32, #tpu.memory_space<hbm>> -> memref<10240x128xf32, #tpu.memory_space<hbm>>
      tpu.wait_indirect_dma semaphore(%arg22 : memref<!tpu.dma_semaphore, #tpu.memory_space<semaphore_mem>>) src(%dma_wait3A_154 : memref<10240x128xf32, #tpu.memory_space<hbm>>) dst(%arg20 : memref<128x128xf32, #tpu.memory_space<vmem>>)
      %dma_start3A_155 = arith.constant 0 : i32
      %dma_start3A_156 = arith.constant 0 : i32
      %dma_start3A_157 = tpu.memref_slice %arg25[%dma_start3A_155, %dma_start3A_156] : memref<10240x128xf32, #tpu.memory_space<vmem_shared>> -> memref<10240x128xf32, #tpu.memory_space<vmem_shared>>
      tpu.enqueue_indirect_dma source(%arg20 : memref<128x128xf32, #tpu.memory_space<vmem>>) target(%dma_start3A_157 : memref<10240x128xf32, #tpu.memory_space<vmem_shared>>) offsets(%arg14 : memref<128xi32, #tpu.memory_space<vmem>>) semaphore(%arg24 : memref<!tpu.dma_semaphore, #tpu.memory_space<semaphore_mem>>) {add = true}
    }
    %dma_wait3A = arith.constant 0 : i32
    %dma_wait3A_49 = arith.constant 0 : i32
    %dma_wait3A_50 = tpu.memref_slice %arg25[%dma_wait3A, %dma_wait3A_49] : memref<10240x128xf32, #tpu.memory_space<vmem_shared>> -> memref<10240x128xf32, #tpu.memory_space<vmem_shared>>
    tpu.wait_indirect_dma semaphore(%arg23 : memref<!tpu.dma_semaphore, #tpu.memory_space<semaphore_mem>>) src(%arg19 : memref<128x128xf32, #tpu.memory_space<vmem>>) dst(%dma_wait3A_50 : memref<10240x128xf32, #tpu.memory_space<vmem_shared>>)
    %dma_wait3A_51 = arith.constant 0 : i32
    %dma_wait3A_52 = arith.constant 0 : i32
    %dma_wait3A_53 = tpu.memref_slice %arg25[%dma_wait3A_51, %dma_wait3A_52] : memref<10240x128xf32, #tpu.memory_space<vmem_shared>> -> memref<10240x128xf32, #tpu.memory_space<vmem_shared>>
    tpu.wait_indirect_dma semaphore(%arg24 : memref<!tpu.dma_semaphore, #tpu.memory_space<semaphore_mem>>) src(%arg20 : memref<128x128xf32, #tpu.memory_space<vmem>>) dst(%dma_wait3A_53 : memref<10240x128xf32, #tpu.memory_space<vmem_shared>>)
    %barrier3A_54 = arith.constant 0 : index
    tpu.barrier barrier_id(%barrier3A_54)
    %mul3A_55 = arith.constant 640 : i32
    %mul3A_56 = arith.muli %arg1, %mul3A_55 : i32
    %mul3A_57 = arith.constant 640 : i32
    %mul3A_58 = arith.muli %arg1, %mul3A_57 : i32
    "tpu.region"() ({
      %run_scoped3A = tpu.sem_alloc : memref<!tpu.dma_semaphore, #tpu.memory_space<semaphore_mem>>
      %dma_start3A_59 = arith.constant 0 : i32
      %dma_start3A_60 = tpu.memref_slice %arg6[%arg0, %mul3A_58, %dma_start3A_59] : memref<2x10240x128xf32, #tpu.memory_space<hbm>> -> memref<1x640x128xf32, #tpu.memory_space<hbm>>
      %dma_start3A_61 = tpu.memref_squeeze %dma_start3A_60 : memref<1x640x128xf32, #tpu.memory_space<hbm>> -> memref<640x128xf32, #tpu.memory_space<hbm>>
      %dma_start3A_62 = arith.constant 0 : i32
      %dma_start3A_63 = tpu.memref_slice %arg25[%mul3A_56, %dma_start3A_62] : memref<10240x128xf32, #tpu.memory_space<vmem_shared>> -> memref<640x128xf32, #tpu.memory_space<vmem_shared>>
      tpu.enqueue_dma source(%dma_start3A_63 : memref<640x128xf32, #tpu.memory_space<vmem_shared>>) target(%dma_start3A_61 : memref<640x128xf32, #tpu.memory_space<hbm>>) target_semaphore(%run_scoped3A : memref<!tpu.dma_semaphore, #tpu.memory_space<semaphore_mem>>)
      %dma_wait3A_64 = arith.constant 0 : i32
      %dma_wait3A_65 = tpu.memref_slice %arg6[%arg0, %mul3A_58, %dma_wait3A_64] : memref<2x10240x128xf32, #tpu.memory_space<hbm>> -> memref<1x640x128xf32, #tpu.memory_space<hbm>>
      %dma_wait3A_66 = tpu.memref_squeeze %dma_wait3A_65 : memref<1x640x128xf32, #tpu.memory_space<hbm>> -> memref<640x128xf32, #tpu.memory_space<hbm>>
      %dma_wait3A_67 = arith.constant 0 : i32
      %dma_wait3A_68 = tpu.memref_slice %arg25[%mul3A_56, %dma_wait3A_67] : memref<10240x128xf32, #tpu.memory_space<vmem_shared>> -> memref<640x128xf32, #tpu.memory_space<vmem_shared>>
      tpu.wait_dma2 semaphore(%run_scoped3A : memref<!tpu.dma_semaphore, #tpu.memory_space<semaphore_mem>>) src(%dma_wait3A_68 : memref<640x128xf32, #tpu.memory_space<vmem_shared>>) dst(%dma_wait3A_66 : memref<640x128xf32, #tpu.memory_space<hbm>>)
      tpu.yield
    }) : () -> ()
    return
  }
}

#map = affine_map<(d0, d1) -> (0)>
#map1 = affine_map<(d0, d1) -> (0, 0)>
#map2 = affine_map<(d0, d1) -> (0, 0, 0)>
module attributes {stable_mosaic.version = 14 : i64} {
  func.func @sc_scatter(%arg0: i32, %arg1: i32, %arg2: memref<327680xi32, #tpu.memory_space<hbm>>, %arg3: memref<327680xi32, #tpu.memory_space<hbm>>, %arg4: memref<10240x128xf32, #tpu.memory_space<hbm>>, %arg5: memref<640x128xf32, #tpu.memory_space<hbm>>, %arg6: memref<2x10240x128xf32, #tpu.memory_space<hbm>>, %arg7: memref<128xi32, #tpu.memory_space<vmem>>, %arg8: memref<128xi32, #tpu.memory_space<vmem>>, %arg9: memref<128xi32, #tpu.memory_space<vmem>>, %arg10: memref<128xi32, #tpu.memory_space<vmem>>, %arg11: memref<128xi32, #tpu.memory_space<vmem>>, %arg12: memref<128xi32, #tpu.memory_space<vmem>>, %arg13: memref<128xi32, #tpu.memory_space<vmem>>, %arg14: memref<128xi32, #tpu.memory_space<vmem>>, %arg15: memref<!tpu.dma_semaphore, #tpu.memory_space<semaphore_mem>>, %arg16: memref<!tpu.dma_semaphore, #tpu.memory_space<semaphore_mem>>, %arg17: memref<!tpu.dma_semaphore, #tpu.memory_space<semaphore_mem>>, %arg18: memref<!tpu.dma_semaphore, #tpu.memory_space<semaphore_mem>>, %arg19: memref<128x128xf32, #tpu.memory_space<vmem>>, %arg20: memref<128x128xf32, #tpu.memory_space<vmem>>, %arg21: memref<!tpu.dma_semaphore, #tpu.memory_space<semaphore_mem>>, %arg22: memref<!tpu.dma_semaphore, #tpu.memory_space<semaphore_mem>>, %arg23: memref<!tpu.dma_semaphore, #tpu.memory_space<semaphore_mem>>, %arg24: memref<!tpu.dma_semaphore, #tpu.memory_space<semaphore_mem>>, %arg25: memref<10240x128xf32, #tpu.memory_space<vmem_shared>>) attributes {dimension_semantics = [#tpu.dimension_semantics<core_parallel>, #tpu.dimension_semantics<subcore_parallel>], iteration_bounds = array<i64: 2, 16>, scalar_prefetch = 0 : i64, scratch_operands = 19 : i64, tpu.core_type = #tpu.core_type<sc_vector_subcore>, window_params = [{transform_indices = #map}, {transform_indices = #map}, {transform_indices = #map1}, {transform_indices = #map1}, {transform_indices = #map2}]} {
    %eq3A = arith.constant 0 : i32
    %eq3A_0 = arith.cmpi eq, %arg0, %eq3A : i32
    %mul3A = arith.constant 19456 : i32
    %mul3A_1 = arith.muli %arg1, %mul3A : i32
    %mul3A_2 = arith.constant 1024 : i32
    %mul3A_3 = arith.muli %arg1, %mul3A_2 : i32
    %add3A = arith.constant 311296 : i32
    %add3A_4 = arith.addi %add3A, %mul3A_3 : i32
    %select_n3A = arith.select %eq3A_0, %mul3A_1, %add3A_4 : i32
    %eq3A_5 = arith.constant 0 : i32
    %eq3A_6 = arith.cmpi eq, %arg0, %eq3A_5 : i32
    %jit3A = arith.constant 152 : i32
    %jit3A_7 = arith.constant 8 : i32
    %select_n3A_8 = arith.select %eq3A_6, %jit3A, %jit3A_7 : i32
    %mul3A_9 = arith.constant 640 : i32
    %mul3A_10 = arith.muli %arg1, %mul3A_9 : i32
    "tpu.region"() ({
      %run_scoped3A = tpu.sem_alloc : memref<!tpu.dma_semaphore, #tpu.memory_space<semaphore_mem>>
      %dma_start3A_59 = arith.constant 0 : i32
      %dma_start3A_60 = tpu.memref_slice %arg25[%mul3A_10, %dma_start3A_59] : memref<10240x128xf32, #tpu.memory_space<vmem_shared>> -> memref<640x128xf32, #tpu.memory_space<vmem_shared>>
      tpu.enqueue_dma source(%arg5 : memref<640x128xf32, #tpu.memory_space<hbm>>) target(%dma_start3A_60 : memref<640x128xf32, #tpu.memory_space<vmem_shared>>) target_semaphore(%run_scoped3A : memref<!tpu.dma_semaphore, #tpu.memory_space<semaphore_mem>>)
      %dma_wait3A_61 = arith.constant 0 : i32
      %dma_wait3A_62 = tpu.memref_slice %arg25[%mul3A_10, %dma_wait3A_61] : memref<10240x128xf32, #tpu.memory_space<vmem_shared>> -> memref<640x128xf32, #tpu.memory_space<vmem_shared>>
      tpu.wait_dma2 semaphore(%run_scoped3A : memref<!tpu.dma_semaphore, #tpu.memory_space<semaphore_mem>>) src(%arg5 : memref<640x128xf32, #tpu.memory_space<hbm>>) dst(%dma_wait3A_62 : memref<640x128xf32, #tpu.memory_space<vmem_shared>>)
      tpu.yield
    }) : () -> ()
    %barrier3A = arith.constant 0 : index
    tpu.barrier barrier_id(%barrier3A)
    %add3A_11 = arith.constant 0 : i32
    %add3A_12 = arith.addi %select_n3A, %add3A_11 : i32
    %dma_start3A = tpu.memref_slice %arg2[%add3A_12] : memref<327680xi32, #tpu.memory_space<hbm>> -> memref<128xi32, #tpu.memory_space<hbm>>
    %dma_start3A_13 = tpu.memref_slice %arg2[%add3A_12] : memref<327680xi32, #tpu.memory_space<hbm>> -> memref<128xi32, #tpu.memory_space<hbm>>
    tpu.enqueue_dma source(%dma_start3A_13 : memref<128xi32, #tpu.memory_space<hbm>>) target(%arg7 : memref<128xi32, #tpu.memory_space<vmem>>) target_semaphore(%arg15 : memref<!tpu.dma_semaphore, #tpu.memory_space<semaphore_mem>>)
    %dma_start3A_14 = tpu.memref_slice %arg3[%add3A_12] : memref<327680xi32, #tpu.memory_space<hbm>> -> memref<128xi32, #tpu.memory_space<hbm>>
    %dma_start3A_15 = tpu.memref_slice %arg3[%add3A_12] : memref<327680xi32, #tpu.memory_space<hbm>> -> memref<128xi32, #tpu.memory_space<hbm>>
    tpu.enqueue_dma source(%dma_start3A_15 : memref<128xi32, #tpu.memory_space<hbm>>) target(%arg11 : memref<128xi32, #tpu.memory_space<vmem>>) target_semaphore(%arg15 : memref<!tpu.dma_semaphore, #tpu.memory_space<semaphore_mem>>)
    %add3A_16 = arith.constant 128 : i32
    %add3A_17 = arith.addi %select_n3A, %add3A_16 : i32
    %dma_start3A_18 = tpu.memref_slice %arg2[%add3A_17] : memref<327680xi32, #tpu.memory_space<hbm>> -> memref<128xi32, #tpu.memory_space<hbm>>
    %dma_start3A_19 = tpu.memref_slice %arg2[%add3A_17] : memref<327680xi32, #tpu.memory_space<hbm>> -> memref<128xi32, #tpu.memory_space<hbm>>
    tpu.enqueue_dma source(%dma_start3A_19 : memref<128xi32, #tpu.memory_space<hbm>>) target(%arg8 : memref<128xi32, #tpu.memory_space<vmem>>) target_semaphore(%arg16 : memref<!tpu.dma_semaphore, #tpu.memory_space<semaphore_mem>>)
    %dma_start3A_20 = tpu.memref_slice %arg3[%add3A_17] : memref<327680xi32, #tpu.memory_space<hbm>> -> memref<128xi32, #tpu.memory_space<hbm>>
    %dma_start3A_21 = tpu.memref_slice %arg3[%add3A_17] : memref<327680xi32, #tpu.memory_space<hbm>> -> memref<128xi32, #tpu.memory_space<hbm>>
    tpu.enqueue_dma source(%dma_start3A_21 : memref<128xi32, #tpu.memory_space<hbm>>) target(%arg12 : memref<128xi32, #tpu.memory_space<vmem>>) target_semaphore(%arg16 : memref<!tpu.dma_semaphore, #tpu.memory_space<semaphore_mem>>)
    %jit3A_22 = arith.constant 4 : i32
    %div3A = arith.divsi %select_n3A_8, %jit3A_22 : i32
    %sign3A = arith.constant 0 : i32
    %sign3A_23 = arith.cmpi sgt, %select_n3A_8, %sign3A : i32
    %sign3A_24 = arith.extui %sign3A_23 : i1 to i32
    %sign3A_25 = arith.constant 0 : i32
    %sign3A_26 = arith.cmpi slt, %select_n3A_8, %sign3A_25 : i32
    %sign3A_27 = arith.extui %sign3A_26 : i1 to i32
    %sign3A_28 = arith.subi %sign3A_24, %sign3A_27 : i32
    %sign3A_29 = arith.constant 0 : i32
    %sign3A_30 = arith.cmpi sgt, %jit3A_22, %sign3A_29 : i32
    %sign3A_31 = arith.extui %sign3A_30 : i1 to i32
    %sign3A_32 = arith.constant 0 : i32
    %sign3A_33 = arith.cmpi slt, %jit3A_22, %sign3A_32 : i32
    %sign3A_34 = arith.extui %sign3A_33 : i1 to i32
    %sign3A_35 = arith.subi %sign3A_31, %sign3A_34 : i32
    %ne3A = arith.cmpi ne, %sign3A_28, %sign3A_35 : i32
    %rem3A = arith.remsi %select_n3A_8, %jit3A_22 : i32
    %ne3A_36 = arith.constant 0 : i32
    %ne3A_37 = arith.cmpi ne, %rem3A, %ne3A_36 : i32
    %and3A = arith.andi %ne3A, %ne3A_37 : i1
    %sub3A = arith.constant 1 : i32
    %sub3A_38 = arith.subi %div3A, %sub3A : i32
    %select_n3A_39 = arith.select %and3A, %sub3A_38, %div3A : i32
    %while3A = arith.constant 0 : i32
    %while3A_40 = arith.constant 0 : i32
    %while3A_41 = arith.subi %select_n3A_39, %while3A_40 : i32
    %while3A_42 = arith.addi %while3A_40, %while3A_41 : i32
    %while3A_43 = arith.constant 1 : i32
    %while3A_44 = arith.divsi %while3A_41, %while3A_43 : i32
    %while3A_45 = arith.muli %while3A_44, %while3A_43 : i32
    %while3A_46 = arith.addi %while3A_40, %while3A_45 : i32
    %while3A_47 = arith.constant 1 : i32
    scf.for %while3A_59 = %while3A_40 to %while3A_46 step %while3A_47  : i32 {
      %mul3A_60 = arith.constant 2 : i32
      %mul3A_61 = arith.muli %while3A_59, %mul3A_60 : i32
      %add3A_62 = arith.constant 0 : i32
      %add3A_63 = arith.addi %mul3A_61, %add3A_62 : i32
      %mul3A_64 = arith.constant 2 : i32
      %mul3A_65 = arith.muli %add3A_63, %mul3A_64 : i32
      %ge3A = arith.constant 2 : i32
      %ge3A_66 = arith.cmpi sge, %mul3A_65, %ge3A : i32
      %convert_element_type3A = arith.extui %ge3A_66 : i1 to i32
      %cond3A = arith.constant 0 : i32
      %cond3A_67 = arith.cmpi ne, %convert_element_type3A, %cond3A : i32
      scf.if %cond3A_67 {
        %dma_wait3A_158 = arith.constant 0 : i32
        %dma_wait3A_159 = arith.constant 0 : i32
        %dma_wait3A_160 = tpu.memref_slice %arg25[%dma_wait3A_158, %dma_wait3A_159] : memref<10240x128xf32, #tpu.memory_space<vmem_shared>> -> memref<10240x128xf32, #tpu.memory_space<vmem_shared>>
        tpu.wait_indirect_dma semaphore(%arg23 : memref<!tpu.dma_semaphore, #tpu.memory_space<semaphore_mem>>) src(%arg19 : memref<128x128xf32, #tpu.memory_space<vmem>>) dst(%dma_wait3A_160 : memref<10240x128xf32, #tpu.memory_space<vmem_shared>>)
        %dma_wait3A_161 = arith.constant 0 : i32
        %dma_wait3A_162 = arith.constant 0 : i32
        %dma_wait3A_163 = tpu.memref_slice %arg25[%dma_wait3A_161, %dma_wait3A_162] : memref<10240x128xf32, #tpu.memory_space<vmem_shared>> -> memref<10240x128xf32, #tpu.memory_space<vmem_shared>>
        tpu.wait_indirect_dma semaphore(%arg24 : memref<!tpu.dma_semaphore, #tpu.memory_space<semaphore_mem>>) src(%arg20 : memref<128x128xf32, #tpu.memory_space<vmem>>) dst(%dma_wait3A_163 : memref<10240x128xf32, #tpu.memory_space<vmem_shared>>)
      } else {
      }
      %add3A_68 = arith.constant 2 : i32
      %add3A_69 = arith.addi %mul3A_65, %add3A_68 : i32
      %lt3A = arith.cmpi slt, %add3A_69, %select_n3A_8 : i32
      %convert_element_type3A_70 = arith.extui %lt3A : i1 to i32
      %cond3A_71 = arith.constant 0 : i32
      %cond3A_72 = arith.cmpi ne, %convert_element_type3A_70, %cond3A_71 : i32
      scf.if %cond3A_72 {
        %add3A_158 = arith.constant 2 : i32
        %add3A_159 = arith.addi %mul3A_65, %add3A_158 : i32
        %mul3A_160 = arith.constant 128 : i32
        %mul3A_161 = arith.muli %add3A_159, %mul3A_160 : i32
        %add3A_162 = arith.addi %select_n3A, %mul3A_161 : i32
        %dma_start3A_163 = tpu.memref_slice %arg2[%add3A_162] : memref<327680xi32, #tpu.memory_space<hbm>> -> memref<128xi32, #tpu.memory_space<hbm>>
        %dma_start3A_164 = tpu.memref_slice %arg2[%add3A_162] : memref<327680xi32, #tpu.memory_space<hbm>> -> memref<128xi32, #tpu.memory_space<hbm>>
        tpu.enqueue_dma source(%dma_start3A_164 : memref<128xi32, #tpu.memory_space<hbm>>) target(%arg9 : memref<128xi32, #tpu.memory_space<vmem>>) target_semaphore(%arg17 : memref<!tpu.dma_semaphore, #tpu.memory_space<semaphore_mem>>)
        %dma_start3A_165 = tpu.memref_slice %arg3[%add3A_162] : memref<327680xi32, #tpu.memory_space<hbm>> -> memref<128xi32, #tpu.memory_space<hbm>>
        %dma_start3A_166 = tpu.memref_slice %arg3[%add3A_162] : memref<327680xi32, #tpu.memory_space<hbm>> -> memref<128xi32, #tpu.memory_space<hbm>>
        tpu.enqueue_dma source(%dma_start3A_166 : memref<128xi32, #tpu.memory_space<hbm>>) target(%arg13 : memref<128xi32, #tpu.memory_space<vmem>>) target_semaphore(%arg17 : memref<!tpu.dma_semaphore, #tpu.memory_space<semaphore_mem>>)
        %add3A_167 = arith.constant 3 : i32
        %add3A_168 = arith.addi %mul3A_65, %add3A_167 : i32
        %mul3A_169 = arith.constant 128 : i32
        %mul3A_170 = arith.muli %add3A_168, %mul3A_169 : i32
        %add3A_171 = arith.addi %select_n3A, %mul3A_170 : i32
        %dma_start3A_172 = tpu.memref_slice %arg2[%add3A_171] : memref<327680xi32, #tpu.memory_space<hbm>> -> memref<128xi32, #tpu.memory_space<hbm>>
        %dma_start3A_173 = tpu.memref_slice %arg2[%add3A_171] : memref<327680xi32, #tpu.memory_space<hbm>> -> memref<128xi32, #tpu.memory_space<hbm>>
        tpu.enqueue_dma source(%dma_start3A_173 : memref<128xi32, #tpu.memory_space<hbm>>) target(%arg10 : memref<128xi32, #tpu.memory_space<vmem>>) target_semaphore(%arg18 : memref<!tpu.dma_semaphore, #tpu.memory_space<semaphore_mem>>)
        %dma_start3A_174 = tpu.memref_slice %arg3[%add3A_171] : memref<327680xi32, #tpu.memory_space<hbm>> -> memref<128xi32, #tpu.memory_space<hbm>>
        %dma_start3A_175 = tpu.memref_slice %arg3[%add3A_171] : memref<327680xi32, #tpu.memory_space<hbm>> -> memref<128xi32, #tpu.memory_space<hbm>>
        tpu.enqueue_dma source(%dma_start3A_175 : memref<128xi32, #tpu.memory_space<hbm>>) target(%arg14 : memref<128xi32, #tpu.memory_space<vmem>>) target_semaphore(%arg18 : memref<!tpu.dma_semaphore, #tpu.memory_space<semaphore_mem>>)
      } else {
      }
      %dma_wait3A_73 = arith.constant 0 : i32
      %dma_wait3A_74 = tpu.memref_slice %arg2[%dma_wait3A_73] : memref<327680xi32, #tpu.memory_space<hbm>> -> memref<128xi32, #tpu.memory_space<hbm>>
      %dma_wait3A_75 = arith.constant 0 : i32
      %dma_wait3A_76 = tpu.memref_slice %arg2[%dma_wait3A_75] : memref<327680xi32, #tpu.memory_space<hbm>> -> memref<128xi32, #tpu.memory_space<hbm>>
      tpu.wait_dma2 semaphore(%arg15 : memref<!tpu.dma_semaphore, #tpu.memory_space<semaphore_mem>>) src(%dma_wait3A_76 : memref<128xi32, #tpu.memory_space<hbm>>) dst(%arg7 : memref<128xi32, #tpu.memory_space<vmem>>)
      %dma_wait3A_77 = arith.constant 0 : i32
      %dma_wait3A_78 = tpu.memref_slice %arg3[%dma_wait3A_77] : memref<327680xi32, #tpu.memory_space<hbm>> -> memref<128xi32, #tpu.memory_space<hbm>>
      %dma_wait3A_79 = arith.constant 0 : i32
      %dma_wait3A_80 = tpu.memref_slice %arg3[%dma_wait3A_79] : memref<327680xi32, #tpu.memory_space<hbm>> -> memref<128xi32, #tpu.memory_space<hbm>>
      tpu.wait_dma2 semaphore(%arg15 : memref<!tpu.dma_semaphore, #tpu.memory_space<semaphore_mem>>) src(%dma_wait3A_80 : memref<128xi32, #tpu.memory_space<hbm>>) dst(%arg11 : memref<128xi32, #tpu.memory_space<vmem>>)
      %dma_wait3A_81 = arith.constant 0 : i32
      %dma_wait3A_82 = tpu.memref_slice %arg2[%dma_wait3A_81] : memref<327680xi32, #tpu.memory_space<hbm>> -> memref<128xi32, #tpu.memory_space<hbm>>
      %dma_wait3A_83 = arith.constant 0 : i32
      %dma_wait3A_84 = tpu.memref_slice %arg2[%dma_wait3A_83] : memref<327680xi32, #tpu.memory_space<hbm>> -> memref<128xi32, #tpu.memory_space<hbm>>
      tpu.wait_dma2 semaphore(%arg16 : memref<!tpu.dma_semaphore, #tpu.memory_space<semaphore_mem>>) src(%dma_wait3A_84 : memref<128xi32, #tpu.memory_space<hbm>>) dst(%arg8 : memref<128xi32, #tpu.memory_space<vmem>>)
      %dma_wait3A_85 = arith.constant 0 : i32
      %dma_wait3A_86 = tpu.memref_slice %arg3[%dma_wait3A_85] : memref<327680xi32, #tpu.memory_space<hbm>> -> memref<128xi32, #tpu.memory_space<hbm>>
      %dma_wait3A_87 = arith.constant 0 : i32
      %dma_wait3A_88 = tpu.memref_slice %arg3[%dma_wait3A_87] : memref<327680xi32, #tpu.memory_space<hbm>> -> memref<128xi32, #tpu.memory_space<hbm>>
      tpu.wait_dma2 semaphore(%arg16 : memref<!tpu.dma_semaphore, #tpu.memory_space<semaphore_mem>>) src(%dma_wait3A_88 : memref<128xi32, #tpu.memory_space<hbm>>) dst(%arg12 : memref<128xi32, #tpu.memory_space<vmem>>)
      %dma_start3A_89 = arith.constant 0 : i32
      %dma_start3A_90 = arith.constant 0 : i32
      %dma_start3A_91 = tpu.memref_slice %arg4[%dma_start3A_89, %dma_start3A_90] : memref<10240x128xf32, #tpu.memory_space<hbm>> -> memref<10240x128xf32, #tpu.memory_space<hbm>>
      tpu.enqueue_indirect_dma source(%dma_start3A_91 : memref<10240x128xf32, #tpu.memory_space<hbm>>) target(%arg19 : memref<128x128xf32, #tpu.memory_space<vmem>>) offsets(%arg7 : memref<128xi32, #tpu.memory_space<vmem>>) semaphore(%arg21 : memref<!tpu.dma_semaphore, #tpu.memory_space<semaphore_mem>>)
      %dma_start3A_92 = arith.constant 0 : i32
      %dma_start3A_93 = arith.constant 0 : i32
      %dma_start3A_94 = tpu.memref_slice %arg4[%dma_start3A_92, %dma_start3A_93] : memref<10240x128xf32, #tpu.memory_space<hbm>> -> memref<10240x128xf32, #tpu.memory_space<hbm>>
      tpu.enqueue_indirect_dma source(%dma_start3A_94 : memref<10240x128xf32, #tpu.memory_space<hbm>>) target(%arg20 : memref<128x128xf32, #tpu.memory_space<vmem>>) offsets(%arg8 : memref<128xi32, #tpu.memory_space<vmem>>) semaphore(%arg22 : memref<!tpu.dma_semaphore, #tpu.memory_space<semaphore_mem>>)
      %dma_wait3A_95 = arith.constant 0 : i32
      %dma_wait3A_96 = arith.constant 0 : i32
      %dma_wait3A_97 = tpu.memref_slice %arg4[%dma_wait3A_95, %dma_wait3A_96] : memref<10240x128xf32, #tpu.memory_space<hbm>> -> memref<10240x128xf32, #tpu.memory_space<hbm>>
      tpu.wait_indirect_dma semaphore(%arg21 : memref<!tpu.dma_semaphore, #tpu.memory_space<semaphore_mem>>) src(%dma_wait3A_97 : memref<10240x128xf32, #tpu.memory_space<hbm>>) dst(%arg19 : memref<128x128xf32, #tpu.memory_space<vmem>>)
      %dma_start3A_98 = arith.constant 0 : i32
      %dma_start3A_99 = arith.constant 0 : i32
      %dma_start3A_100 = tpu.memref_slice %arg25[%dma_start3A_98, %dma_start3A_99] : memref<10240x128xf32, #tpu.memory_space<vmem_shared>> -> memref<10240x128xf32, #tpu.memory_space<vmem_shared>>
      tpu.enqueue_indirect_dma source(%arg19 : memref<128x128xf32, #tpu.memory_space<vmem>>) target(%dma_start3A_100 : memref<10240x128xf32, #tpu.memory_space<vmem_shared>>) offsets(%arg11 : memref<128xi32, #tpu.memory_space<vmem>>) semaphore(%arg23 : memref<!tpu.dma_semaphore, #tpu.memory_space<semaphore_mem>>) {add = true}
      %dma_wait3A_101 = arith.constant 0 : i32
      %dma_wait3A_102 = arith.constant 0 : i32
      %dma_wait3A_103 = tpu.memref_slice %arg4[%dma_wait3A_101, %dma_wait3A_102] : memref<10240x128xf32, #tpu.memory_space<hbm>> -> memref<10240x128xf32, #tpu.memory_space<hbm>>
      tpu.wait_indirect_dma semaphore(%arg22 : memref<!tpu.dma_semaphore, #tpu.memory_space<semaphore_mem>>) src(%dma_wait3A_103 : memref<10240x128xf32, #tpu.memory_space<hbm>>) dst(%arg20 : memref<128x128xf32, #tpu.memory_space<vmem>>)
      %dma_start3A_104 = arith.constant 0 : i32
      %dma_start3A_105 = arith.constant 0 : i32
      %dma_start3A_106 = tpu.memref_slice %arg25[%dma_start3A_104, %dma_start3A_105] : memref<10240x128xf32, #tpu.memory_space<vmem_shared>> -> memref<10240x128xf32, #tpu.memory_space<vmem_shared>>
      tpu.enqueue_indirect_dma source(%arg20 : memref<128x128xf32, #tpu.memory_space<vmem>>) target(%dma_start3A_106 : memref<10240x128xf32, #tpu.memory_space<vmem_shared>>) offsets(%arg12 : memref<128xi32, #tpu.memory_space<vmem>>) semaphore(%arg24 : memref<!tpu.dma_semaphore, #tpu.memory_space<semaphore_mem>>) {add = true}
      %mul3A_107 = arith.constant 2 : i32
      %mul3A_108 = arith.muli %while3A_59, %mul3A_107 : i32
      %add3A_109 = arith.constant 1 : i32
      %add3A_110 = arith.addi %mul3A_108, %add3A_109 : i32
      %mul3A_111 = arith.constant 2 : i32
      %mul3A_112 = arith.muli %add3A_110, %mul3A_111 : i32
      %ge3A_113 = arith.constant 2 : i32
      %ge3A_114 = arith.cmpi sge, %mul3A_112, %ge3A_113 : i32
      %convert_element_type3A_115 = arith.extui %ge3A_114 : i1 to i32
      %cond3A_116 = arith.constant 0 : i32
      %cond3A_117 = arith.cmpi ne, %convert_element_type3A_115, %cond3A_116 : i32
      scf.if %cond3A_117 {
        %dma_wait3A_158 = arith.constant 0 : i32
        %dma_wait3A_159 = arith.constant 0 : i32
        %dma_wait3A_160 = tpu.memref_slice %arg25[%dma_wait3A_158, %dma_wait3A_159] : memref<10240x128xf32, #tpu.memory_space<vmem_shared>> -> memref<10240x128xf32, #tpu.memory_space<vmem_shared>>
        tpu.wait_indirect_dma semaphore(%arg23 : memref<!tpu.dma_semaphore, #tpu.memory_space<semaphore_mem>>) src(%arg19 : memref<128x128xf32, #tpu.memory_space<vmem>>) dst(%dma_wait3A_160 : memref<10240x128xf32, #tpu.memory_space<vmem_shared>>)
        %dma_wait3A_161 = arith.constant 0 : i32
        %dma_wait3A_162 = arith.constant 0 : i32
        %dma_wait3A_163 = tpu.memref_slice %arg25[%dma_wait3A_161, %dma_wait3A_162] : memref<10240x128xf32, #tpu.memory_space<vmem_shared>> -> memref<10240x128xf32, #tpu.memory_space<vmem_shared>>
        tpu.wait_indirect_dma semaphore(%arg24 : memref<!tpu.dma_semaphore, #tpu.memory_space<semaphore_mem>>) src(%arg20 : memref<128x128xf32, #tpu.memory_space<vmem>>) dst(%dma_wait3A_163 : memref<10240x128xf32, #tpu.memory_space<vmem_shared>>)
      } else {
      }
      %add3A_118 = arith.constant 2 : i32
      %add3A_119 = arith.addi %mul3A_112, %add3A_118 : i32
      %lt3A_120 = arith.cmpi slt, %add3A_119, %select_n3A_8 : i32
      %convert_element_type3A_121 = arith.extui %lt3A_120 : i1 to i32
      %cond3A_122 = arith.constant 0 : i32
      %cond3A_123 = arith.cmpi ne, %convert_element_type3A_121, %cond3A_122 : i32
      scf.if %cond3A_123 {
        %add3A_158 = arith.constant 2 : i32
        %add3A_159 = arith.addi %mul3A_112, %add3A_158 : i32
        %mul3A_160 = arith.constant 128 : i32
        %mul3A_161 = arith.muli %add3A_159, %mul3A_160 : i32
        %add3A_162 = arith.addi %select_n3A, %mul3A_161 : i32
        %dma_start3A_163 = tpu.memref_slice %arg2[%add3A_162] : memref<327680xi32, #tpu.memory_space<hbm>> -> memref<128xi32, #tpu.memory_space<hbm>>
        %dma_start3A_164 = tpu.memref_slice %arg2[%add3A_162] : memref<327680xi32, #tpu.memory_space<hbm>> -> memref<128xi32, #tpu.memory_space<hbm>>
        tpu.enqueue_dma source(%dma_start3A_164 : memref<128xi32, #tpu.memory_space<hbm>>) target(%arg7 : memref<128xi32, #tpu.memory_space<vmem>>) target_semaphore(%arg15 : memref<!tpu.dma_semaphore, #tpu.memory_space<semaphore_mem>>)
        %dma_start3A_165 = tpu.memref_slice %arg3[%add3A_162] : memref<327680xi32, #tpu.memory_space<hbm>> -> memref<128xi32, #tpu.memory_space<hbm>>
        %dma_start3A_166 = tpu.memref_slice %arg3[%add3A_162] : memref<327680xi32, #tpu.memory_space<hbm>> -> memref<128xi32, #tpu.memory_space<hbm>>
        tpu.enqueue_dma source(%dma_start3A_166 : memref<128xi32, #tpu.memory_space<hbm>>) target(%arg11 : memref<128xi32, #tpu.memory_space<vmem>>) target_semaphore(%arg15 : memref<!tpu.dma_semaphore, #tpu.memory_space<semaphore_mem>>)
        %add3A_167 = arith.constant 3 : i32
        %add3A_168 = arith.addi %mul3A_112, %add3A_167 : i32
        %mul3A_169 = arith.constant 128 : i32
        %mul3A_170 = arith.muli %add3A_168, %mul3A_169 : i32
        %add3A_171 = arith.addi %select_n3A, %mul3A_170 : i32
        %dma_start3A_172 = tpu.memref_slice %arg2[%add3A_171] : memref<327680xi32, #tpu.memory_space<hbm>> -> memref<128xi32, #tpu.memory_space<hbm>>
        %dma_start3A_173 = tpu.memref_slice %arg2[%add3A_171] : memref<327680xi32, #tpu.memory_space<hbm>> -> memref<128xi32, #tpu.memory_space<hbm>>
        tpu.enqueue_dma source(%dma_start3A_173 : memref<128xi32, #tpu.memory_space<hbm>>) target(%arg8 : memref<128xi32, #tpu.memory_space<vmem>>) target_semaphore(%arg16 : memref<!tpu.dma_semaphore, #tpu.memory_space<semaphore_mem>>)
        %dma_start3A_174 = tpu.memref_slice %arg3[%add3A_171] : memref<327680xi32, #tpu.memory_space<hbm>> -> memref<128xi32, #tpu.memory_space<hbm>>
        %dma_start3A_175 = tpu.memref_slice %arg3[%add3A_171] : memref<327680xi32, #tpu.memory_space<hbm>> -> memref<128xi32, #tpu.memory_space<hbm>>
        tpu.enqueue_dma source(%dma_start3A_175 : memref<128xi32, #tpu.memory_space<hbm>>) target(%arg12 : memref<128xi32, #tpu.memory_space<vmem>>) target_semaphore(%arg16 : memref<!tpu.dma_semaphore, #tpu.memory_space<semaphore_mem>>)
      } else {
      }
      %dma_wait3A_124 = arith.constant 0 : i32
      %dma_wait3A_125 = tpu.memref_slice %arg2[%dma_wait3A_124] : memref<327680xi32, #tpu.memory_space<hbm>> -> memref<128xi32, #tpu.memory_space<hbm>>
      %dma_wait3A_126 = arith.constant 0 : i32
      %dma_wait3A_127 = tpu.memref_slice %arg2[%dma_wait3A_126] : memref<327680xi32, #tpu.memory_space<hbm>> -> memref<128xi32, #tpu.memory_space<hbm>>
      tpu.wait_dma2 semaphore(%arg17 : memref<!tpu.dma_semaphore, #tpu.memory_space<semaphore_mem>>) src(%dma_wait3A_127 : memref<128xi32, #tpu.memory_space<hbm>>) dst(%arg9 : memref<128xi32, #tpu.memory_space<vmem>>)
      %dma_wait3A_128 = arith.constant 0 : i32
      %dma_wait3A_129 = tpu.memref_slice %arg3[%dma_wait3A_128] : memref<327680xi32, #tpu.memory_space<hbm>> -> memref<128xi32, #tpu.memory_space<hbm>>
      %dma_wait3A_130 = arith.constant 0 : i32
      %dma_wait3A_131 = tpu.memref_slice %arg3[%dma_wait3A_130] : memref<327680xi32, #tpu.memory_space<hbm>> -> memref<128xi32, #tpu.memory_space<hbm>>
      tpu.wait_dma2 semaphore(%arg17 : memref<!tpu.dma_semaphore, #tpu.memory_space<semaphore_mem>>) src(%dma_wait3A_131 : memref<128xi32, #tpu.memory_space<hbm>>) dst(%arg13 : memref<128xi32, #tpu.memory_space<vmem>>)
      %dma_wait3A_132 = arith.constant 0 : i32
      %dma_wait3A_133 = tpu.memref_slice %arg2[%dma_wait3A_132] : memref<327680xi32, #tpu.memory_space<hbm>> -> memref<128xi32, #tpu.memory_space<hbm>>
      %dma_wait3A_134 = arith.constant 0 : i32
      %dma_wait3A_135 = tpu.memref_slice %arg2[%dma_wait3A_134] : memref<327680xi32, #tpu.memory_space<hbm>> -> memref<128xi32, #tpu.memory_space<hbm>>
      tpu.wait_dma2 semaphore(%arg18 : memref<!tpu.dma_semaphore, #tpu.memory_space<semaphore_mem>>) src(%dma_wait3A_135 : memref<128xi32, #tpu.memory_space<hbm>>) dst(%arg10 : memref<128xi32, #tpu.memory_space<vmem>>)
      %dma_wait3A_136 = arith.constant 0 : i32
      %dma_wait3A_137 = tpu.memref_slice %arg3[%dma_wait3A_136] : memref<327680xi32, #tpu.memory_space<hbm>> -> memref<128xi32, #tpu.memory_space<hbm>>
      %dma_wait3A_138 = arith.constant 0 : i32
      %dma_wait3A_139 = tpu.memref_slice %arg3[%dma_wait3A_138] : memref<327680xi32, #tpu.memory_space<hbm>> -> memref<128xi32, #tpu.memory_space<hbm>>
      tpu.wait_dma2 semaphore(%arg18 : memref<!tpu.dma_semaphore, #tpu.memory_space<semaphore_mem>>) src(%dma_wait3A_139 : memref<128xi32, #tpu.memory_space<hbm>>) dst(%arg14 : memref<128xi32, #tpu.memory_space<vmem>>)
      %dma_start3A_140 = arith.constant 0 : i32
      %dma_start3A_141 = arith.constant 0 : i32
      %dma_start3A_142 = tpu.memref_slice %arg4[%dma_start3A_140, %dma_start3A_141] : memref<10240x128xf32, #tpu.memory_space<hbm>> -> memref<10240x128xf32, #tpu.memory_space<hbm>>
      tpu.enqueue_indirect_dma source(%dma_start3A_142 : memref<10240x128xf32, #tpu.memory_space<hbm>>) target(%arg19 : memref<128x128xf32, #tpu.memory_space<vmem>>) offsets(%arg9 : memref<128xi32, #tpu.memory_space<vmem>>) semaphore(%arg21 : memref<!tpu.dma_semaphore, #tpu.memory_space<semaphore_mem>>)
      %dma_start3A_143 = arith.constant 0 : i32
      %dma_start3A_144 = arith.constant 0 : i32
      %dma_start3A_145 = tpu.memref_slice %arg4[%dma_start3A_143, %dma_start3A_144] : memref<10240x128xf32, #tpu.memory_space<hbm>> -> memref<10240x128xf32, #tpu.memory_space<hbm>>
      tpu.enqueue_indirect_dma source(%dma_start3A_145 : memref<10240x128xf32, #tpu.memory_space<hbm>>) target(%arg20 : memref<128x128xf32, #tpu.memory_space<vmem>>) offsets(%arg10 : memref<128xi32, #tpu.memory_space<vmem>>) semaphore(%arg22 : memref<!tpu.dma_semaphore, #tpu.memory_space<semaphore_mem>>)
      %dma_wait3A_146 = arith.constant 0 : i32
      %dma_wait3A_147 = arith.constant 0 : i32
      %dma_wait3A_148 = tpu.memref_slice %arg4[%dma_wait3A_146, %dma_wait3A_147] : memref<10240x128xf32, #tpu.memory_space<hbm>> -> memref<10240x128xf32, #tpu.memory_space<hbm>>
      tpu.wait_indirect_dma semaphore(%arg21 : memref<!tpu.dma_semaphore, #tpu.memory_space<semaphore_mem>>) src(%dma_wait3A_148 : memref<10240x128xf32, #tpu.memory_space<hbm>>) dst(%arg19 : memref<128x128xf32, #tpu.memory_space<vmem>>)
      %dma_start3A_149 = arith.constant 0 : i32
      %dma_start3A_150 = arith.constant 0 : i32
      %dma_start3A_151 = tpu.memref_slice %arg25[%dma_start3A_149, %dma_start3A_150] : memref<10240x128xf32, #tpu.memory_space<vmem_shared>> -> memref<10240x128xf32, #tpu.memory_space<vmem_shared>>
      tpu.enqueue_indirect_dma source(%arg19 : memref<128x128xf32, #tpu.memory_space<vmem>>) target(%dma_start3A_151 : memref<10240x128xf32, #tpu.memory_space<vmem_shared>>) offsets(%arg13 : memref<128xi32, #tpu.memory_space<vmem>>) semaphore(%arg23 : memref<!tpu.dma_semaphore, #tpu.memory_space<semaphore_mem>>) {add = true}
      %dma_wait3A_152 = arith.constant 0 : i32
      %dma_wait3A_153 = arith.constant 0 : i32
      %dma_wait3A_154 = tpu.memref_slice %arg4[%dma_wait3A_152, %dma_wait3A_153] : memref<10240x128xf32, #tpu.memory_space<hbm>> -> memref<10240x128xf32, #tpu.memory_space<hbm>>
      tpu.wait_indirect_dma semaphore(%arg22 : memref<!tpu.dma_semaphore, #tpu.memory_space<semaphore_mem>>) src(%dma_wait3A_154 : memref<10240x128xf32, #tpu.memory_space<hbm>>) dst(%arg20 : memref<128x128xf32, #tpu.memory_space<vmem>>)
      %dma_start3A_155 = arith.constant 0 : i32
      %dma_start3A_156 = arith.constant 0 : i32
      %dma_start3A_157 = tpu.memref_slice %arg25[%dma_start3A_155, %dma_start3A_156] : memref<10240x128xf32, #tpu.memory_space<vmem_shared>> -> memref<10240x128xf32, #tpu.memory_space<vmem_shared>>
      tpu.enqueue_indirect_dma source(%arg20 : memref<128x128xf32, #tpu.memory_space<vmem>>) target(%dma_start3A_157 : memref<10240x128xf32, #tpu.memory_space<vmem_shared>>) offsets(%arg14 : memref<128xi32, #tpu.memory_space<vmem>>) semaphore(%arg24 : memref<!tpu.dma_semaphore, #tpu.memory_space<semaphore_mem>>) {add = true}
    }
    %while3A_48 = arith.constant 1 : i32
    scf.for %while3A_59 = %while3A_46 to %while3A_42 step %while3A_48  : i32 {
      %mul3A_60 = arith.constant 2 : i32
      %mul3A_61 = arith.muli %while3A_59, %mul3A_60 : i32
      %add3A_62 = arith.constant 0 : i32
      %add3A_63 = arith.addi %mul3A_61, %add3A_62 : i32
      %mul3A_64 = arith.constant 2 : i32
      %mul3A_65 = arith.muli %add3A_63, %mul3A_64 : i32
      %ge3A = arith.constant 2 : i32
      %ge3A_66 = arith.cmpi sge, %mul3A_65, %ge3A : i32
      %convert_element_type3A = arith.extui %ge3A_66 : i1 to i32
      %cond3A = arith.constant 0 : i32
      %cond3A_67 = arith.cmpi ne, %convert_element_type3A, %cond3A : i32
      scf.if %cond3A_67 {
        %dma_wait3A_158 = arith.constant 0 : i32
        %dma_wait3A_159 = arith.constant 0 : i32
        %dma_wait3A_160 = tpu.memref_slice %arg25[%dma_wait3A_158, %dma_wait3A_159] : memref<10240x128xf32, #tpu.memory_space<vmem_shared>> -> memref<10240x128xf32, #tpu.memory_space<vmem_shared>>
        tpu.wait_indirect_dma semaphore(%arg23 : memref<!tpu.dma_semaphore, #tpu.memory_space<semaphore_mem>>) src(%arg19 : memref<128x128xf32, #tpu.memory_space<vmem>>) dst(%dma_wait3A_160 : memref<10240x128xf32, #tpu.memory_space<vmem_shared>>)
        %dma_wait3A_161 = arith.constant 0 : i32
        %dma_wait3A_162 = arith.constant 0 : i32
        %dma_wait3A_163 = tpu.memref_slice %arg25[%dma_wait3A_161, %dma_wait3A_162] : memref<10240x128xf32, #tpu.memory_space<vmem_shared>> -> memref<10240x128xf32, #tpu.memory_space<vmem_shared>>
        tpu.wait_indirect_dma semaphore(%arg24 : memref<!tpu.dma_semaphore, #tpu.memory_space<semaphore_mem>>) src(%arg20 : memref<128x128xf32, #tpu.memory_space<vmem>>) dst(%dma_wait3A_163 : memref<10240x128xf32, #tpu.memory_space<vmem_shared>>)
      } else {
      }
      %add3A_68 = arith.constant 2 : i32
      %add3A_69 = arith.addi %mul3A_65, %add3A_68 : i32
      %lt3A = arith.cmpi slt, %add3A_69, %select_n3A_8 : i32
      %convert_element_type3A_70 = arith.extui %lt3A : i1 to i32
      %cond3A_71 = arith.constant 0 : i32
      %cond3A_72 = arith.cmpi ne, %convert_element_type3A_70, %cond3A_71 : i32
      scf.if %cond3A_72 {
        %add3A_158 = arith.constant 2 : i32
        %add3A_159 = arith.addi %mul3A_65, %add3A_158 : i32
        %mul3A_160 = arith.constant 128 : i32
        %mul3A_161 = arith.muli %add3A_159, %mul3A_160 : i32
        %add3A_162 = arith.addi %select_n3A, %mul3A_161 : i32
        %dma_start3A_163 = tpu.memref_slice %arg2[%add3A_162] : memref<327680xi32, #tpu.memory_space<hbm>> -> memref<128xi32, #tpu.memory_space<hbm>>
        %dma_start3A_164 = tpu.memref_slice %arg2[%add3A_162] : memref<327680xi32, #tpu.memory_space<hbm>> -> memref<128xi32, #tpu.memory_space<hbm>>
        tpu.enqueue_dma source(%dma_start3A_164 : memref<128xi32, #tpu.memory_space<hbm>>) target(%arg9 : memref<128xi32, #tpu.memory_space<vmem>>) target_semaphore(%arg17 : memref<!tpu.dma_semaphore, #tpu.memory_space<semaphore_mem>>)
        %dma_start3A_165 = tpu.memref_slice %arg3[%add3A_162] : memref<327680xi32, #tpu.memory_space<hbm>> -> memref<128xi32, #tpu.memory_space<hbm>>
        %dma_start3A_166 = tpu.memref_slice %arg3[%add3A_162] : memref<327680xi32, #tpu.memory_space<hbm>> -> memref<128xi32, #tpu.memory_space<hbm>>
        tpu.enqueue_dma source(%dma_start3A_166 : memref<128xi32, #tpu.memory_space<hbm>>) target(%arg13 : memref<128xi32, #tpu.memory_space<vmem>>) target_semaphore(%arg17 : memref<!tpu.dma_semaphore, #tpu.memory_space<semaphore_mem>>)
        %add3A_167 = arith.constant 3 : i32
        %add3A_168 = arith.addi %mul3A_65, %add3A_167 : i32
        %mul3A_169 = arith.constant 128 : i32
        %mul3A_170 = arith.muli %add3A_168, %mul3A_169 : i32
        %add3A_171 = arith.addi %select_n3A, %mul3A_170 : i32
        %dma_start3A_172 = tpu.memref_slice %arg2[%add3A_171] : memref<327680xi32, #tpu.memory_space<hbm>> -> memref<128xi32, #tpu.memory_space<hbm>>
        %dma_start3A_173 = tpu.memref_slice %arg2[%add3A_171] : memref<327680xi32, #tpu.memory_space<hbm>> -> memref<128xi32, #tpu.memory_space<hbm>>
        tpu.enqueue_dma source(%dma_start3A_173 : memref<128xi32, #tpu.memory_space<hbm>>) target(%arg10 : memref<128xi32, #tpu.memory_space<vmem>>) target_semaphore(%arg18 : memref<!tpu.dma_semaphore, #tpu.memory_space<semaphore_mem>>)
        %dma_start3A_174 = tpu.memref_slice %arg3[%add3A_171] : memref<327680xi32, #tpu.memory_space<hbm>> -> memref<128xi32, #tpu.memory_space<hbm>>
        %dma_start3A_175 = tpu.memref_slice %arg3[%add3A_171] : memref<327680xi32, #tpu.memory_space<hbm>> -> memref<128xi32, #tpu.memory_space<hbm>>
        tpu.enqueue_dma source(%dma_start3A_175 : memref<128xi32, #tpu.memory_space<hbm>>) target(%arg14 : memref<128xi32, #tpu.memory_space<vmem>>) target_semaphore(%arg18 : memref<!tpu.dma_semaphore, #tpu.memory_space<semaphore_mem>>)
      } else {
      }
      %dma_wait3A_73 = arith.constant 0 : i32
      %dma_wait3A_74 = tpu.memref_slice %arg2[%dma_wait3A_73] : memref<327680xi32, #tpu.memory_space<hbm>> -> memref<128xi32, #tpu.memory_space<hbm>>
      %dma_wait3A_75 = arith.constant 0 : i32
      %dma_wait3A_76 = tpu.memref_slice %arg2[%dma_wait3A_75] : memref<327680xi32, #tpu.memory_space<hbm>> -> memref<128xi32, #tpu.memory_space<hbm>>
      tpu.wait_dma2 semaphore(%arg15 : memref<!tpu.dma_semaphore, #tpu.memory_space<semaphore_mem>>) src(%dma_wait3A_76 : memref<128xi32, #tpu.memory_space<hbm>>) dst(%arg7 : memref<128xi32, #tpu.memory_space<vmem>>)
      %dma_wait3A_77 = arith.constant 0 : i32
      %dma_wait3A_78 = tpu.memref_slice %arg3[%dma_wait3A_77] : memref<327680xi32, #tpu.memory_space<hbm>> -> memref<128xi32, #tpu.memory_space<hbm>>
      %dma_wait3A_79 = arith.constant 0 : i32
      %dma_wait3A_80 = tpu.memref_slice %arg3[%dma_wait3A_79] : memref<327680xi32, #tpu.memory_space<hbm>> -> memref<128xi32, #tpu.memory_space<hbm>>
      tpu.wait_dma2 semaphore(%arg15 : memref<!tpu.dma_semaphore, #tpu.memory_space<semaphore_mem>>) src(%dma_wait3A_80 : memref<128xi32, #tpu.memory_space<hbm>>) dst(%arg11 : memref<128xi32, #tpu.memory_space<vmem>>)
      %dma_wait3A_81 = arith.constant 0 : i32
      %dma_wait3A_82 = tpu.memref_slice %arg2[%dma_wait3A_81] : memref<327680xi32, #tpu.memory_space<hbm>> -> memref<128xi32, #tpu.memory_space<hbm>>
      %dma_wait3A_83 = arith.constant 0 : i32
      %dma_wait3A_84 = tpu.memref_slice %arg2[%dma_wait3A_83] : memref<327680xi32, #tpu.memory_space<hbm>> -> memref<128xi32, #tpu.memory_space<hbm>>
      tpu.wait_dma2 semaphore(%arg16 : memref<!tpu.dma_semaphore, #tpu.memory_space<semaphore_mem>>) src(%dma_wait3A_84 : memref<128xi32, #tpu.memory_space<hbm>>) dst(%arg8 : memref<128xi32, #tpu.memory_space<vmem>>)
      %dma_wait3A_85 = arith.constant 0 : i32
      %dma_wait3A_86 = tpu.memref_slice %arg3[%dma_wait3A_85] : memref<327680xi32, #tpu.memory_space<hbm>> -> memref<128xi32, #tpu.memory_space<hbm>>
      %dma_wait3A_87 = arith.constant 0 : i32
      %dma_wait3A_88 = tpu.memref_slice %arg3[%dma_wait3A_87] : memref<327680xi32, #tpu.memory_space<hbm>> -> memref<128xi32, #tpu.memory_space<hbm>>
      tpu.wait_dma2 semaphore(%arg16 : memref<!tpu.dma_semaphore, #tpu.memory_space<semaphore_mem>>) src(%dma_wait3A_88 : memref<128xi32, #tpu.memory_space<hbm>>) dst(%arg12 : memref<128xi32, #tpu.memory_space<vmem>>)
      %dma_start3A_89 = arith.constant 0 : i32
      %dma_start3A_90 = arith.constant 0 : i32
      %dma_start3A_91 = tpu.memref_slice %arg4[%dma_start3A_89, %dma_start3A_90] : memref<10240x128xf32, #tpu.memory_space<hbm>> -> memref<10240x128xf32, #tpu.memory_space<hbm>>
      tpu.enqueue_indirect_dma source(%dma_start3A_91 : memref<10240x128xf32, #tpu.memory_space<hbm>>) target(%arg19 : memref<128x128xf32, #tpu.memory_space<vmem>>) offsets(%arg7 : memref<128xi32, #tpu.memory_space<vmem>>) semaphore(%arg21 : memref<!tpu.dma_semaphore, #tpu.memory_space<semaphore_mem>>)
      %dma_start3A_92 = arith.constant 0 : i32
      %dma_start3A_93 = arith.constant 0 : i32
      %dma_start3A_94 = tpu.memref_slice %arg4[%dma_start3A_92, %dma_start3A_93] : memref<10240x128xf32, #tpu.memory_space<hbm>> -> memref<10240x128xf32, #tpu.memory_space<hbm>>
      tpu.enqueue_indirect_dma source(%dma_start3A_94 : memref<10240x128xf32, #tpu.memory_space<hbm>>) target(%arg20 : memref<128x128xf32, #tpu.memory_space<vmem>>) offsets(%arg8 : memref<128xi32, #tpu.memory_space<vmem>>) semaphore(%arg22 : memref<!tpu.dma_semaphore, #tpu.memory_space<semaphore_mem>>)
      %dma_wait3A_95 = arith.constant 0 : i32
      %dma_wait3A_96 = arith.constant 0 : i32
      %dma_wait3A_97 = tpu.memref_slice %arg4[%dma_wait3A_95, %dma_wait3A_96] : memref<10240x128xf32, #tpu.memory_space<hbm>> -> memref<10240x128xf32, #tpu.memory_space<hbm>>
      tpu.wait_indirect_dma semaphore(%arg21 : memref<!tpu.dma_semaphore, #tpu.memory_space<semaphore_mem>>) src(%dma_wait3A_97 : memref<10240x128xf32, #tpu.memory_space<hbm>>) dst(%arg19 : memref<128x128xf32, #tpu.memory_space<vmem>>)
      %dma_start3A_98 = arith.constant 0 : i32
      %dma_start3A_99 = arith.constant 0 : i32
      %dma_start3A_100 = tpu.memref_slice %arg25[%dma_start3A_98, %dma_start3A_99] : memref<10240x128xf32, #tpu.memory_space<vmem_shared>> -> memref<10240x128xf32, #tpu.memory_space<vmem_shared>>
      tpu.enqueue_indirect_dma source(%arg19 : memref<128x128xf32, #tpu.memory_space<vmem>>) target(%dma_start3A_100 : memref<10240x128xf32, #tpu.memory_space<vmem_shared>>) offsets(%arg11 : memref<128xi32, #tpu.memory_space<vmem>>) semaphore(%arg23 : memref<!tpu.dma_semaphore, #tpu.memory_space<semaphore_mem>>) {add = true}
      %dma_wait3A_101 = arith.constant 0 : i32
      %dma_wait3A_102 = arith.constant 0 : i32
      %dma_wait3A_103 = tpu.memref_slice %arg4[%dma_wait3A_101, %dma_wait3A_102] : memref<10240x128xf32, #tpu.memory_space<hbm>> -> memref<10240x128xf32, #tpu.memory_space<hbm>>
      tpu.wait_indirect_dma semaphore(%arg22 : memref<!tpu.dma_semaphore, #tpu.memory_space<semaphore_mem>>) src(%dma_wait3A_103 : memref<10240x128xf32, #tpu.memory_space<hbm>>) dst(%arg20 : memref<128x128xf32, #tpu.memory_space<vmem>>)
      %dma_start3A_104 = arith.constant 0 : i32
      %dma_start3A_105 = arith.constant 0 : i32
      %dma_start3A_106 = tpu.memref_slice %arg25[%dma_start3A_104, %dma_start3A_105] : memref<10240x128xf32, #tpu.memory_space<vmem_shared>> -> memref<10240x128xf32, #tpu.memory_space<vmem_shared>>
      tpu.enqueue_indirect_dma source(%arg20 : memref<128x128xf32, #tpu.memory_space<vmem>>) target(%dma_start3A_106 : memref<10240x128xf32, #tpu.memory_space<vmem_shared>>) offsets(%arg12 : memref<128xi32, #tpu.memory_space<vmem>>) semaphore(%arg24 : memref<!tpu.dma_semaphore, #tpu.memory_space<semaphore_mem>>) {add = true}
      %mul3A_107 = arith.constant 2 : i32
      %mul3A_108 = arith.muli %while3A_59, %mul3A_107 : i32
      %add3A_109 = arith.constant 1 : i32
      %add3A_110 = arith.addi %mul3A_108, %add3A_109 : i32
      %mul3A_111 = arith.constant 2 : i32
      %mul3A_112 = arith.muli %add3A_110, %mul3A_111 : i32
      %ge3A_113 = arith.constant 2 : i32
      %ge3A_114 = arith.cmpi sge, %mul3A_112, %ge3A_113 : i32
      %convert_element_type3A_115 = arith.extui %ge3A_114 : i1 to i32
      %cond3A_116 = arith.constant 0 : i32
      %cond3A_117 = arith.cmpi ne, %convert_element_type3A_115, %cond3A_116 : i32
      scf.if %cond3A_117 {
        %dma_wait3A_158 = arith.constant 0 : i32
        %dma_wait3A_159 = arith.constant 0 : i32
        %dma_wait3A_160 = tpu.memref_slice %arg25[%dma_wait3A_158, %dma_wait3A_159] : memref<10240x128xf32, #tpu.memory_space<vmem_shared>> -> memref<10240x128xf32, #tpu.memory_space<vmem_shared>>
        tpu.wait_indirect_dma semaphore(%arg23 : memref<!tpu.dma_semaphore, #tpu.memory_space<semaphore_mem>>) src(%arg19 : memref<128x128xf32, #tpu.memory_space<vmem>>) dst(%dma_wait3A_160 : memref<10240x128xf32, #tpu.memory_space<vmem_shared>>)
        %dma_wait3A_161 = arith.constant 0 : i32
        %dma_wait3A_162 = arith.constant 0 : i32
        %dma_wait3A_163 = tpu.memref_slice %arg25[%dma_wait3A_161, %dma_wait3A_162] : memref<10240x128xf32, #tpu.memory_space<vmem_shared>> -> memref<10240x128xf32, #tpu.memory_space<vmem_shared>>
        tpu.wait_indirect_dma semaphore(%arg24 : memref<!tpu.dma_semaphore, #tpu.memory_space<semaphore_mem>>) src(%arg20 : memref<128x128xf32, #tpu.memory_space<vmem>>) dst(%dma_wait3A_163 : memref<10240x128xf32, #tpu.memory_space<vmem_shared>>)
      } else {
      }
      %add3A_118 = arith.constant 2 : i32
      %add3A_119 = arith.addi %mul3A_112, %add3A_118 : i32
      %lt3A_120 = arith.cmpi slt, %add3A_119, %select_n3A_8 : i32
      %convert_element_type3A_121 = arith.extui %lt3A_120 : i1 to i32
      %cond3A_122 = arith.constant 0 : i32
      %cond3A_123 = arith.cmpi ne, %convert_element_type3A_121, %cond3A_122 : i32
      scf.if %cond3A_123 {
        %add3A_158 = arith.constant 2 : i32
        %add3A_159 = arith.addi %mul3A_112, %add3A_158 : i32
        %mul3A_160 = arith.constant 128 : i32
        %mul3A_161 = arith.muli %add3A_159, %mul3A_160 : i32
        %add3A_162 = arith.addi %select_n3A, %mul3A_161 : i32
        %dma_start3A_163 = tpu.memref_slice %arg2[%add3A_162] : memref<327680xi32, #tpu.memory_space<hbm>> -> memref<128xi32, #tpu.memory_space<hbm>>
        %dma_start3A_164 = tpu.memref_slice %arg2[%add3A_162] : memref<327680xi32, #tpu.memory_space<hbm>> -> memref<128xi32, #tpu.memory_space<hbm>>
        tpu.enqueue_dma source(%dma_start3A_164 : memref<128xi32, #tpu.memory_space<hbm>>) target(%arg7 : memref<128xi32, #tpu.memory_space<vmem>>) target_semaphore(%arg15 : memref<!tpu.dma_semaphore, #tpu.memory_space<semaphore_mem>>)
        %dma_start3A_165 = tpu.memref_slice %arg3[%add3A_162] : memref<327680xi32, #tpu.memory_space<hbm>> -> memref<128xi32, #tpu.memory_space<hbm>>
        %dma_start3A_166 = tpu.memref_slice %arg3[%add3A_162] : memref<327680xi32, #tpu.memory_space<hbm>> -> memref<128xi32, #tpu.memory_space<hbm>>
        tpu.enqueue_dma source(%dma_start3A_166 : memref<128xi32, #tpu.memory_space<hbm>>) target(%arg11 : memref<128xi32, #tpu.memory_space<vmem>>) target_semaphore(%arg15 : memref<!tpu.dma_semaphore, #tpu.memory_space<semaphore_mem>>)
        %add3A_167 = arith.constant 3 : i32
        %add3A_168 = arith.addi %mul3A_112, %add3A_167 : i32
        %mul3A_169 = arith.constant 128 : i32
        %mul3A_170 = arith.muli %add3A_168, %mul3A_169 : i32
        %add3A_171 = arith.addi %select_n3A, %mul3A_170 : i32
        %dma_start3A_172 = tpu.memref_slice %arg2[%add3A_171] : memref<327680xi32, #tpu.memory_space<hbm>> -> memref<128xi32, #tpu.memory_space<hbm>>
        %dma_start3A_173 = tpu.memref_slice %arg2[%add3A_171] : memref<327680xi32, #tpu.memory_space<hbm>> -> memref<128xi32, #tpu.memory_space<hbm>>
        tpu.enqueue_dma source(%dma_start3A_173 : memref<128xi32, #tpu.memory_space<hbm>>) target(%arg8 : memref<128xi32, #tpu.memory_space<vmem>>) target_semaphore(%arg16 : memref<!tpu.dma_semaphore, #tpu.memory_space<semaphore_mem>>)
        %dma_start3A_174 = tpu.memref_slice %arg3[%add3A_171] : memref<327680xi32, #tpu.memory_space<hbm>> -> memref<128xi32, #tpu.memory_space<hbm>>
        %dma_start3A_175 = tpu.memref_slice %arg3[%add3A_171] : memref<327680xi32, #tpu.memory_space<hbm>> -> memref<128xi32, #tpu.memory_space<hbm>>
        tpu.enqueue_dma source(%dma_start3A_175 : memref<128xi32, #tpu.memory_space<hbm>>) target(%arg12 : memref<128xi32, #tpu.memory_space<vmem>>) target_semaphore(%arg16 : memref<!tpu.dma_semaphore, #tpu.memory_space<semaphore_mem>>)
      } else {
      }
      %dma_wait3A_124 = arith.constant 0 : i32
      %dma_wait3A_125 = tpu.memref_slice %arg2[%dma_wait3A_124] : memref<327680xi32, #tpu.memory_space<hbm>> -> memref<128xi32, #tpu.memory_space<hbm>>
      %dma_wait3A_126 = arith.constant 0 : i32
      %dma_wait3A_127 = tpu.memref_slice %arg2[%dma_wait3A_126] : memref<327680xi32, #tpu.memory_space<hbm>> -> memref<128xi32, #tpu.memory_space<hbm>>
      tpu.wait_dma2 semaphore(%arg17 : memref<!tpu.dma_semaphore, #tpu.memory_space<semaphore_mem>>) src(%dma_wait3A_127 : memref<128xi32, #tpu.memory_space<hbm>>) dst(%arg9 : memref<128xi32, #tpu.memory_space<vmem>>)
      %dma_wait3A_128 = arith.constant 0 : i32
      %dma_wait3A_129 = tpu.memref_slice %arg3[%dma_wait3A_128] : memref<327680xi32, #tpu.memory_space<hbm>> -> memref<128xi32, #tpu.memory_space<hbm>>
      %dma_wait3A_130 = arith.constant 0 : i32
      %dma_wait3A_131 = tpu.memref_slice %arg3[%dma_wait3A_130] : memref<327680xi32, #tpu.memory_space<hbm>> -> memref<128xi32, #tpu.memory_space<hbm>>
      tpu.wait_dma2 semaphore(%arg17 : memref<!tpu.dma_semaphore, #tpu.memory_space<semaphore_mem>>) src(%dma_wait3A_131 : memref<128xi32, #tpu.memory_space<hbm>>) dst(%arg13 : memref<128xi32, #tpu.memory_space<vmem>>)
      %dma_wait3A_132 = arith.constant 0 : i32
      %dma_wait3A_133 = tpu.memref_slice %arg2[%dma_wait3A_132] : memref<327680xi32, #tpu.memory_space<hbm>> -> memref<128xi32, #tpu.memory_space<hbm>>
      %dma_wait3A_134 = arith.constant 0 : i32
      %dma_wait3A_135 = tpu.memref_slice %arg2[%dma_wait3A_134] : memref<327680xi32, #tpu.memory_space<hbm>> -> memref<128xi32, #tpu.memory_space<hbm>>
      tpu.wait_dma2 semaphore(%arg18 : memref<!tpu.dma_semaphore, #tpu.memory_space<semaphore_mem>>) src(%dma_wait3A_135 : memref<128xi32, #tpu.memory_space<hbm>>) dst(%arg10 : memref<128xi32, #tpu.memory_space<vmem>>)
      %dma_wait3A_136 = arith.constant 0 : i32
      %dma_wait3A_137 = tpu.memref_slice %arg3[%dma_wait3A_136] : memref<327680xi32, #tpu.memory_space<hbm>> -> memref<128xi32, #tpu.memory_space<hbm>>
      %dma_wait3A_138 = arith.constant 0 : i32
      %dma_wait3A_139 = tpu.memref_slice %arg3[%dma_wait3A_138] : memref<327680xi32, #tpu.memory_space<hbm>> -> memref<128xi32, #tpu.memory_space<hbm>>
      tpu.wait_dma2 semaphore(%arg18 : memref<!tpu.dma_semaphore, #tpu.memory_space<semaphore_mem>>) src(%dma_wait3A_139 : memref<128xi32, #tpu.memory_space<hbm>>) dst(%arg14 : memref<128xi32, #tpu.memory_space<vmem>>)
      %dma_start3A_140 = arith.constant 0 : i32
      %dma_start3A_141 = arith.constant 0 : i32
      %dma_start3A_142 = tpu.memref_slice %arg4[%dma_start3A_140, %dma_start3A_141] : memref<10240x128xf32, #tpu.memory_space<hbm>> -> memref<10240x128xf32, #tpu.memory_space<hbm>>
      tpu.enqueue_indirect_dma source(%dma_start3A_142 : memref<10240x128xf32, #tpu.memory_space<hbm>>) target(%arg19 : memref<128x128xf32, #tpu.memory_space<vmem>>) offsets(%arg9 : memref<128xi32, #tpu.memory_space<vmem>>) semaphore(%arg21 : memref<!tpu.dma_semaphore, #tpu.memory_space<semaphore_mem>>)
      %dma_start3A_143 = arith.constant 0 : i32
      %dma_start3A_144 = arith.constant 0 : i32
      %dma_start3A_145 = tpu.memref_slice %arg4[%dma_start3A_143, %dma_start3A_144] : memref<10240x128xf32, #tpu.memory_space<hbm>> -> memref<10240x128xf32, #tpu.memory_space<hbm>>
      tpu.enqueue_indirect_dma source(%dma_start3A_145 : memref<10240x128xf32, #tpu.memory_space<hbm>>) target(%arg20 : memref<128x128xf32, #tpu.memory_space<vmem>>) offsets(%arg10 : memref<128xi32, #tpu.memory_space<vmem>>) semaphore(%arg22 : memref<!tpu.dma_semaphore, #tpu.memory_space<semaphore_mem>>)
      %dma_wait3A_146 = arith.constant 0 : i32
      %dma_wait3A_147 = arith.constant 0 : i32
      %dma_wait3A_148 = tpu.memref_slice %arg4[%dma_wait3A_146, %dma_wait3A_147] : memref<10240x128xf32, #tpu.memory_space<hbm>> -> memref<10240x128xf32, #tpu.memory_space<hbm>>
      tpu.wait_indirect_dma semaphore(%arg21 : memref<!tpu.dma_semaphore, #tpu.memory_space<semaphore_mem>>) src(%dma_wait3A_148 : memref<10240x128xf32, #tpu.memory_space<hbm>>) dst(%arg19 : memref<128x128xf32, #tpu.memory_space<vmem>>)
      %dma_start3A_149 = arith.constant 0 : i32
      %dma_start3A_150 = arith.constant 0 : i32
      %dma_start3A_151 = tpu.memref_slice %arg25[%dma_start3A_149, %dma_start3A_150] : memref<10240x128xf32, #tpu.memory_space<vmem_shared>> -> memref<10240x128xf32, #tpu.memory_space<vmem_shared>>
      tpu.enqueue_indirect_dma source(%arg19 : memref<128x128xf32, #tpu.memory_space<vmem>>) target(%dma_start3A_151 : memref<10240x128xf32, #tpu.memory_space<vmem_shared>>) offsets(%arg13 : memref<128xi32, #tpu.memory_space<vmem>>) semaphore(%arg23 : memref<!tpu.dma_semaphore, #tpu.memory_space<semaphore_mem>>) {add = true}
      %dma_wait3A_152 = arith.constant 0 : i32
      %dma_wait3A_153 = arith.constant 0 : i32
      %dma_wait3A_154 = tpu.memref_slice %arg4[%dma_wait3A_152, %dma_wait3A_153] : memref<10240x128xf32, #tpu.memory_space<hbm>> -> memref<10240x128xf32, #tpu.memory_space<hbm>>
      tpu.wait_indirect_dma semaphore(%arg22 : memref<!tpu.dma_semaphore, #tpu.memory_space<semaphore_mem>>) src(%dma_wait3A_154 : memref<10240x128xf32, #tpu.memory_space<hbm>>) dst(%arg20 : memref<128x128xf32, #tpu.memory_space<vmem>>)
      %dma_start3A_155 = arith.constant 0 : i32
      %dma_start3A_156 = arith.constant 0 : i32
      %dma_start3A_157 = tpu.memref_slice %arg25[%dma_start3A_155, %dma_start3A_156] : memref<10240x128xf32, #tpu.memory_space<vmem_shared>> -> memref<10240x128xf32, #tpu.memory_space<vmem_shared>>
      tpu.enqueue_indirect_dma source(%arg20 : memref<128x128xf32, #tpu.memory_space<vmem>>) target(%dma_start3A_157 : memref<10240x128xf32, #tpu.memory_space<vmem_shared>>) offsets(%arg14 : memref<128xi32, #tpu.memory_space<vmem>>) semaphore(%arg24 : memref<!tpu.dma_semaphore, #tpu.memory_space<semaphore_mem>>) {add = true}
    }
    %dma_wait3A = arith.constant 0 : i32
    %dma_wait3A_49 = arith.constant 0 : i32
    %dma_wait3A_50 = tpu.memref_slice %arg25[%dma_wait3A, %dma_wait3A_49] : memref<10240x128xf32, #tpu.memory_space<vmem_shared>> -> memref<10240x128xf32, #tpu.memory_space<vmem_shared>>
    tpu.wait_indirect_dma semaphore(%arg23 : memref<!tpu.dma_semaphore, #tpu.memory_space<semaphore_mem>>) src(%arg19 : memref<128x128xf32, #tpu.memory_space<vmem>>) dst(%dma_wait3A_50 : memref<10240x128xf32, #tpu.memory_space<vmem_shared>>)
    %dma_wait3A_51 = arith.constant 0 : i32
    %dma_wait3A_52 = arith.constant 0 : i32
    %dma_wait3A_53 = tpu.memref_slice %arg25[%dma_wait3A_51, %dma_wait3A_52] : memref<10240x128xf32, #tpu.memory_space<vmem_shared>> -> memref<10240x128xf32, #tpu.memory_space<vmem_shared>>
    tpu.wait_indirect_dma semaphore(%arg24 : memref<!tpu.dma_semaphore, #tpu.memory_space<semaphore_mem>>) src(%arg20 : memref<128x128xf32, #tpu.memory_space<vmem>>) dst(%dma_wait3A_53 : memref<10240x128xf32, #tpu.memory_space<vmem_shared>>)
    %barrier3A_54 = arith.constant 0 : index
    tpu.barrier barrier_id(%barrier3A_54)
    %mul3A_55 = arith.constant 640 : i32
    %mul3A_56 = arith.muli %arg1, %mul3A_55 : i32
    %mul3A_57 = arith.constant 640 : i32
    %mul3A_58 = arith.muli %arg1, %mul3A_57 : i32
    "tpu.region"() ({
      %run_scoped3A = tpu.sem_alloc : memref<!tpu.dma_semaphore, #tpu.memory_space<semaphore_mem>>
      %dma_start3A_59 = arith.constant 0 : i32
      %dma_start3A_60 = tpu.memref_slice %arg6[%arg0, %mul3A_58, %dma_start3A_59] : memref<2x10240x128xf32, #tpu.memory_space<hbm>> -> memref<1x640x128xf32, #tpu.memory_space<hbm>>
      %dma_start3A_61 = tpu.memref_squeeze %dma_start3A_60 : memref<1x640x128xf32, #tpu.memory_space<hbm>> -> memref<640x128xf32, #tpu.memory_space<hbm>>
      %dma_start3A_62 = arith.constant 0 : i32
      %dma_start3A_63 = tpu.memref_slice %arg25[%mul3A_56, %dma_start3A_62] : memref<10240x128xf32, #tpu.memory_space<vmem_shared>> -> memref<640x128xf32, #tpu.memory_space<vmem_shared>>
      tpu.enqueue_dma source(%dma_start3A_63 : memref<640x128xf32, #tpu.memory_space<vmem_shared>>) target(%dma_start3A_61 : memref<640x128xf32, #tpu.memory_space<hbm>>) target_semaphore(%run_scoped3A : memref<!tpu.dma_semaphore, #tpu.memory_space<semaphore_mem>>)
      %dma_wait3A_64 = arith.constant 0 : i32
      %dma_wait3A_65 = tpu.memref_slice %arg6[%arg0, %mul3A_58, %dma_wait3A_64] : memref<2x10240x128xf32, #tpu.memory_space<hbm>> -> memref<1x640x128xf32, #tpu.memory_space<hbm>>
      %dma_wait3A_66 = tpu.memref_squeeze %dma_wait3A_65 : memref<1x640x128xf32, #tpu.memory_space<hbm>> -> memref<640x128xf32, #tpu.memory_space<hbm>>
      %dma_wait3A_67 = arith.constant 0 : i32
      %dma_wait3A_68 = tpu.memref_slice %arg25[%mul3A_56, %dma_wait3A_67] : memref<10240x128xf32, #tpu.memory_space<vmem_shared>> -> memref<640x128xf32, #tpu.memory_space<vmem_shared>>
      tpu.wait_dma2 semaphore(%run_scoped3A : memref<!tpu.dma_semaphore, #tpu.memory_space<semaphore_mem>>) src(%dma_wait3A_68 : memref<640x128xf32, #tpu.memory_space<vmem_shared>>) dst(%dma_wait3A_66 : memref<640x128xf32, #tpu.memory_space<hbm>>)
      tpu.yield
    }) : () -> ()
    return
  }
}

#map = affine_map<(d0, d1) -> (0)>
#map1 = affine_map<(d0, d1) -> (0, 0)>
#map2 = affine_map<(d0, d1) -> (0, 0, 0)>
module attributes {stable_mosaic.version = 14 : i64} {
  func.func @sc_scatter(%arg0: i32, %arg1: i32, %arg2: memref<327680xi32, #tpu.memory_space<hbm>>, %arg3: memref<327680xi32, #tpu.memory_space<hbm>>, %arg4: memref<10240x128xf32, #tpu.memory_space<hbm>>, %arg5: memref<640x128xf32, #tpu.memory_space<hbm>>, %arg6: memref<2x10240x128xf32, #tpu.memory_space<hbm>>, %arg7: memref<128xi32, #tpu.memory_space<vmem>>, %arg8: memref<128xi32, #tpu.memory_space<vmem>>, %arg9: memref<128xi32, #tpu.memory_space<vmem>>, %arg10: memref<128xi32, #tpu.memory_space<vmem>>, %arg11: memref<128xi32, #tpu.memory_space<vmem>>, %arg12: memref<128xi32, #tpu.memory_space<vmem>>, %arg13: memref<128xi32, #tpu.memory_space<vmem>>, %arg14: memref<128xi32, #tpu.memory_space<vmem>>, %arg15: memref<!tpu.dma_semaphore, #tpu.memory_space<semaphore_mem>>, %arg16: memref<!tpu.dma_semaphore, #tpu.memory_space<semaphore_mem>>, %arg17: memref<!tpu.dma_semaphore, #tpu.memory_space<semaphore_mem>>, %arg18: memref<!tpu.dma_semaphore, #tpu.memory_space<semaphore_mem>>, %arg19: memref<128x128xf32, #tpu.memory_space<vmem>>, %arg20: memref<128x128xf32, #tpu.memory_space<vmem>>, %arg21: memref<!tpu.dma_semaphore, #tpu.memory_space<semaphore_mem>>, %arg22: memref<!tpu.dma_semaphore, #tpu.memory_space<semaphore_mem>>, %arg23: memref<!tpu.dma_semaphore, #tpu.memory_space<semaphore_mem>>, %arg24: memref<!tpu.dma_semaphore, #tpu.memory_space<semaphore_mem>>, %arg25: memref<10240x128xf32, #tpu.memory_space<vmem_shared>>) attributes {dimension_semantics = [#tpu.dimension_semantics<core_parallel>, #tpu.dimension_semantics<subcore_parallel>], iteration_bounds = array<i64: 2, 16>, scalar_prefetch = 0 : i64, scratch_operands = 19 : i64, tpu.core_type = #tpu.core_type<sc_vector_subcore>, window_params = [{transform_indices = #map}, {transform_indices = #map}, {transform_indices = #map1}, {transform_indices = #map1}, {transform_indices = #map2}]} {
    %eq3A = arith.constant 0 : i32
    %eq3A_0 = arith.cmpi eq, %arg0, %eq3A : i32
    %mul3A = arith.constant 19456 : i32
    %mul3A_1 = arith.muli %arg1, %mul3A : i32
    %mul3A_2 = arith.constant 1024 : i32
    %mul3A_3 = arith.muli %arg1, %mul3A_2 : i32
    %add3A = arith.constant 311296 : i32
    %add3A_4 = arith.addi %add3A, %mul3A_3 : i32
    %select_n3A = arith.select %eq3A_0, %mul3A_1, %add3A_4 : i32
    %eq3A_5 = arith.constant 0 : i32
    %eq3A_6 = arith.cmpi eq, %arg0, %eq3A_5 : i32
    %jit3A = arith.constant 152 : i32
    %jit3A_7 = arith.constant 8 : i32
    %select_n3A_8 = arith.select %eq3A_6, %jit3A, %jit3A_7 : i32
    %mul3A_9 = arith.constant 640 : i32
    %mul3A_10 = arith.muli %arg1, %mul3A_9 : i32
    "tpu.region"() ({
      %run_scoped3A = tpu.sem_alloc : memref<!tpu.dma_semaphore, #tpu.memory_space<semaphore_mem>>
      %dma_start3A_59 = arith.constant 0 : i32
      %dma_start3A_60 = tpu.memref_slice %arg25[%mul3A_10, %dma_start3A_59] : memref<10240x128xf32, #tpu.memory_space<vmem_shared>> -> memref<640x128xf32, #tpu.memory_space<vmem_shared>>
      tpu.enqueue_dma source(%arg5 : memref<640x128xf32, #tpu.memory_space<hbm>>) target(%dma_start3A_60 : memref<640x128xf32, #tpu.memory_space<vmem_shared>>) target_semaphore(%run_scoped3A : memref<!tpu.dma_semaphore, #tpu.memory_space<semaphore_mem>>)
      %dma_wait3A_61 = arith.constant 0 : i32
      %dma_wait3A_62 = tpu.memref_slice %arg25[%mul3A_10, %dma_wait3A_61] : memref<10240x128xf32, #tpu.memory_space<vmem_shared>> -> memref<640x128xf32, #tpu.memory_space<vmem_shared>>
      tpu.wait_dma2 semaphore(%run_scoped3A : memref<!tpu.dma_semaphore, #tpu.memory_space<semaphore_mem>>) src(%arg5 : memref<640x128xf32, #tpu.memory_space<hbm>>) dst(%dma_wait3A_62 : memref<640x128xf32, #tpu.memory_space<vmem_shared>>)
      tpu.yield
    }) : () -> ()
    %barrier3A = arith.constant 0 : index
    tpu.barrier barrier_id(%barrier3A)
    %add3A_11 = arith.constant 0 : i32
    %add3A_12 = arith.addi %select_n3A, %add3A_11 : i32
    %dma_start3A = tpu.memref_slice %arg2[%add3A_12] : memref<327680xi32, #tpu.memory_space<hbm>> -> memref<128xi32, #tpu.memory_space<hbm>>
    %dma_start3A_13 = tpu.memref_slice %arg2[%add3A_12] : memref<327680xi32, #tpu.memory_space<hbm>> -> memref<128xi32, #tpu.memory_space<hbm>>
    tpu.enqueue_dma source(%dma_start3A_13 : memref<128xi32, #tpu.memory_space<hbm>>) target(%arg7 : memref<128xi32, #tpu.memory_space<vmem>>) target_semaphore(%arg15 : memref<!tpu.dma_semaphore, #tpu.memory_space<semaphore_mem>>)
    %dma_start3A_14 = tpu.memref_slice %arg3[%add3A_12] : memref<327680xi32, #tpu.memory_space<hbm>> -> memref<128xi32, #tpu.memory_space<hbm>>
    %dma_start3A_15 = tpu.memref_slice %arg3[%add3A_12] : memref<327680xi32, #tpu.memory_space<hbm>> -> memref<128xi32, #tpu.memory_space<hbm>>
    tpu.enqueue_dma source(%dma_start3A_15 : memref<128xi32, #tpu.memory_space<hbm>>) target(%arg11 : memref<128xi32, #tpu.memory_space<vmem>>) target_semaphore(%arg15 : memref<!tpu.dma_semaphore, #tpu.memory_space<semaphore_mem>>)
    %add3A_16 = arith.constant 128 : i32
    %add3A_17 = arith.addi %select_n3A, %add3A_16 : i32
    %dma_start3A_18 = tpu.memref_slice %arg2[%add3A_17] : memref<327680xi32, #tpu.memory_space<hbm>> -> memref<128xi32, #tpu.memory_space<hbm>>
    %dma_start3A_19 = tpu.memref_slice %arg2[%add3A_17] : memref<327680xi32, #tpu.memory_space<hbm>> -> memref<128xi32, #tpu.memory_space<hbm>>
    tpu.enqueue_dma source(%dma_start3A_19 : memref<128xi32, #tpu.memory_space<hbm>>) target(%arg8 : memref<128xi32, #tpu.memory_space<vmem>>) target_semaphore(%arg16 : memref<!tpu.dma_semaphore, #tpu.memory_space<semaphore_mem>>)
    %dma_start3A_20 = tpu.memref_slice %arg3[%add3A_17] : memref<327680xi32, #tpu.memory_space<hbm>> -> memref<128xi32, #tpu.memory_space<hbm>>
    %dma_start3A_21 = tpu.memref_slice %arg3[%add3A_17] : memref<327680xi32, #tpu.memory_space<hbm>> -> memref<128xi32, #tpu.memory_space<hbm>>
    tpu.enqueue_dma source(%dma_start3A_21 : memref<128xi32, #tpu.memory_space<hbm>>) target(%arg12 : memref<128xi32, #tpu.memory_space<vmem>>) target_semaphore(%arg16 : memref<!tpu.dma_semaphore, #tpu.memory_space<semaphore_mem>>)
    %jit3A_22 = arith.constant 4 : i32
    %div3A = arith.divsi %select_n3A_8, %jit3A_22 : i32
    %sign3A = arith.constant 0 : i32
    %sign3A_23 = arith.cmpi sgt, %select_n3A_8, %sign3A : i32
    %sign3A_24 = arith.extui %sign3A_23 : i1 to i32
    %sign3A_25 = arith.constant 0 : i32
    %sign3A_26 = arith.cmpi slt, %select_n3A_8, %sign3A_25 : i32
    %sign3A_27 = arith.extui %sign3A_26 : i1 to i32
    %sign3A_28 = arith.subi %sign3A_24, %sign3A_27 : i32
    %sign3A_29 = arith.constant 0 : i32
    %sign3A_30 = arith.cmpi sgt, %jit3A_22, %sign3A_29 : i32
    %sign3A_31 = arith.extui %sign3A_30 : i1 to i32
    %sign3A_32 = arith.constant 0 : i32
    %sign3A_33 = arith.cmpi slt, %jit3A_22, %sign3A_32 : i32
    %sign3A_34 = arith.extui %sign3A_33 : i1 to i32
    %sign3A_35 = arith.subi %sign3A_31, %sign3A_34 : i32
    %ne3A = arith.cmpi ne, %sign3A_28, %sign3A_35 : i32
    %rem3A = arith.remsi %select_n3A_8, %jit3A_22 : i32
    %ne3A_36 = arith.constant 0 : i32
    %ne3A_37 = arith.cmpi ne, %rem3A, %ne3A_36 : i32
    %and3A = arith.andi %ne3A, %ne3A_37 : i1
    %sub3A = arith.constant 1 : i32
    %sub3A_38 = arith.subi %div3A, %sub3A : i32
    %select_n3A_39 = arith.select %and3A, %sub3A_38, %div3A : i32
    %while3A = arith.constant 0 : i32
    %while3A_40 = arith.constant 0 : i32
    %while3A_41 = arith.subi %select_n3A_39, %while3A_40 : i32
    %while3A_42 = arith.addi %while3A_40, %while3A_41 : i32
    %while3A_43 = arith.constant 1 : i32
    %while3A_44 = arith.divsi %while3A_41, %while3A_43 : i32
    %while3A_45 = arith.muli %while3A_44, %while3A_43 : i32
    %while3A_46 = arith.addi %while3A_40, %while3A_45 : i32
    %while3A_47 = arith.constant 1 : i32
    scf.for %while3A_59 = %while3A_40 to %while3A_46 step %while3A_47  : i32 {
      %mul3A_60 = arith.constant 2 : i32
      %mul3A_61 = arith.muli %while3A_59, %mul3A_60 : i32
      %add3A_62 = arith.constant 0 : i32
      %add3A_63 = arith.addi %mul3A_61, %add3A_62 : i32
      %mul3A_64 = arith.constant 2 : i32
      %mul3A_65 = arith.muli %add3A_63, %mul3A_64 : i32
      %ge3A = arith.constant 2 : i32
      %ge3A_66 = arith.cmpi sge, %mul3A_65, %ge3A : i32
      %convert_element_type3A = arith.extui %ge3A_66 : i1 to i32
      %cond3A = arith.constant 0 : i32
      %cond3A_67 = arith.cmpi ne, %convert_element_type3A, %cond3A : i32
      scf.if %cond3A_67 {
        %dma_wait3A_158 = arith.constant 0 : i32
        %dma_wait3A_159 = arith.constant 0 : i32
        %dma_wait3A_160 = tpu.memref_slice %arg25[%dma_wait3A_158, %dma_wait3A_159] : memref<10240x128xf32, #tpu.memory_space<vmem_shared>> -> memref<10240x128xf32, #tpu.memory_space<vmem_shared>>
        tpu.wait_indirect_dma semaphore(%arg23 : memref<!tpu.dma_semaphore, #tpu.memory_space<semaphore_mem>>) src(%arg19 : memref<128x128xf32, #tpu.memory_space<vmem>>) dst(%dma_wait3A_160 : memref<10240x128xf32, #tpu.memory_space<vmem_shared>>)
        %dma_wait3A_161 = arith.constant 0 : i32
        %dma_wait3A_162 = arith.constant 0 : i32
        %dma_wait3A_163 = tpu.memref_slice %arg25[%dma_wait3A_161, %dma_wait3A_162] : memref<10240x128xf32, #tpu.memory_space<vmem_shared>> -> memref<10240x128xf32, #tpu.memory_space<vmem_shared>>
        tpu.wait_indirect_dma semaphore(%arg24 : memref<!tpu.dma_semaphore, #tpu.memory_space<semaphore_mem>>) src(%arg20 : memref<128x128xf32, #tpu.memory_space<vmem>>) dst(%dma_wait3A_163 : memref<10240x128xf32, #tpu.memory_space<vmem_shared>>)
      } else {
      }
      %add3A_68 = arith.constant 2 : i32
      %add3A_69 = arith.addi %mul3A_65, %add3A_68 : i32
      %lt3A = arith.cmpi slt, %add3A_69, %select_n3A_8 : i32
      %convert_element_type3A_70 = arith.extui %lt3A : i1 to i32
      %cond3A_71 = arith.constant 0 : i32
      %cond3A_72 = arith.cmpi ne, %convert_element_type3A_70, %cond3A_71 : i32
      scf.if %cond3A_72 {
        %add3A_158 = arith.constant 2 : i32
        %add3A_159 = arith.addi %mul3A_65, %add3A_158 : i32
        %mul3A_160 = arith.constant 128 : i32
        %mul3A_161 = arith.muli %add3A_159, %mul3A_160 : i32
        %add3A_162 = arith.addi %select_n3A, %mul3A_161 : i32
        %dma_start3A_163 = tpu.memref_slice %arg2[%add3A_162] : memref<327680xi32, #tpu.memory_space<hbm>> -> memref<128xi32, #tpu.memory_space<hbm>>
        %dma_start3A_164 = tpu.memref_slice %arg2[%add3A_162] : memref<327680xi32, #tpu.memory_space<hbm>> -> memref<128xi32, #tpu.memory_space<hbm>>
        tpu.enqueue_dma source(%dma_start3A_164 : memref<128xi32, #tpu.memory_space<hbm>>) target(%arg9 : memref<128xi32, #tpu.memory_space<vmem>>) target_semaphore(%arg17 : memref<!tpu.dma_semaphore, #tpu.memory_space<semaphore_mem>>)
        %dma_start3A_165 = tpu.memref_slice %arg3[%add3A_162] : memref<327680xi32, #tpu.memory_space<hbm>> -> memref<128xi32, #tpu.memory_space<hbm>>
        %dma_start3A_166 = tpu.memref_slice %arg3[%add3A_162] : memref<327680xi32, #tpu.memory_space<hbm>> -> memref<128xi32, #tpu.memory_space<hbm>>
        tpu.enqueue_dma source(%dma_start3A_166 : memref<128xi32, #tpu.memory_space<hbm>>) target(%arg13 : memref<128xi32, #tpu.memory_space<vmem>>) target_semaphore(%arg17 : memref<!tpu.dma_semaphore, #tpu.memory_space<semaphore_mem>>)
        %add3A_167 = arith.constant 3 : i32
        %add3A_168 = arith.addi %mul3A_65, %add3A_167 : i32
        %mul3A_169 = arith.constant 128 : i32
        %mul3A_170 = arith.muli %add3A_168, %mul3A_169 : i32
        %add3A_171 = arith.addi %select_n3A, %mul3A_170 : i32
        %dma_start3A_172 = tpu.memref_slice %arg2[%add3A_171] : memref<327680xi32, #tpu.memory_space<hbm>> -> memref<128xi32, #tpu.memory_space<hbm>>
        %dma_start3A_173 = tpu.memref_slice %arg2[%add3A_171] : memref<327680xi32, #tpu.memory_space<hbm>> -> memref<128xi32, #tpu.memory_space<hbm>>
        tpu.enqueue_dma source(%dma_start3A_173 : memref<128xi32, #tpu.memory_space<hbm>>) target(%arg10 : memref<128xi32, #tpu.memory_space<vmem>>) target_semaphore(%arg18 : memref<!tpu.dma_semaphore, #tpu.memory_space<semaphore_mem>>)
        %dma_start3A_174 = tpu.memref_slice %arg3[%add3A_171] : memref<327680xi32, #tpu.memory_space<hbm>> -> memref<128xi32, #tpu.memory_space<hbm>>
        %dma_start3A_175 = tpu.memref_slice %arg3[%add3A_171] : memref<327680xi32, #tpu.memory_space<hbm>> -> memref<128xi32, #tpu.memory_space<hbm>>
        tpu.enqueue_dma source(%dma_start3A_175 : memref<128xi32, #tpu.memory_space<hbm>>) target(%arg14 : memref<128xi32, #tpu.memory_space<vmem>>) target_semaphore(%arg18 : memref<!tpu.dma_semaphore, #tpu.memory_space<semaphore_mem>>)
      } else {
      }
      %dma_wait3A_73 = arith.constant 0 : i32
      %dma_wait3A_74 = tpu.memref_slice %arg2[%dma_wait3A_73] : memref<327680xi32, #tpu.memory_space<hbm>> -> memref<128xi32, #tpu.memory_space<hbm>>
      %dma_wait3A_75 = arith.constant 0 : i32
      %dma_wait3A_76 = tpu.memref_slice %arg2[%dma_wait3A_75] : memref<327680xi32, #tpu.memory_space<hbm>> -> memref<128xi32, #tpu.memory_space<hbm>>
      tpu.wait_dma2 semaphore(%arg15 : memref<!tpu.dma_semaphore, #tpu.memory_space<semaphore_mem>>) src(%dma_wait3A_76 : memref<128xi32, #tpu.memory_space<hbm>>) dst(%arg7 : memref<128xi32, #tpu.memory_space<vmem>>)
      %dma_wait3A_77 = arith.constant 0 : i32
      %dma_wait3A_78 = tpu.memref_slice %arg3[%dma_wait3A_77] : memref<327680xi32, #tpu.memory_space<hbm>> -> memref<128xi32, #tpu.memory_space<hbm>>
      %dma_wait3A_79 = arith.constant 0 : i32
      %dma_wait3A_80 = tpu.memref_slice %arg3[%dma_wait3A_79] : memref<327680xi32, #tpu.memory_space<hbm>> -> memref<128xi32, #tpu.memory_space<hbm>>
      tpu.wait_dma2 semaphore(%arg15 : memref<!tpu.dma_semaphore, #tpu.memory_space<semaphore_mem>>) src(%dma_wait3A_80 : memref<128xi32, #tpu.memory_space<hbm>>) dst(%arg11 : memref<128xi32, #tpu.memory_space<vmem>>)
      %dma_wait3A_81 = arith.constant 0 : i32
      %dma_wait3A_82 = tpu.memref_slice %arg2[%dma_wait3A_81] : memref<327680xi32, #tpu.memory_space<hbm>> -> memref<128xi32, #tpu.memory_space<hbm>>
      %dma_wait3A_83 = arith.constant 0 : i32
      %dma_wait3A_84 = tpu.memref_slice %arg2[%dma_wait3A_83] : memref<327680xi32, #tpu.memory_space<hbm>> -> memref<128xi32, #tpu.memory_space<hbm>>
      tpu.wait_dma2 semaphore(%arg16 : memref<!tpu.dma_semaphore, #tpu.memory_space<semaphore_mem>>) src(%dma_wait3A_84 : memref<128xi32, #tpu.memory_space<hbm>>) dst(%arg8 : memref<128xi32, #tpu.memory_space<vmem>>)
      %dma_wait3A_85 = arith.constant 0 : i32
      %dma_wait3A_86 = tpu.memref_slice %arg3[%dma_wait3A_85] : memref<327680xi32, #tpu.memory_space<hbm>> -> memref<128xi32, #tpu.memory_space<hbm>>
      %dma_wait3A_87 = arith.constant 0 : i32
      %dma_wait3A_88 = tpu.memref_slice %arg3[%dma_wait3A_87] : memref<327680xi32, #tpu.memory_space<hbm>> -> memref<128xi32, #tpu.memory_space<hbm>>
      tpu.wait_dma2 semaphore(%arg16 : memref<!tpu.dma_semaphore, #tpu.memory_space<semaphore_mem>>) src(%dma_wait3A_88 : memref<128xi32, #tpu.memory_space<hbm>>) dst(%arg12 : memref<128xi32, #tpu.memory_space<vmem>>)
      %dma_start3A_89 = arith.constant 0 : i32
      %dma_start3A_90 = arith.constant 0 : i32
      %dma_start3A_91 = tpu.memref_slice %arg4[%dma_start3A_89, %dma_start3A_90] : memref<10240x128xf32, #tpu.memory_space<hbm>> -> memref<10240x128xf32, #tpu.memory_space<hbm>>
      tpu.enqueue_indirect_dma source(%dma_start3A_91 : memref<10240x128xf32, #tpu.memory_space<hbm>>) target(%arg19 : memref<128x128xf32, #tpu.memory_space<vmem>>) offsets(%arg7 : memref<128xi32, #tpu.memory_space<vmem>>) semaphore(%arg21 : memref<!tpu.dma_semaphore, #tpu.memory_space<semaphore_mem>>)
      %dma_start3A_92 = arith.constant 0 : i32
      %dma_start3A_93 = arith.constant 0 : i32
      %dma_start3A_94 = tpu.memref_slice %arg4[%dma_start3A_92, %dma_start3A_93] : memref<10240x128xf32, #tpu.memory_space<hbm>> -> memref<10240x128xf32, #tpu.memory_space<hbm>>
      tpu.enqueue_indirect_dma source(%dma_start3A_94 : memref<10240x128xf32, #tpu.memory_space<hbm>>) target(%arg20 : memref<128x128xf32, #tpu.memory_space<vmem>>) offsets(%arg8 : memref<128xi32, #tpu.memory_space<vmem>>) semaphore(%arg22 : memref<!tpu.dma_semaphore, #tpu.memory_space<semaphore_mem>>)
      %dma_wait3A_95 = arith.constant 0 : i32
      %dma_wait3A_96 = arith.constant 0 : i32
      %dma_wait3A_97 = tpu.memref_slice %arg4[%dma_wait3A_95, %dma_wait3A_96] : memref<10240x128xf32, #tpu.memory_space<hbm>> -> memref<10240x128xf32, #tpu.memory_space<hbm>>
      tpu.wait_indirect_dma semaphore(%arg21 : memref<!tpu.dma_semaphore, #tpu.memory_space<semaphore_mem>>) src(%dma_wait3A_97 : memref<10240x128xf32, #tpu.memory_space<hbm>>) dst(%arg19 : memref<128x128xf32, #tpu.memory_space<vmem>>)
      %dma_start3A_98 = arith.constant 0 : i32
      %dma_start3A_99 = arith.constant 0 : i32
      %dma_start3A_100 = tpu.memref_slice %arg25[%dma_start3A_98, %dma_start3A_99] : memref<10240x128xf32, #tpu.memory_space<vmem_shared>> -> memref<10240x128xf32, #tpu.memory_space<vmem_shared>>
      tpu.enqueue_indirect_dma source(%arg19 : memref<128x128xf32, #tpu.memory_space<vmem>>) target(%dma_start3A_100 : memref<10240x128xf32, #tpu.memory_space<vmem_shared>>) offsets(%arg11 : memref<128xi32, #tpu.memory_space<vmem>>) semaphore(%arg23 : memref<!tpu.dma_semaphore, #tpu.memory_space<semaphore_mem>>) {add = true}
      %dma_wait3A_101 = arith.constant 0 : i32
      %dma_wait3A_102 = arith.constant 0 : i32
      %dma_wait3A_103 = tpu.memref_slice %arg4[%dma_wait3A_101, %dma_wait3A_102] : memref<10240x128xf32, #tpu.memory_space<hbm>> -> memref<10240x128xf32, #tpu.memory_space<hbm>>
      tpu.wait_indirect_dma semaphore(%arg22 : memref<!tpu.dma_semaphore, #tpu.memory_space<semaphore_mem>>) src(%dma_wait3A_103 : memref<10240x128xf32, #tpu.memory_space<hbm>>) dst(%arg20 : memref<128x128xf32, #tpu.memory_space<vmem>>)
      %dma_start3A_104 = arith.constant 0 : i32
      %dma_start3A_105 = arith.constant 0 : i32
      %dma_start3A_106 = tpu.memref_slice %arg25[%dma_start3A_104, %dma_start3A_105] : memref<10240x128xf32, #tpu.memory_space<vmem_shared>> -> memref<10240x128xf32, #tpu.memory_space<vmem_shared>>
      tpu.enqueue_indirect_dma source(%arg20 : memref<128x128xf32, #tpu.memory_space<vmem>>) target(%dma_start3A_106 : memref<10240x128xf32, #tpu.memory_space<vmem_shared>>) offsets(%arg12 : memref<128xi32, #tpu.memory_space<vmem>>) semaphore(%arg24 : memref<!tpu.dma_semaphore, #tpu.memory_space<semaphore_mem>>) {add = true}
      %mul3A_107 = arith.constant 2 : i32
      %mul3A_108 = arith.muli %while3A_59, %mul3A_107 : i32
      %add3A_109 = arith.constant 1 : i32
      %add3A_110 = arith.addi %mul3A_108, %add3A_109 : i32
      %mul3A_111 = arith.constant 2 : i32
      %mul3A_112 = arith.muli %add3A_110, %mul3A_111 : i32
      %ge3A_113 = arith.constant 2 : i32
      %ge3A_114 = arith.cmpi sge, %mul3A_112, %ge3A_113 : i32
      %convert_element_type3A_115 = arith.extui %ge3A_114 : i1 to i32
      %cond3A_116 = arith.constant 0 : i32
      %cond3A_117 = arith.cmpi ne, %convert_element_type3A_115, %cond3A_116 : i32
      scf.if %cond3A_117 {
        %dma_wait3A_158 = arith.constant 0 : i32
        %dma_wait3A_159 = arith.constant 0 : i32
        %dma_wait3A_160 = tpu.memref_slice %arg25[%dma_wait3A_158, %dma_wait3A_159] : memref<10240x128xf32, #tpu.memory_space<vmem_shared>> -> memref<10240x128xf32, #tpu.memory_space<vmem_shared>>
        tpu.wait_indirect_dma semaphore(%arg23 : memref<!tpu.dma_semaphore, #tpu.memory_space<semaphore_mem>>) src(%arg19 : memref<128x128xf32, #tpu.memory_space<vmem>>) dst(%dma_wait3A_160 : memref<10240x128xf32, #tpu.memory_space<vmem_shared>>)
        %dma_wait3A_161 = arith.constant 0 : i32
        %dma_wait3A_162 = arith.constant 0 : i32
        %dma_wait3A_163 = tpu.memref_slice %arg25[%dma_wait3A_161, %dma_wait3A_162] : memref<10240x128xf32, #tpu.memory_space<vmem_shared>> -> memref<10240x128xf32, #tpu.memory_space<vmem_shared>>
        tpu.wait_indirect_dma semaphore(%arg24 : memref<!tpu.dma_semaphore, #tpu.memory_space<semaphore_mem>>) src(%arg20 : memref<128x128xf32, #tpu.memory_space<vmem>>) dst(%dma_wait3A_163 : memref<10240x128xf32, #tpu.memory_space<vmem_shared>>)
      } else {
      }
      %add3A_118 = arith.constant 2 : i32
      %add3A_119 = arith.addi %mul3A_112, %add3A_118 : i32
      %lt3A_120 = arith.cmpi slt, %add3A_119, %select_n3A_8 : i32
      %convert_element_type3A_121 = arith.extui %lt3A_120 : i1 to i32
      %cond3A_122 = arith.constant 0 : i32
      %cond3A_123 = arith.cmpi ne, %convert_element_type3A_121, %cond3A_122 : i32
      scf.if %cond3A_123 {
        %add3A_158 = arith.constant 2 : i32
        %add3A_159 = arith.addi %mul3A_112, %add3A_158 : i32
        %mul3A_160 = arith.constant 128 : i32
        %mul3A_161 = arith.muli %add3A_159, %mul3A_160 : i32
        %add3A_162 = arith.addi %select_n3A, %mul3A_161 : i32
        %dma_start3A_163 = tpu.memref_slice %arg2[%add3A_162] : memref<327680xi32, #tpu.memory_space<hbm>> -> memref<128xi32, #tpu.memory_space<hbm>>
        %dma_start3A_164 = tpu.memref_slice %arg2[%add3A_162] : memref<327680xi32, #tpu.memory_space<hbm>> -> memref<128xi32, #tpu.memory_space<hbm>>
        tpu.enqueue_dma source(%dma_start3A_164 : memref<128xi32, #tpu.memory_space<hbm>>) target(%arg7 : memref<128xi32, #tpu.memory_space<vmem>>) target_semaphore(%arg15 : memref<!tpu.dma_semaphore, #tpu.memory_space<semaphore_mem>>)
        %dma_start3A_165 = tpu.memref_slice %arg3[%add3A_162] : memref<327680xi32, #tpu.memory_space<hbm>> -> memref<128xi32, #tpu.memory_space<hbm>>
        %dma_start3A_166 = tpu.memref_slice %arg3[%add3A_162] : memref<327680xi32, #tpu.memory_space<hbm>> -> memref<128xi32, #tpu.memory_space<hbm>>
        tpu.enqueue_dma source(%dma_start3A_166 : memref<128xi32, #tpu.memory_space<hbm>>) target(%arg11 : memref<128xi32, #tpu.memory_space<vmem>>) target_semaphore(%arg15 : memref<!tpu.dma_semaphore, #tpu.memory_space<semaphore_mem>>)
        %add3A_167 = arith.constant 3 : i32
        %add3A_168 = arith.addi %mul3A_112, %add3A_167 : i32
        %mul3A_169 = arith.constant 128 : i32
        %mul3A_170 = arith.muli %add3A_168, %mul3A_169 : i32
        %add3A_171 = arith.addi %select_n3A, %mul3A_170 : i32
        %dma_start3A_172 = tpu.memref_slice %arg2[%add3A_171] : memref<327680xi32, #tpu.memory_space<hbm>> -> memref<128xi32, #tpu.memory_space<hbm>>
        %dma_start3A_173 = tpu.memref_slice %arg2[%add3A_171] : memref<327680xi32, #tpu.memory_space<hbm>> -> memref<128xi32, #tpu.memory_space<hbm>>
        tpu.enqueue_dma source(%dma_start3A_173 : memref<128xi32, #tpu.memory_space<hbm>>) target(%arg8 : memref<128xi32, #tpu.memory_space<vmem>>) target_semaphore(%arg16 : memref<!tpu.dma_semaphore, #tpu.memory_space<semaphore_mem>>)
        %dma_start3A_174 = tpu.memref_slice %arg3[%add3A_171] : memref<327680xi32, #tpu.memory_space<hbm>> -> memref<128xi32, #tpu.memory_space<hbm>>
        %dma_start3A_175 = tpu.memref_slice %arg3[%add3A_171] : memref<327680xi32, #tpu.memory_space<hbm>> -> memref<128xi32, #tpu.memory_space<hbm>>
        tpu.enqueue_dma source(%dma_start3A_175 : memref<128xi32, #tpu.memory_space<hbm>>) target(%arg12 : memref<128xi32, #tpu.memory_space<vmem>>) target_semaphore(%arg16 : memref<!tpu.dma_semaphore, #tpu.memory_space<semaphore_mem>>)
      } else {
      }
      %dma_wait3A_124 = arith.constant 0 : i32
      %dma_wait3A_125 = tpu.memref_slice %arg2[%dma_wait3A_124] : memref<327680xi32, #tpu.memory_space<hbm>> -> memref<128xi32, #tpu.memory_space<hbm>>
      %dma_wait3A_126 = arith.constant 0 : i32
      %dma_wait3A_127 = tpu.memref_slice %arg2[%dma_wait3A_126] : memref<327680xi32, #tpu.memory_space<hbm>> -> memref<128xi32, #tpu.memory_space<hbm>>
      tpu.wait_dma2 semaphore(%arg17 : memref<!tpu.dma_semaphore, #tpu.memory_space<semaphore_mem>>) src(%dma_wait3A_127 : memref<128xi32, #tpu.memory_space<hbm>>) dst(%arg9 : memref<128xi32, #tpu.memory_space<vmem>>)
      %dma_wait3A_128 = arith.constant 0 : i32
      %dma_wait3A_129 = tpu.memref_slice %arg3[%dma_wait3A_128] : memref<327680xi32, #tpu.memory_space<hbm>> -> memref<128xi32, #tpu.memory_space<hbm>>
      %dma_wait3A_130 = arith.constant 0 : i32
      %dma_wait3A_131 = tpu.memref_slice %arg3[%dma_wait3A_130] : memref<327680xi32, #tpu.memory_space<hbm>> -> memref<128xi32, #tpu.memory_space<hbm>>
      tpu.wait_dma2 semaphore(%arg17 : memref<!tpu.dma_semaphore, #tpu.memory_space<semaphore_mem>>) src(%dma_wait3A_131 : memref<128xi32, #tpu.memory_space<hbm>>) dst(%arg13 : memref<128xi32, #tpu.memory_space<vmem>>)
      %dma_wait3A_132 = arith.constant 0 : i32
      %dma_wait3A_133 = tpu.memref_slice %arg2[%dma_wait3A_132] : memref<327680xi32, #tpu.memory_space<hbm>> -> memref<128xi32, #tpu.memory_space<hbm>>
      %dma_wait3A_134 = arith.constant 0 : i32
      %dma_wait3A_135 = tpu.memref_slice %arg2[%dma_wait3A_134] : memref<327680xi32, #tpu.memory_space<hbm>> -> memref<128xi32, #tpu.memory_space<hbm>>
      tpu.wait_dma2 semaphore(%arg18 : memref<!tpu.dma_semaphore, #tpu.memory_space<semaphore_mem>>) src(%dma_wait3A_135 : memref<128xi32, #tpu.memory_space<hbm>>) dst(%arg10 : memref<128xi32, #tpu.memory_space<vmem>>)
      %dma_wait3A_136 = arith.constant 0 : i32
      %dma_wait3A_137 = tpu.memref_slice %arg3[%dma_wait3A_136] : memref<327680xi32, #tpu.memory_space<hbm>> -> memref<128xi32, #tpu.memory_space<hbm>>
      %dma_wait3A_138 = arith.constant 0 : i32
      %dma_wait3A_139 = tpu.memref_slice %arg3[%dma_wait3A_138] : memref<327680xi32, #tpu.memory_space<hbm>> -> memref<128xi32, #tpu.memory_space<hbm>>
      tpu.wait_dma2 semaphore(%arg18 : memref<!tpu.dma_semaphore, #tpu.memory_space<semaphore_mem>>) src(%dma_wait3A_139 : memref<128xi32, #tpu.memory_space<hbm>>) dst(%arg14 : memref<128xi32, #tpu.memory_space<vmem>>)
      %dma_start3A_140 = arith.constant 0 : i32
      %dma_start3A_141 = arith.constant 0 : i32
      %dma_start3A_142 = tpu.memref_slice %arg4[%dma_start3A_140, %dma_start3A_141] : memref<10240x128xf32, #tpu.memory_space<hbm>> -> memref<10240x128xf32, #tpu.memory_space<hbm>>
      tpu.enqueue_indirect_dma source(%dma_start3A_142 : memref<10240x128xf32, #tpu.memory_space<hbm>>) target(%arg19 : memref<128x128xf32, #tpu.memory_space<vmem>>) offsets(%arg9 : memref<128xi32, #tpu.memory_space<vmem>>) semaphore(%arg21 : memref<!tpu.dma_semaphore, #tpu.memory_space<semaphore_mem>>)
      %dma_start3A_143 = arith.constant 0 : i32
      %dma_start3A_144 = arith.constant 0 : i32
      %dma_start3A_145 = tpu.memref_slice %arg4[%dma_start3A_143, %dma_start3A_144] : memref<10240x128xf32, #tpu.memory_space<hbm>> -> memref<10240x128xf32, #tpu.memory_space<hbm>>
      tpu.enqueue_indirect_dma source(%dma_start3A_145 : memref<10240x128xf32, #tpu.memory_space<hbm>>) target(%arg20 : memref<128x128xf32, #tpu.memory_space<vmem>>) offsets(%arg10 : memref<128xi32, #tpu.memory_space<vmem>>) semaphore(%arg22 : memref<!tpu.dma_semaphore, #tpu.memory_space<semaphore_mem>>)
      %dma_wait3A_146 = arith.constant 0 : i32
      %dma_wait3A_147 = arith.constant 0 : i32
      %dma_wait3A_148 = tpu.memref_slice %arg4[%dma_wait3A_146, %dma_wait3A_147] : memref<10240x128xf32, #tpu.memory_space<hbm>> -> memref<10240x128xf32, #tpu.memory_space<hbm>>
      tpu.wait_indirect_dma semaphore(%arg21 : memref<!tpu.dma_semaphore, #tpu.memory_space<semaphore_mem>>) src(%dma_wait3A_148 : memref<10240x128xf32, #tpu.memory_space<hbm>>) dst(%arg19 : memref<128x128xf32, #tpu.memory_space<vmem>>)
      %dma_start3A_149 = arith.constant 0 : i32
      %dma_start3A_150 = arith.constant 0 : i32
      %dma_start3A_151 = tpu.memref_slice %arg25[%dma_start3A_149, %dma_start3A_150] : memref<10240x128xf32, #tpu.memory_space<vmem_shared>> -> memref<10240x128xf32, #tpu.memory_space<vmem_shared>>
      tpu.enqueue_indirect_dma source(%arg19 : memref<128x128xf32, #tpu.memory_space<vmem>>) target(%dma_start3A_151 : memref<10240x128xf32, #tpu.memory_space<vmem_shared>>) offsets(%arg13 : memref<128xi32, #tpu.memory_space<vmem>>) semaphore(%arg23 : memref<!tpu.dma_semaphore, #tpu.memory_space<semaphore_mem>>) {add = true}
      %dma_wait3A_152 = arith.constant 0 : i32
      %dma_wait3A_153 = arith.constant 0 : i32
      %dma_wait3A_154 = tpu.memref_slice %arg4[%dma_wait3A_152, %dma_wait3A_153] : memref<10240x128xf32, #tpu.memory_space<hbm>> -> memref<10240x128xf32, #tpu.memory_space<hbm>>
      tpu.wait_indirect_dma semaphore(%arg22 : memref<!tpu.dma_semaphore, #tpu.memory_space<semaphore_mem>>) src(%dma_wait3A_154 : memref<10240x128xf32, #tpu.memory_space<hbm>>) dst(%arg20 : memref<128x128xf32, #tpu.memory_space<vmem>>)
      %dma_start3A_155 = arith.constant 0 : i32
      %dma_start3A_156 = arith.constant 0 : i32
      %dma_start3A_157 = tpu.memref_slice %arg25[%dma_start3A_155, %dma_start3A_156] : memref<10240x128xf32, #tpu.memory_space<vmem_shared>> -> memref<10240x128xf32, #tpu.memory_space<vmem_shared>>
      tpu.enqueue_indirect_dma source(%arg20 : memref<128x128xf32, #tpu.memory_space<vmem>>) target(%dma_start3A_157 : memref<10240x128xf32, #tpu.memory_space<vmem_shared>>) offsets(%arg14 : memref<128xi32, #tpu.memory_space<vmem>>) semaphore(%arg24 : memref<!tpu.dma_semaphore, #tpu.memory_space<semaphore_mem>>) {add = true}
    }
    %while3A_48 = arith.constant 1 : i32
    scf.for %while3A_59 = %while3A_46 to %while3A_42 step %while3A_48  : i32 {
      %mul3A_60 = arith.constant 2 : i32
      %mul3A_61 = arith.muli %while3A_59, %mul3A_60 : i32
      %add3A_62 = arith.constant 0 : i32
      %add3A_63 = arith.addi %mul3A_61, %add3A_62 : i32
      %mul3A_64 = arith.constant 2 : i32
      %mul3A_65 = arith.muli %add3A_63, %mul3A_64 : i32
      %ge3A = arith.constant 2 : i32
      %ge3A_66 = arith.cmpi sge, %mul3A_65, %ge3A : i32
      %convert_element_type3A = arith.extui %ge3A_66 : i1 to i32
      %cond3A = arith.constant 0 : i32
      %cond3A_67 = arith.cmpi ne, %convert_element_type3A, %cond3A : i32
      scf.if %cond3A_67 {
        %dma_wait3A_158 = arith.constant 0 : i32
        %dma_wait3A_159 = arith.constant 0 : i32
        %dma_wait3A_160 = tpu.memref_slice %arg25[%dma_wait3A_158, %dma_wait3A_159] : memref<10240x128xf32, #tpu.memory_space<vmem_shared>> -> memref<10240x128xf32, #tpu.memory_space<vmem_shared>>
        tpu.wait_indirect_dma semaphore(%arg23 : memref<!tpu.dma_semaphore, #tpu.memory_space<semaphore_mem>>) src(%arg19 : memref<128x128xf32, #tpu.memory_space<vmem>>) dst(%dma_wait3A_160 : memref<10240x128xf32, #tpu.memory_space<vmem_shared>>)
        %dma_wait3A_161 = arith.constant 0 : i32
        %dma_wait3A_162 = arith.constant 0 : i32
        %dma_wait3A_163 = tpu.memref_slice %arg25[%dma_wait3A_161, %dma_wait3A_162] : memref<10240x128xf32, #tpu.memory_space<vmem_shared>> -> memref<10240x128xf32, #tpu.memory_space<vmem_shared>>
        tpu.wait_indirect_dma semaphore(%arg24 : memref<!tpu.dma_semaphore, #tpu.memory_space<semaphore_mem>>) src(%arg20 : memref<128x128xf32, #tpu.memory_space<vmem>>) dst(%dma_wait3A_163 : memref<10240x128xf32, #tpu.memory_space<vmem_shared>>)
      } else {
      }
      %add3A_68 = arith.constant 2 : i32
      %add3A_69 = arith.addi %mul3A_65, %add3A_68 : i32
      %lt3A = arith.cmpi slt, %add3A_69, %select_n3A_8 : i32
      %convert_element_type3A_70 = arith.extui %lt3A : i1 to i32
      %cond3A_71 = arith.constant 0 : i32
      %cond3A_72 = arith.cmpi ne, %convert_element_type3A_70, %cond3A_71 : i32
      scf.if %cond3A_72 {
        %add3A_158 = arith.constant 2 : i32
        %add3A_159 = arith.addi %mul3A_65, %add3A_158 : i32
        %mul3A_160 = arith.constant 128 : i32
        %mul3A_161 = arith.muli %add3A_159, %mul3A_160 : i32
        %add3A_162 = arith.addi %select_n3A, %mul3A_161 : i32
        %dma_start3A_163 = tpu.memref_slice %arg2[%add3A_162] : memref<327680xi32, #tpu.memory_space<hbm>> -> memref<128xi32, #tpu.memory_space<hbm>>
        %dma_start3A_164 = tpu.memref_slice %arg2[%add3A_162] : memref<327680xi32, #tpu.memory_space<hbm>> -> memref<128xi32, #tpu.memory_space<hbm>>
        tpu.enqueue_dma source(%dma_start3A_164 : memref<128xi32, #tpu.memory_space<hbm>>) target(%arg9 : memref<128xi32, #tpu.memory_space<vmem>>) target_semaphore(%arg17 : memref<!tpu.dma_semaphore, #tpu.memory_space<semaphore_mem>>)
        %dma_start3A_165 = tpu.memref_slice %arg3[%add3A_162] : memref<327680xi32, #tpu.memory_space<hbm>> -> memref<128xi32, #tpu.memory_space<hbm>>
        %dma_start3A_166 = tpu.memref_slice %arg3[%add3A_162] : memref<327680xi32, #tpu.memory_space<hbm>> -> memref<128xi32, #tpu.memory_space<hbm>>
        tpu.enqueue_dma source(%dma_start3A_166 : memref<128xi32, #tpu.memory_space<hbm>>) target(%arg13 : memref<128xi32, #tpu.memory_space<vmem>>) target_semaphore(%arg17 : memref<!tpu.dma_semaphore, #tpu.memory_space<semaphore_mem>>)
        %add3A_167 = arith.constant 3 : i32
        %add3A_168 = arith.addi %mul3A_65, %add3A_167 : i32
        %mul3A_169 = arith.constant 128 : i32
        %mul3A_170 = arith.muli %add3A_168, %mul3A_169 : i32
        %add3A_171 = arith.addi %select_n3A, %mul3A_170 : i32
        %dma_start3A_172 = tpu.memref_slice %arg2[%add3A_171] : memref<327680xi32, #tpu.memory_space<hbm>> -> memref<128xi32, #tpu.memory_space<hbm>>
        %dma_start3A_173 = tpu.memref_slice %arg2[%add3A_171] : memref<327680xi32, #tpu.memory_space<hbm>> -> memref<128xi32, #tpu.memory_space<hbm>>
        tpu.enqueue_dma source(%dma_start3A_173 : memref<128xi32, #tpu.memory_space<hbm>>) target(%arg10 : memref<128xi32, #tpu.memory_space<vmem>>) target_semaphore(%arg18 : memref<!tpu.dma_semaphore, #tpu.memory_space<semaphore_mem>>)
        %dma_start3A_174 = tpu.memref_slice %arg3[%add3A_171] : memref<327680xi32, #tpu.memory_space<hbm>> -> memref<128xi32, #tpu.memory_space<hbm>>
        %dma_start3A_175 = tpu.memref_slice %arg3[%add3A_171] : memref<327680xi32, #tpu.memory_space<hbm>> -> memref<128xi32, #tpu.memory_space<hbm>>
        tpu.enqueue_dma source(%dma_start3A_175 : memref<128xi32, #tpu.memory_space<hbm>>) target(%arg14 : memref<128xi32, #tpu.memory_space<vmem>>) target_semaphore(%arg18 : memref<!tpu.dma_semaphore, #tpu.memory_space<semaphore_mem>>)
      } else {
      }
      %dma_wait3A_73 = arith.constant 0 : i32
      %dma_wait3A_74 = tpu.memref_slice %arg2[%dma_wait3A_73] : memref<327680xi32, #tpu.memory_space<hbm>> -> memref<128xi32, #tpu.memory_space<hbm>>
      %dma_wait3A_75 = arith.constant 0 : i32
      %dma_wait3A_76 = tpu.memref_slice %arg2[%dma_wait3A_75] : memref<327680xi32, #tpu.memory_space<hbm>> -> memref<128xi32, #tpu.memory_space<hbm>>
      tpu.wait_dma2 semaphore(%arg15 : memref<!tpu.dma_semaphore, #tpu.memory_space<semaphore_mem>>) src(%dma_wait3A_76 : memref<128xi32, #tpu.memory_space<hbm>>) dst(%arg7 : memref<128xi32, #tpu.memory_space<vmem>>)
      %dma_wait3A_77 = arith.constant 0 : i32
      %dma_wait3A_78 = tpu.memref_slice %arg3[%dma_wait3A_77] : memref<327680xi32, #tpu.memory_space<hbm>> -> memref<128xi32, #tpu.memory_space<hbm>>
      %dma_wait3A_79 = arith.constant 0 : i32
      %dma_wait3A_80 = tpu.memref_slice %arg3[%dma_wait3A_79] : memref<327680xi32, #tpu.memory_space<hbm>> -> memref<128xi32, #tpu.memory_space<hbm>>
      tpu.wait_dma2 semaphore(%arg15 : memref<!tpu.dma_semaphore, #tpu.memory_space<semaphore_mem>>) src(%dma_wait3A_80 : memref<128xi32, #tpu.memory_space<hbm>>) dst(%arg11 : memref<128xi32, #tpu.memory_space<vmem>>)
      %dma_wait3A_81 = arith.constant 0 : i32
      %dma_wait3A_82 = tpu.memref_slice %arg2[%dma_wait3A_81] : memref<327680xi32, #tpu.memory_space<hbm>> -> memref<128xi32, #tpu.memory_space<hbm>>
      %dma_wait3A_83 = arith.constant 0 : i32
      %dma_wait3A_84 = tpu.memref_slice %arg2[%dma_wait3A_83] : memref<327680xi32, #tpu.memory_space<hbm>> -> memref<128xi32, #tpu.memory_space<hbm>>
      tpu.wait_dma2 semaphore(%arg16 : memref<!tpu.dma_semaphore, #tpu.memory_space<semaphore_mem>>) src(%dma_wait3A_84 : memref<128xi32, #tpu.memory_space<hbm>>) dst(%arg8 : memref<128xi32, #tpu.memory_space<vmem>>)
      %dma_wait3A_85 = arith.constant 0 : i32
      %dma_wait3A_86 = tpu.memref_slice %arg3[%dma_wait3A_85] : memref<327680xi32, #tpu.memory_space<hbm>> -> memref<128xi32, #tpu.memory_space<hbm>>
      %dma_wait3A_87 = arith.constant 0 : i32
      %dma_wait3A_88 = tpu.memref_slice %arg3[%dma_wait3A_87] : memref<327680xi32, #tpu.memory_space<hbm>> -> memref<128xi32, #tpu.memory_space<hbm>>
      tpu.wait_dma2 semaphore(%arg16 : memref<!tpu.dma_semaphore, #tpu.memory_space<semaphore_mem>>) src(%dma_wait3A_88 : memref<128xi32, #tpu.memory_space<hbm>>) dst(%arg12 : memref<128xi32, #tpu.memory_space<vmem>>)
      %dma_start3A_89 = arith.constant 0 : i32
      %dma_start3A_90 = arith.constant 0 : i32
      %dma_start3A_91 = tpu.memref_slice %arg4[%dma_start3A_89, %dma_start3A_90] : memref<10240x128xf32, #tpu.memory_space<hbm>> -> memref<10240x128xf32, #tpu.memory_space<hbm>>
      tpu.enqueue_indirect_dma source(%dma_start3A_91 : memref<10240x128xf32, #tpu.memory_space<hbm>>) target(%arg19 : memref<128x128xf32, #tpu.memory_space<vmem>>) offsets(%arg7 : memref<128xi32, #tpu.memory_space<vmem>>) semaphore(%arg21 : memref<!tpu.dma_semaphore, #tpu.memory_space<semaphore_mem>>)
      %dma_start3A_92 = arith.constant 0 : i32
      %dma_start3A_93 = arith.constant 0 : i32
      %dma_start3A_94 = tpu.memref_slice %arg4[%dma_start3A_92, %dma_start3A_93] : memref<10240x128xf32, #tpu.memory_space<hbm>> -> memref<10240x128xf32, #tpu.memory_space<hbm>>
      tpu.enqueue_indirect_dma source(%dma_start3A_94 : memref<10240x128xf32, #tpu.memory_space<hbm>>) target(%arg20 : memref<128x128xf32, #tpu.memory_space<vmem>>) offsets(%arg8 : memref<128xi32, #tpu.memory_space<vmem>>) semaphore(%arg22 : memref<!tpu.dma_semaphore, #tpu.memory_space<semaphore_mem>>)
      %dma_wait3A_95 = arith.constant 0 : i32
      %dma_wait3A_96 = arith.constant 0 : i32
      %dma_wait3A_97 = tpu.memref_slice %arg4[%dma_wait3A_95, %dma_wait3A_96] : memref<10240x128xf32, #tpu.memory_space<hbm>> -> memref<10240x128xf32, #tpu.memory_space<hbm>>
      tpu.wait_indirect_dma semaphore(%arg21 : memref<!tpu.dma_semaphore, #tpu.memory_space<semaphore_mem>>) src(%dma_wait3A_97 : memref<10240x128xf32, #tpu.memory_space<hbm>>) dst(%arg19 : memref<128x128xf32, #tpu.memory_space<vmem>>)
      %dma_start3A_98 = arith.constant 0 : i32
      %dma_start3A_99 = arith.constant 0 : i32
      %dma_start3A_100 = tpu.memref_slice %arg25[%dma_start3A_98, %dma_start3A_99] : memref<10240x128xf32, #tpu.memory_space<vmem_shared>> -> memref<10240x128xf32, #tpu.memory_space<vmem_shared>>
      tpu.enqueue_indirect_dma source(%arg19 : memref<128x128xf32, #tpu.memory_space<vmem>>) target(%dma_start3A_100 : memref<10240x128xf32, #tpu.memory_space<vmem_shared>>) offsets(%arg11 : memref<128xi32, #tpu.memory_space<vmem>>) semaphore(%arg23 : memref<!tpu.dma_semaphore, #tpu.memory_space<semaphore_mem>>) {add = true}
      %dma_wait3A_101 = arith.constant 0 : i32
      %dma_wait3A_102 = arith.constant 0 : i32
      %dma_wait3A_103 = tpu.memref_slice %arg4[%dma_wait3A_101, %dma_wait3A_102] : memref<10240x128xf32, #tpu.memory_space<hbm>> -> memref<10240x128xf32, #tpu.memory_space<hbm>>
      tpu.wait_indirect_dma semaphore(%arg22 : memref<!tpu.dma_semaphore, #tpu.memory_space<semaphore_mem>>) src(%dma_wait3A_103 : memref<10240x128xf32, #tpu.memory_space<hbm>>) dst(%arg20 : memref<128x128xf32, #tpu.memory_space<vmem>>)
      %dma_start3A_104 = arith.constant 0 : i32
      %dma_start3A_105 = arith.constant 0 : i32
      %dma_start3A_106 = tpu.memref_slice %arg25[%dma_start3A_104, %dma_start3A_105] : memref<10240x128xf32, #tpu.memory_space<vmem_shared>> -> memref<10240x128xf32, #tpu.memory_space<vmem_shared>>
      tpu.enqueue_indirect_dma source(%arg20 : memref<128x128xf32, #tpu.memory_space<vmem>>) target(%dma_start3A_106 : memref<10240x128xf32, #tpu.memory_space<vmem_shared>>) offsets(%arg12 : memref<128xi32, #tpu.memory_space<vmem>>) semaphore(%arg24 : memref<!tpu.dma_semaphore, #tpu.memory_space<semaphore_mem>>) {add = true}
      %mul3A_107 = arith.constant 2 : i32
      %mul3A_108 = arith.muli %while3A_59, %mul3A_107 : i32
      %add3A_109 = arith.constant 1 : i32
      %add3A_110 = arith.addi %mul3A_108, %add3A_109 : i32
      %mul3A_111 = arith.constant 2 : i32
      %mul3A_112 = arith.muli %add3A_110, %mul3A_111 : i32
      %ge3A_113 = arith.constant 2 : i32
      %ge3A_114 = arith.cmpi sge, %mul3A_112, %ge3A_113 : i32
      %convert_element_type3A_115 = arith.extui %ge3A_114 : i1 to i32
      %cond3A_116 = arith.constant 0 : i32
      %cond3A_117 = arith.cmpi ne, %convert_element_type3A_115, %cond3A_116 : i32
      scf.if %cond3A_117 {
        %dma_wait3A_158 = arith.constant 0 : i32
        %dma_wait3A_159 = arith.constant 0 : i32
        %dma_wait3A_160 = tpu.memref_slice %arg25[%dma_wait3A_158, %dma_wait3A_159] : memref<10240x128xf32, #tpu.memory_space<vmem_shared>> -> memref<10240x128xf32, #tpu.memory_space<vmem_shared>>
        tpu.wait_indirect_dma semaphore(%arg23 : memref<!tpu.dma_semaphore, #tpu.memory_space<semaphore_mem>>) src(%arg19 : memref<128x128xf32, #tpu.memory_space<vmem>>) dst(%dma_wait3A_160 : memref<10240x128xf32, #tpu.memory_space<vmem_shared>>)
        %dma_wait3A_161 = arith.constant 0 : i32
        %dma_wait3A_162 = arith.constant 0 : i32
        %dma_wait3A_163 = tpu.memref_slice %arg25[%dma_wait3A_161, %dma_wait3A_162] : memref<10240x128xf32, #tpu.memory_space<vmem_shared>> -> memref<10240x128xf32, #tpu.memory_space<vmem_shared>>
        tpu.wait_indirect_dma semaphore(%arg24 : memref<!tpu.dma_semaphore, #tpu.memory_space<semaphore_mem>>) src(%arg20 : memref<128x128xf32, #tpu.memory_space<vmem>>) dst(%dma_wait3A_163 : memref<10240x128xf32, #tpu.memory_space<vmem_shared>>)
      } else {
      }
      %add3A_118 = arith.constant 2 : i32
      %add3A_119 = arith.addi %mul3A_112, %add3A_118 : i32
      %lt3A_120 = arith.cmpi slt, %add3A_119, %select_n3A_8 : i32
      %convert_element_type3A_121 = arith.extui %lt3A_120 : i1 to i32
      %cond3A_122 = arith.constant 0 : i32
      %cond3A_123 = arith.cmpi ne, %convert_element_type3A_121, %cond3A_122 : i32
      scf.if %cond3A_123 {
        %add3A_158 = arith.constant 2 : i32
        %add3A_159 = arith.addi %mul3A_112, %add3A_158 : i32
        %mul3A_160 = arith.constant 128 : i32
        %mul3A_161 = arith.muli %add3A_159, %mul3A_160 : i32
        %add3A_162 = arith.addi %select_n3A, %mul3A_161 : i32
        %dma_start3A_163 = tpu.memref_slice %arg2[%add3A_162] : memref<327680xi32, #tpu.memory_space<hbm>> -> memref<128xi32, #tpu.memory_space<hbm>>
        %dma_start3A_164 = tpu.memref_slice %arg2[%add3A_162] : memref<327680xi32, #tpu.memory_space<hbm>> -> memref<128xi32, #tpu.memory_space<hbm>>
        tpu.enqueue_dma source(%dma_start3A_164 : memref<128xi32, #tpu.memory_space<hbm>>) target(%arg7 : memref<128xi32, #tpu.memory_space<vmem>>) target_semaphore(%arg15 : memref<!tpu.dma_semaphore, #tpu.memory_space<semaphore_mem>>)
        %dma_start3A_165 = tpu.memref_slice %arg3[%add3A_162] : memref<327680xi32, #tpu.memory_space<hbm>> -> memref<128xi32, #tpu.memory_space<hbm>>
        %dma_start3A_166 = tpu.memref_slice %arg3[%add3A_162] : memref<327680xi32, #tpu.memory_space<hbm>> -> memref<128xi32, #tpu.memory_space<hbm>>
        tpu.enqueue_dma source(%dma_start3A_166 : memref<128xi32, #tpu.memory_space<hbm>>) target(%arg11 : memref<128xi32, #tpu.memory_space<vmem>>) target_semaphore(%arg15 : memref<!tpu.dma_semaphore, #tpu.memory_space<semaphore_mem>>)
        %add3A_167 = arith.constant 3 : i32
        %add3A_168 = arith.addi %mul3A_112, %add3A_167 : i32
        %mul3A_169 = arith.constant 128 : i32
        %mul3A_170 = arith.muli %add3A_168, %mul3A_169 : i32
        %add3A_171 = arith.addi %select_n3A, %mul3A_170 : i32
        %dma_start3A_172 = tpu.memref_slice %arg2[%add3A_171] : memref<327680xi32, #tpu.memory_space<hbm>> -> memref<128xi32, #tpu.memory_space<hbm>>
        %dma_start3A_173 = tpu.memref_slice %arg2[%add3A_171] : memref<327680xi32, #tpu.memory_space<hbm>> -> memref<128xi32, #tpu.memory_space<hbm>>
        tpu.enqueue_dma source(%dma_start3A_173 : memref<128xi32, #tpu.memory_space<hbm>>) target(%arg8 : memref<128xi32, #tpu.memory_space<vmem>>) target_semaphore(%arg16 : memref<!tpu.dma_semaphore, #tpu.memory_space<semaphore_mem>>)
        %dma_start3A_174 = tpu.memref_slice %arg3[%add3A_171] : memref<327680xi32, #tpu.memory_space<hbm>> -> memref<128xi32, #tpu.memory_space<hbm>>
        %dma_start3A_175 = tpu.memref_slice %arg3[%add3A_171] : memref<327680xi32, #tpu.memory_space<hbm>> -> memref<128xi32, #tpu.memory_space<hbm>>
        tpu.enqueue_dma source(%dma_start3A_175 : memref<128xi32, #tpu.memory_space<hbm>>) target(%arg12 : memref<128xi32, #tpu.memory_space<vmem>>) target_semaphore(%arg16 : memref<!tpu.dma_semaphore, #tpu.memory_space<semaphore_mem>>)
      } else {
      }
      %dma_wait3A_124 = arith.constant 0 : i32
      %dma_wait3A_125 = tpu.memref_slice %arg2[%dma_wait3A_124] : memref<327680xi32, #tpu.memory_space<hbm>> -> memref<128xi32, #tpu.memory_space<hbm>>
      %dma_wait3A_126 = arith.constant 0 : i32
      %dma_wait3A_127 = tpu.memref_slice %arg2[%dma_wait3A_126] : memref<327680xi32, #tpu.memory_space<hbm>> -> memref<128xi32, #tpu.memory_space<hbm>>
      tpu.wait_dma2 semaphore(%arg17 : memref<!tpu.dma_semaphore, #tpu.memory_space<semaphore_mem>>) src(%dma_wait3A_127 : memref<128xi32, #tpu.memory_space<hbm>>) dst(%arg9 : memref<128xi32, #tpu.memory_space<vmem>>)
      %dma_wait3A_128 = arith.constant 0 : i32
      %dma_wait3A_129 = tpu.memref_slice %arg3[%dma_wait3A_128] : memref<327680xi32, #tpu.memory_space<hbm>> -> memref<128xi32, #tpu.memory_space<hbm>>
      %dma_wait3A_130 = arith.constant 0 : i32
      %dma_wait3A_131 = tpu.memref_slice %arg3[%dma_wait3A_130] : memref<327680xi32, #tpu.memory_space<hbm>> -> memref<128xi32, #tpu.memory_space<hbm>>
      tpu.wait_dma2 semaphore(%arg17 : memref<!tpu.dma_semaphore, #tpu.memory_space<semaphore_mem>>) src(%dma_wait3A_131 : memref<128xi32, #tpu.memory_space<hbm>>) dst(%arg13 : memref<128xi32, #tpu.memory_space<vmem>>)
      %dma_wait3A_132 = arith.constant 0 : i32
      %dma_wait3A_133 = tpu.memref_slice %arg2[%dma_wait3A_132] : memref<327680xi32, #tpu.memory_space<hbm>> -> memref<128xi32, #tpu.memory_space<hbm>>
      %dma_wait3A_134 = arith.constant 0 : i32
      %dma_wait3A_135 = tpu.memref_slice %arg2[%dma_wait3A_134] : memref<327680xi32, #tpu.memory_space<hbm>> -> memref<128xi32, #tpu.memory_space<hbm>>
      tpu.wait_dma2 semaphore(%arg18 : memref<!tpu.dma_semaphore, #tpu.memory_space<semaphore_mem>>) src(%dma_wait3A_135 : memref<128xi32, #tpu.memory_space<hbm>>) dst(%arg10 : memref<128xi32, #tpu.memory_space<vmem>>)
      %dma_wait3A_136 = arith.constant 0 : i32
      %dma_wait3A_137 = tpu.memref_slice %arg3[%dma_wait3A_136] : memref<327680xi32, #tpu.memory_space<hbm>> -> memref<128xi32, #tpu.memory_space<hbm>>
      %dma_wait3A_138 = arith.constant 0 : i32
      %dma_wait3A_139 = tpu.memref_slice %arg3[%dma_wait3A_138] : memref<327680xi32, #tpu.memory_space<hbm>> -> memref<128xi32, #tpu.memory_space<hbm>>
      tpu.wait_dma2 semaphore(%arg18 : memref<!tpu.dma_semaphore, #tpu.memory_space<semaphore_mem>>) src(%dma_wait3A_139 : memref<128xi32, #tpu.memory_space<hbm>>) dst(%arg14 : memref<128xi32, #tpu.memory_space<vmem>>)
      %dma_start3A_140 = arith.constant 0 : i32
      %dma_start3A_141 = arith.constant 0 : i32
      %dma_start3A_142 = tpu.memref_slice %arg4[%dma_start3A_140, %dma_start3A_141] : memref<10240x128xf32, #tpu.memory_space<hbm>> -> memref<10240x128xf32, #tpu.memory_space<hbm>>
      tpu.enqueue_indirect_dma source(%dma_start3A_142 : memref<10240x128xf32, #tpu.memory_space<hbm>>) target(%arg19 : memref<128x128xf32, #tpu.memory_space<vmem>>) offsets(%arg9 : memref<128xi32, #tpu.memory_space<vmem>>) semaphore(%arg21 : memref<!tpu.dma_semaphore, #tpu.memory_space<semaphore_mem>>)
      %dma_start3A_143 = arith.constant 0 : i32
      %dma_start3A_144 = arith.constant 0 : i32
      %dma_start3A_145 = tpu.memref_slice %arg4[%dma_start3A_143, %dma_start3A_144] : memref<10240x128xf32, #tpu.memory_space<hbm>> -> memref<10240x128xf32, #tpu.memory_space<hbm>>
      tpu.enqueue_indirect_dma source(%dma_start3A_145 : memref<10240x128xf32, #tpu.memory_space<hbm>>) target(%arg20 : memref<128x128xf32, #tpu.memory_space<vmem>>) offsets(%arg10 : memref<128xi32, #tpu.memory_space<vmem>>) semaphore(%arg22 : memref<!tpu.dma_semaphore, #tpu.memory_space<semaphore_mem>>)
      %dma_wait3A_146 = arith.constant 0 : i32
      %dma_wait3A_147 = arith.constant 0 : i32
      %dma_wait3A_148 = tpu.memref_slice %arg4[%dma_wait3A_146, %dma_wait3A_147] : memref<10240x128xf32, #tpu.memory_space<hbm>> -> memref<10240x128xf32, #tpu.memory_space<hbm>>
      tpu.wait_indirect_dma semaphore(%arg21 : memref<!tpu.dma_semaphore, #tpu.memory_space<semaphore_mem>>) src(%dma_wait3A_148 : memref<10240x128xf32, #tpu.memory_space<hbm>>) dst(%arg19 : memref<128x128xf32, #tpu.memory_space<vmem>>)
      %dma_start3A_149 = arith.constant 0 : i32
      %dma_start3A_150 = arith.constant 0 : i32
      %dma_start3A_151 = tpu.memref_slice %arg25[%dma_start3A_149, %dma_start3A_150] : memref<10240x128xf32, #tpu.memory_space<vmem_shared>> -> memref<10240x128xf32, #tpu.memory_space<vmem_shared>>
      tpu.enqueue_indirect_dma source(%arg19 : memref<128x128xf32, #tpu.memory_space<vmem>>) target(%dma_start3A_151 : memref<10240x128xf32, #tpu.memory_space<vmem_shared>>) offsets(%arg13 : memref<128xi32, #tpu.memory_space<vmem>>) semaphore(%arg23 : memref<!tpu.dma_semaphore, #tpu.memory_space<semaphore_mem>>) {add = true}
      %dma_wait3A_152 = arith.constant 0 : i32
      %dma_wait3A_153 = arith.constant 0 : i32
      %dma_wait3A_154 = tpu.memref_slice %arg4[%dma_wait3A_152, %dma_wait3A_153] : memref<10240x128xf32, #tpu.memory_space<hbm>> -> memref<10240x128xf32, #tpu.memory_space<hbm>>
      tpu.wait_indirect_dma semaphore(%arg22 : memref<!tpu.dma_semaphore, #tpu.memory_space<semaphore_mem>>) src(%dma_wait3A_154 : memref<10240x128xf32, #tpu.memory_space<hbm>>) dst(%arg20 : memref<128x128xf32, #tpu.memory_space<vmem>>)
      %dma_start3A_155 = arith.constant 0 : i32
      %dma_start3A_156 = arith.constant 0 : i32
      %dma_start3A_157 = tpu.memref_slice %arg25[%dma_start3A_155, %dma_start3A_156] : memref<10240x128xf32, #tpu.memory_space<vmem_shared>> -> memref<10240x128xf32, #tpu.memory_space<vmem_shared>>
      tpu.enqueue_indirect_dma source(%arg20 : memref<128x128xf32, #tpu.memory_space<vmem>>) target(%dma_start3A_157 : memref<10240x128xf32, #tpu.memory_space<vmem_shared>>) offsets(%arg14 : memref<128xi32, #tpu.memory_space<vmem>>) semaphore(%arg24 : memref<!tpu.dma_semaphore, #tpu.memory_space<semaphore_mem>>) {add = true}
    }
    %dma_wait3A = arith.constant 0 : i32
    %dma_wait3A_49 = arith.constant 0 : i32
    %dma_wait3A_50 = tpu.memref_slice %arg25[%dma_wait3A, %dma_wait3A_49] : memref<10240x128xf32, #tpu.memory_space<vmem_shared>> -> memref<10240x128xf32, #tpu.memory_space<vmem_shared>>
    tpu.wait_indirect_dma semaphore(%arg23 : memref<!tpu.dma_semaphore, #tpu.memory_space<semaphore_mem>>) src(%arg19 : memref<128x128xf32, #tpu.memory_space<vmem>>) dst(%dma_wait3A_50 : memref<10240x128xf32, #tpu.memory_space<vmem_shared>>)
    %dma_wait3A_51 = arith.constant 0 : i32
    %dma_wait3A_52 = arith.constant 0 : i32
    %dma_wait3A_53 = tpu.memref_slice %arg25[%dma_wait3A_51, %dma_wait3A_52] : memref<10240x128xf32, #tpu.memory_space<vmem_shared>> -> memref<10240x128xf32, #tpu.memory_space<vmem_shared>>
    tpu.wait_indirect_dma semaphore(%arg24 : memref<!tpu.dma_semaphore, #tpu.memory_space<semaphore_mem>>) src(%arg20 : memref<128x128xf32, #tpu.memory_space<vmem>>) dst(%dma_wait3A_53 : memref<10240x128xf32, #tpu.memory_space<vmem_shared>>)
    %barrier3A_54 = arith.constant 0 : index
    tpu.barrier barrier_id(%barrier3A_54)
    %mul3A_55 = arith.constant 640 : i32
    %mul3A_56 = arith.muli %arg1, %mul3A_55 : i32
    %mul3A_57 = arith.constant 640 : i32
    %mul3A_58 = arith.muli %arg1, %mul3A_57 : i32
    "tpu.region"() ({
      %run_scoped3A = tpu.sem_alloc : memref<!tpu.dma_semaphore, #tpu.memory_space<semaphore_mem>>
      %dma_start3A_59 = arith.constant 0 : i32
      %dma_start3A_60 = tpu.memref_slice %arg6[%arg0, %mul3A_58, %dma_start3A_59] : memref<2x10240x128xf32, #tpu.memory_space<hbm>> -> memref<1x640x128xf32, #tpu.memory_space<hbm>>
      %dma_start3A_61 = tpu.memref_squeeze %dma_start3A_60 : memref<1x640x128xf32, #tpu.memory_space<hbm>> -> memref<640x128xf32, #tpu.memory_space<hbm>>
      %dma_start3A_62 = arith.constant 0 : i32
      %dma_start3A_63 = tpu.memref_slice %arg25[%mul3A_56, %dma_start3A_62] : memref<10240x128xf32, #tpu.memory_space<vmem_shared>> -> memref<640x128xf32, #tpu.memory_space<vmem_shared>>
      tpu.enqueue_dma source(%dma_start3A_63 : memref<640x128xf32, #tpu.memory_space<vmem_shared>>) target(%dma_start3A_61 : memref<640x128xf32, #tpu.memory_space<hbm>>) target_semaphore(%run_scoped3A : memref<!tpu.dma_semaphore, #tpu.memory_space<semaphore_mem>>)
      %dma_wait3A_64 = arith.constant 0 : i32
      %dma_wait3A_65 = tpu.memref_slice %arg6[%arg0, %mul3A_58, %dma_wait3A_64] : memref<2x10240x128xf32, #tpu.memory_space<hbm>> -> memref<1x640x128xf32, #tpu.memory_space<hbm>>
      %dma_wait3A_66 = tpu.memref_squeeze %dma_wait3A_65 : memref<1x640x128xf32, #tpu.memory_space<hbm>> -> memref<640x128xf32, #tpu.memory_space<hbm>>
      %dma_wait3A_67 = arith.constant 0 : i32
      %dma_wait3A_68 = tpu.memref_slice %arg25[%mul3A_56, %dma_wait3A_67] : memref<10240x128xf32, #tpu.memory_space<vmem_shared>> -> memref<640x128xf32, #tpu.memory_space<vmem_shared>>
      tpu.wait_dma2 semaphore(%run_scoped3A : memref<!tpu.dma_semaphore, #tpu.memory_space<semaphore_mem>>) src(%dma_wait3A_68 : memref<640x128xf32, #tpu.memory_space<vmem_shared>>) dst(%dma_wait3A_66 : memref<640x128xf32, #tpu.memory_space<hbm>>)
      tpu.yield
    }) : () -> ()
    return
  }
}

module attributes {stable_mosaic.version = 14 : i64} {
  func.func @_k0_body(%arg0: i32, %arg1: memref<512x128xf32, #tpu.memory_space<vmem>>, %arg2: memref<2x512x128xf32, #tpu.memory_space<vmem>>, %arg3: memref<128x128xf32, #tpu.memory_space<vmem>>, %arg4: memref<512x128xf32, #tpu.memory_space<vmem>>) attributes {dimension_semantics = [#tpu.dimension_semantics<arbitrary>], iteration_bounds = array<i64: 20>, scalar_prefetch = 0 : i64, scratch_operands = 0 : i64, tpu.core_type = #tpu.core_type<tc>, window_params = [{transform_indices = @transform_0, window_bounds = array<i64: 512, 128>}, {transform_indices = @transform_1, window_bounds = array<i64: 2, 512, 128>}, {pipeline_mode = #tpu.pipeline_mode<synchronous>, transform_indices = @transform_2, window_bounds = array<i64: 128, 128>}, {transform_indices = @transform_3, window_bounds = array<i64: 512, 128>}]} {
    %get3A = arith.constant 0 : index
    %get3A_0 = arith.constant 0 : index
    %get3A_1 = arith.constant 0 : index
    %get3A_2 = vector.load %arg2[%get3A, %get3A_0, %get3A_1] : memref<2x512x128xf32, #tpu.memory_space<vmem>>, vector<1x512x1xf32>
    %get3A_3 = vector.shape_cast %get3A_2 : vector<1x512x1xf32> to vector<512xf32>
    %get3A_4 = arith.constant 1 : index
    %get3A_5 = arith.constant 0 : index
    %get3A_6 = arith.constant 0 : index
    %get3A_7 = vector.load %arg2[%get3A_4, %get3A_5, %get3A_6] : memref<2x512x128xf32, #tpu.memory_space<vmem>>, vector<1x512x1xf32>
    %get3A_8 = vector.shape_cast %get3A_7 : vector<1x512x1xf32> to vector<512xf32>
    %add3A = arith.addf %get3A_3, %get3A_8 : vector<512xf32>
    %add3A_9 = arith.constant 1.000000e+00 : f32
    %add3A_10 = vector.broadcast %add3A_9 : f32 to vector<512xf32>
    %add3A_11 = arith.addf %add3A, %add3A_10 : vector<512xf32>
    %mul3A = arith.constant 512 : i32
    %mul3A_12 = arith.muli %arg0, %mul3A : i32
    %iota3A = tpu.iota {dimensions = array<i32: 1>} : vector<1x512xi32>
    %iota3A_13 = vector.shape_cast %iota3A : vector<1x512xi32> to vector<512xi32>
    %add3A_14 = vector.broadcast %mul3A_12 : i32 to vector<512xi32>
    %add3A_15 = arith.addi %add3A_14, %iota3A_13 : vector<512xi32>
    %lt3A = arith.constant 10000 : i32
    %lt3A_16 = vector.broadcast %lt3A : i32 to vector<512xi32>
    %lt3A_17 = arith.cmpi slt, %add3A_15, %lt3A_16 : vector<512xi32>
    %rsqrt3A = math.rsqrt %add3A_11 : vector<512xf32>
    %jit3A = arith.constant 0.000000e+00 : f32
    %broadcast_in_dim3A = vector.broadcast %jit3A : f32 to vector<512xf32>
    %select_n3A = arith.select %lt3A_17, %rsqrt3A, %broadcast_in_dim3A : vector<512xi1>, vector<512xf32>
    %get3A_18 = arith.constant 0 : index
    %get3A_19 = arith.constant 0 : index
    %get3A_20 = vector.load %arg1[%get3A_18, %get3A_19] : memref<512x128xf32, #tpu.memory_space<vmem>>, vector<512x128xf32>
    %get3A_21 = arith.constant 0 : index
    %get3A_22 = arith.constant 0 : index
    %get3A_23 = vector.load %arg3[%get3A_21, %get3A_22] : memref<128x128xf32, #tpu.memory_space<vmem>>, vector<128x128xf32>
    %dot_general3A = arith.constant dense<0.000000e+00> : vector<512x128xf32>
    %dot_general3A_24 = tpu.matmul %get3A_20, %get3A_23, %dot_general3A {dimension_numbers = #tpu.dot_dimension_numbers<[1], [0], [0], [1], [0, 0, 1, 1], [], []>, transpose_lhs_hint = false} : vector<512x128xf32>, vector<128x128xf32>, vector<512x128xf32> -> vector<512x128xf32>
    %broadcast_in_dim3A_25 = vector.shape_cast %select_n3A : vector<512xf32> to vector<512x1xf32>
    %mul3A_26 = vector.broadcast %broadcast_in_dim3A_25 : vector<512x1xf32> to vector<512x128xf32>
    %mul3A_27 = arith.mulf %dot_general3A_24, %mul3A_26 : vector<512x128xf32>
    %swap3A = arith.constant 0 : index
    %swap3A_28 = arith.constant 0 : index
    %swap3A_29 = vector.load %arg4[%swap3A, %swap3A_28] : memref<512x128xf32, #tpu.memory_space<vmem>>, vector<512x128xf32>
    tpu.vector_store %arg4[%swap3A, %swap3A_28], %mul3A_27 {strides = array<i32>} : memref<512x128xf32, #tpu.memory_space<vmem>>, vector<512x128xf32>,
    return
  }
  func.func @transform_0(%arg0: i32) -> (i32, i32) {
    %c0_i32 = arith.constant 0 : i32
    %c0_i32_0 = arith.constant 0 : i32
    return %arg0, %c0_i32 : i32, i32
  }
  func.func @transform_1(%arg0: i32) -> (i32, i32, i32) {
    %c0_i32 = arith.constant 0 : i32
    %c0_i32_0 = arith.constant 0 : i32
    %c0_i32_1 = arith.constant 0 : i32
    return %c0_i32, %arg0, %c0_i32_0 : i32, i32, i32
  }
  func.func @transform_2(%arg0: i32) -> (i32, i32) {
    %c0_i32 = arith.constant 0 : i32
    %c0_i32_0 = arith.constant 0 : i32
    %c0_i32_1 = arith.constant 0 : i32
    return %c0_i32, %c0_i32_0 : i32, i32
  }
  func.func @transform_3(%arg0: i32) -> (i32, i32) {
    %c0_i32 = arith.constant 0 : i32
    %c0_i32_0 = arith.constant 0 : i32
    return %arg0, %c0_i32 : i32, i32
  }
}

module attributes {stable_mosaic.version = 14 : i64} {
  func.func @_kl_body(%arg0: i32, %arg1: memref<2x512x128xf32, #tpu.memory_space<vmem>>, %arg2: memref<512x128xf32, #tpu.memory_space<vmem>>, %arg3: memref<2x512x128xf32, #tpu.memory_space<vmem>>, %arg4: memref<128x128xf32, #tpu.memory_space<vmem>>, %arg5: memref<1x128xf32, #tpu.memory_space<vmem>>, %arg6: memref<512x128xf32, #tpu.memory_space<vmem>>) attributes {dimension_semantics = [#tpu.dimension_semantics<arbitrary>], iteration_bounds = array<i64: 20>, scalar_prefetch = 0 : i64, scratch_operands = 0 : i64, tpu.core_type = #tpu.core_type<tc>, window_params = [{transform_indices = @transform_0, window_bounds = array<i64: 2, 512, 128>}, {transform_indices = @transform_1, window_bounds = array<i64: 512, 128>}, {transform_indices = @transform_2, window_bounds = array<i64: 2, 512, 128>}, {pipeline_mode = #tpu.pipeline_mode<synchronous>, transform_indices = @transform_3, window_bounds = array<i64: 128, 128>}, {pipeline_mode = #tpu.pipeline_mode<synchronous>, transform_indices = @transform_4, window_bounds = array<i64: 1, 128>}, {transform_indices = @transform_5, window_bounds = array<i64: 512, 128>}]} {
    %get3A = arith.constant 0 : index
    %get3A_0 = arith.constant 0 : index
    %get3A_1 = arith.constant 0 : index
    %get3A_2 = vector.load %arg3[%get3A, %get3A_0, %get3A_1] : memref<2x512x128xf32, #tpu.memory_space<vmem>>, vector<1x512x1xf32>
    %get3A_3 = vector.shape_cast %get3A_2 : vector<1x512x1xf32> to vector<512xf32>
    %get3A_4 = arith.constant 1 : index
    %get3A_5 = arith.constant 0 : index
    %get3A_6 = arith.constant 0 : index
    %get3A_7 = vector.load %arg3[%get3A_4, %get3A_5, %get3A_6] : memref<2x512x128xf32, #tpu.memory_space<vmem>>, vector<1x512x1xf32>
    %get3A_8 = vector.shape_cast %get3A_7 : vector<1x512x1xf32> to vector<512xf32>
    %add3A = arith.addf %get3A_3, %get3A_8 : vector<512xf32>
    %add3A_9 = arith.constant 1.000000e+00 : f32
    %add3A_10 = vector.broadcast %add3A_9 : f32 to vector<512xf32>
    %add3A_11 = arith.addf %add3A, %add3A_10 : vector<512xf32>
    %mul3A = arith.constant 512 : i32
    %mul3A_12 = arith.muli %arg0, %mul3A : i32
    %iota3A = tpu.iota {dimensions = array<i32: 1>} : vector<1x512xi32>
    %iota3A_13 = vector.shape_cast %iota3A : vector<1x512xi32> to vector<512xi32>
    %add3A_14 = vector.broadcast %mul3A_12 : i32 to vector<512xi32>
    %add3A_15 = arith.addi %add3A_14, %iota3A_13 : vector<512xi32>
    %lt3A = arith.constant 10000 : i32
    %lt3A_16 = vector.broadcast %lt3A : i32 to vector<512xi32>
    %lt3A_17 = arith.cmpi slt, %add3A_15, %lt3A_16 : vector<512xi32>
    %rsqrt3A = math.rsqrt %add3A_11 : vector<512xf32>
    %jit3A = arith.constant 0.000000e+00 : f32
    %broadcast_in_dim3A = vector.broadcast %jit3A : f32 to vector<512xf32>
    %select_n3A = arith.select %lt3A_17, %rsqrt3A, %broadcast_in_dim3A : vector<512xi1>, vector<512xf32>
    %get3A_18 = arith.constant 0 : index
    %get3A_19 = arith.constant 0 : index
    %get3A_20 = arith.constant 0 : index
    %get3A_21 = vector.load %arg1[%get3A_18, %get3A_19, %get3A_20] : memref<2x512x128xf32, #tpu.memory_space<vmem>>, vector<1x512x128xf32>
    %get3A_22 = vector.shape_cast %get3A_21 : vector<1x512x128xf32> to vector<512x128xf32>
    %get3A_23 = arith.constant 1 : index
    %get3A_24 = arith.constant 0 : index
    %get3A_25 = arith.constant 0 : index
    %get3A_26 = vector.load %arg1[%get3A_23, %get3A_24, %get3A_25] : memref<2x512x128xf32, #tpu.memory_space<vmem>>, vector<1x512x128xf32>
    %get3A_27 = vector.shape_cast %get3A_26 : vector<1x512x128xf32> to vector<512x128xf32>
    %add3A_28 = arith.addf %get3A_22, %get3A_27 : vector<512x128xf32>
    %get3A_29 = arith.constant 0 : index
    %get3A_30 = arith.constant 0 : index
    %get3A_31 = vector.load %arg2[%get3A_29, %get3A_30] : memref<512x128xf32, #tpu.memory_space<vmem>>, vector<512x128xf32>
    %add3A_32 = arith.addf %add3A_28, %get3A_31 : vector<512x128xf32>
    %broadcast_in_dim3A_33 = vector.shape_cast %select_n3A : vector<512xf32> to vector<512x1xf32>
    %mul3A_34 = vector.broadcast %broadcast_in_dim3A_33 : vector<512x1xf32> to vector<512x128xf32>
    %mul3A_35 = arith.mulf %add3A_32, %mul3A_34 : vector<512x128xf32>
    %get3A_36 = arith.constant 0 : index
    %get3A_37 = arith.constant 0 : index
    %get3A_38 = vector.load %arg5[%get3A_36, %get3A_37] : memref<1x128xf32, #tpu.memory_space<vmem>>, vector<1x128xf32>
    %add3A_39 = vector.broadcast %get3A_38 : vector<1x128xf32> to vector<512x128xf32>
    %add3A_40 = arith.addf %mul3A_35, %add3A_39 : vector<512x128xf32>
    %gt3A = arith.constant 0.000000e+00 : f32
    %gt3A_41 = vector.broadcast %gt3A : f32 to vector<512x128xf32>
    %gt3A_42 = arith.cmpf ogt, %add3A_40, %gt3A_41 : vector<512x128xf32>
    %mul3A_43 = arith.constant 0.00999999977 : f32
    %mul3A_44 = vector.broadcast %mul3A_43 : f32 to vector<512x128xf32>
    %mul3A_45 = arith.mulf %mul3A_44, %add3A_40 : vector<512x128xf32>
    %select_n3A_46 = arith.select %gt3A_42, %add3A_40, %mul3A_45 : vector<512x128xi1>, vector<512x128xf32>
    %get3A_47 = arith.constant 0 : index
    %get3A_48 = arith.constant 0 : index
    %get3A_49 = vector.load %arg4[%get3A_47, %get3A_48] : memref<128x128xf32, #tpu.memory_space<vmem>>, vector<128x128xf32>
    %dot_general3A = arith.constant dense<0.000000e+00> : vector<512x128xf32>
    %dot_general3A_50 = tpu.matmul %select_n3A_46, %get3A_49, %dot_general3A {dimension_numbers = #tpu.dot_dimension_numbers<[1], [0], [0], [1], [0, 0, 1, 1], [], []>, transpose_lhs_hint = false} : vector<512x128xf32>, vector<128x128xf32>, vector<512x128xf32> -> vector<512x128xf32>
    %broadcast_in_dim3A_51 = vector.shape_cast %select_n3A : vector<512xf32> to vector<512x1xf32>
    %mul3A_52 = vector.broadcast %broadcast_in_dim3A_51 : vector<512x1xf32> to vector<512x128xf32>
    %mul3A_53 = arith.mulf %dot_general3A_50, %mul3A_52 : vector<512x128xf32>
    %swap3A = arith.constant 0 : index
    %swap3A_54 = arith.constant 0 : index
    %swap3A_55 = vector.load %arg6[%swap3A, %swap3A_54] : memref<512x128xf32, #tpu.memory_space<vmem>>, vector<512x128xf32>
    tpu.vector_store %arg6[%swap3A, %swap3A_54], %mul3A_53 {strides = array<i32>} : memref<512x128xf32, #tpu.memory_space<vmem>>, vector<512x128xf32>,
    return
  }
  func.func @transform_0(%arg0: i32) -> (i32, i32, i32) {
    %c0_i32 = arith.constant 0 : i32
    %c0_i32_0 = arith.constant 0 : i32
    %c0_i32_1 = arith.constant 0 : i32
    return %c0_i32, %arg0, %c0_i32_0 : i32, i32, i32
  }
  func.func @transform_1(%arg0: i32) -> (i32, i32) {
    %c0_i32 = arith.constant 0 : i32
    %c0_i32_0 = arith.constant 0 : i32
    return %arg0, %c0_i32 : i32, i32
  }
  func.func @transform_2(%arg0: i32) -> (i32, i32, i32) {
    %c0_i32 = arith.constant 0 : i32
    %c0_i32_0 = arith.constant 0 : i32
    %c0_i32_1 = arith.constant 0 : i32
    return %c0_i32, %arg0, %c0_i32_0 : i32, i32, i32
  }
  func.func @transform_3(%arg0: i32) -> (i32, i32) {
    %c0_i32 = arith.constant 0 : i32
    %c0_i32_0 = arith.constant 0 : i32
    %c0_i32_1 = arith.constant 0 : i32
    return %c0_i32, %c0_i32_0 : i32, i32
  }
  func.func @transform_4(%arg0: i32) -> (i32, i32) {
    %c0_i32 = arith.constant 0 : i32
    %c0_i32_0 = arith.constant 0 : i32
    %c0_i32_1 = arith.constant 0 : i32
    return %c0_i32, %c0_i32_0 : i32, i32
  }
  func.func @transform_5(%arg0: i32) -> (i32, i32) {
    %c0_i32 = arith.constant 0 : i32
    %c0_i32_0 = arith.constant 0 : i32
    return %arg0, %c0_i32 : i32, i32
  }
}

module attributes {stable_mosaic.version = 14 : i64} {
  func.func @_k4_body(%arg0: i32, %arg1: memref<2x512x128xf32, #tpu.memory_space<vmem>>, %arg2: memref<512x128xf32, #tpu.memory_space<vmem>>, %arg3: memref<2x512x128xf32, #tpu.memory_space<vmem>>, %arg4: memref<1x128xf32, #tpu.memory_space<vmem>>, %arg5: memref<64x128xf32, #tpu.memory_space<vmem>>, %arg6: memref<1x128xf32, #tpu.memory_space<vmem>>, %arg7: memref<512x64xf32, #tpu.memory_space<vmem>>, %arg8: memref<512x128xf32, #tpu.memory_space<vmem>>) attributes {dimension_semantics = [#tpu.dimension_semantics<arbitrary>], iteration_bounds = array<i64: 20>, scalar_prefetch = 0 : i64, scratch_operands = 0 : i64, tpu.core_type = #tpu.core_type<tc>, window_params = [{transform_indices = @transform_0, window_bounds = array<i64: 2, 512, 128>}, {transform_indices = @transform_1, window_bounds = array<i64: 512, 128>}, {transform_indices = @transform_2, window_bounds = array<i64: 2, 512, 128>}, {pipeline_mode = #tpu.pipeline_mode<synchronous>, transform_indices = @transform_3, window_bounds = array<i64: 1, 128>}, {pipeline_mode = #tpu.pipeline_mode<synchronous>, transform_indices = @transform_4, window_bounds = array<i64: 64, 128>}, {pipeline_mode = #tpu.pipeline_mode<synchronous>, transform_indices = @transform_5, window_bounds = array<i64: 1, 128>}, {transform_indices = @transform_6, window_bounds = array<i64: 512, 64>}, {transform_indices = @transform_7, window_bounds = array<i64: 512, 128>}]} {
    %get3A = arith.constant 0 : index
    %get3A_0 = arith.constant 0 : index
    %get3A_1 = arith.constant 0 : index
    %get3A_2 = vector.load %arg3[%get3A, %get3A_0, %get3A_1] : memref<2x512x128xf32, #tpu.memory_space<vmem>>, vector<1x512x1xf32>
    %get3A_3 = vector.shape_cast %get3A_2 : vector<1x512x1xf32> to vector<512xf32>
    %get3A_4 = arith.constant 1 : index
    %get3A_5 = arith.constant 0 : index
    %get3A_6 = arith.constant 0 : index
    %get3A_7 = vector.load %arg3[%get3A_4, %get3A_5, %get3A_6] : memref<2x512x128xf32, #tpu.memory_space<vmem>>, vector<1x512x1xf32>
    %get3A_8 = vector.shape_cast %get3A_7 : vector<1x512x1xf32> to vector<512xf32>
    %add3A = arith.addf %get3A_3, %get3A_8 : vector<512xf32>
    %add3A_9 = arith.constant 1.000000e+00 : f32
    %add3A_10 = vector.broadcast %add3A_9 : f32 to vector<512xf32>
    %add3A_11 = arith.addf %add3A, %add3A_10 : vector<512xf32>
    %mul3A = arith.constant 512 : i32
    %mul3A_12 = arith.muli %arg0, %mul3A : i32
    %iota3A = tpu.iota {dimensions = array<i32: 1>} : vector<1x512xi32>
    %iota3A_13 = vector.shape_cast %iota3A : vector<1x512xi32> to vector<512xi32>
    %add3A_14 = vector.broadcast %mul3A_12 : i32 to vector<512xi32>
    %add3A_15 = arith.addi %add3A_14, %iota3A_13 : vector<512xi32>
    %lt3A = arith.constant 10000 : i32
    %lt3A_16 = vector.broadcast %lt3A : i32 to vector<512xi32>
    %lt3A_17 = arith.cmpi slt, %add3A_15, %lt3A_16 : vector<512xi32>
    %rsqrt3A = math.rsqrt %add3A_11 : vector<512xf32>
    %jit3A = arith.constant 0.000000e+00 : f32
    %broadcast_in_dim3A = vector.broadcast %jit3A : f32 to vector<512xf32>
    %select_n3A = arith.select %lt3A_17, %rsqrt3A, %broadcast_in_dim3A : vector<512xi1>, vector<512xf32>
    %get3A_18 = arith.constant 0 : index
    %get3A_19 = arith.constant 0 : index
    %get3A_20 = arith.constant 0 : index
    %get3A_21 = vector.load %arg1[%get3A_18, %get3A_19, %get3A_20] : memref<2x512x128xf32, #tpu.memory_space<vmem>>, vector<1x512x64xf32>
    %get3A_22 = vector.shape_cast %get3A_21 : vector<1x512x64xf32> to vector<512x64xf32>
    %get3A_23 = arith.constant 1 : index
    %get3A_24 = arith.constant 0 : index
    %get3A_25 = arith.constant 0 : index
    %get3A_26 = vector.load %arg1[%get3A_23, %get3A_24, %get3A_25] : memref<2x512x128xf32, #tpu.memory_space<vmem>>, vector<1x512x64xf32>
    %get3A_27 = vector.shape_cast %get3A_26 : vector<1x512x64xf32> to vector<512x64xf32>
    %add3A_28 = arith.addf %get3A_22, %get3A_27 : vector<512x64xf32>
    %get3A_29 = arith.constant 0 : index
    %get3A_30 = arith.constant 0 : index
    %get3A_31 = vector.load %arg2[%get3A_29, %get3A_30] : memref<512x128xf32, #tpu.memory_space<vmem>>, vector<512x64xf32>
    %add3A_32 = arith.addf %add3A_28, %get3A_31 : vector<512x64xf32>
    %broadcast_in_dim3A_33 = vector.shape_cast %select_n3A : vector<512xf32> to vector<512x1xf32>
    %mul3A_34 = vector.broadcast %broadcast_in_dim3A_33 : vector<512x1xf32> to vector<512x64xf32>
    %mul3A_35 = arith.mulf %add3A_32, %mul3A_34 : vector<512x64xf32>
    %get3A_36 = arith.constant 0 : index
    %get3A_37 = arith.constant 0 : index
    %get3A_38 = vector.load %arg4[%get3A_36, %get3A_37] : memref<1x128xf32, #tpu.memory_space<vmem>>, vector<1x64xf32>
    %add3A_39 = vector.broadcast %get3A_38 : vector<1x64xf32> to vector<512x64xf32>
    %add3A_40 = arith.addf %mul3A_35, %add3A_39 : vector<512x64xf32>
    %gt3A = arith.constant 0.000000e+00 : f32
    %gt3A_41 = vector.broadcast %gt3A : f32 to vector<512x64xf32>
    %gt3A_42 = arith.cmpf ogt, %add3A_40, %gt3A_41 : vector<512x64xf32>
    %mul3A_43 = arith.constant 0.00999999977 : f32
    %mul3A_44 = vector.broadcast %mul3A_43 : f32 to vector<512x64xf32>
    %mul3A_45 = arith.mulf %mul3A_44, %add3A_40 : vector<512x64xf32>
    %select_n3A_46 = arith.select %gt3A_42, %add3A_40, %mul3A_45 : vector<512x64xi1>, vector<512x64xf32>
    %reduce_max3A = arith.constant dense<0xFF800000> : vector<512xf32>
    %reduce_max3A_47 = vector.multi_reduction <maximumf>, %select_n3A_46, %reduce_max3A [1] : vector<512x64xf32> to vector<512xf32>
    %broadcast_in_dim3A_48 = vector.shape_cast %reduce_max3A_47 : vector<512xf32> to vector<512x1xf32>
    %sub3A = vector.broadcast %broadcast_in_dim3A_48 : vector<512x1xf32> to vector<512x64xf32>
    %sub3A_49 = arith.subf %select_n3A_46, %sub3A : vector<512x64xf32>
    %exp3A = math.exp %sub3A_49 : vector<512x64xf32>
    %swap3A = arith.constant 0 : index
    %swap3A_50 = arith.constant 0 : index
    %swap3A_51 = vector.load %arg7[%swap3A, %swap3A_50] : memref<512x64xf32, #tpu.memory_space<vmem>>, vector<512x64xf32>
    tpu.vector_store %arg7[%swap3A, %swap3A_50], %exp3A {strides = array<i32>} : memref<512x64xf32, #tpu.memory_space<vmem>>, vector<512x64xf32>,
    %get3A_52 = arith.constant 0 : index
    %get3A_53 = arith.constant 0 : index
    %get3A_54 = vector.load %arg5[%get3A_52, %get3A_53] : memref<64x128xf32, #tpu.memory_space<vmem>>, vector<64x128xf32>
    %dot_general3A = arith.constant dense<0.000000e+00> : vector<512x128xf32>
    %dot_general3A_55 = tpu.matmul %exp3A, %get3A_54, %dot_general3A {dimension_numbers = #tpu.dot_dimension_numbers<[1], [0], [0], [1], [0, 0, 1, 1], [], []>, transpose_lhs_hint = false} : vector<512x64xf32>, vector<64x128xf32>, vector<512x128xf32> -> vector<512x128xf32>
    %get3A_56 = arith.constant 0 : index
    %get3A_57 = arith.constant 0 : index
    %get3A_58 = vector.load %arg6[%get3A_56, %get3A_57] : memref<1x128xf32, #tpu.memory_space<vmem>>, vector<1x128xf32>
    %add3A_59 = vector.broadcast %get3A_58 : vector<1x128xf32> to vector<512x128xf32>
    %add3A_60 = arith.addf %dot_general3A_55, %add3A_59 : vector<512x128xf32>
    %swap3A_61 = arith.constant 0 : index
    %swap3A_62 = arith.constant 0 : index
    %swap3A_63 = vector.load %arg8[%swap3A_61, %swap3A_62] : memref<512x128xf32, #tpu.memory_space<vmem>>, vector<512x128xf32>
    tpu.vector_store %arg8[%swap3A_61, %swap3A_62], %add3A_60 {strides = array<i32>} : memref<512x128xf32, #tpu.memory_space<vmem>>, vector<512x128xf32>,
    return
  }
  func.func @transform_0(%arg0: i32) -> (i32, i32, i32) {
    %c0_i32 = arith.constant 0 : i32
    %c0_i32_0 = arith.constant 0 : i32
    %c0_i32_1 = arith.constant 0 : i32
    return %c0_i32, %arg0, %c0_i32_0 : i32, i32, i32
  }
  func.func @transform_1(%arg0: i32) -> (i32, i32) {
    %c0_i32 = arith.constant 0 : i32
    %c0_i32_0 = arith.constant 0 : i32
    return %arg0, %c0_i32 : i32, i32
  }
  func.func @transform_2(%arg0: i32) -> (i32, i32, i32) {
    %c0_i32 = arith.constant 0 : i32
    %c0_i32_0 = arith.constant 0 : i32
    %c0_i32_1 = arith.constant 0 : i32
    return %c0_i32, %arg0, %c0_i32_0 : i32, i32, i32
  }
  func.func @transform_3(%arg0: i32) -> (i32, i32) {
    %c0_i32 = arith.constant 0 : i32
    %c0_i32_0 = arith.constant 0 : i32
    %c0_i32_1 = arith.constant 0 : i32
    return %c0_i32, %c0_i32_0 : i32, i32
  }
  func.func @transform_4(%arg0: i32) -> (i32, i32) {
    %c0_i32 = arith.constant 0 : i32
    %c0_i32_0 = arith.constant 0 : i32
    %c0_i32_1 = arith.constant 0 : i32
    return %c0_i32, %c0_i32_0 : i32, i32
  }
  func.func @transform_5(%arg0: i32) -> (i32, i32) {
    %c0_i32 = arith.constant 0 : i32
    %c0_i32_0 = arith.constant 0 : i32
    %c0_i32_1 = arith.constant 0 : i32
    return %c0_i32, %c0_i32_0 : i32, i32
  }
  func.func @transform_6(%arg0: i32) -> (i32, i32) {
    %c0_i32 = arith.constant 0 : i32
    %c0_i32_0 = arith.constant 0 : i32
    return %arg0, %c0_i32 : i32, i32
  }
  func.func @transform_7(%arg0: i32) -> (i32, i32) {
    %c0_i32 = arith.constant 0 : i32
    %c0_i32_0 = arith.constant 0 : i32
    return %arg0, %c0_i32 : i32, i32
  }
}

</mosaic_0001>

<sc_bundles>
// kernel: kernel.12.cloned.1.call-start
scs
__scs_entry_jumppad:
0x0: {  	(pc) =	sbr.rel $0x88, $3  }
0x1: {  	(tag) =	ssettag $0x0;
	lr =	simm.s32 $0x1  }
0x2: {  	[smem:$0x3F95] =	sst lr;
	_ =	strace $0xD0000000  }
0x3: {  	_ = 	snop  }
0x4: {  	_ = 	snop  }
0x5: {  	_ = 	snop  }
0x6: {  	_ = 	snop  }
0x7: {  	_ = 	snop  }
__scs_overlays_trampoline_lowered:
0x8: {  	[smem:$0x3FA4] =	sst s0  }
0x9: {  	[smem:$0x3FA5] =	sst s1  }
0xa: {  	[smem:$0x3FA6] =	sst s2  }
0xb: {  	[smem:$0x3FA7] =	sst s3  }
0xc: {  	[smem:$0x3FA8] =	sst s4  }
0xd: {  	[smem:$0x3FA9] =	sst s5  }
0xe: {  	[smem:$0x3FAA] =	sst s6  }
0xf: {  	[smem:$0x3FAB] =	sst s7  }
0x10: {  	[smem:$0x3FAC] =	sst s8  }
0x11: {  	[smem:$0x3FAD] =	sst s9;
	s0 =	simm.s32 @!p0 $0x0  }
0x12: {  	s1 =	sld [smem:$0x3F93];
	s0 =	simm.s32 @p0 $0x1  }
0x13: {  	[smem:$0x3FAE] =	sst s0;
	s0 =	simm.s32 @!p1 $0x0  }
0x14: {  	s2 =	sld [smem:$0x3F92];
	s0 =	simm.s32 @p1 $0x1  }
0x15: {  	[smem:$0x3FAF] =	sst s0;
	s0 =	simm.s32 @!p2 $0x0  }
0x16: {  	s3 =	sld [smem:$0x3FDB];
	s0 =	simm.s32 @p2 $0x1  }
0x17: {  	s4 =	simm.s32 $0x1BF5;
	[smem:$0x3FB1] =	sst s0  }
0x18: {  	s0 =	sld [smem:$0x3F94];
	_ =	swait.ge [sflag:s4], $0x0  }
0x19: {  	s7 =	sld [smem:$0x3F95]  }
0x1a: {  	s8 =	sadd.s32 $0xFFFFE003, lr  }
0x1b: {  	s9 =	sadd.s32 $0xFFFFFEF7, lr;
	s5 =	simm.s32 $0xFFFFFFFF;
	p2 =	slt.u32 s8, $0xFFFFF086  }
0x1c: {  	p1 =	slt.u32 s9, $0xF7A;
	s5 =	simm.s32 @!p2 $0x0  }
0x1d: {  	s5 =	simm.s32 @p1 $0x1;
	p0 =	seq.s32 s7, s2  }
0x1e: {  	s7 =	smul.u32 @!p0 $0xF7A, s2;
	p2 =	seq.s32 @!p0 s5, $0x0  }
0x1f: {  	s9 =	smul.u32 $0xF7A, s1;
	s8 =	simm.s32 @!p0 $0x1BF5;
	p2 =	por !p2, p0  }
0x20: {  	[sflag:s8] =	ssyncset.s32 @!p0 $0xFFFFF086;
	s6 =	sadd.s32 @!p0 s3, s7;
	s7 =	simm.s32 @!p0 $0x108  }
0x21: {  	s3 =	sadd.s32 s3, s9;
	s6 =	sadd.s32 @!p0 $0x88, s6;
	s7 =	simm.s32 @p2 $0x1082  }
0x22: {  	[simem:s7], [sflag:s8] =	dma.local @!p0 [hbm:s6], $0xF7A  }
0x23: {  	s9 =	sor.u32 $0xD0000000, s2;
	s6 =	simm.s32 $0x108;
	_ =	swait.ge @!p0 [sflag:s8], $0x0  }
0x24: {  	s3 =	sadd.s32 $0x88, s3;
	s6 =	simm.s32 @!p1 $0x1082;
	[sflag:s4] =	ssyncset.s32 $0xFFFFF086  }
0x25: {  	[simem:s6], [sflag:s4] =	dma.local [hbm:s3], $0xF7A  }
0x26: {  	[smem:$0x3F95] =	sst s1;
	(tag) =	ssettag s2;
	_ =	strace s9  }
0x27: {  	s1 =	sld [smem:$0x3FA5]  }
0x28: {  	s2 =	sld [smem:$0x3FA6]  }
0x29: {  	s4 =	sld [smem:$0x3FA8]  }
0x2a: {  	p0 =	seq.s32 s5, $0x0;
	s5 =	sld [smem:$0x3FA9]  }
0x2b: {  	s6 =	sld [smem:$0x3FAA]  }
0x2c: {  	s7 =	sld [smem:$0x3FAB]  }
0x2d: {  	s3 =	simm.s32 $0x108;
	s8 =	sld [smem:$0x3FAC]  }
0x2e: {  	s3 =	simm.s32 @!p0 $0x1082;
	s9 =	sld [smem:$0x3FAD]  }
0x2f: {  	lr =	sadd.s32 s0, s3;
	s0 =	sld [smem:$0x3FA4]  }
0x30: {  	s3 =	sld [smem:$0x3FA7]  }
0x31: {  	[smem:$0x3FB0] =	sst s10  }
0x32: {  	s10 =	sld [smem:$0x3FAE];
	_ =	sdelay $0x3  }
0x33: {  	p0 =	seq.s32 s10, $0x1;
	s10 =	sld [smem:$0x3FB0];
	_ =	sdelay $0x3  }
0x34: {  	[smem:$0x3FB0] =	sst s10  }
0x35: {  	s10 =	sld [smem:$0x3FAF];
	_ =	sdelay $0x3  }
0x36: {  	p1 =	seq.s32 s10, $0x1;
	s10 =	sld [smem:$0x3FB0];
	_ =	sdelay $0x3  }
0x37: {  	[smem:$0x3FB0] =	sst s10  }
0x38: {  	s10 =	sld [smem:$0x3FB1]  }
0x39: {  	_ = 	snop;
	(pc) =	sbr.ind lr, $3  }
0x3a: {  	_ = 	snop  }
0x3b: {  	_ = 	snop  }
0x3c: {  	p2 =	seq.s32 s10, $0x1;
	s10 =	sld [smem:$0x3FB0]  }
0x3d: {  	_ =	shalt  }
0x3e: {  	_ =	shalt  }
0x3f: {  	_ =	shalt  }
0x40: {  	_ =	shalt  }
0x41: {  	_ =	shalt  }
0x42: {  	_ =	shalt  }
0x43: {  	_ =	shalt  }
0x44: {  	_ =	shalt  }
0x45: {  	_ =	shalt  }
0x46: {  	_ =	shalt  }
0x47: {  	_ =	shalt  }
0x48: {  	_ =	shalt  }
0x49: {  	_ =	shalt  }
0x4a: {  	_ =	shalt  }
0x4b: {  	_ =	shalt  }
0x4c: {  	_ =	shalt  }
0x4d: {  	_ =	shalt  }
0x4e: {  	_ =	shalt  }
0x4f: {  	_ =	shalt  }
0x50: {  	_ =	shalt  }
0x51: {  	_ =	shalt  }
0x52: {  	_ =	shalt  }
0x53: {  	_ =	shalt  }
0x54: {  	_ =	shalt  }
0x55: {  	_ =	shalt  }
0x56: {  	_ =	shalt  }
0x57: {  	_ =	shalt  }
0x58: {  	_ =	shalt  }
0x59: {  	_ =	shalt  }
0x5a: {  	_ =	shalt  }
0x5b: {  	_ =	shalt  }
0x5c: {  	_ =	shalt  }
0x5d: {  	_ =	shalt  }
0x5e: {  	_ =	shalt  }
0x5f: {  	_ =	shalt  }
0x60: {  	_ =	shalt  }
0x61: {  	_ =	shalt  }
0x62: {  	_ =	shalt  }
0x63: {  	_ =	shalt  }
0x64: {  	_ =	shalt  }
0x65: {  	_ =	shalt  }
0x66: {  	_ =	shalt  }
0x67: {  	_ =	shalt  }
0x68: {  	_ =	shalt  }
0x69: {  	_ =	shalt  }
0x6a: {  	_ =	shalt  }
0x6b: {  	_ =	shalt  }
0x6c: {  	_ =	shalt  }
0x6d: {  	_ =	shalt  }
0x6e: {  	_ =	shalt  }
0x6f: {  	_ =	shalt  }
0x70: {  	_ =	shalt  }
0x71: {  	_ =	shalt  }
0x72: {  	_ =	shalt  }
0x73: {  	_ =	shalt  }
0x74: {  	_ =	shalt  }
0x75: {  	_ =	shalt  }
0x76: {  	_ =	shalt  }
0x77: {  	_ =	shalt  }
0x78: {  	_ =	shalt  }
0x79: {  	_ =	shalt  }
0x7a: {  	_ =	shalt  }
0x7b: {  	_ =	shalt  }
0x7c: {  	_ =	shalt  }
0x7d: {  	_ =	shalt  }
0x7e: {  	_ =	shalt  }
0x7f: {  	_ =	shalt  }
0x80: {  	_ =	shalt  }
0x81: {  	_ =	shalt  }
0x82: {  	_ =	shalt  }
0x83: {  	_ =	shalt  }
0x84: {  	_ =	shalt  }
0x85: {  	_ =	shalt  }
0x86: {  	_ =	shalt  }
0x87: {  	_ =	shalt  }
.Lfunc_end0:
.L_simem_size_0:
called_computation_lowered:
.L_overlay_start_0:
0x88: {  	s2 =	sld [smem:$0x3FD9]  }
0x89: {  	s3 =	sld [smem:$0x3FFE];
	_ =	sdelay $0x1  }
0x8a: {  	s1 =	srdreg.scid  }
0x8b: {  	s0 =	sand.u32 $0x1, s1  }
0x8c: {  	s14 =	sshll.u32 s0, $0xA;
	s2 =	sadd.s32 s3, s2  }
0x8d: {  	s2 =	sadd.s32 s2, s14  }
0x8e: {  	[smem:$0x3FBC] =	sst s2  }
0x8f: {  	_ = 	snop  }
0x90: {  	s2 =	sld [smem:$0x3FD0];
	_ =	sdelay $0x2  }
0x91: {  	s15 =	simm.s32 $0xA;
	s4 =	simm.s32 $0x10  }
0x92: {  	[smem:s4], [sflag:s15] =	dma.local [hbm:s2], $0x1  }
0x93: {  	_ =	swait.eq [sflag:s15], $0x1  }
0x94: {  	[sflag:s15] =	ssyncset.done $0x0  }
0x95: {  	[sflag:s15] =	ssyncadd.s32 $0xFFFFFFFF  }
0x96: {  	s16 =	sld [smem:$0x11];
	(tm) =	ssettm $0x1  }
0x97: {  	s17 =	sld [smem:$0x3FFB];
	_ =	sdelay $0x3  }
0x98: {  	_ =	strace s17  }
0x99: {  	s3 =	sld [smem:$0x3FFC];
	_ =	sdelay $0x3  }
0x9a: {  	_ =	strace s3  }
0x9b: {  	s3 =	sld [smem:$0x3FFD];
	_ =	sdelay $0x3  }
0x9c: {  	_ =	strace s3  }
0x9d: {  	_ =	strace $0x8FFFFFFF  }
0x9e: {  	s18 =	sld [smem:$0x3FDB];
	_ =	sdelay $0x1  }
0x9f: {  	s19 =	simm.s32 $_scs_section_size  }
0xa0: {  	s5 =	simm.s32 $_size__tile_overlayer_lowered;
	s6 =	simm.s32 $_tile_overlayer_lowered  }
0xa1: {  	s22 =	simm.s32 $0x1BFF;
	s21 =	sshll.u32 s6, $0x1;
	s3 =	sadd.s32 s19, s18  }
0xa2: {  	s7 =	simm.s32 $0x0;
	s20 =	sshll.u32 s5, $0x1;
	s5 =	sadd.s32 s21, s3  }
0xa3: {  	[timem:s7], [sflag:s22] =	dma.local [hbm:s5], s20  }
0xa4: {  	_ =	swait.ge [sflag:s22], s20  }
0xa5: {  	s4 =	ssub.s32 $0x0, s20;
	[sflag:s22] =	ssyncset.done $0x0  }
0xa6: {  	[sflag:s22] =	ssyncadd.s32 s4;
	_ =	sdelay $0x1  }
0xa7: {  	s23 =	simm.s32 $0x1B8B  }
0xa8: {  	_ =	swait.ge [sflag:s23], $0x1  }
0xa9: {  	[sflag:s23] =	ssyncset.done $0x0  }
0xaa: {  	s25 =	simm.s32 $0x1B8E;
	s24 =	sld [smem:$0x3FFE];
	[sflag:s23] =	ssyncadd.s32 $0xFFFFFFFF  }
0xab: {  	s26 =	simm.s32 $execute0_lowered;
	[smem:$0x3FD2] =	sst s25  }
0xac: {  	s5 =	sshll.u32 s26, $0x1;
	_ =	strace $0x80000046;
	[dreg:$0x1] =	wrdreg $0xFFFFFFFF  }
0xad: {  	s28 =	simm.s32 $_size_execute0_lowered;
	s3 =	sadd.s32 s3, s5;
	[dreg:$0x0] =	wrdreg $0x0  }
0xae: {  	s5 =	sshll.u32 s28, $0x1;
	[dreg:$0x2] =	wrdreg s3  }
0xaf: {  	[dreg:$0x3] =	wrdreg s5  }
0xb0: {  	[dreg:$0x4] =	wrdreg $0xC0  }
0xb1: {  	_ =	task [dreg:s7], $0x5FFFF  }
0xb2: {  	[dreg:$0x1] =	wrdreg $0xFFFFFFFF  }
0xb3: {  	[dreg:$0x0] =	wrdreg $0x60  }
0xb4: {  	[dreg:$0x2] =	wrdreg s24  }
0xb5: {  	[dreg:$0x3] =	wrdreg s16  }
0xb6: {  	[dreg:$0x4] =	wrdreg $0x40800  }
0xb7: {  	[dreg:$0x5] =	wrdreg $0x9  }
0xb8: {  	_ =	task.clear_ibuf [dreg:s7], $0x6FFFF;
	_ =	strace $0x90000046  }
0xb9: {  	s29 =	simm.s32 $0x9;
	_ =	strace $0x80000048  }
0xba: {  	_ =	swait.ge [sflag:s29], $0x1  }
0xbb: {  	[sflag:s29] =	ssyncadd.s32 $0xFFFFFFFF  }
0xbc: {  	_ =	strace $0x90000048  }
0xbd: {  	_ =	sfence  }
0xbe: {  	s30 =	sld [smem:$0x0];
	_ =	sdelay $0x2  }
0xbf: {  	s31 =	sshll.u32 s1, $0xD;
	s1 =	sshrl.u32 s1, $0x2  }
0xc0: {  	s3 =	sand.u32 $0x4000, s31;
	s1 =	sadd.s32 s1, s30  }
0xc1: {  	s0 =	sor.u32 s3, s0;
	s1 =	sshll.u32 s1, $0x11  }
0xc2: {  	s0 =	sor.u32 s1, s0  }
0xc3: {  	s0 =	sadd.s32 $0x8F2B, s0  }
0xc4: {  	[sflag:s0] =	ssyncadd.remote.s32 $0x1  }
0xc5: {  	_ =	sfence.sel $0xFFFF  }
0xc6: {  	[dreg:$0x0] =	wrdreg $0xFFFFFFFF;
	(pc) =	sbr.abs _section_cstart, $3  }
0xc7: {  	[dreg:$0x1] =	wrdreg $0xFFFFFFFF  }
0xc8: {  	_ =	task.clear_ibuf [dreg:s7], $0x2FFFF;
	_ =	strace $0x9FFFFFFF  }
0xc9: {  	(tm) =	ssettm $0x7FFFFFFF  }
tec
execute0_lowered:
.L_overlay_start_1:
0x0: {  	(tag) =	ssettag $0x1  }
0x1: {  	s6 =	rddreg [dreg:$0x0]  }
0x2: {  	s1 =	rddreg [dreg:$0x1];
	s3 =	stileid.u32  }
0x3: {  	s0 =	srdreg.scid;
	s9 =	smul.u32 $0x14000, s3  }
0x4: {  	s2 =	rddreg [dreg:$0x2];
	s4 =	simm.s32 $0x0;
	s28 =	smul.u32 $0x50000, s3  }
0x5: {  	s7 =	sand.u32 $0x1, s0;
	s0 =	rddreg [dreg:$0x3];
	s11 =	smul.u32 $0x500, s3  }
0x6: {  	s13 =	simm.s32 $0x0;
	[smem:$0x7FF] =	sst s4;
	s5 =	smul.u32 $0x5000, s7  }
0x7: {  	s31 =	sshll.u32 s3, $0x6;
	s8 =	smul.u32 $0x140000, s7;
	s7 =	ssub.s32 $0x2, s7  }
0x8: {  	_ =	strace $0x80000047;
	s29 =	sshrl.u32 s7, $0x1;
	s10 =	sadd.s32 s5, s6  }
0x9: {  	s5 =	sadd.s32 $0xD600, s6;
	s8 =	sadd.s32 s9, s8;
	s9 =	sshrl.u32 s28, $0x2  }
0xa: {  	s7 =	ssub.s32 s7, s29;
	s8 =	sshrl.u32 s8, $0x3;
	s12 =	sadd.s32 s9, s2  }
0xb: {  	s30 =	sadd.s32 s11, s10;
	s7 =	smax.u32 s7, $0x1;
	s9 =	simm.s32 $0x80  }
0xc: {  	s10 =	simm.s32 $0x1;
	s11 =	sor.u32 $0x1C01, s31;
	s6 =	sadd.s32 s8, s6  }
0xd: {  	s8 =	sadd.s32 $0x3600, s30;
	s12 =	sshrl.u32 s12, $0x3;
	s6 =	sadd.s32 $0xFE00, s6  }
.LBB2_1:
0xe: {  	[tilespmem:s9], [sflag:$0x1] =	stream.linear.gather [hbm4b:s1+s4], $0x4000, $0x38;
	[tilespmem:$0x18080] =	vst v63  }
0xf: {  	_ =	swait.ge [sflag:s10], $0x4000  }
0x10: {  	[sflag:s10] =	ssyncset.done $0x0  }
0x11: {  	[sflag:s10] =	ssyncadd.s32 $0xFFFFC000  }
0x12: {  	[spmem:s12], [sflag:s11] =	dma.local [hbm:s5], $0x2800  }
0x13: {  	_ =	swait.ge [sflag:s10], $0x2800  }
0x14: {  	[sflag:s10] =	ssyncset.done $0x0  }
0x15: {  	[sflag:s10] =	ssyncadd.s32 $0xFFFFD800  }
0x16: {  	s14 =	sadd.s32 $0x0, s8;
	[bflag:$0x0] =	sbarrier.arrive $0xFFFF  }
0x17: {  	[tilespmem:s4], [sflag:$0x1] =	stream.linear.gather [hbm4b:s14+s4], $0x80, $0x38;
	[tilespmem:$0x18080] =	vst v63  }
0x18: {  	_ =	swait.ge [sflag:s10], $0x80  }
0x19: {  	[sflag:s10] =	ssyncset.done $0x0  }
0x1a: {  	[sflag:s10] =	ssyncadd.s32 $0xFFFFFF80  }
0x1b: {  	[spmem:s2] =	stream.indirect.scatter.add.f32 [tilespmem:s9], [sflag:$0x1], $0x80, s4, s9, $0xb8;
	[tilespmem:$0x18080] =	vst v63  }
0x1c: {  	_ =	swait.ge [sflag:s10], $0x4000  }
0x1d: {  	s15 =	simm.s32 $0x20;
	s14 =	simm.s32 $0x10;
	[sflag:s10] =	ssyncset.done $0x0  }
.LBB2_2:
0x1e: {  	s16 =	sadd.s32 s14, s8  }
0x1f: {  	[sflag:s10] =	ssyncadd.s32 $0xFFFFC000;
	s14 =	smov.u32 s15;
	s17 =	sadd.s32 $0x10, s15  }
0x20: {  	[tilespmem:s4], [sflag:$0x1] =	stream.linear.gather [hbm4b:s16+s4], $0x80, $0x38;
	[tilespmem:$0x18080] =	vst v63  }
0x21: {  	p0 =	sne.s32 s15, $0x4F0;
	_ =	swait.ge [sflag:s10], $0x80  }
.Ltmp0:
0x22: {  	[sflag:s10] =	ssyncset.done $0x0;
	(pc) =	sbr.rel @p0 .LBB2_2-.Ltmp0, $4  }
0x23: {  	[sflag:s10] =	ssyncadd.s32 $0xFFFFFF80  }
0x24: {  	[spmem:s2] =	stream.indirect.scatter.add.f32 [tilespmem:s9], [sflag:$0x1], $0x80, s4, s9, $0xb8;
	[tilespmem:$0x18080] =	vst v63  }
0x25: {  	_ =	swait.ge [sflag:s10], $0x4000  }
0x26: {  	s15 =	smov.u32 s17;
	[sflag:s10] =	ssyncset.done $0x0  }
0x27: {  	s14 =	sadd.s32 s14, s8;
	[sflag:s10] =	ssyncadd.s32 $0xFFFFC000  }
0x28: {  	[tilespmem:s4], [sflag:$0x1] =	stream.linear.gather [hbm4b:s14+s4], $0x80, $0x38;
	[tilespmem:$0x18080] =	vst v63  }
0x29: {  	_ =	swait.ge [sflag:s10], $0x80  }
0x2a: {  	[sflag:s10] =	ssyncset.done $0x0  }
0x2b: {  	[sflag:s10] =	ssyncadd.s32 $0xFFFFFF80  }
0x2c: {  	[spmem:s2] =	stream.indirect.scatter.add.f32 [tilespmem:s9], [sflag:$0x1], $0x80, s4, s9, $0xb8;
	[tilespmem:$0x18080] =	vst v63  }
0x2d: {  	_ =	swait.ge [sflag:s10], $0x4000  }
0x2e: {  	s13 =	sadd.s32 $0x1, s13;
	[sflag:s10] =	ssyncset.done $0x0  }
0x2f: {  	p0 =	sne.s32 s13, s7;
	[sflag:s10] =	ssyncadd.s32 $0xFFFFC000  }
.Ltmp1:
0x30: {  	[bflag:$0x0] =	sbarrier.arrive $0xFFFF;
	(pc) =	sbr.rel @p0 .LBB2_1-.Ltmp1, $4  }
0x31: {  	[hbm:s6], [sflag:s11] =	dma.local [spmem:s12], $0x2800  }
0x32: {  	_ =	swait.ge [sflag:s10], $0x2800  }
0x33: {  	[sflag:s10] =	ssyncset.done $0x0  }
0x34: {  	[sflag:s10] =	ssyncadd.s32 $0xFFFFD800  }
0x35: {  	_ =	sfence.sel $0x180000  }
0x36: {  	[bflag:$0x0] =	sbarrier.arrive $0xFFFF  }
0x37: {  	p0 =	sne.s32 s3, $0x0;
	_ =	strace $0x90000047  }
0x38: {  	s0 =	sadd.s32 @!p0 $0x100000, s0;
	[bflag:$0x2] =	sbarrier.arrive $0xFFFF  }
0x39: {  	[sflag:s0] =	ssyncadd.tile.s32 @!p0 $0x1;
	_ =	shalt  }
.Lfunc_end2:
_tile_overlayer_lowered:
.L_overlay_start_2:
0x3a: {  	(tag) =	ssettag $0x2  }
0x3b: {  	s0 =	rddreg [dreg:$0x0];
	s2 =	stileid.u32  }
0x3c: {  	s1 =	rddreg [dreg:$0x1];
	p0 =	sne.s32 s2, $0x0  }
0x3d: {  	s3 =	rddreg [dreg:$0x2];
	[bflag:$0x3] =	sbarrier.arrive $0xFFFF;
	s2 =	simm.s32 @!p0 $0x1C01  }
0x3e: {  	[timem:s3], [sflag:s2] =	dma.local @!p0 [hbm:s0], s1  }
0x3f: {  	s0 =	simm.s32 @!p0 $0x1  }
0x40: {  	_ =	swait.ge @!p0 [sflag:s0], s1  }
0x41: {  	s1 =	ssub.s32 @!p0 $0x0, s1;
	[sflag:s0] =	ssyncset.done @!p0 $0x0  }
0x42: {  	[sflag:s0] =	ssyncadd.s32 @!p0 s1  }
0x43: {  	[bflag:$0x3] =	sbarrier.arrive $0xFFFF  }
0x44: {  	_ =	shalt  }

// kernel: kernel.15.cloned.1.call-start
scs
__scs_entry_jumppad:
0x0: {  	(pc) =	sbr.rel $0x88, $3  }
0x1: {  	(tag) =	ssettag $0x0;
	lr =	simm.s32 $0x1  }
0x2: {  	[smem:$0x3F95] =	sst lr;
	_ =	strace $0xD0000000  }
0x3: {  	_ = 	snop  }
0x4: {  	_ = 	snop  }
0x5: {  	_ = 	snop  }
0x6: {  	_ = 	snop  }
0x7: {  	_ = 	snop  }
__scs_overlays_trampoline_lowered:
0x8: {  	[smem:$0x3FA4] =	sst s0  }
0x9: {  	[smem:$0x3FA5] =	sst s1  }
0xa: {  	[smem:$0x3FA6] =	sst s2  }
0xb: {  	[smem:$0x3FA7] =	sst s3  }
0xc: {  	[smem:$0x3FA8] =	sst s4  }
0xd: {  	[smem:$0x3FA9] =	sst s5  }
0xe: {  	[smem:$0x3FAA] =	sst s6  }
0xf: {  	[smem:$0x3FAB] =	sst s7  }
0x10: {  	[smem:$0x3FAC] =	sst s8  }
0x11: {  	[smem:$0x3FAD] =	sst s9;
	s0 =	simm.s32 @!p0 $0x0  }
0x12: {  	s1 =	sld [smem:$0x3F93];
	s0 =	simm.s32 @p0 $0x1  }
0x13: {  	[smem:$0x3FAE] =	sst s0;
	s0 =	simm.s32 @!p1 $0x0  }
0x14: {  	s2 =	sld [smem:$0x3F92];
	s0 =	simm.s32 @p1 $0x1  }
0x15: {  	[smem:$0x3FAF] =	sst s0;
	s0 =	simm.s32 @!p2 $0x0  }
0x16: {  	s3 =	sld [smem:$0x3FDB];
	s0 =	simm.s32 @p2 $0x1  }
0x17: {  	s4 =	simm.s32 $0x1BF5;
	[smem:$0x3FB1] =	sst s0  }
0x18: {  	s0 =	sld [smem:$0x3F94];
	_ =	swait.ge [sflag:s4], $0x0  }
0x19: {  	s7 =	sld [smem:$0x3F95]  }
0x1a: {  	s8 =	sadd.s32 $0xFFFFE003, lr  }
0x1b: {  	s9 =	sadd.s32 $0xFFFFFEF7, lr;
	s5 =	simm.s32 $0xFFFFFFFF;
	p2 =	slt.u32 s8, $0xFFFFF086  }
0x1c: {  	p1 =	slt.u32 s9, $0xF7A;
	s5 =	simm.s32 @!p2 $0x0  }
0x1d: {  	s5 =	simm.s32 @p1 $0x1;
	p0 =	seq.s32 s7, s2  }
0x1e: {  	s7 =	smul.u32 @!p0 $0xF7A, s2;
	p2 =	seq.s32 @!p0 s5, $0x0  }
0x1f: {  	s9 =	smul.u32 $0xF7A, s1;
	s8 =	simm.s32 @!p0 $0x1BF5;
	p2 =	por !p2, p0  }
0x20: {  	[sflag:s8] =	ssyncset.s32 @!p0 $0xFFFFF086;
	s6 =	sadd.s32 @!p0 s3, s7;
	s7 =	simm.s32 @!p0 $0x108  }
0x21: {  	s3 =	sadd.s32 s3, s9;
	s6 =	sadd.s32 @!p0 $0x88, s6;
	s7 =	simm.s32 @p2 $0x1082  }
0x22: {  	[simem:s7], [sflag:s8] =	dma.local @!p0 [hbm:s6], $0xF7A  }
0x23: {  	s9 =	sor.u32 $0xD0000000, s2;
	s6 =	simm.s32 $0x108;
	_ =	swait.ge @!p0 [sflag:s8], $0x0  }
0x24: {  	s3 =	sadd.s32 $0x88, s3;
	s6 =	simm.s32 @!p1 $0x1082;
	[sflag:s4] =	ssyncset.s32 $0xFFFFF086  }
0x25: {  	[simem:s6], [sflag:s4] =	dma.local [hbm:s3], $0xF7A  }
0x26: {  	[smem:$0x3F95] =	sst s1;
	(tag) =	ssettag s2;
	_ =	strace s9  }
0x27: {  	s1 =	sld [smem:$0x3FA5]  }
0x28: {  	s2 =	sld [smem:$0x3FA6]  }
0x29: {  	s4 =	sld [smem:$0x3FA8]  }
0x2a: {  	p0 =	seq.s32 s5, $0x0;
	s5 =	sld [smem:$0x3FA9]  }
0x2b: {  	s6 =	sld [smem:$0x3FAA]  }
0x2c: {  	s7 =	sld [smem:$0x3FAB]  }
0x2d: {  	s3 =	simm.s32 $0x108;
	s8 =	sld [smem:$0x3FAC]  }
0x2e: {  	s3 =	simm.s32 @!p0 $0x1082;
	s9 =	sld [smem:$0x3FAD]  }
0x2f: {  	lr =	sadd.s32 s0, s3;
	s0 =	sld [smem:$0x3FA4]  }
0x30: {  	s3 =	sld [smem:$0x3FA7]  }
0x31: {  	[smem:$0x3FB0] =	sst s10  }
0x32: {  	s10 =	sld [smem:$0x3FAE];
	_ =	sdelay $0x3  }
0x33: {  	p0 =	seq.s32 s10, $0x1;
	s10 =	sld [smem:$0x3FB0];
	_ =	sdelay $0x3  }
0x34: {  	[smem:$0x3FB0] =	sst s10  }
0x35: {  	s10 =	sld [smem:$0x3FAF];
	_ =	sdelay $0x3  }
0x36: {  	p1 =	seq.s32 s10, $0x1;
	s10 =	sld [smem:$0x3FB0];
	_ =	sdelay $0x3  }
0x37: {  	[smem:$0x3FB0] =	sst s10  }
0x38: {  	s10 =	sld [smem:$0x3FB1]  }
0x39: {  	_ = 	snop;
	(pc) =	sbr.ind lr, $3  }
0x3a: {  	_ = 	snop  }
0x3b: {  	_ = 	snop  }
0x3c: {  	p2 =	seq.s32 s10, $0x1;
	s10 =	sld [smem:$0x3FB0]  }
0x3d: {  	_ =	shalt  }
0x3e: {  	_ =	shalt  }
0x3f: {  	_ =	shalt  }
0x40: {  	_ =	shalt  }
0x41: {  	_ =	shalt  }
0x42: {  	_ =	shalt  }
0x43: {  	_ =	shalt  }
0x44: {  	_ =	shalt  }
0x45: {  	_ =	shalt  }
0x46: {  	_ =	shalt  }
0x47: {  	_ =	shalt  }
0x48: {  	_ =	shalt  }
0x49: {  	_ =	shalt  }
0x4a: {  	_ =	shalt  }
0x4b: {  	_ =	shalt  }
0x4c: {  	_ =	shalt  }
0x4d: {  	_ =	shalt  }
0x4e: {  	_ =	shalt  }
0x4f: {  	_ =	shalt  }
0x50: {  	_ =	shalt  }
0x51: {  	_ =	shalt  }
0x52: {  	_ =	shalt  }
0x53: {  	_ =	shalt  }
0x54: {  	_ =	shalt  }
0x55: {  	_ =	shalt  }
0x56: {  	_ =	shalt  }
0x57: {  	_ =	shalt  }
0x58: {  	_ =	shalt  }
0x59: {  	_ =	shalt  }
0x5a: {  	_ =	shalt  }
0x5b: {  	_ =	shalt  }
0x5c: {  	_ =	shalt  }
0x5d: {  	_ =	shalt  }
0x5e: {  	_ =	shalt  }
0x5f: {  	_ =	shalt  }
0x60: {  	_ =	shalt  }
0x61: {  	_ =	shalt  }
0x62: {  	_ =	shalt  }
0x63: {  	_ =	shalt  }
0x64: {  	_ =	shalt  }
0x65: {  	_ =	shalt  }
0x66: {  	_ =	shalt  }
0x67: {  	_ =	shalt  }
0x68: {  	_ =	shalt  }
0x69: {  	_ =	shalt  }
0x6a: {  	_ =	shalt  }
0x6b: {  	_ =	shalt  }
0x6c: {  	_ =	shalt  }
0x6d: {  	_ =	shalt  }
0x6e: {  	_ =	shalt  }
0x6f: {  	_ =	shalt  }
0x70: {  	_ =	shalt  }
0x71: {  	_ =	shalt  }
0x72: {  	_ =	shalt  }
0x73: {  	_ =	shalt  }
0x74: {  	_ =	shalt  }
0x75: {  	_ =	shalt  }
0x76: {  	_ =	shalt  }
0x77: {  	_ =	shalt  }
0x78: {  	_ =	shalt  }
0x79: {  	_ =	shalt  }
0x7a: {  	_ =	shalt  }
0x7b: {  	_ =	shalt  }
0x7c: {  	_ =	shalt  }
0x7d: {  	_ =	shalt  }
0x7e: {  	_ =	shalt  }
0x7f: {  	_ =	shalt  }
0x80: {  	_ =	shalt  }
0x81: {  	_ =	shalt  }
0x82: {  	_ =	shalt  }
0x83: {  	_ =	shalt  }
0x84: {  	_ =	shalt  }
0x85: {  	_ =	shalt  }
0x86: {  	_ =	shalt  }
0x87: {  	_ =	shalt  }
.Lfunc_end0:
.L_simem_size_0:
called_computation.1_lowered:
.L_overlay_start_0:
0x88: {  	s2 =	sld [smem:$0x3FD9]  }
0x89: {  	s3 =	sld [smem:$0x3FFE];
	_ =	sdelay $0x1  }
0x8a: {  	s1 =	srdreg.scid  }
0x8b: {  	s0 =	sand.u32 $0x1, s1  }
0x8c: {  	s14 =	sshll.u32 s0, $0xA;
	s2 =	sadd.s32 s3, s2  }
0x8d: {  	s2 =	sadd.s32 s2, s14  }
0x8e: {  	[smem:$0x3FBC] =	sst s2  }
0x8f: {  	_ = 	snop  }
0x90: {  	s2 =	sld [smem:$0x3FD0];
	_ =	sdelay $0x2  }
0x91: {  	s15 =	simm.s32 $0xA;
	s4 =	simm.s32 $0x10  }
0x92: {  	[smem:s4], [sflag:s15] =	dma.local [hbm:s2], $0x1  }
0x93: {  	_ =	swait.eq [sflag:s15], $0x1  }
0x94: {  	[sflag:s15] =	ssyncset.done $0x0  }
0x95: {  	[sflag:s15] =	ssyncadd.s32 $0xFFFFFFFF  }
0x96: {  	s16 =	sld [smem:$0x10];
	(tm) =	ssettm $0x1  }
0x97: {  	s17 =	sld [smem:$0x3FFB];
	_ =	sdelay $0x3  }
0x98: {  	_ =	strace s17  }
0x99: {  	s3 =	sld [smem:$0x3FFC];
	_ =	sdelay $0x3  }
0x9a: {  	_ =	strace s3  }
0x9b: {  	s3 =	sld [smem:$0x3FFD];
	_ =	sdelay $0x3  }
0x9c: {  	_ =	strace s3  }
0x9d: {  	_ =	strace $0x8FFFFFFF  }
0x9e: {  	s18 =	sld [smem:$0x3FDB];
	_ =	sdelay $0x1  }
0x9f: {  	s19 =	simm.s32 $_scs_section_size  }
0xa0: {  	s5 =	simm.s32 $_size__tile_overlayer_lowered;
	s6 =	simm.s32 $_tile_overlayer_lowered  }
0xa1: {  	s22 =	simm.s32 $0x1BFF;
	s21 =	sshll.u32 s6, $0x1;
	s3 =	sadd.s32 s19, s18  }
0xa2: {  	s7 =	simm.s32 $0x0;
	s20 =	sshll.u32 s5, $0x1;
	s5 =	sadd.s32 s21, s3  }
0xa3: {  	[timem:s7], [sflag:s22] =	dma.local [hbm:s5], s20  }
0xa4: {  	_ =	swait.ge [sflag:s22], s20  }
0xa5: {  	s4 =	ssub.s32 $0x0, s20;
	[sflag:s22] =	ssyncset.done $0x0  }
0xa6: {  	[sflag:s22] =	ssyncadd.s32 s4;
	_ =	sdelay $0x1  }
0xa7: {  	s23 =	simm.s32 $0x1B8B  }
0xa8: {  	_ =	swait.ge [sflag:s23], $0x1  }
0xa9: {  	[sflag:s23] =	ssyncset.done $0x0  }
0xaa: {  	s25 =	simm.s32 $0x1B8E;
	s24 =	sld [smem:$0x3FFE];
	[sflag:s23] =	ssyncadd.s32 $0xFFFFFFFF  }
0xab: {  	s26 =	simm.s32 $execute0_lowered;
	[smem:$0x3FD2] =	sst s25  }
0xac: {  	s5 =	sshll.u32 s26, $0x1;
	_ =	strace $0x80000049;
	[dreg:$0x1] =	wrdreg $0xFFFFFFFF  }
0xad: {  	s28 =	simm.s32 $_size_execute0_lowered;
	s3 =	sadd.s32 s3, s5;
	[dreg:$0x0] =	wrdreg $0x0  }
0xae: {  	s5 =	sshll.u32 s28, $0x1;
	[dreg:$0x2] =	wrdreg s3  }
0xaf: {  	[dreg:$0x3] =	wrdreg s5  }
0xb0: {  	[dreg:$0x4] =	wrdreg $0xC0  }
0xb1: {  	_ =	task [dreg:s7], $0x5FFFF  }
0xb2: {  	[dreg:$0x1] =	wrdreg $0xFFFFFFFF  }
0xb3: {  	[dreg:$0x0] =	wrdreg $0x60  }
0xb4: {  	[dreg:$0x2] =	wrdreg s16  }
0xb5: {  	[dreg:$0x3] =	wrdreg s24  }
0xb6: {  	[dreg:$0x4] =	wrdreg $0x84000  }
0xb7: {  	[dreg:$0x5] =	wrdreg $0x9  }
0xb8: {  	_ =	task.clear_ibuf [dreg:s7], $0x6FFFF;
	_ =	strace $0x90000049  }
0xb9: {  	s29 =	simm.s32 $0x9;
	_ =	strace $0x8000004B  }
0xba: {  	_ =	swait.ge [sflag:s29], $0x1  }
0xbb: {  	[sflag:s29] =	ssyncadd.s32 $0xFFFFFFFF  }
0xbc: {  	_ =	strace $0x9000004B  }
0xbd: {  	_ =	sfence  }
0xbe: {  	s30 =	sld [smem:$0x0];
	_ =	sdelay $0x2  }
0xbf: {  	s31 =	sshll.u32 s1, $0xD;
	s1 =	sshrl.u32 s1, $0x2  }
0xc0: {  	s3 =	sand.u32 $0x4000, s31;
	s1 =	sadd.s32 s1, s30  }
0xc1: {  	s0 =	sor.u32 s3, s0;
	s1 =	sshll.u32 s1, $0x11  }
0xc2: {  	s0 =	sor.u32 s1, s0  }
0xc3: {  	s0 =	sadd.s32 $0x8F2B, s0  }
0xc4: {  	[sflag:s0] =	ssyncadd.remote.s32 $0x1  }
0xc5: {  	_ =	sfence.sel $0xFFFF  }
0xc6: {  	[dreg:$0x0] =	wrdreg $0xFFFFFFFF;
	(pc) =	sbr.abs _section_cstart, $3  }
0xc7: {  	[dreg:$0x1] =	wrdreg $0xFFFFFFFF  }
0xc8: {  	_ =	task.clear_ibuf [dreg:s7], $0x2FFFF;
	_ =	strace $0x9FFFFFFF  }
0xc9: {  	(tm) =	ssettm $0x7FFFFFFF  }
tec
execute0_lowered:
.L_overlay_start_1:
0x0: {  	(tag) =	ssettag $0x1  }
0x1: {  	s0 =	rddreg [dreg:$0x0]  }
0x2: {  	s1 =	rddreg [dreg:$0x1];
	s3 =	srdreg.scid  }
0x3: {  	s2 =	rddreg [dreg:$0x2];
	s12 =	stileid.u32  }
0x4: {  	s28 =	simm.s32 $0x3;
	s29 =	simm.s32 $0x4;
	s30 =	simm.s32 $0x0  }
0x5: {  	s6 =	sand.u32 $0x1, s3;
	s3 =	simm.s32 $0x0;
	s5 =	smul.u32 $0x14000, s12  }
0x6: {  	s14 =	sadd.s32 $0x3600, s1;
	s23 =	sadd.s32 $0xD600, s1;
	s9 =	smul.u32 $0x4C00, s12  }
0x7: {  	s25 =	sshll.u32 s12, $0xA;
	s11 =	smul.u32 $0x50000, s12;
	s31 =	sshll.u32 s12, $0x6  }
0x8: {  	s4 =	smul.u32 $0x140000, s6;
	[smem:$0x7FF] =	sst s3;
	s8 =	ssub.s32 $0x2, s6  }
0x9: {  	p0 =	seq.s32 s6, $0x0;
	s10 =	sor.u32 $0x4C000, s25;
	s6 =	simm.s32 $0x98  }
0xa: {  	s25 =	simm.s32 $0x180;
	_ =	strace $0x8000004A;
	[dreg:$0x11] =	wrdreg s23  }
0xb: {  	s24 =	sshrl.u32 s8, $0x1;
	s10 =	smov.u32 @p0 s9;
	s6 =	simm.s32 @!p0 $0x8  }
0xc: {  	s26 =	sshrl.u32 s11, $0x2;
	[dreg:$0xe] =	wrdreg s25;
	s25 =	simm.s32 $0x7  }
0xd: {  	s5 =	sadd.s32 s5, s4;
	s4 =	sadd.s32 $0x5FE00, s1;
	s15 =	ssub.s32 s8, s24  }
0xe: {  	s13 =	sshrl.u32 s10, $0x3;
	s9 =	sadd.s32 s26, s2;
	s8 =	sor.u32 $0x1C09, s31  }
0xf: {  	s18 =	sshll.u32 s6, $0x4;
	s24 =	simm.s32 $0x100;
	[dreg:$0x12] =	wrdreg s9  }
0x10: {  	s26 =	simm.s32 $0x300;
	s31 =	simm.s32 $0x380;
	[dreg:$0x6] =	wrdreg s18  }
0x11: {  	s7 =	sshrl.u32 s5, $0x3;
	s10 =	sor.u32 $0x50, s13;
	[dreg:$0xd] =	wrdreg s24  }
0x12: {  	s12 =	sadd.s32 s0, s13;
	s16 =	sadd.s32 s14, s13;
	[dreg:$0xf] =	wrdreg s26  }
0x13: {  	s18 =	sor.u32 $0x40, s13;
	s22 =	sor.u32 $0x20, s13;
	[dreg:$0x10] =	wrdreg s31  }
0x14: {  	s24 =	simm.s32 $0x6;
	s26 =	simm.s32 $0x8;
	[dreg:$0x13] =	wrdreg s12  }
0x15: {  	s1 =	sadd.s32 s7, s1;
	[dreg:$0x14] =	wrdreg s16;
	s17 =	sadd.s32 s10, s14  }
0x16: {  	s16 =	sor.u32 $0x10, s13;
	s11 =	sadd.s32 s10, s0;
	[dreg:$0x4] =	wrdreg s17  }
0x17: {  	s20 =	sadd.s32 s18, s14;
	s21 =	sadd.s32 s18, s0;
	[dreg:$0x5] =	wrdreg s11  }
0x18: {  	s23 =	sadd.s32 s22, s14;
	s18 =	simm.s32 $0x280;
	[dreg:$0x9] =	wrdreg s20  }
0x19: {  	s17 =	sor.u32 $0x30, s13;
	s11 =	sadd.s32 s0, s16;
	[dreg:$0xa] =	wrdreg s21  }
0x1a: {  	s12 =	sadd.s32 s14, s16;
	s13 =	sadd.s32 $0x87E00, s1;
	[dreg:$0xb] =	wrdreg s23  }
0x1b: {  	s16 =	simm.s32 $0x200;
	s20 =	simm.s32 $0x2;
	s21 =	simm.s32 $0x400  }
0x1c: {  	s23 =	simm.s32 $0x5;
	s19 =	sadd.s32 s17, s14;
	s17 =	sadd.s32 s17, s0  }
0x1d: {  	s14 =	smax.u32 s15, $0x1;
	s0 =	sadd.s32 s22, s0;
	[dreg:$0x7] =	wrdreg s19  }
0x1e: {  	s15 =	simm.s32 $0x9;
	s22 =	simm.s32 $0x4400;
	[dreg:$0x8] =	wrdreg s17  }
0x1f: {  	[dreg:$0xc] =	wrdreg s0;
	s17 =	simm.s32 $0x80;
	s19 =	simm.s32 $0x1  }
.LBB2_1:
0x20: {  	s0 =	rddreg [dreg:$0x12]  }
0x21: {  	s7 =	rddreg [dreg:$0x11];
	s31 =	sshrl.u32 s0, $0x3  }
0x22: {  	[spmem:s31], [sflag:s8] =	dma.local [hbm:s7], $0x2800  }
0x23: {  	_ =	swait.ge [sflag:s15], $0x2800  }
0x24: {  	[sflag:s15] =	ssyncset.done $0x0  }
0x25: {  	[sflag:s15] =	ssyncadd.s32 $0xFFFFD800  }
0x26: {  	[bflag:$0x0] =	sbarrier.arrive $0xFFFF  }
0x27: {  	s9 =	rddreg [dreg:$0x13]  }
0x28: {  	[tilespmem:s3], [sflag:$0x1] =	stream.linear.gather [hbm4b:s9+s3], $0x80, $0x38;
	[tilespmem:$0x1C400] =	vst v63  }
0x29: {  	s10 =	rddreg [dreg:$0x14]  }
0x2a: {  	[tilespmem:s16], [sflag:$0x1] =	stream.linear.gather [hbm4b:s10+s3], $0x80, $0x38;
	[tilespmem:$0x1C400] =	vst v63  }
0x2b: {  	_ = 	snop  }
0x2c: {  	[tilespmem:s17], [sflag:$0x2] =	stream.linear.gather [hbm4b:s11+s3], $0x80, $0x38;
	[tilespmem:$0x1C400] =	vst v63  }
0x2d: {  	s1 =	simm.s32 $0x0;
	s0 =	simm.s32 $0x4  }
0x2e: {  	[tilespmem:s18], [sflag:$0x2] =	stream.linear.gather [hbm4b:s12+s3], $0x80, $0x38;
	[tilespmem:$0x1C400] =	vst v63  }
.LBB2_2:
0x2f: {  	p0 =	seq.s32 s1, $0x0  }
0x30: {  	s5 =	simm.s32 @!p0 $0x7  }
0x31: {  	_ =	swait.ge @!p0 [sflag:s5], $0x4000  }
0x32: {  	[sflag:s5] =	ssyncset.done @!p0 $0x0  }
0x33: {  	[sflag:s5] =	ssyncadd.s32 @!p0 $0xFFFFC000;
	s5 =	simm.s32 @!p0 $0x8  }
0x34: {  	_ =	swait.ge @!p0 [sflag:s5], $0x4000  }
0x35: {  	s9 =	sadd.s32 $0xFFFFFFFE, s0;
	s7 =	rddreg [dreg:$0xc];
	[sflag:s5] =	ssyncset.done @!p0 $0x0  }
0x36: {  	[sflag:s5] =	ssyncadd.s32 @!p0 $0xFFFFC000;
	p0 =	sge.u32 s9, s6;
	s5 =	rddreg [dreg:$0xb]  }
0x37: {  	s7 =	sadd.s32 @!p0 s1, s7;
	s9 =	simm.s32 @!p0 $0x0;
	s10 =	simm.s32 @!p0 $0x100  }
0x38: {  	[tilespmem:s10], [sflag:$0x3] =	stream.linear.gather @!p0 [hbm4b:s7+s9], $0x80, $0x38;
	[tilespmem:$0x1C400] =	vst v63  }
0x39: {  	s5 =	sadd.s32 @!p0 s1, s5;
	s7 =	simm.s32 @!p0 $0x300;
	s10 =	rddreg [dreg:$0x8]  }
0x3a: {  	[tilespmem:s7], [sflag:$0x3] =	stream.linear.gather @!p0 [hbm4b:s5+s9], $0x80, $0x38;
	[tilespmem:$0x1C400] =	vst v63  }
0x3b: {  	s5 =	rddreg [dreg:$0x7];
	s7 =	sadd.s32 @!p0 s1, s10;
	s10 =	simm.s32 @!p0 $0x180  }
0x3c: {  	[tilespmem:s10], [sflag:$0x4] =	stream.linear.gather @!p0 [hbm4b:s7+s9], $0x80, $0x38;
	[tilespmem:$0x1C400] =	vst v63  }
0x3d: {  	s5 =	sadd.s32 @!p0 s1, s5;
	s7 =	simm.s32 @!p0 $0x380  }
0x3e: {  	[tilespmem:s7], [sflag:$0x4] =	stream.linear.gather @!p0 [hbm4b:s5+s9], $0x80, $0x38;
	[tilespmem:$0x1C400] =	vst v63  }
0x3f: {  	_ =	swait.ge [sflag:s19], $0x80  }
0x40: {  	[sflag:s19] =	ssyncset.done $0x0  }
0x41: {  	[sflag:s19] =	ssyncadd.s32 $0xFFFFFF80  }
0x42: {  	_ =	swait.ge [sflag:s19], $0x80  }
0x43: {  	[sflag:s19] =	ssyncset.done $0x0  }
0x44: {  	[sflag:s19] =	ssyncadd.s32 $0xFFFFFF80  }
0x45: {  	_ =	swait.ge [sflag:s20], $0x80  }
0x46: {  	[sflag:s20] =	ssyncset.done $0x0  }
0x47: {  	[sflag:s20] =	ssyncadd.s32 $0xFFFFFF80  }
0x48: {  	_ =	swait.ge [sflag:s20], $0x80  }
0x49: {  	[sflag:s20] =	ssyncset.done $0x0  }
0x4a: {  	[sflag:s20] =	ssyncadd.s32 $0xFFFFFF80  }
0x4b: {  	[tilespmem:s21], [sflag:$0x5] =	stream.indirect.gather [hbm4b:s4+s17], $0x80, s3, s17, $0xb8;
	[tilespmem:$0x1C400] =	vst v63  }
0x4c: {  	_ = 	snop  }
0x4d: {  	[tilespmem:s22], [sflag:$0x6] =	stream.indirect.gather [hbm4b:s4+s17], $0x80, s17, s17, $0xb8;
	[tilespmem:$0x1C400] =	vst v63  }
0x4e: {  	_ =	swait.ge [sflag:s23], $0x4000  }
0x4f: {  	[sflag:s23] =	ssyncset.done $0x0  }
0x50: {  	[sflag:s23] =	ssyncadd.s32 $0xFFFFC000  }
0x51: {  	[spmem:s2] =	stream.indirect.scatter.add.f32 [tilespmem:s21], [sflag:$0x7], $0x80, s16, s17, $0xb8;
	[tilespmem:$0x1C400] =	vst v63  }
0x52: {  	_ =	swait.ge [sflag:s24], $0x4000  }
0x53: {  	[sflag:s24] =	ssyncset.done $0x0  }
0x54: {  	[sflag:s24] =	ssyncadd.s32 $0xFFFFC000  }
0x55: {  	[spmem:s2] =	stream.indirect.scatter.add.f32 [tilespmem:s22], [sflag:$0x8], $0x80, s18, s17, $0xb8;
	[tilespmem:$0x1C400] =	vst v63  }
0x56: {  	_ =	swait.ge [sflag:s25], $0x4000  }
0x57: {  	[sflag:s25] =	ssyncset.done $0x0  }
0x58: {  	[sflag:s25] =	ssyncadd.s32 $0xFFFFC000  }
0x59: {  	p0 =	sge.u32 s0, s6;
	_ =	swait.ge [sflag:s26], $0x4000  }
0x5a: {  	s9 =	simm.s32 @!p0 $0x0;
	s5 =	rddreg [dreg:$0xa];
	[sflag:s26] =	ssyncset.done $0x0  }
0x5b: {  	s7 =	rddreg [dreg:$0x9];
	[sflag:s26] =	ssyncadd.s32 $0xFFFFC000;
	s5 =	sadd.s32 @!p0 s1, s5  }
0x5c: {  	[tilespmem:s9], [sflag:$0x1] =	stream.linear.gather @!p0 [hbm4b:s5+s9], $0x80, $0x38;
	[tilespmem:$0x1C400] =	vst v63  }
0x5d: {  	s10 =	rddreg [dreg:$0x5];
	s5 =	sadd.s32 @!p0 s1, s7;
	s7 =	simm.s32 @!p0 $0x200  }
0x5e: {  	[tilespmem:s7], [sflag:$0x1] =	stream.linear.gather @!p0 [hbm4b:s5+s9], $0x80, $0x38;
	[tilespmem:$0x1C400] =	vst v63  }
0x5f: {  	s5 =	rddreg [dreg:$0x4];
	s7 =	sadd.s32 @!p0 s1, s10;
	s10 =	simm.s32 @!p0 $0x80  }
0x60: {  	[tilespmem:s10], [sflag:$0x2] =	stream.linear.gather @!p0 [hbm4b:s7+s9], $0x80, $0x38;
	[tilespmem:$0x1C400] =	vst v63  }
0x61: {  	s5 =	sadd.s32 @!p0 s1, s5;
	s7 =	simm.s32 @!p0 $0x280  }
0x62: {  	[tilespmem:s7], [sflag:$0x2] =	stream.linear.gather @!p0 [hbm4b:s5+s9], $0x80, $0x38;
	[tilespmem:$0x1C400] =	vst v63  }
0x63: {  	_ =	swait.ge [sflag:s28], $0x80  }
0x64: {  	[sflag:s28] =	ssyncset.done $0x0  }
0x65: {  	[sflag:s28] =	ssyncadd.s32 $0xFFFFFF80  }
0x66: {  	_ =	swait.ge [sflag:s28], $0x80  }
0x67: {  	[sflag:s28] =	ssyncset.done $0x0  }
0x68: {  	[sflag:s28] =	ssyncadd.s32 $0xFFFFFF80  }
0x69: {  	_ =	swait.ge [sflag:s29], $0x80  }
0x6a: {  	[sflag:s29] =	ssyncset.done $0x0  }
0x6b: {  	[sflag:s29] =	ssyncadd.s32 $0xFFFFFF80  }
0x6c: {  	_ =	swait.ge [sflag:s29], $0x80  }
0x6d: {  	[sflag:s29] =	ssyncset.done $0x0  }
0x6e: {  	s9 =	rddreg [dreg:$0xd];
	[sflag:s29] =	ssyncadd.s32 $0xFFFFFF80  }
0x6f: {  	[tilespmem:s21], [sflag:$0x5] =	stream.indirect.gather [hbm4b:s4+s17], $0x80, s9, s17, $0xb8;
	[tilespmem:$0x1C400] =	vst v63  }
0x70: {  	s10 =	rddreg [dreg:$0xe]  }
0x71: {  	[tilespmem:s22], [sflag:$0x6] =	stream.indirect.gather [hbm4b:s4+s17], $0x80, s10, s17, $0xb8;
	[tilespmem:$0x1C400] =	vst v63  }
0x72: {  	_ =	swait.ge [sflag:s23], $0x4000  }
0x73: {  	[sflag:s23] =	ssyncset.done $0x0  }
0x74: {  	s7 =	rddreg [dreg:$0xf];
	[sflag:s23] =	ssyncadd.s32 $0xFFFFC000  }
0x75: {  	[spmem:s2] =	stream.indirect.scatter.add.f32 [tilespmem:s21], [sflag:$0x7], $0x80, s7, s17, $0xb8;
	[tilespmem:$0x1C400] =	vst v63  }
0x76: {  	_ =	swait.ge [sflag:s24], $0x4000  }
0x77: {  	s1 =	sadd.s32 $0x40, s1;
	s10 =	rddreg [dreg:$0x6]  }
0x78: {  	p0 =	sne.s32 s10, s1  }
.Ltmp0:
0x79: {  	_ = 	snop;
	(pc) =	sbr.rel @p0 .LBB2_2-.Ltmp0, $4  }
0x7a: {  	_ = 	snop  }
0x7b: {  	[sflag:s24] =	ssyncset.done $0x0  }
0x7c: {  	s0 =	sadd.s32 $0x4, s0;
	s9 =	rddreg [dreg:$0x10];
	[sflag:s24] =	ssyncadd.s32 $0xFFFFC000  }
0x7d: {  	[spmem:s2] =	stream.indirect.scatter.add.f32 [tilespmem:s22], [sflag:$0x8], $0x80, s9, s17, $0xb8;
	[tilespmem:$0x1C400] =	vst v63  }
0x7e: {  	_ =	swait.ge [sflag:s25], $0x4000  }
0x7f: {  	[sflag:s25] =	ssyncset.done $0x0  }
0x80: {  	[sflag:s25] =	ssyncadd.s32 $0xFFFFC000  }
0x81: {  	_ =	swait.ge [sflag:s26], $0x4000  }
0x82: {  	s30 =	sadd.s32 $0x1, s30;
	[sflag:s26] =	ssyncset.done $0x0  }
0x83: {  	p0 =	sne.s32 s30, s14;
	[sflag:s26] =	ssyncadd.s32 $0xFFFFC000  }
.Ltmp1:
0x84: {  	[bflag:$0x0] =	sbarrier.arrive $0xFFFF;
	(pc) =	sbr.rel @p0 .LBB2_1-.Ltmp1, $4  }
0x85: {  	[hbm:s13], [sflag:s8] =	dma.local [spmem:s31], $0x2800  }
0x86: {  	_ =	swait.ge [sflag:s15], $0x2800  }
0x87: {  	[sflag:s15] =	ssyncset.done $0x0  }
0x88: {  	[sflag:s15] =	ssyncadd.s32 $0xFFFFD800  }
0x89: {  	_ =	sfence.sel $0x180000  }
0x8a: {  	[bflag:$0x0] =	sbarrier.arrive $0xFFFF  }
0x8b: {  	_ =	strace $0x9000004A  }
0x8c: {  	s0 =	stileid.u32;
	[bflag:$0x2] =	sbarrier.arrive $0xFFFF  }
0x8d: {  	p0 =	sne.s32 s0, $0x0;
	s0 =	rddreg [dreg:$0x3]  }
0x8e: {  	s0 =	sadd.s32 @!p0 $0x100000, s0  }
0x8f: {  	[sflag:s0] =	ssyncadd.tile.s32 @!p0 $0x1;
	_ =	shalt  }
.Lfunc_end2:
_tile_overlayer_lowered:
.L_overlay_start_2:
0x90: {  	(tag) =	ssettag $0x2  }
0x91: {  	s0 =	rddreg [dreg:$0x0];
	s2 =	stileid.u32  }
0x92: {  	s1 =	rddreg [dreg:$0x1];
	p0 =	sne.s32 s2, $0x0  }
0x93: {  	s3 =	rddreg [dreg:$0x2];
	[bflag:$0x3] =	sbarrier.arrive $0xFFFF;
	s2 =	simm.s32 @!p0 $0x1C09  }
0x94: {  	[timem:s3], [sflag:s2] =	dma.local @!p0 [hbm:s0], s1  }
0x95: {  	s0 =	simm.s32 @!p0 $0x9  }
0x96: {  	_ =	swait.ge @!p0 [sflag:s0], s1  }
0x97: {  	s1 =	ssub.s32 @!p0 $0x0, s1;
	[sflag:s0] =	ssyncset.done @!p0 $0x0  }
0x98: {  	[sflag:s0] =	ssyncadd.s32 @!p0 s1  }
0x99: {  	[bflag:$0x3] =	sbarrier.arrive $0xFFFF  }
0x9a: {  	_ =	shalt  }

// kernel: kernel.18.cloned.1.call-start
scs
__scs_entry_jumppad:
0x0: {  	(pc) =	sbr.rel $0x88, $3  }
0x1: {  	(tag) =	ssettag $0x0;
	lr =	simm.s32 $0x1  }
0x2: {  	[smem:$0x3F95] =	sst lr;
	_ =	strace $0xD0000000  }
0x3: {  	_ = 	snop  }
0x4: {  	_ = 	snop  }
0x5: {  	_ = 	snop  }
0x6: {  	_ = 	snop  }
0x7: {  	_ = 	snop  }
__scs_overlays_trampoline_lowered:
0x8: {  	[smem:$0x3FA4] =	sst s0  }
0x9: {  	[smem:$0x3FA5] =	sst s1  }
0xa: {  	[smem:$0x3FA6] =	sst s2  }
0xb: {  	[smem:$0x3FA7] =	sst s3  }
0xc: {  	[smem:$0x3FA8] =	sst s4  }
0xd: {  	[smem:$0x3FA9] =	sst s5  }
0xe: {  	[smem:$0x3FAA] =	sst s6  }
0xf: {  	[smem:$0x3FAB] =	sst s7  }
0x10: {  	[smem:$0x3FAC] =	sst s8  }
0x11: {  	[smem:$0x3FAD] =	sst s9;
	s0 =	simm.s32 @!p0 $0x0  }
0x12: {  	s1 =	sld [smem:$0x3F93];
	s0 =	simm.s32 @p0 $0x1  }
0x13: {  	[smem:$0x3FAE] =	sst s0;
	s0 =	simm.s32 @!p1 $0x0  }
0x14: {  	s2 =	sld [smem:$0x3F92];
	s0 =	simm.s32 @p1 $0x1  }
0x15: {  	[smem:$0x3FAF] =	sst s0;
	s0 =	simm.s32 @!p2 $0x0  }
0x16: {  	s3 =	sld [smem:$0x3FDB];
	s0 =	simm.s32 @p2 $0x1  }
0x17: {  	s4 =	simm.s32 $0x1BF5;
	[smem:$0x3FB1] =	sst s0  }
0x18: {  	s0 =	sld [smem:$0x3F94];
	_ =	swait.ge [sflag:s4], $0x0  }
0x19: {  	s7 =	sld [smem:$0x3F95]  }
0x1a: {  	s8 =	sadd.s32 $0xFFFFE003, lr  }
0x1b: {  	s9 =	sadd.s32 $0xFFFFFEF7, lr;
	s5 =	simm.s32 $0xFFFFFFFF;
	p2 =	slt.u32 s8, $0xFFFFF086  }
0x1c: {  	p1 =	slt.u32 s9, $0xF7A;
	s5 =	simm.s32 @!p2 $0x0  }
0x1d: {  	s5 =	simm.s32 @p1 $0x1;
	p0 =	seq.s32 s7, s2  }
0x1e: {  	s7 =	smul.u32 @!p0 $0xF7A, s2;
	p2 =	seq.s32 @!p0 s5, $0x0  }
0x1f: {  	s9 =	smul.u32 $0xF7A, s1;
	s8 =	simm.s32 @!p0 $0x1BF5;
	p2 =	por !p2, p0  }
0x20: {  	[sflag:s8] =	ssyncset.s32 @!p0 $0xFFFFF086;
	s6 =	sadd.s32 @!p0 s3, s7;
	s7 =	simm.s32 @!p0 $0x108  }
0x21: {  	s3 =	sadd.s32 s3, s9;
	s6 =	sadd.s32 @!p0 $0x88, s6;
	s7 =	simm.s32 @p2 $0x1082  }
0x22: {  	[simem:s7], [sflag:s8] =	dma.local @!p0 [hbm:s6], $0xF7A  }
0x23: {  	s9 =	sor.u32 $0xD0000000, s2;
	s6 =	simm.s32 $0x108;
	_ =	swait.ge @!p0 [sflag:s8], $0x0  }
0x24: {  	s3 =	sadd.s32 $0x88, s3;
	s6 =	simm.s32 @!p1 $0x1082;
	[sflag:s4] =	ssyncset.s32 $0xFFFFF086  }
0x25: {  	[simem:s6], [sflag:s4] =	dma.local [hbm:s3], $0xF7A  }
0x26: {  	[smem:$0x3F95] =	sst s1;
	(tag) =	ssettag s2;
	_ =	strace s9  }
0x27: {  	s1 =	sld [smem:$0x3FA5]  }
0x28: {  	s2 =	sld [smem:$0x3FA6]  }
0x29: {  	s4 =	sld [smem:$0x3FA8]  }
0x2a: {  	p0 =	seq.s32 s5, $0x0;
	s5 =	sld [smem:$0x3FA9]  }
0x2b: {  	s6 =	sld [smem:$0x3FAA]  }
0x2c: {  	s7 =	sld [smem:$0x3FAB]  }
0x2d: {  	s3 =	simm.s32 $0x108;
	s8 =	sld [smem:$0x3FAC]  }
0x2e: {  	s3 =	simm.s32 @!p0 $0x1082;
	s9 =	sld [smem:$0x3FAD]  }
0x2f: {  	lr =	sadd.s32 s0, s3;
	s0 =	sld [smem:$0x3FA4]  }
0x30: {  	s3 =	sld [smem:$0x3FA7]  }
0x31: {  	[smem:$0x3FB0] =	sst s10  }
0x32: {  	s10 =	sld [smem:$0x3FAE];
	_ =	sdelay $0x3  }
0x33: {  	p0 =	seq.s32 s10, $0x1;
	s10 =	sld [smem:$0x3FB0];
	_ =	sdelay $0x3  }
0x34: {  	[smem:$0x3FB0] =	sst s10  }
0x35: {  	s10 =	sld [smem:$0x3FAF];
	_ =	sdelay $0x3  }
0x36: {  	p1 =	seq.s32 s10, $0x1;
	s10 =	sld [smem:$0x3FB0];
	_ =	sdelay $0x3  }
0x37: {  	[smem:$0x3FB0] =	sst s10  }
0x38: {  	s10 =	sld [smem:$0x3FB1]  }
0x39: {  	_ = 	snop;
	(pc) =	sbr.ind lr, $3  }
0x3a: {  	_ = 	snop  }
0x3b: {  	_ = 	snop  }
0x3c: {  	p2 =	seq.s32 s10, $0x1;
	s10 =	sld [smem:$0x3FB0]  }
0x3d: {  	_ =	shalt  }
0x3e: {  	_ =	shalt  }
0x3f: {  	_ =	shalt  }
0x40: {  	_ =	shalt  }
0x41: {  	_ =	shalt  }
0x42: {  	_ =	shalt  }
0x43: {  	_ =	shalt  }
0x44: {  	_ =	shalt  }
0x45: {  	_ =	shalt  }
0x46: {  	_ =	shalt  }
0x47: {  	_ =	shalt  }
0x48: {  	_ =	shalt  }
0x49: {  	_ =	shalt  }
0x4a: {  	_ =	shalt  }
0x4b: {  	_ =	shalt  }
0x4c: {  	_ =	shalt  }
0x4d: {  	_ =	shalt  }
0x4e: {  	_ =	shalt  }
0x4f: {  	_ =	shalt  }
0x50: {  	_ =	shalt  }
0x51: {  	_ =	shalt  }
0x52: {  	_ =	shalt  }
0x53: {  	_ =	shalt  }
0x54: {  	_ =	shalt  }
0x55: {  	_ =	shalt  }
0x56: {  	_ =	shalt  }
0x57: {  	_ =	shalt  }
0x58: {  	_ =	shalt  }
0x59: {  	_ =	shalt  }
0x5a: {  	_ =	shalt  }
0x5b: {  	_ =	shalt  }
0x5c: {  	_ =	shalt  }
0x5d: {  	_ =	shalt  }
0x5e: {  	_ =	shalt  }
0x5f: {  	_ =	shalt  }
0x60: {  	_ =	shalt  }
0x61: {  	_ =	shalt  }
0x62: {  	_ =	shalt  }
0x63: {  	_ =	shalt  }
0x64: {  	_ =	shalt  }
0x65: {  	_ =	shalt  }
0x66: {  	_ =	shalt  }
0x67: {  	_ =	shalt  }
0x68: {  	_ =	shalt  }
0x69: {  	_ =	shalt  }
0x6a: {  	_ =	shalt  }
0x6b: {  	_ =	shalt  }
0x6c: {  	_ =	shalt  }
0x6d: {  	_ =	shalt  }
0x6e: {  	_ =	shalt  }
0x6f: {  	_ =	shalt  }
0x70: {  	_ =	shalt  }
0x71: {  	_ =	shalt  }
0x72: {  	_ =	shalt  }
0x73: {  	_ =	shalt  }
0x74: {  	_ =	shalt  }
0x75: {  	_ =	shalt  }
0x76: {  	_ =	shalt  }
0x77: {  	_ =	shalt  }
0x78: {  	_ =	shalt  }
0x79: {  	_ =	shalt  }
0x7a: {  	_ =	shalt  }
0x7b: {  	_ =	shalt  }
0x7c: {  	_ =	shalt  }
0x7d: {  	_ =	shalt  }
0x7e: {  	_ =	shalt  }
0x7f: {  	_ =	shalt  }
0x80: {  	_ =	shalt  }
0x81: {  	_ =	shalt  }
0x82: {  	_ =	shalt  }
0x83: {  	_ =	shalt  }
0x84: {  	_ =	shalt  }
0x85: {  	_ =	shalt  }
0x86: {  	_ =	shalt  }
0x87: {  	_ =	shalt  }
.Lfunc_end0:
.L_simem_size_0:
called_computation.2_lowered:
.L_overlay_start_0:
0x88: {  	s2 =	sld [smem:$0x3FD9]  }
0x89: {  	s3 =	sld [smem:$0x3FFE];
	_ =	sdelay $0x1  }
0x8a: {  	s1 =	srdreg.scid  }
0x8b: {  	s0 =	sand.u32 $0x1, s1  }
0x8c: {  	s14 =	sshll.u32 s0, $0xA;
	s2 =	sadd.s32 s3, s2  }
0x8d: {  	s2 =	sadd.s32 s2, s14  }
0x8e: {  	[smem:$0x3FBC] =	sst s2  }
0x8f: {  	_ = 	snop  }
0x90: {  	s2 =	sld [smem:$0x3FD0];
	_ =	sdelay $0x2  }
0x91: {  	s15 =	simm.s32 $0xA;
	s4 =	simm.s32 $0x10  }
0x92: {  	[smem:s4], [sflag:s15] =	dma.local [hbm:s2], $0x1  }
0x93: {  	_ =	swait.eq [sflag:s15], $0x1  }
0x94: {  	[sflag:s15] =	ssyncset.done $0x0  }
0x95: {  	[sflag:s15] =	ssyncadd.s32 $0xFFFFFFFF  }
0x96: {  	s16 =	sld [smem:$0x10];
	(tm) =	ssettm $0x1  }
0x97: {  	s17 =	sld [smem:$0x3FFB];
	_ =	sdelay $0x3  }
0x98: {  	_ =	strace s17  }
0x99: {  	s3 =	sld [smem:$0x3FFC];
	_ =	sdelay $0x3  }
0x9a: {  	_ =	strace s3  }
0x9b: {  	s3 =	sld [smem:$0x3FFD];
	_ =	sdelay $0x3  }
0x9c: {  	_ =	strace s3  }
0x9d: {  	_ =	strace $0x8FFFFFFF  }
0x9e: {  	s18 =	sld [smem:$0x3FDB];
	_ =	sdelay $0x1  }
0x9f: {  	s19 =	simm.s32 $_scs_section_size  }
0xa0: {  	s5 =	simm.s32 $_size__tile_overlayer_lowered;
	s6 =	simm.s32 $_tile_overlayer_lowered  }
0xa1: {  	s22 =	simm.s32 $0x1BFF;
	s21 =	sshll.u32 s6, $0x1;
	s3 =	sadd.s32 s19, s18  }
0xa2: {  	s7 =	simm.s32 $0x0;
	s20 =	sshll.u32 s5, $0x1;
	s5 =	sadd.s32 s21, s3  }
0xa3: {  	[timem:s7], [sflag:s22] =	dma.local [hbm:s5], s20  }
0xa4: {  	_ =	swait.ge [sflag:s22], s20  }
0xa5: {  	s4 =	ssub.s32 $0x0, s20;
	[sflag:s22] =	ssyncset.done $0x0  }
0xa6: {  	[sflag:s22] =	ssyncadd.s32 s4;
	_ =	sdelay $0x1  }
0xa7: {  	s23 =	simm.s32 $0x1B8B  }
0xa8: {  	_ =	swait.ge [sflag:s23], $0x1  }
0xa9: {  	[sflag:s23] =	ssyncset.done $0x0  }
0xaa: {  	s25 =	simm.s32 $0x1B8E;
	s24 =	sld [smem:$0x3FFE];
	[sflag:s23] =	ssyncadd.s32 $0xFFFFFFFF  }
0xab: {  	s26 =	simm.s32 $execute0_lowered;
	[smem:$0x3FD2] =	sst s25  }
0xac: {  	s5 =	sshll.u32 s26, $0x1;
	_ =	strace $0x8000004C;
	[dreg:$0x1] =	wrdreg $0xFFFFFFFF  }
0xad: {  	s28 =	simm.s32 $_size_execute0_lowered;
	s3 =	sadd.s32 s3, s5;
	[dreg:$0x0] =	wrdreg $0x0  }
0xae: {  	s5 =	sshll.u32 s28, $0x1;
	[dreg:$0x2] =	wrdreg s3  }
0xaf: {  	[dreg:$0x3] =	wrdreg s5  }
0xb0: {  	[dreg:$0x4] =	wrdreg $0xC0  }
0xb1: {  	_ =	task [dreg:s7], $0x5FFFF  }
0xb2: {  	[dreg:$0x1] =	wrdreg $0xFFFFFFFF  }
0xb3: {  	[dreg:$0x0] =	wrdreg $0x60  }
0xb4: {  	[dreg:$0x2] =	wrdreg s16  }
0xb5: {  	[dreg:$0x3] =	wrdreg s24  }
0xb6: {  	[dreg:$0x4] =	wrdreg $0x84000  }
0xb7: {  	[dreg:$0x5] =	wrdreg $0x9  }
0xb8: {  	_ =	task.clear_ibuf [dreg:s7], $0x6FFFF;
	_ =	strace $0x9000004C  }
0xb9: {  	s29 =	simm.s32 $0x9;
	_ =	strace $0x8000004E  }
0xba: {  	_ =	swait.ge [sflag:s29], $0x1  }
0xbb: {  	[sflag:s29] =	ssyncadd.s32 $0xFFFFFFFF  }
0xbc: {  	_ =	strace $0x9000004E  }
0xbd: {  	_ =	sfence  }
0xbe: {  	s30 =	sld [smem:$0x0];
	_ =	sdelay $0x2  }
0xbf: {  	s31 =	sshll.u32 s1, $0xD;
	s1 =	sshrl.u32 s1, $0x2  }
0xc0: {  	s3 =	sand.u32 $0x4000, s31;
	s1 =	sadd.s32 s1, s30  }
0xc1: {  	s0 =	sor.u32 s3, s0;
	s1 =	sshll.u32 s1, $0x11  }
0xc2: {  	s0 =	sor.u32 s1, s0  }
0xc3: {  	s0 =	sadd.s32 $0x8F2B, s0  }
0xc4: {  	[sflag:s0] =	ssyncadd.remote.s32 $0x1  }
0xc5: {  	_ =	sfence.sel $0xFFFF  }
0xc6: {  	[dreg:$0x0] =	wrdreg $0xFFFFFFFF;
	(pc) =	sbr.abs _section_cstart, $3  }
0xc7: {  	[dreg:$0x1] =	wrdreg $0xFFFFFFFF  }
0xc8: {  	_ =	task.clear_ibuf [dreg:s7], $0x2FFFF;
	_ =	strace $0x9FFFFFFF  }
0xc9: {  	(tm) =	ssettm $0x7FFFFFFF  }
tec
execute0_lowered:
.L_overlay_start_1:
0x0: {  	(tag) =	ssettag $0x1  }
0x1: {  	s0 =	rddreg [dreg:$0x0]  }
0x2: {  	s1 =	rddreg [dreg:$0x1];
	s3 =	srdreg.scid  }
0x3: {  	s2 =	rddreg [dreg:$0x2];
	s12 =	stileid.u32  }
0x4: {  	s28 =	simm.s32 $0x3;
	s29 =	simm.s32 $0x4;
	s30 =	simm.s32 $0x0  }
0x5: {  	s6 =	sand.u32 $0x1, s3;
	s3 =	simm.s32 $0x0;
	s5 =	smul.u32 $0x14000, s12  }
0x6: {  	s14 =	sadd.s32 $0x3600, s1;
	s23 =	sadd.s32 $0xD600, s1;
	s9 =	smul.u32 $0x4C00, s12  }
0x7: {  	s25 =	sshll.u32 s12, $0xA;
	s11 =	smul.u32 $0x50000, s12;
	s31 =	sshll.u32 s12, $0x6  }
0x8: {  	s4 =	smul.u32 $0x140000, s6;
	[smem:$0x7FF] =	sst s3;
	s8 =	ssub.s32 $0x2, s6  }
0x9: {  	p0 =	seq.s32 s6, $0x0;
	s10 =	sor.u32 $0x4C000, s25;
	s6 =	simm.s32 $0x98  }
0xa: {  	s25 =	simm.s32 $0x180;
	_ =	strace $0x8000004D;
	[dreg:$0x11] =	wrdreg s23  }
0xb: {  	s24 =	sshrl.u32 s8, $0x1;
	s10 =	smov.u32 @p0 s9;
	s6 =	simm.s32 @!p0 $0x8  }
0xc: {  	s26 =	sshrl.u32 s11, $0x2;
	[dreg:$0xe] =	wrdreg s25;
	s25 =	simm.s32 $0x7  }
0xd: {  	s5 =	sadd.s32 s5, s4;
	s4 =	sadd.s32 $0x5FE00, s1;
	s15 =	ssub.s32 s8, s24  }
0xe: {  	s13 =	sshrl.u32 s10, $0x3;
	s9 =	sadd.s32 s26, s2;
	s8 =	sor.u32 $0x1C09, s31  }
0xf: {  	s18 =	sshll.u32 s6, $0x4;
	s24 =	simm.s32 $0x100;
	[dreg:$0x12] =	wrdreg s9  }
0x10: {  	s26 =	simm.s32 $0x300;
	s31 =	simm.s32 $0x380;
	[dreg:$0x6] =	wrdreg s18  }
0x11: {  	s7 =	sshrl.u32 s5, $0x3;
	s10 =	sor.u32 $0x50, s13;
	[dreg:$0xd] =	wrdreg s24  }
0x12: {  	s12 =	sadd.s32 s0, s13;
	s16 =	sadd.s32 s14, s13;
	[dreg:$0xf] =	wrdreg s26  }
0x13: {  	s18 =	sor.u32 $0x40, s13;
	s22 =	sor.u32 $0x20, s13;
	[dreg:$0x10] =	wrdreg s31  }
0x14: {  	s24 =	simm.s32 $0x6;
	s26 =	simm.s32 $0x8;
	[dreg:$0x13] =	wrdreg s12  }
0x15: {  	s1 =	sadd.s32 s7, s1;
	[dreg:$0x14] =	wrdreg s16;
	s17 =	sadd.s32 s10, s14  }
0x16: {  	s16 =	sor.u32 $0x10, s13;
	s11 =	sadd.s32 s10, s0;
	[dreg:$0x4] =	wrdreg s17  }
0x17: {  	s20 =	sadd.s32 s18, s14;
	s21 =	sadd.s32 s18, s0;
	[dreg:$0x5] =	wrdreg s11  }
0x18: {  	s23 =	sadd.s32 s22, s14;
	s18 =	simm.s32 $0x280;
	[dreg:$0x9] =	wrdreg s20  }
0x19: {  	s17 =	sor.u32 $0x30, s13;
	s11 =	sadd.s32 s0, s16;
	[dreg:$0xa] =	wrdreg s21  }
0x1a: {  	s12 =	sadd.s32 s14, s16;
	s13 =	sadd.s32 $0x87E00, s1;
	[dreg:$0xb] =	wrdreg s23  }
0x1b: {  	s16 =	simm.s32 $0x200;
	s20 =	simm.s32 $0x2;
	s21 =	simm.s32 $0x400  }
0x1c: {  	s23 =	simm.s32 $0x5;
	s19 =	sadd.s32 s17, s14;
	s17 =	sadd.s32 s17, s0  }
0x1d: {  	s14 =	smax.u32 s15, $0x1;
	s0 =	sadd.s32 s22, s0;
	[dreg:$0x7] =	wrdreg s19  }
0x1e: {  	s15 =	simm.s32 $0x9;
	s22 =	simm.s32 $0x4400;
	[dreg:$0x8] =	wrdreg s17  }
0x1f: {  	[dreg:$0xc] =	wrdreg s0;
	s17 =	simm.s32 $0x80;
	s19 =	simm.s32 $0x1  }
.LBB2_1:
0x20: {  	s0 =	rddreg [dreg:$0x12]  }
0x21: {  	s7 =	rddreg [dreg:$0x11];
	s31 =	sshrl.u32 s0, $0x3  }
0x22: {  	[spmem:s31], [sflag:s8] =	dma.local [hbm:s7], $0x2800  }
0x23: {  	_ =	swait.ge [sflag:s15], $0x2800  }
0x24: {  	[sflag:s15] =	ssyncset.done $0x0  }
0x25: {  	[sflag:s15] =	ssyncadd.s32 $0xFFFFD800  }
0x26: {  	[bflag:$0x0] =	sbarrier.arrive $0xFFFF  }
0x27: {  	s9 =	rddreg [dreg:$0x13]  }
0x28: {  	[tilespmem:s3], [sflag:$0x1] =	stream.linear.gather [hbm4b:s9+s3], $0x80, $0x38;
	[tilespmem:$0x1C400] =	vst v63  }
0x29: {  	s10 =	rddreg [dreg:$0x14]  }
0x2a: {  	[tilespmem:s16], [sflag:$0x1] =	stream.linear.gather [hbm4b:s10+s3], $0x80, $0x38;
	[tilespmem:$0x1C400] =	vst v63  }
0x2b: {  	_ = 	snop  }
0x2c: {  	[tilespmem:s17], [sflag:$0x2] =	stream.linear.gather [hbm4b:s11+s3], $0x80, $0x38;
	[tilespmem:$0x1C400] =	vst v63  }
0x2d: {  	s1 =	simm.s32 $0x0;
	s0 =	simm.s32 $0x4  }
0x2e: {  	[tilespmem:s18], [sflag:$0x2] =	stream.linear.gather [hbm4b:s12+s3], $0x80, $0x38;
	[tilespmem:$0x1C400] =	vst v63  }
.LBB2_2:
0x2f: {  	p0 =	seq.s32 s1, $0x0  }
0x30: {  	s5 =	simm.s32 @!p0 $0x7  }
0x31: {  	_ =	swait.ge @!p0 [sflag:s5], $0x4000  }
0x32: {  	[sflag:s5] =	ssyncset.done @!p0 $0x0  }
0x33: {  	[sflag:s5] =	ssyncadd.s32 @!p0 $0xFFFFC000;
	s5 =	simm.s32 @!p0 $0x8  }
0x34: {  	_ =	swait.ge @!p0 [sflag:s5], $0x4000  }
0x35: {  	s9 =	sadd.s32 $0xFFFFFFFE, s0;
	s7 =	rddreg [dreg:$0xc];
	[sflag:s5] =	ssyncset.done @!p0 $0x0  }
0x36: {  	[sflag:s5] =	ssyncadd.s32 @!p0 $0xFFFFC000;
	p0 =	sge.u32 s9, s6;
	s5 =	rddreg [dreg:$0xb]  }
0x37: {  	s7 =	sadd.s32 @!p0 s1, s7;
	s9 =	simm.s32 @!p0 $0x0;
	s10 =	simm.s32 @!p0 $0x100  }
0x38: {  	[tilespmem:s10], [sflag:$0x3] =	stream.linear.gather @!p0 [hbm4b:s7+s9], $0x80, $0x38;
	[tilespmem:$0x1C400] =	vst v63  }
0x39: {  	s5 =	sadd.s32 @!p0 s1, s5;
	s7 =	simm.s32 @!p0 $0x300;
	s10 =	rddreg [dreg:$0x8]  }
0x3a: {  	[tilespmem:s7], [sflag:$0x3] =	stream.linear.gather @!p0 [hbm4b:s5+s9], $0x80, $0x38;
	[tilespmem:$0x1C400] =	vst v63  }
0x3b: {  	s5 =	rddreg [dreg:$0x7];
	s7 =	sadd.s32 @!p0 s1, s10;
	s10 =	simm.s32 @!p0 $0x180  }
0x3c: {  	[tilespmem:s10], [sflag:$0x4] =	stream.linear.gather @!p0 [hbm4b:s7+s9], $0x80, $0x38;
	[tilespmem:$0x1C400] =	vst v63  }
0x3d: {  	s5 =	sadd.s32 @!p0 s1, s5;
	s7 =	simm.s32 @!p0 $0x380  }
0x3e: {  	[tilespmem:s7], [sflag:$0x4] =	stream.linear.gather @!p0 [hbm4b:s5+s9], $0x80, $0x38;
	[tilespmem:$0x1C400] =	vst v63  }
0x3f: {  	_ =	swait.ge [sflag:s19], $0x80  }
0x40: {  	[sflag:s19] =	ssyncset.done $0x0  }
0x41: {  	[sflag:s19] =	ssyncadd.s32 $0xFFFFFF80  }
0x42: {  	_ =	swait.ge [sflag:s19], $0x80  }
0x43: {  	[sflag:s19] =	ssyncset.done $0x0  }
0x44: {  	[sflag:s19] =	ssyncadd.s32 $0xFFFFFF80  }
0x45: {  	_ =	swait.ge [sflag:s20], $0x80  }
0x46: {  	[sflag:s20] =	ssyncset.done $0x0  }
0x47: {  	[sflag:s20] =	ssyncadd.s32 $0xFFFFFF80  }
0x48: {  	_ =	swait.ge [sflag:s20], $0x80  }
0x49: {  	[sflag:s20] =	ssyncset.done $0x0  }
0x4a: {  	[sflag:s20] =	ssyncadd.s32 $0xFFFFFF80  }
0x4b: {  	[tilespmem:s21], [sflag:$0x5] =	stream.indirect.gather [hbm4b:s4+s17], $0x80, s3, s17, $0xb8;
	[tilespmem:$0x1C400] =	vst v63  }
0x4c: {  	_ = 	snop  }
0x4d: {  	[tilespmem:s22], [sflag:$0x6] =	stream.indirect.gather [hbm4b:s4+s17], $0x80, s17, s17, $0xb8;
	[tilespmem:$0x1C400] =	vst v63  }
0x4e: {  	_ =	swait.ge [sflag:s23], $0x4000  }
0x4f: {  	[sflag:s23] =	ssyncset.done $0x0  }
0x50: {  	[sflag:s23] =	ssyncadd.s32 $0xFFFFC000  }
0x51: {  	[spmem:s2] =	stream.indirect.scatter.add.f32 [tilespmem:s21], [sflag:$0x7], $0x80, s16, s17, $0xb8;
	[tilespmem:$0x1C400] =	vst v63  }
0x52: {  	_ =	swait.ge [sflag:s24], $0x4000  }
0x53: {  	[sflag:s24] =	ssyncset.done $0x0  }
0x54: {  	[sflag:s24] =	ssyncadd.s32 $0xFFFFC000  }
0x55: {  	[spmem:s2] =	stream.indirect.scatter.add.f32 [tilespmem:s22], [sflag:$0x8], $0x80, s18, s17, $0xb8;
	[tilespmem:$0x1C400] =	vst v63  }
0x56: {  	_ =	swait.ge [sflag:s25], $0x4000  }
0x57: {  	[sflag:s25] =	ssyncset.done $0x0  }
0x58: {  	[sflag:s25] =	ssyncadd.s32 $0xFFFFC000  }
0x59: {  	p0 =	sge.u32 s0, s6;
	_ =	swait.ge [sflag:s26], $0x4000  }
0x5a: {  	s9 =	simm.s32 @!p0 $0x0;
	s5 =	rddreg [dreg:$0xa];
	[sflag:s26] =	ssyncset.done $0x0  }
0x5b: {  	s7 =	rddreg [dreg:$0x9];
	[sflag:s26] =	ssyncadd.s32 $0xFFFFC000;
	s5 =	sadd.s32 @!p0 s1, s5  }
0x5c: {  	[tilespmem:s9], [sflag:$0x1] =	stream.linear.gather @!p0 [hbm4b:s5+s9], $0x80, $0x38;
	[tilespmem:$0x1C400] =	vst v63  }
0x5d: {  	s10 =	rddreg [dreg:$0x5];
	s5 =	sadd.s32 @!p0 s1, s7;
	s7 =	simm.s32 @!p0 $0x200  }
0x5e: {  	[tilespmem:s7], [sflag:$0x1] =	stream.linear.gather @!p0 [hbm4b:s5+s9], $0x80, $0x38;
	[tilespmem:$0x1C400] =	vst v63  }
0x5f: {  	s5 =	rddreg [dreg:$0x4];
	s7 =	sadd.s32 @!p0 s1, s10;
	s10 =	simm.s32 @!p0 $0x80  }
0x60: {  	[tilespmem:s10], [sflag:$0x2] =	stream.linear.gather @!p0 [hbm4b:s7+s9], $0x80, $0x38;
	[tilespmem:$0x1C400] =	vst v63  }
0x61: {  	s5 =	sadd.s32 @!p0 s1, s5;
	s7 =	simm.s32 @!p0 $0x280  }
0x62: {  	[tilespmem:s7], [sflag:$0x2] =	stream.linear.gather @!p0 [hbm4b:s5+s9], $0x80, $0x38;
	[tilespmem:$0x1C400] =	vst v63  }
0x63: {  	_ =	swait.ge [sflag:s28], $0x80  }
0x64: {  	[sflag:s28] =	ssyncset.done $0x0  }
0x65: {  	[sflag:s28] =	ssyncadd.s32 $0xFFFFFF80  }
0x66: {  	_ =	swait.ge [sflag:s28], $0x80  }
0x67: {  	[sflag:s28] =	ssyncset.done $0x0  }
0x68: {  	[sflag:s28] =	ssyncadd.s32 $0xFFFFFF80  }
0x69: {  	_ =	swait.ge [sflag:s29], $0x80  }
0x6a: {  	[sflag:s29] =	ssyncset.done $0x0  }
0x6b: {  	[sflag:s29] =	ssyncadd.s32 $0xFFFFFF80  }
0x6c: {  	_ =	swait.ge [sflag:s29], $0x80  }
0x6d: {  	[sflag:s29] =	ssyncset.done $0x0  }
0x6e: {  	s9 =	rddreg [dreg:$0xd];
	[sflag:s29] =	ssyncadd.s32 $0xFFFFFF80  }
0x6f: {  	[tilespmem:s21], [sflag:$0x5] =	stream.indirect.gather [hbm4b:s4+s17], $0x80, s9, s17, $0xb8;
	[tilespmem:$0x1C400] =	vst v63  }
0x70: {  	s10 =	rddreg [dreg:$0xe]  }
0x71: {  	[tilespmem:s22], [sflag:$0x6] =	stream.indirect.gather [hbm4b:s4+s17], $0x80, s10, s17, $0xb8;
	[tilespmem:$0x1C400] =	vst v63  }
0x72: {  	_ =	swait.ge [sflag:s23], $0x4000  }
0x73: {  	[sflag:s23] =	ssyncset.done $0x0  }
0x74: {  	s7 =	rddreg [dreg:$0xf];
	[sflag:s23] =	ssyncadd.s32 $0xFFFFC000  }
0x75: {  	[spmem:s2] =	stream.indirect.scatter.add.f32 [tilespmem:s21], [sflag:$0x7], $0x80, s7, s17, $0xb8;
	[tilespmem:$0x1C400] =	vst v63  }
0x76: {  	_ =	swait.ge [sflag:s24], $0x4000  }
0x77: {  	s1 =	sadd.s32 $0x40, s1;
	s10 =	rddreg [dreg:$0x6]  }
0x78: {  	p0 =	sne.s32 s10, s1  }
.Ltmp0:
0x79: {  	_ = 	snop;
	(pc) =	sbr.rel @p0 .LBB2_2-.Ltmp0, $4  }
0x7a: {  	_ = 	snop  }
0x7b: {  	[sflag:s24] =	ssyncset.done $0x0  }
0x7c: {  	s0 =	sadd.s32 $0x4, s0;
	s9 =	rddreg [dreg:$0x10];
	[sflag:s24] =	ssyncadd.s32 $0xFFFFC000  }
0x7d: {  	[spmem:s2] =	stream.indirect.scatter.add.f32 [tilespmem:s22], [sflag:$0x8], $0x80, s9, s17, $0xb8;
	[tilespmem:$0x1C400] =	vst v63  }
0x7e: {  	_ =	swait.ge [sflag:s25], $0x4000  }
0x7f: {  	[sflag:s25] =	ssyncset.done $0x0  }
0x80: {  	[sflag:s25] =	ssyncadd.s32 $0xFFFFC000  }
0x81: {  	_ =	swait.ge [sflag:s26], $0x4000  }
0x82: {  	s30 =	sadd.s32 $0x1, s30;
	[sflag:s26] =	ssyncset.done $0x0  }
0x83: {  	p0 =	sne.s32 s30, s14;
	[sflag:s26] =	ssyncadd.s32 $0xFFFFC000  }
.Ltmp1:
0x84: {  	[bflag:$0x0] =	sbarrier.arrive $0xFFFF;
	(pc) =	sbr.rel @p0 .LBB2_1-.Ltmp1, $4  }
0x85: {  	[hbm:s13], [sflag:s8] =	dma.local [spmem:s31], $0x2800  }
0x86: {  	_ =	swait.ge [sflag:s15], $0x2800  }
0x87: {  	[sflag:s15] =	ssyncset.done $0x0  }
0x88: {  	[sflag:s15] =	ssyncadd.s32 $0xFFFFD800  }
0x89: {  	_ =	sfence.sel $0x180000  }
0x8a: {  	[bflag:$0x0] =	sbarrier.arrive $0xFFFF  }
0x8b: {  	_ =	strace $0x9000004D  }
0x8c: {  	s0 =	stileid.u32;
	[bflag:$0x2] =	sbarrier.arrive $0xFFFF  }
0x8d: {  	p0 =	sne.s32 s0, $0x0;
	s0 =	rddreg [dreg:$0x3]  }
0x8e: {  	s0 =	sadd.s32 @!p0 $0x100000, s0  }
0x8f: {  	[sflag:s0] =	ssyncadd.tile.s32 @!p0 $0x1;
	_ =	shalt  }
.Lfunc_end2:
_tile_overlayer_lowered:
.L_overlay_start_2:
0x90: {  	(tag) =	ssettag $0x2  }
0x91: {  	s0 =	rddreg [dreg:$0x0];
	s2 =	stileid.u32  }
0x92: {  	s1 =	rddreg [dreg:$0x1];
	p0 =	sne.s32 s2, $0x0  }
0x93: {  	s3 =	rddreg [dreg:$0x2];
	[bflag:$0x3] =	sbarrier.arrive $0xFFFF;
	s2 =	simm.s32 @!p0 $0x1C09  }
0x94: {  	[timem:s3], [sflag:s2] =	dma.local @!p0 [hbm:s0], s1  }
0x95: {  	s0 =	simm.s32 @!p0 $0x9  }
0x96: {  	_ =	swait.ge @!p0 [sflag:s0], s1  }
0x97: {  	s1 =	ssub.s32 @!p0 $0x0, s1;
	[sflag:s0] =	ssyncset.done @!p0 $0x0  }
0x98: {  	[sflag:s0] =	ssyncadd.s32 @!p0 s1  }
0x99: {  	[bflag:$0x3] =	sbarrier.arrive $0xFFFF  }
0x9a: {  	_ =	shalt  }

// kernel: kernel.21.cloned.1.call-start
scs
__scs_entry_jumppad:
0x0: {  	(pc) =	sbr.rel $0x88, $3  }
0x1: {  	(tag) =	ssettag $0x0;
	lr =	simm.s32 $0x1  }
0x2: {  	[smem:$0x3F95] =	sst lr;
	_ =	strace $0xD0000000  }
0x3: {  	_ = 	snop  }
0x4: {  	_ = 	snop  }
0x5: {  	_ = 	snop  }
0x6: {  	_ = 	snop  }
0x7: {  	_ = 	snop  }
__scs_overlays_trampoline_lowered:
0x8: {  	[smem:$0x3FA4] =	sst s0  }
0x9: {  	[smem:$0x3FA5] =	sst s1  }
0xa: {  	[smem:$0x3FA6] =	sst s2  }
0xb: {  	[smem:$0x3FA7] =	sst s3  }
0xc: {  	[smem:$0x3FA8] =	sst s4  }
0xd: {  	[smem:$0x3FA9] =	sst s5  }
0xe: {  	[smem:$0x3FAA] =	sst s6  }
0xf: {  	[smem:$0x3FAB] =	sst s7  }
0x10: {  	[smem:$0x3FAC] =	sst s8  }
0x11: {  	[smem:$0x3FAD] =	sst s9;
	s0 =	simm.s32 @!p0 $0x0  }
0x12: {  	s1 =	sld [smem:$0x3F93];
	s0 =	simm.s32 @p0 $0x1  }
0x13: {  	[smem:$0x3FAE] =	sst s0;
	s0 =	simm.s32 @!p1 $0x0  }
0x14: {  	s2 =	sld [smem:$0x3F92];
	s0 =	simm.s32 @p1 $0x1  }
0x15: {  	[smem:$0x3FAF] =	sst s0;
	s0 =	simm.s32 @!p2 $0x0  }
0x16: {  	s3 =	sld [smem:$0x3FDB];
	s0 =	simm.s32 @p2 $0x1  }
0x17: {  	s4 =	simm.s32 $0x1BF5;
	[smem:$0x3FB1] =	sst s0  }
0x18: {  	s0 =	sld [smem:$0x3F94];
	_ =	swait.ge [sflag:s4], $0x0  }
0x19: {  	s7 =	sld [smem:$0x3F95]  }
0x1a: {  	s8 =	sadd.s32 $0xFFFFE003, lr  }
0x1b: {  	s9 =	sadd.s32 $0xFFFFFEF7, lr;
	s5 =	simm.s32 $0xFFFFFFFF;
	p2 =	slt.u32 s8, $0xFFFFF086  }
0x1c: {  	p1 =	slt.u32 s9, $0xF7A;
	s5 =	simm.s32 @!p2 $0x0  }
0x1d: {  	s5 =	simm.s32 @p1 $0x1;
	p0 =	seq.s32 s7, s2  }
0x1e: {  	s7 =	smul.u32 @!p0 $0xF7A, s2;
	p2 =	seq.s32 @!p0 s5, $0x0  }
0x1f: {  	s9 =	smul.u32 $0xF7A, s1;
	s8 =	simm.s32 @!p0 $0x1BF5;
	p2 =	por !p2, p0  }
0x20: {  	[sflag:s8] =	ssyncset.s32 @!p0 $0xFFFFF086;
	s6 =	sadd.s32 @!p0 s3, s7;
	s7 =	simm.s32 @!p0 $0x108  }
0x21: {  	s3 =	sadd.s32 s3, s9;
	s6 =	sadd.s32 @!p0 $0x88, s6;
	s7 =	simm.s32 @p2 $0x1082  }
0x22: {  	[simem:s7], [sflag:s8] =	dma.local @!p0 [hbm:s6], $0xF7A  }
0x23: {  	s9 =	sor.u32 $0xD0000000, s2;
	s6 =	simm.s32 $0x108;
	_ =	swait.ge @!p0 [sflag:s8], $0x0  }
0x24: {  	s3 =	sadd.s32 $0x88, s3;
	s6 =	simm.s32 @!p1 $0x1082;
	[sflag:s4] =	ssyncset.s32 $0xFFFFF086  }
0x25: {  	[simem:s6], [sflag:s4] =	dma.local [hbm:s3], $0xF7A  }
0x26: {  	[smem:$0x3F95] =	sst s1;
	(tag) =	ssettag s2;
	_ =	strace s9  }
0x27: {  	s1 =	sld [smem:$0x3FA5]  }
0x28: {  	s2 =	sld [smem:$0x3FA6]  }
0x29: {  	s4 =	sld [smem:$0x3FA8]  }
0x2a: {  	p0 =	seq.s32 s5, $0x0;
	s5 =	sld [smem:$0x3FA9]  }
0x2b: {  	s6 =	sld [smem:$0x3FAA]  }
0x2c: {  	s7 =	sld [smem:$0x3FAB]  }
0x2d: {  	s3 =	simm.s32 $0x108;
	s8 =	sld [smem:$0x3FAC]  }
0x2e: {  	s3 =	simm.s32 @!p0 $0x1082;
	s9 =	sld [smem:$0x3FAD]  }
0x2f: {  	lr =	sadd.s32 s0, s3;
	s0 =	sld [smem:$0x3FA4]  }
0x30: {  	s3 =	sld [smem:$0x3FA7]  }
0x31: {  	[smem:$0x3FB0] =	sst s10  }
0x32: {  	s10 =	sld [smem:$0x3FAE];
	_ =	sdelay $0x3  }
0x33: {  	p0 =	seq.s32 s10, $0x1;
	s10 =	sld [smem:$0x3FB0];
	_ =	sdelay $0x3  }
0x34: {  	[smem:$0x3FB0] =	sst s10  }
0x35: {  	s10 =	sld [smem:$0x3FAF];
	_ =	sdelay $0x3  }
0x36: {  	p1 =	seq.s32 s10, $0x1;
	s10 =	sld [smem:$0x3FB0];
	_ =	sdelay $0x3  }
0x37: {  	[smem:$0x3FB0] =	sst s10  }
0x38: {  	s10 =	sld [smem:$0x3FB1]  }
0x39: {  	_ = 	snop;
	(pc) =	sbr.ind lr, $3  }
0x3a: {  	_ = 	snop  }
0x3b: {  	_ = 	snop  }
0x3c: {  	p2 =	seq.s32 s10, $0x1;
	s10 =	sld [smem:$0x3FB0]  }
0x3d: {  	_ =	shalt  }
0x3e: {  	_ =	shalt  }
0x3f: {  	_ =	shalt  }
0x40: {  	_ =	shalt  }
0x41: {  	_ =	shalt  }
0x42: {  	_ =	shalt  }
0x43: {  	_ =	shalt  }
0x44: {  	_ =	shalt  }
0x45: {  	_ =	shalt  }
0x46: {  	_ =	shalt  }
0x47: {  	_ =	shalt  }
0x48: {  	_ =	shalt  }
0x49: {  	_ =	shalt  }
0x4a: {  	_ =	shalt  }
0x4b: {  	_ =	shalt  }
0x4c: {  	_ =	shalt  }
0x4d: {  	_ =	shalt  }
0x4e: {  	_ =	shalt  }
0x4f: {  	_ =	shalt  }
0x50: {  	_ =	shalt  }
0x51: {  	_ =	shalt  }
0x52: {  	_ =	shalt  }
0x53: {  	_ =	shalt  }
0x54: {  	_ =	shalt  }
0x55: {  	_ =	shalt  }
0x56: {  	_ =	shalt  }
0x57: {  	_ =	shalt  }
0x58: {  	_ =	shalt  }
0x59: {  	_ =	shalt  }
0x5a: {  	_ =	shalt  }
0x5b: {  	_ =	shalt  }
0x5c: {  	_ =	shalt  }
0x5d: {  	_ =	shalt  }
0x5e: {  	_ =	shalt  }
0x5f: {  	_ =	shalt  }
0x60: {  	_ =	shalt  }
0x61: {  	_ =	shalt  }
0x62: {  	_ =	shalt  }
0x63: {  	_ =	shalt  }
0x64: {  	_ =	shalt  }
0x65: {  	_ =	shalt  }
0x66: {  	_ =	shalt  }
0x67: {  	_ =	shalt  }
0x68: {  	_ =	shalt  }
0x69: {  	_ =	shalt  }
0x6a: {  	_ =	shalt  }
0x6b: {  	_ =	shalt  }
0x6c: {  	_ =	shalt  }
0x6d: {  	_ =	shalt  }
0x6e: {  	_ =	shalt  }
0x6f: {  	_ =	shalt  }
0x70: {  	_ =	shalt  }
0x71: {  	_ =	shalt  }
0x72: {  	_ =	shalt  }
0x73: {  	_ =	shalt  }
0x74: {  	_ =	shalt  }
0x75: {  	_ =	shalt  }
0x76: {  	_ =	shalt  }
0x77: {  	_ =	shalt  }
0x78: {  	_ =	shalt  }
0x79: {  	_ =	shalt  }
0x7a: {  	_ =	shalt  }
0x7b: {  	_ =	shalt  }
0x7c: {  	_ =	shalt  }
0x7d: {  	_ =	shalt  }
0x7e: {  	_ =	shalt  }
0x7f: {  	_ =	shalt  }
0x80: {  	_ =	shalt  }
0x81: {  	_ =	shalt  }
0x82: {  	_ =	shalt  }
0x83: {  	_ =	shalt  }
0x84: {  	_ =	shalt  }
0x85: {  	_ =	shalt  }
0x86: {  	_ =	shalt  }
0x87: {  	_ =	shalt  }
.Lfunc_end0:
.L_simem_size_0:
called_computation.3_lowered:
.L_overlay_start_0:
0x88: {  	s2 =	sld [smem:$0x3FD9]  }
0x89: {  	s3 =	sld [smem:$0x3FFE];
	_ =	sdelay $0x1  }
0x8a: {  	s1 =	srdreg.scid  }
0x8b: {  	s0 =	sand.u32 $0x1, s1  }
0x8c: {  	s14 =	sshll.u32 s0, $0xA;
	s2 =	sadd.s32 s3, s2  }
0x8d: {  	s2 =	sadd.s32 s2, s14  }
0x8e: {  	[smem:$0x3FBC] =	sst s2  }
0x8f: {  	_ = 	snop  }
0x90: {  	s2 =	sld [smem:$0x3FD0];
	_ =	sdelay $0x2  }
0x91: {  	s15 =	simm.s32 $0xA;
	s4 =	simm.s32 $0x10  }
0x92: {  	[smem:s4], [sflag:s15] =	dma.local [hbm:s2], $0x1  }
0x93: {  	_ =	swait.eq [sflag:s15], $0x1  }
0x94: {  	[sflag:s15] =	ssyncset.done $0x0  }
0x95: {  	[sflag:s15] =	ssyncadd.s32 $0xFFFFFFFF  }
0x96: {  	s16 =	sld [smem:$0x10];
	(tm) =	ssettm $0x1  }
0x97: {  	s17 =	sld [smem:$0x3FFB];
	_ =	sdelay $0x3  }
0x98: {  	_ =	strace s17  }
0x99: {  	s3 =	sld [smem:$0x3FFC];
	_ =	sdelay $0x3  }
0x9a: {  	_ =	strace s3  }
0x9b: {  	s3 =	sld [smem:$0x3FFD];
	_ =	sdelay $0x3  }
0x9c: {  	_ =	strace s3  }
0x9d: {  	_ =	strace $0x8FFFFFFF  }
0x9e: {  	s18 =	sld [smem:$0x3FDB];
	_ =	sdelay $0x1  }
0x9f: {  	s19 =	simm.s32 $_scs_section_size  }
0xa0: {  	s5 =	simm.s32 $_size__tile_overlayer_lowered;
	s6 =	simm.s32 $_tile_overlayer_lowered  }
0xa1: {  	s22 =	simm.s32 $0x1BFF;
	s21 =	sshll.u32 s6, $0x1;
	s3 =	sadd.s32 s19, s18  }
0xa2: {  	s7 =	simm.s32 $0x0;
	s20 =	sshll.u32 s5, $0x1;
	s5 =	sadd.s32 s21, s3  }
0xa3: {  	[timem:s7], [sflag:s22] =	dma.local [hbm:s5], s20  }
0xa4: {  	_ =	swait.ge [sflag:s22], s20  }
0xa5: {  	s4 =	ssub.s32 $0x0, s20;
	[sflag:s22] =	ssyncset.done $0x0  }
0xa6: {  	[sflag:s22] =	ssyncadd.s32 s4;
	_ =	sdelay $0x1  }
0xa7: {  	s23 =	simm.s32 $0x1B8B  }
0xa8: {  	_ =	swait.ge [sflag:s23], $0x1  }
0xa9: {  	[sflag:s23] =	ssyncset.done $0x0  }
0xaa: {  	s25 =	simm.s32 $0x1B8E;
	s24 =	sld [smem:$0x3FFE];
	[sflag:s23] =	ssyncadd.s32 $0xFFFFFFFF  }
0xab: {  	s26 =	simm.s32 $execute0_lowered;
	[smem:$0x3FD2] =	sst s25  }
0xac: {  	s5 =	sshll.u32 s26, $0x1;
	_ =	strace $0x8000004F;
	[dreg:$0x1] =	wrdreg $0xFFFFFFFF  }
0xad: {  	s28 =	simm.s32 $_size_execute0_lowered;
	s3 =	sadd.s32 s3, s5;
	[dreg:$0x0] =	wrdreg $0x0  }
0xae: {  	s5 =	sshll.u32 s28, $0x1;
	[dreg:$0x2] =	wrdreg s3  }
0xaf: {  	[dreg:$0x3] =	wrdreg s5  }
0xb0: {  	[dreg:$0x4] =	wrdreg $0xC0  }
0xb1: {  	_ =	task [dreg:s7], $0x5FFFF  }
0xb2: {  	[dreg:$0x1] =	wrdreg $0xFFFFFFFF  }
0xb3: {  	[dreg:$0x0] =	wrdreg $0x60  }
0xb4: {  	[dreg:$0x2] =	wrdreg s16  }
0xb5: {  	[dreg:$0x3] =	wrdreg s24  }
0xb6: {  	[dreg:$0x4] =	wrdreg $0x84000  }
0xb7: {  	[dreg:$0x5] =	wrdreg $0x9  }
0xb8: {  	_ =	task.clear_ibuf [dreg:s7], $0x6FFFF;
	_ =	strace $0x9000004F  }
0xb9: {  	s29 =	simm.s32 $0x9;
	_ =	strace $0x80000051  }
0xba: {  	_ =	swait.ge [sflag:s29], $0x1  }
0xbb: {  	[sflag:s29] =	ssyncadd.s32 $0xFFFFFFFF  }
0xbc: {  	_ =	strace $0x90000051  }
0xbd: {  	_ =	sfence  }
0xbe: {  	s30 =	sld [smem:$0x0];
	_ =	sdelay $0x2  }
0xbf: {  	s31 =	sshll.u32 s1, $0xD;
	s1 =	sshrl.u32 s1, $0x2  }
0xc0: {  	s3 =	sand.u32 $0x4000, s31;
	s1 =	sadd.s32 s1, s30  }
0xc1: {  	s0 =	sor.u32 s3, s0;
	s1 =	sshll.u32 s1, $0x11  }
0xc2: {  	s0 =	sor.u32 s1, s0  }
0xc3: {  	s0 =	sadd.s32 $0x8F2B, s0  }
0xc4: {  	[sflag:s0] =	ssyncadd.remote.s32 $0x1  }
0xc5: {  	_ =	sfence.sel $0xFFFF  }
0xc6: {  	[dreg:$0x0] =	wrdreg $0xFFFFFFFF;
	(pc) =	sbr.abs _section_cstart, $3  }
0xc7: {  	[dreg:$0x1] =	wrdreg $0xFFFFFFFF  }
0xc8: {  	_ =	task.clear_ibuf [dreg:s7], $0x2FFFF;
	_ =	strace $0x9FFFFFFF  }
0xc9: {  	(tm) =	ssettm $0x7FFFFFFF  }
tec
execute0_lowered:
.L_overlay_start_1:
0x0: {  	(tag) =	ssettag $0x1  }
0x1: {  	s0 =	rddreg [dreg:$0x0]  }
0x2: {  	s1 =	rddreg [dreg:$0x1];
	s3 =	srdreg.scid  }
0x3: {  	s2 =	rddreg [dreg:$0x2];
	s12 =	stileid.u32  }
0x4: {  	s28 =	simm.s32 $0x3;
	s29 =	simm.s32 $0x4;
	s30 =	simm.s32 $0x0  }
0x5: {  	s6 =	sand.u32 $0x1, s3;
	s3 =	simm.s32 $0x0;
	s5 =	smul.u32 $0x14000, s12  }
0x6: {  	s14 =	sadd.s32 $0x3600, s1;
	s23 =	sadd.s32 $0xD600, s1;
	s9 =	smul.u32 $0x4C00, s12  }
0x7: {  	s25 =	sshll.u32 s12, $0xA;
	s11 =	smul.u32 $0x50000, s12;
	s31 =	sshll.u32 s12, $0x6  }
0x8: {  	s4 =	smul.u32 $0x140000, s6;
	[smem:$0x7FF] =	sst s3;
	s8 =	ssub.s32 $0x2, s6  }
0x9: {  	p0 =	seq.s32 s6, $0x0;
	s10 =	sor.u32 $0x4C000, s25;
	s6 =	simm.s32 $0x98  }
0xa: {  	s25 =	simm.s32 $0x180;
	_ =	strace $0x80000050;
	[dreg:$0x11] =	wrdreg s23  }
0xb: {  	s24 =	sshrl.u32 s8, $0x1;
	s10 =	smov.u32 @p0 s9;
	s6 =	simm.s32 @!p0 $0x8  }
0xc: {  	s26 =	sshrl.u32 s11, $0x2;
	[dreg:$0xe] =	wrdreg s25;
	s25 =	simm.s32 $0x7  }
0xd: {  	s5 =	sadd.s32 s5, s4;
	s4 =	sadd.s32 $0x5FE00, s1;
	s15 =	ssub.s32 s8, s24  }
0xe: {  	s13 =	sshrl.u32 s10, $0x3;
	s9 =	sadd.s32 s26, s2;
	s8 =	sor.u32 $0x1C09, s31  }
0xf: {  	s18 =	sshll.u32 s6, $0x4;
	s24 =	simm.s32 $0x100;
	[dreg:$0x12] =	wrdreg s9  }
0x10: {  	s26 =	simm.s32 $0x300;
	s31 =	simm.s32 $0x380;
	[dreg:$0x6] =	wrdreg s18  }
0x11: {  	s7 =	sshrl.u32 s5, $0x3;
	s10 =	sor.u32 $0x50, s13;
	[dreg:$0xd] =	wrdreg s24  }
0x12: {  	s12 =	sadd.s32 s0, s13;
	s16 =	sadd.s32 s14, s13;
	[dreg:$0xf] =	wrdreg s26  }
0x13: {  	s18 =	sor.u32 $0x40, s13;
	s22 =	sor.u32 $0x20, s13;
	[dreg:$0x10] =	wrdreg s31  }
0x14: {  	s24 =	simm.s32 $0x6;
	s26 =	simm.s32 $0x8;
	[dreg:$0x13] =	wrdreg s12  }
0x15: {  	s1 =	sadd.s32 s7, s1;
	[dreg:$0x14] =	wrdreg s16;
	s17 =	sadd.s32 s10, s14  }
0x16: {  	s16 =	sor.u32 $0x10, s13;
	s11 =	sadd.s32 s10, s0;
	[dreg:$0x4] =	wrdreg s17  }
0x17: {  	s20 =	sadd.s32 s18, s14;
	s21 =	sadd.s32 s18, s0;
	[dreg:$0x5] =	wrdreg s11  }
0x18: {  	s23 =	sadd.s32 s22, s14;
	s18 =	simm.s32 $0x280;
	[dreg:$0x9] =	wrdreg s20  }
0x19: {  	s17 =	sor.u32 $0x30, s13;
	s11 =	sadd.s32 s0, s16;
	[dreg:$0xa] =	wrdreg s21  }
0x1a: {  	s12 =	sadd.s32 s14, s16;
	s13 =	sadd.s32 $0x87E00, s1;
	[dreg:$0xb] =	wrdreg s23  }
0x1b: {  	s16 =	simm.s32 $0x200;
	s20 =	simm.s32 $0x2;
	s21 =	simm.s32 $0x400  }
0x1c: {  	s23 =	simm.s32 $0x5;
	s19 =	sadd.s32 s17, s14;
	s17 =	sadd.s32 s17, s0  }
0x1d: {  	s14 =	smax.u32 s15, $0x1;
	s0 =	sadd.s32 s22, s0;
	[dreg:$0x7] =	wrdreg s19  }
0x1e: {  	s15 =	simm.s32 $0x9;
	s22 =	simm.s32 $0x4400;
	[dreg:$0x8] =	wrdreg s17  }
0x1f: {  	[dreg:$0xc] =	wrdreg s0;
	s17 =	simm.s32 $0x80;
	s19 =	simm.s32 $0x1  }
.LBB2_1:
0x20: {  	s0 =	rddreg [dreg:$0x12]  }
0x21: {  	s7 =	rddreg [dreg:$0x11];
	s31 =	sshrl.u32 s0, $0x3  }
0x22: {  	[spmem:s31], [sflag:s8] =	dma.local [hbm:s7], $0x2800  }
0x23: {  	_ =	swait.ge [sflag:s15], $0x2800  }
0x24: {  	[sflag:s15] =	ssyncset.done $0x0  }
0x25: {  	[sflag:s15] =	ssyncadd.s32 $0xFFFFD800  }
0x26: {  	[bflag:$0x0] =	sbarrier.arrive $0xFFFF  }
0x27: {  	s9 =	rddreg [dreg:$0x13]  }
0x28: {  	[tilespmem:s3], [sflag:$0x1] =	stream.linear.gather [hbm4b:s9+s3], $0x80, $0x38;
	[tilespmem:$0x1C400] =	vst v63  }
0x29: {  	s10 =	rddreg [dreg:$0x14]  }
0x2a: {  	[tilespmem:s16], [sflag:$0x1] =	stream.linear.gather [hbm4b:s10+s3], $0x80, $0x38;
	[tilespmem:$0x1C400] =	vst v63  }
0x2b: {  	_ = 	snop  }
0x2c: {  	[tilespmem:s17], [sflag:$0x2] =	stream.linear.gather [hbm4b:s11+s3], $0x80, $0x38;
	[tilespmem:$0x1C400] =	vst v63  }
0x2d: {  	s1 =	simm.s32 $0x0;
	s0 =	simm.s32 $0x4  }
0x2e: {  	[tilespmem:s18], [sflag:$0x2] =	stream.linear.gather [hbm4b:s12+s3], $0x80, $0x38;
	[tilespmem:$0x1C400] =	vst v63  }
.LBB2_2:
0x2f: {  	p0 =	seq.s32 s1, $0x0  }
0x30: {  	s5 =	simm.s32 @!p0 $0x7  }
0x31: {  	_ =	swait.ge @!p0 [sflag:s5], $0x4000  }
0x32: {  	[sflag:s5] =	ssyncset.done @!p0 $0x0  }
0x33: {  	[sflag:s5] =	ssyncadd.s32 @!p0 $0xFFFFC000;
	s5 =	simm.s32 @!p0 $0x8  }
0x34: {  	_ =	swait.ge @!p0 [sflag:s5], $0x4000  }
0x35: {  	s9 =	sadd.s32 $0xFFFFFFFE, s0;
	s7 =	rddreg [dreg:$0xc];
	[sflag:s5] =	ssyncset.done @!p0 $0x0  }
0x36: {  	[sflag:s5] =	ssyncadd.s32 @!p0 $0xFFFFC000;
	p0 =	sge.u32 s9, s6;
	s5 =	rddreg [dreg:$0xb]  }
0x37: {  	s7 =	sadd.s32 @!p0 s1, s7;
	s9 =	simm.s32 @!p0 $0x0;
	s10 =	simm.s32 @!p0 $0x100  }
0x38: {  	[tilespmem:s10], [sflag:$0x3] =	stream.linear.gather @!p0 [hbm4b:s7+s9], $0x80, $0x38;
	[tilespmem:$0x1C400] =	vst v63  }
0x39: {  	s5 =	sadd.s32 @!p0 s1, s5;
	s7 =	simm.s32 @!p0 $0x300;
	s10 =	rddreg [dreg:$0x8]  }
0x3a: {  	[tilespmem:s7], [sflag:$0x3] =	stream.linear.gather @!p0 [hbm4b:s5+s9], $0x80, $0x38;
	[tilespmem:$0x1C400] =	vst v63  }
0x3b: {  	s5 =	rddreg [dreg:$0x7];
	s7 =	sadd.s32 @!p0 s1, s10;
	s10 =	simm.s32 @!p0 $0x180  }
0x3c: {  	[tilespmem:s10], [sflag:$0x4] =	stream.linear.gather @!p0 [hbm4b:s7+s9], $0x80, $0x38;
	[tilespmem:$0x1C400] =	vst v63  }
0x3d: {  	s5 =	sadd.s32 @!p0 s1, s5;
	s7 =	simm.s32 @!p0 $0x380  }
0x3e: {  	[tilespmem:s7], [sflag:$0x4] =	stream.linear.gather @!p0 [hbm4b:s5+s9], $0x80, $0x38;
	[tilespmem:$0x1C400] =	vst v63  }
0x3f: {  	_ =	swait.ge [sflag:s19], $0x80  }
0x40: {  	[sflag:s19] =	ssyncset.done $0x0  }
0x41: {  	[sflag:s19] =	ssyncadd.s32 $0xFFFFFF80  }
0x42: {  	_ =	swait.ge [sflag:s19], $0x80  }
0x43: {  	[sflag:s19] =	ssyncset.done $0x0  }
0x44: {  	[sflag:s19] =	ssyncadd.s32 $0xFFFFFF80  }
0x45: {  	_ =	swait.ge [sflag:s20], $0x80  }
0x46: {  	[sflag:s20] =	ssyncset.done $0x0  }
0x47: {  	[sflag:s20] =	ssyncadd.s32 $0xFFFFFF80  }
0x48: {  	_ =	swait.ge [sflag:s20], $0x80  }
0x49: {  	[sflag:s20] =	ssyncset.done $0x0  }
0x4a: {  	[sflag:s20] =	ssyncadd.s32 $0xFFFFFF80  }
0x4b: {  	[tilespmem:s21], [sflag:$0x5] =	stream.indirect.gather [hbm4b:s4+s17], $0x80, s3, s17, $0xb8;
	[tilespmem:$0x1C400] =	vst v63  }
0x4c: {  	_ = 	snop  }
0x4d: {  	[tilespmem:s22], [sflag:$0x6] =	stream.indirect.gather [hbm4b:s4+s17], $0x80, s17, s17, $0xb8;
	[tilespmem:$0x1C400] =	vst v63  }
0x4e: {  	_ =	swait.ge [sflag:s23], $0x4000  }
0x4f: {  	[sflag:s23] =	ssyncset.done $0x0  }
0x50: {  	[sflag:s23] =	ssyncadd.s32 $0xFFFFC000  }
0x51: {  	[spmem:s2] =	stream.indirect.scatter.add.f32 [tilespmem:s21], [sflag:$0x7], $0x80, s16, s17, $0xb8;
	[tilespmem:$0x1C400] =	vst v63  }
0x52: {  	_ =	swait.ge [sflag:s24], $0x4000  }
0x53: {  	[sflag:s24] =	ssyncset.done $0x0  }
0x54: {  	[sflag:s24] =	ssyncadd.s32 $0xFFFFC000  }
0x55: {  	[spmem:s2] =	stream.indirect.scatter.add.f32 [tilespmem:s22], [sflag:$0x8], $0x80, s18, s17, $0xb8;
	[tilespmem:$0x1C400] =	vst v63  }
0x56: {  	_ =	swait.ge [sflag:s25], $0x4000  }
0x57: {  	[sflag:s25] =	ssyncset.done $0x0  }
0x58: {  	[sflag:s25] =	ssyncadd.s32 $0xFFFFC000  }
0x59: {  	p0 =	sge.u32 s0, s6;
	_ =	swait.ge [sflag:s26], $0x4000  }
0x5a: {  	s9 =	simm.s32 @!p0 $0x0;
	s5 =	rddreg [dreg:$0xa];
	[sflag:s26] =	ssyncset.done $0x0  }
0x5b: {  	s7 =	rddreg [dreg:$0x9];
	[sflag:s26] =	ssyncadd.s32 $0xFFFFC000;
	s5 =	sadd.s32 @!p0 s1, s5  }
0x5c: {  	[tilespmem:s9], [sflag:$0x1] =	stream.linear.gather @!p0 [hbm4b:s5+s9], $0x80, $0x38;
	[tilespmem:$0x1C400] =	vst v63  }
0x5d: {  	s10 =	rddreg [dreg:$0x5];
	s5 =	sadd.s32 @!p0 s1, s7;
	s7 =	simm.s32 @!p0 $0x200  }
0x5e: {  	[tilespmem:s7], [sflag:$0x1] =	stream.linear.gather @!p0 [hbm4b:s5+s9], $0x80, $0x38;
	[tilespmem:$0x1C400] =	vst v63  }
0x5f: {  	s5 =	rddreg [dreg:$0x4];
	s7 =	sadd.s32 @!p0 s1, s10;
	s10 =	simm.s32 @!p0 $0x80  }
0x60: {  	[tilespmem:s10], [sflag:$0x2] =	stream.linear.gather @!p0 [hbm4b:s7+s9], $0x80, $0x38;
	[tilespmem:$0x1C400] =	vst v63  }
0x61: {  	s5 =	sadd.s32 @!p0 s1, s5;
	s7 =	simm.s32 @!p0 $0x280  }
0x62: {  	[tilespmem:s7], [sflag:$0x2] =	stream.linear.gather @!p0 [hbm4b:s5+s9], $0x80, $0x38;
	[tilespmem:$0x1C400] =	vst v63  }
0x63: {  	_ =	swait.ge [sflag:s28], $0x80  }
0x64: {  	[sflag:s28] =	ssyncset.done $0x0  }
0x65: {  	[sflag:s28] =	ssyncadd.s32 $0xFFFFFF80  }
0x66: {  	_ =	swait.ge [sflag:s28], $0x80  }
0x67: {  	[sflag:s28] =	ssyncset.done $0x0  }
0x68: {  	[sflag:s28] =	ssyncadd.s32 $0xFFFFFF80  }
0x69: {  	_ =	swait.ge [sflag:s29], $0x80  }
0x6a: {  	[sflag:s29] =	ssyncset.done $0x0  }
0x6b: {  	[sflag:s29] =	ssyncadd.s32 $0xFFFFFF80  }
0x6c: {  	_ =	swait.ge [sflag:s29], $0x80  }
0x6d: {  	[sflag:s29] =	ssyncset.done $0x0  }
0x6e: {  	s9 =	rddreg [dreg:$0xd];
	[sflag:s29] =	ssyncadd.s32 $0xFFFFFF80  }
0x6f: {  	[tilespmem:s21], [sflag:$0x5] =	stream.indirect.gather [hbm4b:s4+s17], $0x80, s9, s17, $0xb8;
	[tilespmem:$0x1C400] =	vst v63  }
0x70: {  	s10 =	rddreg [dreg:$0xe]  }
0x71: {  	[tilespmem:s22], [sflag:$0x6] =	stream.indirect.gather [hbm4b:s4+s17], $0x80, s10, s17, $0xb8;
	[tilespmem:$0x1C400] =	vst v63  }
0x72: {  	_ =	swait.ge [sflag:s23], $0x4000  }
0x73: {  	[sflag:s23] =	ssyncset.done $0x0  }
0x74: {  	s7 =	rddreg [dreg:$0xf];
	[sflag:s23] =	ssyncadd.s32 $0xFFFFC000  }
0x75: {  	[spmem:s2] =	stream.indirect.scatter.add.f32 [tilespmem:s21], [sflag:$0x7], $0x80, s7, s17, $0xb8;
	[tilespmem:$0x1C400] =	vst v63  }
0x76: {  	_ =	swait.ge [sflag:s24], $0x4000  }
0x77: {  	s1 =	sadd.s32 $0x40, s1;
	s10 =	rddreg [dreg:$0x6]  }
0x78: {  	p0 =	sne.s32 s10, s1  }
.Ltmp0:
0x79: {  	_ = 	snop;
	(pc) =	sbr.rel @p0 .LBB2_2-.Ltmp0, $4  }
0x7a: {  	_ = 	snop  }
0x7b: {  	[sflag:s24] =	ssyncset.done $0x0  }
0x7c: {  	s0 =	sadd.s32 $0x4, s0;
	s9 =	rddreg [dreg:$0x10];
	[sflag:s24] =	ssyncadd.s32 $0xFFFFC000  }
0x7d: {  	[spmem:s2] =	stream.indirect.scatter.add.f32 [tilespmem:s22], [sflag:$0x8], $0x80, s9, s17, $0xb8;
	[tilespmem:$0x1C400] =	vst v63  }
0x7e: {  	_ =	swait.ge [sflag:s25], $0x4000  }
0x7f: {  	[sflag:s25] =	ssyncset.done $0x0  }
0x80: {  	[sflag:s25] =	ssyncadd.s32 $0xFFFFC000  }
0x81: {  	_ =	swait.ge [sflag:s26], $0x4000  }
0x82: {  	s30 =	sadd.s32 $0x1, s30;
	[sflag:s26] =	ssyncset.done $0x0  }
0x83: {  	p0 =	sne.s32 s30, s14;
	[sflag:s26] =	ssyncadd.s32 $0xFFFFC000  }
.Ltmp1:
0x84: {  	[bflag:$0x0] =	sbarrier.arrive $0xFFFF;
	(pc) =	sbr.rel @p0 .LBB2_1-.Ltmp1, $4  }
0x85: {  	[hbm:s13], [sflag:s8] =	dma.local [spmem:s31], $0x2800  }
0x86: {  	_ =	swait.ge [sflag:s15], $0x2800  }
0x87: {  	[sflag:s15] =	ssyncset.done $0x0  }
0x88: {  	[sflag:s15] =	ssyncadd.s32 $0xFFFFD800  }
0x89: {  	_ =	sfence.sel $0x180000  }
0x8a: {  	[bflag:$0x0] =	sbarrier.arrive $0xFFFF  }
0x8b: {  	_ =	strace $0x90000050  }
0x8c: {  	s0 =	stileid.u32;
	[bflag:$0x2] =	sbarrier.arrive $0xFFFF  }
0x8d: {  	p0 =	sne.s32 s0, $0x0;
	s0 =	rddreg [dreg:$0x3]  }
0x8e: {  	s0 =	sadd.s32 @!p0 $0x100000, s0  }
0x8f: {  	[sflag:s0] =	ssyncadd.tile.s32 @!p0 $0x1;
	_ =	shalt  }
.Lfunc_end2:
_tile_overlayer_lowered:
.L_overlay_start_2:
0x90: {  	(tag) =	ssettag $0x2  }
0x91: {  	s0 =	rddreg [dreg:$0x0];
	s2 =	stileid.u32  }
0x92: {  	s1 =	rddreg [dreg:$0x1];
	p0 =	sne.s32 s2, $0x0  }
0x93: {  	s3 =	rddreg [dreg:$0x2];
	[bflag:$0x3] =	sbarrier.arrive $0xFFFF;
	s2 =	simm.s32 @!p0 $0x1C09  }
0x94: {  	[timem:s3], [sflag:s2] =	dma.local @!p0 [hbm:s0], s1  }
0x95: {  	s0 =	simm.s32 @!p0 $0x9  }
0x96: {  	_ =	swait.ge @!p0 [sflag:s0], s1  }
0x97: {  	s1 =	ssub.s32 @!p0 $0x0, s1;
	[sflag:s0] =	ssyncset.done @!p0 $0x0  }
0x98: {  	[sflag:s0] =	ssyncadd.s32 @!p0 s1  }
0x99: {  	[bflag:$0x3] =	sbarrier.arrive $0xFFFF  }
0x9a: {  	_ =	shalt  }

// kernel: kernel.24.cloned.1.call-start
scs
__scs_entry_jumppad:
0x0: {  	(pc) =	sbr.rel $0x88, $3  }
0x1: {  	(tag) =	ssettag $0x0;
	lr =	simm.s32 $0x1  }
0x2: {  	[smem:$0x3F95] =	sst lr;
	_ =	strace $0xD0000000  }
0x3: {  	_ = 	snop  }
0x4: {  	_ = 	snop  }
0x5: {  	_ = 	snop  }
0x6: {  	_ = 	snop  }
0x7: {  	_ = 	snop  }
__scs_overlays_trampoline_lowered:
0x8: {  	[smem:$0x3FA4] =	sst s0  }
0x9: {  	[smem:$0x3FA5] =	sst s1  }
0xa: {  	[smem:$0x3FA6] =	sst s2  }
0xb: {  	[smem:$0x3FA7] =	sst s3  }
0xc: {  	[smem:$0x3FA8] =	sst s4  }
0xd: {  	[smem:$0x3FA9] =	sst s5  }
0xe: {  	[smem:$0x3FAA] =	sst s6  }
0xf: {  	[smem:$0x3FAB] =	sst s7  }
0x10: {  	[smem:$0x3FAC] =	sst s8  }
0x11: {  	[smem:$0x3FAD] =	sst s9;
	s0 =	simm.s32 @!p0 $0x0  }
0x12: {  	s1 =	sld [smem:$0x3F93];
	s0 =	simm.s32 @p0 $0x1  }
0x13: {  	[smem:$0x3FAE] =	sst s0;
	s0 =	simm.s32 @!p1 $0x0  }
0x14: {  	s2 =	sld [smem:$0x3F92];
	s0 =	simm.s32 @p1 $0x1  }
0x15: {  	[smem:$0x3FAF] =	sst s0;
	s0 =	simm.s32 @!p2 $0x0  }
0x16: {  	s3 =	sld [smem:$0x3FDB];
	s0 =	simm.s32 @p2 $0x1  }
0x17: {  	s4 =	simm.s32 $0x1BF5;
	[smem:$0x3FB1] =	sst s0  }
0x18: {  	s0 =	sld [smem:$0x3F94];
	_ =	swait.ge [sflag:s4], $0x0  }
0x19: {  	s7 =	sld [smem:$0x3F95]  }
0x1a: {  	s8 =	sadd.s32 $0xFFFFE003, lr  }
0x1b: {  	s9 =	sadd.s32 $0xFFFFFEF7, lr;
	s5 =	simm.s32 $0xFFFFFFFF;
	p2 =	slt.u32 s8, $0xFFFFF086  }
0x1c: {  	p1 =	slt.u32 s9, $0xF7A;
	s5 =	simm.s32 @!p2 $0x0  }
0x1d: {  	s5 =	simm.s32 @p1 $0x1;
	p0 =	seq.s32 s7, s2  }
0x1e: {  	s7 =	smul.u32 @!p0 $0xF7A, s2;
	p2 =	seq.s32 @!p0 s5, $0x0  }
0x1f: {  	s9 =	smul.u32 $0xF7A, s1;
	s8 =	simm.s32 @!p0 $0x1BF5;
	p2 =	por !p2, p0  }
0x20: {  	[sflag:s8] =	ssyncset.s32 @!p0 $0xFFFFF086;
	s6 =	sadd.s32 @!p0 s3, s7;
	s7 =	simm.s32 @!p0 $0x108  }
0x21: {  	s3 =	sadd.s32 s3, s9;
	s6 =	sadd.s32 @!p0 $0x88, s6;
	s7 =	simm.s32 @p2 $0x1082  }
0x22: {  	[simem:s7], [sflag:s8] =	dma.local @!p0 [hbm:s6], $0xF7A  }
0x23: {  	s9 =	sor.u32 $0xD0000000, s2;
	s6 =	simm.s32 $0x108;
	_ =	swait.ge @!p0 [sflag:s8], $0x0  }
0x24: {  	s3 =	sadd.s32 $0x88, s3;
	s6 =	simm.s32 @!p1 $0x1082;
	[sflag:s4] =	ssyncset.s32 $0xFFFFF086  }
0x25: {  	[simem:s6], [sflag:s4] =	dma.local [hbm:s3], $0xF7A  }
0x26: {  	[smem:$0x3F95] =	sst s1;
	(tag) =	ssettag s2;
	_ =	strace s9  }
0x27: {  	s1 =	sld [smem:$0x3FA5]  }
0x28: {  	s2 =	sld [smem:$0x3FA6]  }
0x29: {  	s4 =	sld [smem:$0x3FA8]  }
0x2a: {  	p0 =	seq.s32 s5, $0x0;
	s5 =	sld [smem:$0x3FA9]  }
0x2b: {  	s6 =	sld [smem:$0x3FAA]  }
0x2c: {  	s7 =	sld [smem:$0x3FAB]  }
0x2d: {  	s3 =	simm.s32 $0x108;
	s8 =	sld [smem:$0x3FAC]  }
0x2e: {  	s3 =	simm.s32 @!p0 $0x1082;
	s9 =	sld [smem:$0x3FAD]  }
0x2f: {  	lr =	sadd.s32 s0, s3;
	s0 =	sld [smem:$0x3FA4]  }
0x30: {  	s3 =	sld [smem:$0x3FA7]  }
0x31: {  	[smem:$0x3FB0] =	sst s10  }
0x32: {  	s10 =	sld [smem:$0x3FAE];
	_ =	sdelay $0x3  }
0x33: {  	p0 =	seq.s32 s10, $0x1;
	s10 =	sld [smem:$0x3FB0];
	_ =	sdelay $0x3  }
0x34: {  	[smem:$0x3FB0] =	sst s10  }
0x35: {  	s10 =	sld [smem:$0x3FAF];
	_ =	sdelay $0x3  }
0x36: {  	p1 =	seq.s32 s10, $0x1;
	s10 =	sld [smem:$0x3FB0];
	_ =	sdelay $0x3  }
0x37: {  	[smem:$0x3FB0] =	sst s10  }
0x38: {  	s10 =	sld [smem:$0x3FB1]  }
0x39: {  	_ = 	snop;
	(pc) =	sbr.ind lr, $3  }
0x3a: {  	_ = 	snop  }
0x3b: {  	_ = 	snop  }
0x3c: {  	p2 =	seq.s32 s10, $0x1;
	s10 =	sld [smem:$0x3FB0]  }
0x3d: {  	_ =	shalt  }
0x3e: {  	_ =	shalt  }
0x3f: {  	_ =	shalt  }
0x40: {  	_ =	shalt  }
0x41: {  	_ =	shalt  }
0x42: {  	_ =	shalt  }
0x43: {  	_ =	shalt  }
0x44: {  	_ =	shalt  }
0x45: {  	_ =	shalt  }
0x46: {  	_ =	shalt  }
0x47: {  	_ =	shalt  }
0x48: {  	_ =	shalt  }
0x49: {  	_ =	shalt  }
0x4a: {  	_ =	shalt  }
0x4b: {  	_ =	shalt  }
0x4c: {  	_ =	shalt  }
0x4d: {  	_ =	shalt  }
0x4e: {  	_ =	shalt  }
0x4f: {  	_ =	shalt  }
0x50: {  	_ =	shalt  }
0x51: {  	_ =	shalt  }
0x52: {  	_ =	shalt  }
0x53: {  	_ =	shalt  }
0x54: {  	_ =	shalt  }
0x55: {  	_ =	shalt  }
0x56: {  	_ =	shalt  }
0x57: {  	_ =	shalt  }
0x58: {  	_ =	shalt  }
0x59: {  	_ =	shalt  }
0x5a: {  	_ =	shalt  }
0x5b: {  	_ =	shalt  }
0x5c: {  	_ =	shalt  }
0x5d: {  	_ =	shalt  }
0x5e: {  	_ =	shalt  }
0x5f: {  	_ =	shalt  }
0x60: {  	_ =	shalt  }
0x61: {  	_ =	shalt  }
0x62: {  	_ =	shalt  }
0x63: {  	_ =	shalt  }
0x64: {  	_ =	shalt  }
0x65: {  	_ =	shalt  }
0x66: {  	_ =	shalt  }
0x67: {  	_ =	shalt  }
0x68: {  	_ =	shalt  }
0x69: {  	_ =	shalt  }
0x6a: {  	_ =	shalt  }
0x6b: {  	_ =	shalt  }
0x6c: {  	_ =	shalt  }
0x6d: {  	_ =	shalt  }
0x6e: {  	_ =	shalt  }
0x6f: {  	_ =	shalt  }
0x70: {  	_ =	shalt  }
0x71: {  	_ =	shalt  }
0x72: {  	_ =	shalt  }
0x73: {  	_ =	shalt  }
0x74: {  	_ =	shalt  }
0x75: {  	_ =	shalt  }
0x76: {  	_ =	shalt  }
0x77: {  	_ =	shalt  }
0x78: {  	_ =	shalt  }
0x79: {  	_ =	shalt  }
0x7a: {  	_ =	shalt  }
0x7b: {  	_ =	shalt  }
0x7c: {  	_ =	shalt  }
0x7d: {  	_ =	shalt  }
0x7e: {  	_ =	shalt  }
0x7f: {  	_ =	shalt  }
0x80: {  	_ =	shalt  }
0x81: {  	_ =	shalt  }
0x82: {  	_ =	shalt  }
0x83: {  	_ =	shalt  }
0x84: {  	_ =	shalt  }
0x85: {  	_ =	shalt  }
0x86: {  	_ =	shalt  }
0x87: {  	_ =	shalt  }
.Lfunc_end0:
.L_simem_size_0:
called_computation.4_lowered:
.L_overlay_start_0:
0x88: {  	s2 =	sld [smem:$0x3FD9]  }
0x89: {  	s3 =	sld [smem:$0x3FFE];
	_ =	sdelay $0x1  }
0x8a: {  	s1 =	srdreg.scid  }
0x8b: {  	s0 =	sand.u32 $0x1, s1  }
0x8c: {  	s14 =	sshll.u32 s0, $0xA;
	s2 =	sadd.s32 s3, s2  }
0x8d: {  	s2 =	sadd.s32 s2, s14  }
0x8e: {  	[smem:$0x3FBC] =	sst s2  }
0x8f: {  	_ = 	snop  }
0x90: {  	s2 =	sld [smem:$0x3FD0];
	_ =	sdelay $0x2  }
0x91: {  	s15 =	simm.s32 $0xA;
	s4 =	simm.s32 $0x10  }
0x92: {  	[smem:s4], [sflag:s15] =	dma.local [hbm:s2], $0x1  }
0x93: {  	_ =	swait.eq [sflag:s15], $0x1  }
0x94: {  	[sflag:s15] =	ssyncset.done $0x0  }
0x95: {  	[sflag:s15] =	ssyncadd.s32 $0xFFFFFFFF  }
0x96: {  	s16 =	sld [smem:$0x10];
	(tm) =	ssettm $0x1  }
0x97: {  	s17 =	sld [smem:$0x3FFB];
	_ =	sdelay $0x3  }
0x98: {  	_ =	strace s17  }
0x99: {  	s3 =	sld [smem:$0x3FFC];
	_ =	sdelay $0x3  }
0x9a: {  	_ =	strace s3  }
0x9b: {  	s3 =	sld [smem:$0x3FFD];
	_ =	sdelay $0x3  }
0x9c: {  	_ =	strace s3  }
0x9d: {  	_ =	strace $0x8FFFFFFF  }
0x9e: {  	s18 =	sld [smem:$0x3FDB];
	_ =	sdelay $0x1  }
0x9f: {  	s19 =	simm.s32 $_scs_section_size  }
0xa0: {  	s5 =	simm.s32 $_size__tile_overlayer_lowered;
	s6 =	simm.s32 $_tile_overlayer_lowered  }
0xa1: {  	s22 =	simm.s32 $0x1BFF;
	s21 =	sshll.u32 s6, $0x1;
	s3 =	sadd.s32 s19, s18  }
0xa2: {  	s7 =	simm.s32 $0x0;
	s20 =	sshll.u32 s5, $0x1;
	s5 =	sadd.s32 s21, s3  }
0xa3: {  	[timem:s7], [sflag:s22] =	dma.local [hbm:s5], s20  }
0xa4: {  	_ =	swait.ge [sflag:s22], s20  }
0xa5: {  	s4 =	ssub.s32 $0x0, s20;
	[sflag:s22] =	ssyncset.done $0x0  }
0xa6: {  	[sflag:s22] =	ssyncadd.s32 s4;
	_ =	sdelay $0x1  }
0xa7: {  	s23 =	simm.s32 $0x1B8B  }
0xa8: {  	_ =	swait.ge [sflag:s23], $0x1  }
0xa9: {  	[sflag:s23] =	ssyncset.done $0x0  }
0xaa: {  	s25 =	simm.s32 $0x1B8E;
	s24 =	sld [smem:$0x3FFE];
	[sflag:s23] =	ssyncadd.s32 $0xFFFFFFFF  }
0xab: {  	s26 =	simm.s32 $execute0_lowered;
	[smem:$0x3FD2] =	sst s25  }
0xac: {  	s5 =	sshll.u32 s26, $0x1;
	_ =	strace $0x80000052;
	[dreg:$0x1] =	wrdreg $0xFFFFFFFF  }
0xad: {  	s28 =	simm.s32 $_size_execute0_lowered;
	s3 =	sadd.s32 s3, s5;
	[dreg:$0x0] =	wrdreg $0x0  }
0xae: {  	s5 =	sshll.u32 s28, $0x1;
	[dreg:$0x2] =	wrdreg s3  }
0xaf: {  	[dreg:$0x3] =	wrdreg s5  }
0xb0: {  	[dreg:$0x4] =	wrdreg $0xC0  }
0xb1: {  	_ =	task [dreg:s7], $0x5FFFF  }
0xb2: {  	[dreg:$0x1] =	wrdreg $0xFFFFFFFF  }
0xb3: {  	[dreg:$0x0] =	wrdreg $0x60  }
0xb4: {  	[dreg:$0x2] =	wrdreg s16  }
0xb5: {  	[dreg:$0x3] =	wrdreg s24  }
0xb6: {  	[dreg:$0x4] =	wrdreg $0x84000  }
0xb7: {  	[dreg:$0x5] =	wrdreg $0x9  }
0xb8: {  	_ =	task.clear_ibuf [dreg:s7], $0x6FFFF;
	_ =	strace $0x90000052  }
0xb9: {  	s29 =	simm.s32 $0x9;
	_ =	strace $0x80000054  }
0xba: {  	_ =	swait.ge [sflag:s29], $0x1  }
0xbb: {  	[sflag:s29] =	ssyncadd.s32 $0xFFFFFFFF  }
0xbc: {  	_ =	strace $0x90000054  }
0xbd: {  	_ =	sfence  }
0xbe: {  	s30 =	sld [smem:$0x0];
	_ =	sdelay $0x2  }
0xbf: {  	s31 =	sshll.u32 s1, $0xD;
	s1 =	sshrl.u32 s1, $0x2  }
0xc0: {  	s3 =	sand.u32 $0x4000, s31;
	s1 =	sadd.s32 s1, s30  }
0xc1: {  	s0 =	sor.u32 s3, s0;
	s1 =	sshll.u32 s1, $0x11  }
0xc2: {  	s0 =	sor.u32 s1, s0  }
0xc3: {  	s0 =	sadd.s32 $0x8F2B, s0  }
0xc4: {  	[sflag:s0] =	ssyncadd.remote.s32 $0x1  }
0xc5: {  	_ =	sfence.sel $0xFFFF  }
0xc6: {  	[dreg:$0x0] =	wrdreg $0xFFFFFFFF;
	(pc) =	sbr.abs _section_cstart, $3  }
0xc7: {  	[dreg:$0x1] =	wrdreg $0xFFFFFFFF  }
0xc8: {  	_ =	task.clear_ibuf [dreg:s7], $0x2FFFF;
	_ =	strace $0x9FFFFFFF  }
0xc9: {  	(tm) =	ssettm $0x7FFFFFFF  }
tec
execute0_lowered:
.L_overlay_start_1:
0x0: {  	(tag) =	ssettag $0x1  }
0x1: {  	s0 =	rddreg [dreg:$0x0]  }
0x2: {  	s1 =	rddreg [dreg:$0x1];
	s3 =	srdreg.scid  }
0x3: {  	s2 =	rddreg [dreg:$0x2];
	s12 =	stileid.u32  }
0x4: {  	s28 =	simm.s32 $0x3;
	s29 =	simm.s32 $0x4;
	s30 =	simm.s32 $0x0  }
0x5: {  	s6 =	sand.u32 $0x1, s3;
	s3 =	simm.s32 $0x0;
	s5 =	smul.u32 $0x14000, s12  }
0x6: {  	s14 =	sadd.s32 $0x3600, s1;
	s23 =	sadd.s32 $0xD600, s1;
	s9 =	smul.u32 $0x4C00, s12  }
0x7: {  	s25 =	sshll.u32 s12, $0xA;
	s11 =	smul.u32 $0x50000, s12;
	s31 =	sshll.u32 s12, $0x6  }
0x8: {  	s4 =	smul.u32 $0x140000, s6;
	[smem:$0x7FF] =	sst s3;
	s8 =	ssub.s32 $0x2, s6  }
0x9: {  	p0 =	seq.s32 s6, $0x0;
	s10 =	sor.u32 $0x4C000, s25;
	s6 =	simm.s32 $0x98  }
0xa: {  	s25 =	simm.s32 $0x180;
	_ =	strace $0x80000053;
	[dreg:$0x11] =	wrdreg s23  }
0xb: {  	s24 =	sshrl.u32 s8, $0x1;
	s10 =	smov.u32 @p0 s9;
	s6 =	simm.s32 @!p0 $0x8  }
0xc: {  	s26 =	sshrl.u32 s11, $0x2;
	[dreg:$0xe] =	wrdreg s25;
	s25 =	simm.s32 $0x7  }
0xd: {  	s5 =	sadd.s32 s5, s4;
	s4 =	sadd.s32 $0x5FE00, s1;
	s15 =	ssub.s32 s8, s24  }
0xe: {  	s13 =	sshrl.u32 s10, $0x3;
	s9 =	sadd.s32 s26, s2;
	s8 =	sor.u32 $0x1C09, s31  }
0xf: {  	s18 =	sshll.u32 s6, $0x4;
	s24 =	simm.s32 $0x100;
	[dreg:$0x12] =	wrdreg s9  }
0x10: {  	s26 =	simm.s32 $0x300;
	s31 =	simm.s32 $0x380;
	[dreg:$0x6] =	wrdreg s18  }
0x11: {  	s7 =	sshrl.u32 s5, $0x3;
	s10 =	sor.u32 $0x50, s13;
	[dreg:$0xd] =	wrdreg s24  }
0x12: {  	s12 =	sadd.s32 s0, s13;
	s16 =	sadd.s32 s14, s13;
	[dreg:$0xf] =	wrdreg s26  }
0x13: {  	s18 =	sor.u32 $0x40, s13;
	s22 =	sor.u32 $0x20, s13;
	[dreg:$0x10] =	wrdreg s31  }
0x14: {  	s24 =	simm.s32 $0x6;
	s26 =	simm.s32 $0x8;
	[dreg:$0x13] =	wrdreg s12  }
0x15: {  	s1 =	sadd.s32 s7, s1;
	[dreg:$0x14] =	wrdreg s16;
	s17 =	sadd.s32 s10, s14  }
0x16: {  	s16 =	sor.u32 $0x10, s13;
	s11 =	sadd.s32 s10, s0;
	[dreg:$0x4] =	wrdreg s17  }
0x17: {  	s20 =	sadd.s32 s18, s14;
	s21 =	sadd.s32 s18, s0;
	[dreg:$0x5] =	wrdreg s11  }
0x18: {  	s23 =	sadd.s32 s22, s14;
	s18 =	simm.s32 $0x280;
	[dreg:$0x9] =	wrdreg s20  }
0x19: {  	s17 =	sor.u32 $0x30, s13;
	s11 =	sadd.s32 s0, s16;
	[dreg:$0xa] =	wrdreg s21  }
0x1a: {  	s12 =	sadd.s32 s14, s16;
	s13 =	sadd.s32 $0x87E00, s1;
	[dreg:$0xb] =	wrdreg s23  }
0x1b: {  	s16 =	simm.s32 $0x200;
	s20 =	simm.s32 $0x2;
	s21 =	simm.s32 $0x400  }
0x1c: {  	s23 =	simm.s32 $0x5;
	s19 =	sadd.s32 s17, s14;
	s17 =	sadd.s32 s17, s0  }
0x1d: {  	s14 =	smax.u32 s15, $0x1;
	s0 =	sadd.s32 s22, s0;
	[dreg:$0x7] =	wrdreg s19  }
0x1e: {  	s15 =	simm.s32 $0x9;
	s22 =	simm.s32 $0x4400;
	[dreg:$0x8] =	wrdreg s17  }
0x1f: {  	[dreg:$0xc] =	wrdreg s0;
	s17 =	simm.s32 $0x80;
	s19 =	simm.s32 $0x1  }
.LBB2_1:
0x20: {  	s0 =	rddreg [dreg:$0x12]  }
0x21: {  	s7 =	rddreg [dreg:$0x11];
	s31 =	sshrl.u32 s0, $0x3  }
0x22: {  	[spmem:s31], [sflag:s8] =	dma.local [hbm:s7], $0x2800  }
0x23: {  	_ =	swait.ge [sflag:s15], $0x2800  }
0x24: {  	[sflag:s15] =	ssyncset.done $0x0  }
0x25: {  	[sflag:s15] =	ssyncadd.s32 $0xFFFFD800  }
0x26: {  	[bflag:$0x0] =	sbarrier.arrive $0xFFFF  }
0x27: {  	s9 =	rddreg [dreg:$0x13]  }
0x28: {  	[tilespmem:s3], [sflag:$0x1] =	stream.linear.gather [hbm4b:s9+s3], $0x80, $0x38;
	[tilespmem:$0x1C400] =	vst v63  }
0x29: {  	s10 =	rddreg [dreg:$0x14]  }
0x2a: {  	[tilespmem:s16], [sflag:$0x1] =	stream.linear.gather [hbm4b:s10+s3], $0x80, $0x38;
	[tilespmem:$0x1C400] =	vst v63  }
0x2b: {  	_ = 	snop  }
0x2c: {  	[tilespmem:s17], [sflag:$0x2] =	stream.linear.gather [hbm4b:s11+s3], $0x80, $0x38;
	[tilespmem:$0x1C400] =	vst v63  }
0x2d: {  	s1 =	simm.s32 $0x0;
	s0 =	simm.s32 $0x4  }
0x2e: {  	[tilespmem:s18], [sflag:$0x2] =	stream.linear.gather [hbm4b:s12+s3], $0x80, $0x38;
	[tilespmem:$0x1C400] =	vst v63  }
.LBB2_2:
0x2f: {  	p0 =	seq.s32 s1, $0x0  }
0x30: {  	s5 =	simm.s32 @!p0 $0x7  }
0x31: {  	_ =	swait.ge @!p0 [sflag:s5], $0x4000  }
0x32: {  	[sflag:s5] =	ssyncset.done @!p0 $0x0  }
0x33: {  	[sflag:s5] =	ssyncadd.s32 @!p0 $0xFFFFC000;
	s5 =	simm.s32 @!p0 $0x8  }
0x34: {  	_ =	swait.ge @!p0 [sflag:s5], $0x4000  }
0x35: {  	s9 =	sadd.s32 $0xFFFFFFFE, s0;
	s7 =	rddreg [dreg:$0xc];
	[sflag:s5] =	ssyncset.done @!p0 $0x0  }
0x36: {  	[sflag:s5] =	ssyncadd.s32 @!p0 $0xFFFFC000;
	p0 =	sge.u32 s9, s6;
	s5 =	rddreg [dreg:$0xb]  }
0x37: {  	s7 =	sadd.s32 @!p0 s1, s7;
	s9 =	simm.s32 @!p0 $0x0;
	s10 =	simm.s32 @!p0 $0x100  }
0x38: {  	[tilespmem:s10], [sflag:$0x3] =	stream.linear.gather @!p0 [hbm4b:s7+s9], $0x80, $0x38;
	[tilespmem:$0x1C400] =	vst v63  }
0x39: {  	s5 =	sadd.s32 @!p0 s1, s5;
	s7 =	simm.s32 @!p0 $0x300;
	s10 =	rddreg [dreg:$0x8]  }
0x3a: {  	[tilespmem:s7], [sflag:$0x3] =	stream.linear.gather @!p0 [hbm4b:s5+s9], $0x80, $0x38;
	[tilespmem:$0x1C400] =	vst v63  }
0x3b: {  	s5 =	rddreg [dreg:$0x7];
	s7 =	sadd.s32 @!p0 s1, s10;
	s10 =	simm.s32 @!p0 $0x180  }
0x3c: {  	[tilespmem:s10], [sflag:$0x4] =	stream.linear.gather @!p0 [hbm4b:s7+s9], $0x80, $0x38;
	[tilespmem:$0x1C400] =	vst v63  }
0x3d: {  	s5 =	sadd.s32 @!p0 s1, s5;
	s7 =	simm.s32 @!p0 $0x380  }
0x3e: {  	[tilespmem:s7], [sflag:$0x4] =	stream.linear.gather @!p0 [hbm4b:s5+s9], $0x80, $0x38;
	[tilespmem:$0x1C400] =	vst v63  }
0x3f: {  	_ =	swait.ge [sflag:s19], $0x80  }
0x40: {  	[sflag:s19] =	ssyncset.done $0x0  }
0x41: {  	[sflag:s19] =	ssyncadd.s32 $0xFFFFFF80  }
0x42: {  	_ =	swait.ge [sflag:s19], $0x80  }
0x43: {  	[sflag:s19] =	ssyncset.done $0x0  }
0x44: {  	[sflag:s19] =	ssyncadd.s32 $0xFFFFFF80  }
0x45: {  	_ =	swait.ge [sflag:s20], $0x80  }
0x46: {  	[sflag:s20] =	ssyncset.done $0x0  }
0x47: {  	[sflag:s20] =	ssyncadd.s32 $0xFFFFFF80  }
0x48: {  	_ =	swait.ge [sflag:s20], $0x80  }
0x49: {  	[sflag:s20] =	ssyncset.done $0x0  }
0x4a: {  	[sflag:s20] =	ssyncadd.s32 $0xFFFFFF80  }
0x4b: {  	[tilespmem:s21], [sflag:$0x5] =	stream.indirect.gather [hbm4b:s4+s17], $0x80, s3, s17, $0xb8;
	[tilespmem:$0x1C400] =	vst v63  }
0x4c: {  	_ = 	snop  }
0x4d: {  	[tilespmem:s22], [sflag:$0x6] =	stream.indirect.gather [hbm4b:s4+s17], $0x80, s17, s17, $0xb8;
	[tilespmem:$0x1C400] =	vst v63  }
0x4e: {  	_ =	swait.ge [sflag:s23], $0x4000  }
0x4f: {  	[sflag:s23] =	ssyncset.done $0x0  }
0x50: {  	[sflag:s23] =	ssyncadd.s32 $0xFFFFC000  }
0x51: {  	[spmem:s2] =	stream.indirect.scatter.add.f32 [tilespmem:s21], [sflag:$0x7], $0x80, s16, s17, $0xb8;
	[tilespmem:$0x1C400] =	vst v63  }
0x52: {  	_ =	swait.ge [sflag:s24], $0x4000  }
0x53: {  	[sflag:s24] =	ssyncset.done $0x0  }
0x54: {  	[sflag:s24] =	ssyncadd.s32 $0xFFFFC000  }
0x55: {  	[spmem:s2] =	stream.indirect.scatter.add.f32 [tilespmem:s22], [sflag:$0x8], $0x80, s18, s17, $0xb8;
	[tilespmem:$0x1C400] =	vst v63  }
0x56: {  	_ =	swait.ge [sflag:s25], $0x4000  }
0x57: {  	[sflag:s25] =	ssyncset.done $0x0  }
0x58: {  	[sflag:s25] =	ssyncadd.s32 $0xFFFFC000  }
0x59: {  	p0 =	sge.u32 s0, s6;
	_ =	swait.ge [sflag:s26], $0x4000  }
0x5a: {  	s9 =	simm.s32 @!p0 $0x0;
	s5 =	rddreg [dreg:$0xa];
	[sflag:s26] =	ssyncset.done $0x0  }
0x5b: {  	s7 =	rddreg [dreg:$0x9];
	[sflag:s26] =	ssyncadd.s32 $0xFFFFC000;
	s5 =	sadd.s32 @!p0 s1, s5  }
0x5c: {  	[tilespmem:s9], [sflag:$0x1] =	stream.linear.gather @!p0 [hbm4b:s5+s9], $0x80, $0x38;
	[tilespmem:$0x1C400] =	vst v63  }
0x5d: {  	s10 =	rddreg [dreg:$0x5];
	s5 =	sadd.s32 @!p0 s1, s7;
	s7 =	simm.s32 @!p0 $0x200  }
0x5e: {  	[tilespmem:s7], [sflag:$0x1] =	stream.linear.gather @!p0 [hbm4b:s5+s9], $0x80, $0x38;
	[tilespmem:$0x1C400] =	vst v63  }
0x5f: {  	s5 =	rddreg [dreg:$0x4];
	s7 =	sadd.s32 @!p0 s1, s10;
	s10 =	simm.s32 @!p0 $0x80  }
0x60: {  	[tilespmem:s10], [sflag:$0x2] =	stream.linear.gather @!p0 [hbm4b:s7+s9], $0x80, $0x38;
	[tilespmem:$0x1C400] =	vst v63  }
0x61: {  	s5 =	sadd.s32 @!p0 s1, s5;
	s7 =	simm.s32 @!p0 $0x280  }
0x62: {  	[tilespmem:s7], [sflag:$0x2] =	stream.linear.gather @!p0 [hbm4b:s5+s9], $0x80, $0x38;
	[tilespmem:$0x1C400] =	vst v63  }
0x63: {  	_ =	swait.ge [sflag:s28], $0x80  }
0x64: {  	[sflag:s28] =	ssyncset.done $0x0  }
0x65: {  	[sflag:s28] =	ssyncadd.s32 $0xFFFFFF80  }
0x66: {  	_ =	swait.ge [sflag:s28], $0x80  }
0x67: {  	[sflag:s28] =	ssyncset.done $0x0  }
0x68: {  	[sflag:s28] =	ssyncadd.s32 $0xFFFFFF80  }
0x69: {  	_ =	swait.ge [sflag:s29], $0x80  }
0x6a: {  	[sflag:s29] =	ssyncset.done $0x0  }
0x6b: {  	[sflag:s29] =	ssyncadd.s32 $0xFFFFFF80  }
0x6c: {  	_ =	swait.ge [sflag:s29], $0x80  }
0x6d: {  	[sflag:s29] =	ssyncset.done $0x0  }
0x6e: {  	s9 =	rddreg [dreg:$0xd];
	[sflag:s29] =	ssyncadd.s32 $0xFFFFFF80  }
0x6f: {  	[tilespmem:s21], [sflag:$0x5] =	stream.indirect.gather [hbm4b:s4+s17], $0x80, s9, s17, $0xb8;
	[tilespmem:$0x1C400] =	vst v63  }
0x70: {  	s10 =	rddreg [dreg:$0xe]  }
0x71: {  	[tilespmem:s22], [sflag:$0x6] =	stream.indirect.gather [hbm4b:s4+s17], $0x80, s10, s17, $0xb8;
	[tilespmem:$0x1C400] =	vst v63  }
0x72: {  	_ =	swait.ge [sflag:s23], $0x4000  }
0x73: {  	[sflag:s23] =	ssyncset.done $0x0  }
0x74: {  	s7 =	rddreg [dreg:$0xf];
	[sflag:s23] =	ssyncadd.s32 $0xFFFFC000  }
0x75: {  	[spmem:s2] =	stream.indirect.scatter.add.f32 [tilespmem:s21], [sflag:$0x7], $0x80, s7, s17, $0xb8;
	[tilespmem:$0x1C400] =	vst v63  }
0x76: {  	_ =	swait.ge [sflag:s24], $0x4000  }
0x77: {  	s1 =	sadd.s32 $0x40, s1;
	s10 =	rddreg [dreg:$0x6]  }
0x78: {  	p0 =	sne.s32 s10, s1  }
.Ltmp0:
0x79: {  	_ = 	snop;
	(pc) =	sbr.rel @p0 .LBB2_2-.Ltmp0, $4  }
0x7a: {  	_ = 	snop  }
0x7b: {  	[sflag:s24] =	ssyncset.done $0x0  }
0x7c: {  	s0 =	sadd.s32 $0x4, s0;
	s9 =	rddreg [dreg:$0x10];
	[sflag:s24] =	ssyncadd.s32 $0xFFFFC000  }
0x7d: {  	[spmem:s2] =	stream.indirect.scatter.add.f32 [tilespmem:s22], [sflag:$0x8], $0x80, s9, s17, $0xb8;
	[tilespmem:$0x1C400] =	vst v63  }
0x7e: {  	_ =	swait.ge [sflag:s25], $0x4000  }
0x7f: {  	[sflag:s25] =	ssyncset.done $0x0  }
0x80: {  	[sflag:s25] =	ssyncadd.s32 $0xFFFFC000  }
0x81: {  	_ =	swait.ge [sflag:s26], $0x4000  }
0x82: {  	s30 =	sadd.s32 $0x1, s30;
	[sflag:s26] =	ssyncset.done $0x0  }
0x83: {  	p0 =	sne.s32 s30, s14;
	[sflag:s26] =	ssyncadd.s32 $0xFFFFC000  }
.Ltmp1:
0x84: {  	[bflag:$0x0] =	sbarrier.arrive $0xFFFF;
	(pc) =	sbr.rel @p0 .LBB2_1-.Ltmp1, $4  }
0x85: {  	[hbm:s13], [sflag:s8] =	dma.local [spmem:s31], $0x2800  }
0x86: {  	_ =	swait.ge [sflag:s15], $0x2800  }
0x87: {  	[sflag:s15] =	ssyncset.done $0x0  }
0x88: {  	[sflag:s15] =	ssyncadd.s32 $0xFFFFD800  }
0x89: {  	_ =	sfence.sel $0x180000  }
0x8a: {  	[bflag:$0x0] =	sbarrier.arrive $0xFFFF  }
0x8b: {  	_ =	strace $0x90000053  }
0x8c: {  	s0 =	stileid.u32;
	[bflag:$0x2] =	sbarrier.arrive $0xFFFF  }
0x8d: {  	p0 =	sne.s32 s0, $0x0;
	s0 =	rddreg [dreg:$0x3]  }
0x8e: {  	s0 =	sadd.s32 @!p0 $0x100000, s0  }
0x8f: {  	[sflag:s0] =	ssyncadd.tile.s32 @!p0 $0x1;
	_ =	shalt  }
.Lfunc_end2:
_tile_overlayer_lowered:
.L_overlay_start_2:
0x90: {  	(tag) =	ssettag $0x2  }
0x91: {  	s0 =	rddreg [dreg:$0x0];
	s2 =	stileid.u32  }
0x92: {  	s1 =	rddreg [dreg:$0x1];
	p0 =	sne.s32 s2, $0x0  }
0x93: {  	s3 =	rddreg [dreg:$0x2];
	[bflag:$0x3] =	sbarrier.arrive $0xFFFF;
	s2 =	simm.s32 @!p0 $0x1C09  }
0x94: {  	[timem:s3], [sflag:s2] =	dma.local @!p0 [hbm:s0], s1  }
0x95: {  	s0 =	simm.s32 @!p0 $0x9  }
0x96: {  	_ =	swait.ge @!p0 [sflag:s0], s1  }
0x97: {  	s1 =	ssub.s32 @!p0 $0x0, s1;
	[sflag:s0] =	ssyncset.done @!p0 $0x0  }
0x98: {  	[sflag:s0] =	ssyncadd.s32 @!p0 s1  }
0x99: {  	[bflag:$0x3] =	sbarrier.arrive $0xFFFF  }
0x9a: {  	_ =	shalt  }

</sc_bundles>
